<compile_context>
chip_gen: v7x
topology: tpu7x:2x2x1
jax: 0.10.2.dev20260603
libtpu: 0.0.44.dev20260713+nightly
codegen_flags: <defaults>
</compile_context>

<pallas_src>
import functools

import jax
import jax.numpy as jnp
from jax import lax
from jax.experimental import pallas as pl
from jax.experimental.pallas import tpu as pltpu
from jax.experimental.pallas import tpu_sc as plsc

N, E, F, H, G = 10000, 320000, 128, 64, 128

NUM_CORES = 2
NUM_SUBCORES = 16
NUM_WORKERS = NUM_CORES * NUM_SUBCORES
EDGES_PER_TILE = E // NUM_WORKERS
CHUNK = 80
CHUNKS = EDGES_PER_TILE // CHUNK
NBUF = 5
ROWS_BIG = 632
ROWS_LAST = N - 15 * ROWS_BIG

_HIGH = jax.lax.Precision.HIGHEST



def _agg_body(y_hbm, srcs_hbm, dsts_hbm, zeros_hbm, out_hbm,
              src_v, dst_v, rows_v, acc_sh, gsem, ssem, *, groups):
    c = lax.axis_index("c")
    s = lax.axis_index("s")
    base = s * ROWS_BIG
    pltpu.sync_copy(srcs_hbm.at[c].at[s], src_v)
    pltpu.sync_copy(dsts_hbm.at[c].at[s], dst_v)

    @pl.when(s < 15)
    def _():
        pltpu.sync_copy(zeros_hbm, acc_sh.at[pl.ds(base, ROWS_BIG)])

    @pl.when(s == 15)
    def _():
        pltpu.sync_copy(zeros_hbm.at[pl.ds(0, ROWS_LAST)],
                        acc_sh.at[pl.ds(15 * ROWS_BIG, ROWS_LAST)])

    plsc.subcore_barrier()

    def step(g, carry):
        gds = []
        for b in range(NBUF):
            j = g * NBUF + b

            @pl.when(g > 0)
            def _(b=b, j=j):
                pltpu.make_async_copy(rows_v.at[b],
                                      acc_sh.at[dst_v.at[j - NBUF]],
                                      ssem.at[b]).wait()

            gds.append(pltpu.async_copy(y_hbm.at[src_v.at[j]],
                                        rows_v.at[b], gsem.at[b]))
        for b in range(NBUF):
            j = g * NBUF + b
            gds[b].wait()
            pltpu.async_copy(rows_v.at[b], acc_sh.at[dst_v.at[j]],
                             ssem.at[b], add=True)
        return carry

    lax.fori_loop(0, groups, step, 0)
    for b in range(NBUF):
        j = (groups - 1) * NBUF + b
        pltpu.make_async_copy(rows_v.at[b], acc_sh.at[dst_v.at[j]],
                              ssem.at[b]).wait()
    plsc.subcore_barrier()

    @pl.when(s < 15)
    def _():
        pltpu.sync_copy(acc_sh.at[pl.ds(base, ROWS_BIG)],
                        out_hbm.at[c].at[pl.ds(base, ROWS_BIG)])

    @pl.when(s == 15)
    def _():
        pltpu.sync_copy(acc_sh.at[pl.ds(15 * ROWS_BIG, ROWS_LAST)],
                        out_hbm.at[c].at[pl.ds(15 * ROWS_BIG, ROWS_LAST)])


def _make_agg(chunks):
    return pl.kernel(
        functools.partial(_agg_body, groups=chunks // NBUF),
        out_type=jax.ShapeDtypeStruct((NUM_CORES, N, H), jnp.float32),
        mesh=plsc.VectorSubcoreMesh(core_axis_name="c", subcore_axis_name="s"),
        scratch_types=[
            pltpu.VMEM((chunks, CHUNK), jnp.int32),
            pltpu.VMEM((chunks, CHUNK), jnp.int32),
            pltpu.VMEM((NBUF, CHUNK, H), jnp.float32),
            pltpu.VMEM_SHARED((N, H), jnp.float32),
            pltpu.SemaphoreType.DMA((NBUF,)),
            pltpu.SemaphoreType.DMA((NBUF,)),
        ],
        compiler_params=pltpu.CompilerParams(use_tc_tiling_on_sc=False),
    )


_agg = _make_agg(CHUNKS)
_agg_half = _make_agg(2 * CHUNKS)



_BLK = 2000


def _layer1_body(x_ref, p_ref, wa_ref, ba_ref, wb_ref, bb_ref, o_ref):
    agg = jnp.concatenate([p_ref[0], p_ref[1]], axis=1)
    t = x_ref[...] + agg
    t = jnp.dot(t, wa_ref[...], preferred_element_type=jnp.float32) + ba_ref[...]
    t = jnp.maximum(t, 0.0)
    t = jnp.dot(t, wb_ref[...], preferred_element_type=jnp.float32) + bb_ref[...]
    o_ref[...] = jnp.maximum(t, 0.0)


_layer1 = pl.pallas_call(
    _layer1_body,
    grid=(N // _BLK,),
    in_specs=[
        pl.BlockSpec((_BLK, F), lambda i: (i, 0)),
        pl.BlockSpec((2, _BLK, H), lambda i: (0, i, 0)),
        pl.BlockSpec((F, H), lambda i: (0, 0)),
        pl.BlockSpec((1, H), lambda i: (0, 0)),
        pl.BlockSpec((H, H), lambda i: (0, 0)),
        pl.BlockSpec((1, H), lambda i: (0, 0)),
    ],
    out_specs=pl.BlockSpec((_BLK, H), lambda i: (i, 0)),
    out_shape=jax.ShapeDtypeStruct((N, H), jnp.float32),
)


def _layer2_body(h_ref, p_ref, wa_ref, ba_ref, wb_ref, bb_ref, o_ref):
    t = h_ref[...] + p_ref[0] + p_ref[1]
    t = jnp.dot(t, wa_ref[...], preferred_element_type=jnp.float32) + ba_ref[...]
    t = jnp.maximum(t, 0.0)
    t = jnp.dot(t, wb_ref[...], preferred_element_type=jnp.float32) + bb_ref[...]
    o_ref[...] = jnp.maximum(t, 0.0)


_layer2 = pl.pallas_call(
    _layer2_body,
    grid=(N // _BLK,),
    in_specs=[
        pl.BlockSpec((_BLK, H), lambda i: (i, 0)),
        pl.BlockSpec((2, _BLK, H), lambda i: (0, i, 0)),
        pl.BlockSpec((H, H), lambda i: (0, 0)),
        pl.BlockSpec((1, H), lambda i: (0, 0)),
        pl.BlockSpec((H, H), lambda i: (0, 0)),
        pl.BlockSpec((1, H), lambda i: (0, 0)),
    ],
    out_specs=pl.BlockSpec((_BLK, H), lambda i: (i, 0)),
    out_shape=jax.ShapeDtypeStruct((N, H), jnp.float32),
)


def _layer3_pool_body(h_ref, p_ref, batch_ref, wa_ref, ba_ref, wb_ref,
                      bb_ref, wf_ref, bf_ref, o_ref, sums_ref, counts_ref):
    i = pl.program_id(0)
    t = h_ref[...] + p_ref[0] + p_ref[1]
    t = jnp.dot(t, wa_ref[...], preferred_element_type=jnp.float32) + ba_ref[...]
    t = jnp.maximum(t, 0.0)
    h3 = jnp.dot(t, wb_ref[...], preferred_element_type=jnp.float32) + bb_ref[...]
    gid = lax.broadcasted_iota(jnp.int32, (G, _BLK), 0)
    m = (gid == batch_ref[0]).astype(jnp.float32)
    blk_sums = jnp.dot(m, h3, preferred_element_type=jnp.float32,
                       precision=_HIGH)
    blk_counts = jnp.sum(m, axis=1, keepdims=True)

    @pl.when(i == 0)
    def _():
        sums_ref[...] = jnp.zeros_like(sums_ref)
        counts_ref[...] = jnp.zeros_like(counts_ref)

    sums_ref[...] += blk_sums
    counts_ref[...] += blk_counts

    @pl.when(i == pl.num_programs(0) - 1)
    def _():
        pooled = sums_ref[...] / jnp.maximum(counts_ref[...], 1.0)
        o_ref[...] = jnp.dot(pooled, wf_ref[...],
                             preferred_element_type=jnp.float32) + bf_ref[...]


_layer3_pool = pl.pallas_call(
    _layer3_pool_body,
    grid=(N // _BLK,),
    in_specs=[
        pl.BlockSpec((_BLK, H), lambda i: (i, 0)),
        pl.BlockSpec((2, _BLK, H), lambda i: (0, i, 0)),
        pl.BlockSpec((1, 1, _BLK), lambda i: (i, 0, 0)),
        pl.BlockSpec((H, H), lambda i: (0, 0)),
        pl.BlockSpec((1, H), lambda i: (0, 0)),
        pl.BlockSpec((H, H), lambda i: (0, 0)),
        pl.BlockSpec((1, H), lambda i: (0, 0)),
        pl.BlockSpec((H, 1), lambda i: (0, 0)),
        pl.BlockSpec((1, 1), lambda i: (0, 0)),
    ],
    out_specs=pl.BlockSpec((G, 1), lambda i: (0, 0)),
    out_shape=jax.ShapeDtypeStruct((G, 1), jnp.float32),
    scratch_shapes=[
        pltpu.VMEM((G, H), jnp.float32),
        pltpu.VMEM((G, 1), jnp.float32),
    ],
)



def kernel(x, edge_index, batch, W1a, b1a, W1b, b1b, W2a, b2a, W2b, b2b,
           W3a, b3a, W3b, b3b, Wf, bf):
    shp = (NUM_CORES, NUM_SUBCORES, CHUNKS, CHUNK)
    src = edge_index[0]
    src_r = src.reshape(shp)
    dst_r = edge_index[1].reshape(shp)
    zeros_h = jnp.zeros((ROWS_BIG, H), jnp.float32)
    batch2d = batch.reshape(N // _BLK, 1, _BLK)

    x2 = x.reshape(2 * N, H)
    half_shp = (NUM_SUBCORES, 2 * CHUNKS, CHUNK)
    src2 = src * 2
    src_both = jnp.stack([src2.reshape(half_shp),
                          (src2 + 1).reshape(half_shp)])
    dst_m = edge_index[1].reshape(half_shp)
    dst_both = jnp.stack([dst_m, dst_m])
    p = _agg_half(x2, src_both, dst_both, zeros_h)
    h1 = _layer1(x, p, W1a, b1a.reshape(1, H), W1b, b1b.reshape(1, H))

    p = _agg(h1, src_r, dst_r, zeros_h)
    h2 = _layer2(h1, p, W2a, b2a.reshape(1, H), W2b, b2b.reshape(1, H))

    p = _agg(h2, src_r, dst_r, zeros_h)
    return _layer3_pool(h2, p, batch2d, W3a, b3a.reshape(1, H), W3b,
                        b3b.reshape(1, H), Wf, bf.reshape(1, 1))

# --- scband reference (transcript-rebuilt; emitter-appended) ---
"""Pipeline reference for scband-gin-17257178595620 (READ-ONLY COPY).

The authoritative reference and input builder live on the scoring server;
editing this copy changes nothing except your own understanding.
"""

import jax, jax.numpy as jnp
import numpy as np

N, E, F, H, G = 10000, 320000, 128, 64, 128

def _lin_init(key, fan_in, fan_out):
    k1, k2 = jax.random.split(key)
    bound = 1.0 / np.sqrt(fan_in)
    W = jax.random.uniform(k1, (fan_in, fan_out), minval=-bound, maxval=bound, dtype=jnp.float32)
    b = jax.random.uniform(k2, (fan_out,), minval=-bound, maxval=bound, dtype=jnp.float32)
    return W, b

def setup_inputs(seed: int = 0):
    key = jax.random.key(seed)
    ks = jax.random.split(key, 12)
    x = jax.random.normal(ks[0], (N, F), dtype=jnp.float32)
    edge_index = jax.random.randint(ks[1], (2, E), 0, N, dtype=jnp.int32)
    batch = jnp.sort(jax.random.randint(ks[2], (N,), 0, G, dtype=jnp.int32))
    W1a, b1a = _lin_init(ks[3], F, H)
    W1b, b1b = _lin_init(ks[4], H, H)
    W2a, b2a = _lin_init(ks[5], H, H)
    W2b, b2b = _lin_init(ks[6], H, H)
    W3a, b3a = _lin_init(ks[7], H, H)
    W3b, b3b = _lin_init(ks[8], H, H)
    Wf, bf = _lin_init(ks[9], H, 1)
    return {"x": x, "edge_index": edge_index, "batch": batch,
            "W1a": W1a, "b1a": b1a, "W1b": W1b, "b1b": b1b,
            "W2a": W2a, "b2a": b2a, "W2b": W2b, "b2b": b2b,
            "W3a": W3a, "b3a": b3a, "W3b": W3b, "b3b": b3b,
            "Wf": Wf, "bf": bf}

def _gin_conv(x, edge_index, Wa, ba, Wb, bb, eps=0.0):
    src = edge_index[0]
    dst = edge_index[1]
    agg = jax.ops.segment_sum(jnp.take(x, src, axis=0), dst, num_segments=x.shape[0])
    h = (1.0 + eps) * x + agg
    h = jnp.dot(h, Wa) + ba
    h = jax.nn.relu(h)
    h = jnp.dot(h, Wb) + bb
    return h

def reference(x, edge_index, batch, W1a, b1a, W1b, b1b, W2a, b2a, W2b, b2b, W3a, b3a, W3b, b3b, Wf, bf):
    # layer 1 (not last): conv -> identity norm -> relu -> (dropout, eval: identity)
    h = _gin_conv(x, edge_index, W1a, b1a, W1b, b1b)
    h = jax.nn.relu(h)
    # layer 2 (not last)
    h = _gin_conv(h, edge_index, W2a, b2a, W2b, b2b)
    h = jax.nn.relu(h)
    # layer 3 (last, jk is None -> no norm/relu)
    h = _gin_conv(h, edge_index, W3a, b3a, W3b, b3b)
    # global mean pool over graphs
    sums = jax.ops.segment_sum(h, batch, num_segments=G)
    counts = jax.ops.segment_sum(jnp.ones((h.shape[0],), dtype=jnp.float32), batch, num_segments=G)
    pooled = sums / jnp.clip(counts, 1.0)[:, None]
    out = jnp.dot(pooled, Wf) + bf
    return out

if __name__ == "__main__":
    import jax
    _d = setup_inputs()
    print(jax.jit(kernel)(*tuple(_d.values())))

</pallas_src>

<mosaic_0001>
#map = affine_map<(d0, d1) -> (0, 0)>
#map1 = affine_map<(d0, d1) -> (0, 0, 0, 0)>
#map2 = affine_map<(d0, d1) -> (0, 0, 0)>
module attributes {stable_mosaic.version = 14 : i64} {
  func.func @_agg_body(%arg0: i32, %arg1: i32, %arg2: memref<20000x64xf32, #tpu.memory_space<hbm>>, %arg3: memref<2x16x250x80xi32, #tpu.memory_space<hbm>>, %arg4: memref<2x16x250x80xi32, #tpu.memory_space<hbm>>, %arg5: memref<632x64xf32, #tpu.memory_space<hbm>>, %arg6: memref<2x10000x64xf32, #tpu.memory_space<hbm>>, %arg7: memref<250x80xi32, #tpu.memory_space<vmem>>, %arg8: memref<250x80xi32, #tpu.memory_space<vmem>>, %arg9: memref<5x80x64xf32, #tpu.memory_space<vmem>>, %arg10: memref<10000x64xf32, #tpu.memory_space<vmem_shared>>, %arg11: memref<5x!tpu.dma_semaphore, #tpu.memory_space<semaphore_mem>>, %arg12: memref<5x!tpu.dma_semaphore, #tpu.memory_space<semaphore_mem>>) attributes {dimension_semantics = [#tpu.dimension_semantics<core_parallel>, #tpu.dimension_semantics<subcore_parallel>], iteration_bounds = array<i64: 2, 16>, scalar_prefetch = 0 : i64, scratch_operands = 6 : i64, tpu.core_type = #tpu.core_type<sc_vector_subcore>, window_params = [{transform_indices = #map}, {transform_indices = #map1}, {transform_indices = #map1}, {transform_indices = #map}, {transform_indices = #map2}]} {
    %mul3A = arith.constant 632 : i32
    %mul3A_0 = arith.muli %arg1, %mul3A : i32
    "tpu.region"() ({
      %run_scoped3A = tpu.sem_alloc : memref<!tpu.dma_semaphore, #tpu.memory_space<semaphore_mem>>
      %dma_start3A = arith.constant 0 : i32
      %dma_start3A_97 = arith.constant 0 : i32
      %dma_start3A_98 = arith.constant 0 : i32
      %dma_start3A_99 = tpu.memref_slice %arg3[%arg0, %dma_start3A, %dma_start3A_97, %dma_start3A_98] : memref<2x16x250x80xi32, #tpu.memory_space<hbm>> -> memref<1x16x250x80xi32, #tpu.memory_space<hbm>>
      %dma_start3A_100 = tpu.memref_squeeze %dma_start3A_99 : memref<1x16x250x80xi32, #tpu.memory_space<hbm>> -> memref<16x250x80xi32, #tpu.memory_space<hbm>>
      %dma_start3A_101 = arith.constant 0 : i32
      %dma_start3A_102 = arith.constant 0 : i32
      %dma_start3A_103 = tpu.memref_slice %dma_start3A_100[%arg1, %dma_start3A_101, %dma_start3A_102] : memref<16x250x80xi32, #tpu.memory_space<hbm>> -> memref<1x250x80xi32, #tpu.memory_space<hbm>>
      %dma_start3A_104 = tpu.memref_squeeze %dma_start3A_103 : memref<1x250x80xi32, #tpu.memory_space<hbm>> -> memref<250x80xi32, #tpu.memory_space<hbm>>
      %dma_start3A_105 = arith.constant 0 : i32
      %dma_start3A_106 = arith.constant 0 : i32
      %dma_start3A_107 = arith.constant 0 : i32
      %dma_start3A_108 = tpu.memref_slice %arg3[%arg0, %dma_start3A_105, %dma_start3A_106, %dma_start3A_107] : memref<2x16x250x80xi32, #tpu.memory_space<hbm>> -> memref<1x16x250x80xi32, #tpu.memory_space<hbm>>
      %dma_start3A_109 = tpu.memref_squeeze %dma_start3A_108 : memref<1x16x250x80xi32, #tpu.memory_space<hbm>> -> memref<16x250x80xi32, #tpu.memory_space<hbm>>
      %dma_start3A_110 = arith.constant 0 : i32
      %dma_start3A_111 = arith.constant 0 : i32
      %dma_start3A_112 = tpu.memref_slice %dma_start3A_109[%arg1, %dma_start3A_110, %dma_start3A_111] : memref<16x250x80xi32, #tpu.memory_space<hbm>> -> memref<1x250x80xi32, #tpu.memory_space<hbm>>
      %dma_start3A_113 = tpu.memref_squeeze %dma_start3A_112 : memref<1x250x80xi32, #tpu.memory_space<hbm>> -> memref<250x80xi32, #tpu.memory_space<hbm>>
      tpu.enqueue_dma source(%dma_start3A_113 : memref<250x80xi32, #tpu.memory_space<hbm>>) target(%arg7 : memref<250x80xi32, #tpu.memory_space<vmem>>) target_semaphore(%run_scoped3A : memref<!tpu.dma_semaphore, #tpu.memory_space<semaphore_mem>>)
      %dma_wait3A_114 = arith.constant 0 : i32
      %dma_wait3A_115 = arith.constant 0 : i32
      %dma_wait3A_116 = arith.constant 0 : i32
      %dma_wait3A_117 = tpu.memref_slice %arg3[%arg0, %dma_wait3A_114, %dma_wait3A_115, %dma_wait3A_116] : memref<2x16x250x80xi32, #tpu.memory_space<hbm>> -> memref<1x16x250x80xi32, #tpu.memory_space<hbm>>
      %dma_wait3A_118 = tpu.memref_squeeze %dma_wait3A_117 : memref<1x16x250x80xi32, #tpu.memory_space<hbm>> -> memref<16x250x80xi32, #tpu.memory_space<hbm>>
      %dma_wait3A_119 = arith.constant 0 : i32
      %dma_wait3A_120 = arith.constant 0 : i32
      %dma_wait3A_121 = tpu.memref_slice %dma_wait3A_118[%arg1, %dma_wait3A_119, %dma_wait3A_120] : memref<16x250x80xi32, #tpu.memory_space<hbm>> -> memref<1x250x80xi32, #tpu.memory_space<hbm>>
      %dma_wait3A_122 = tpu.memref_squeeze %dma_wait3A_121 : memref<1x250x80xi32, #tpu.memory_space<hbm>> -> memref<250x80xi32, #tpu.memory_space<hbm>>
      %dma_wait3A_123 = arith.constant 0 : i32
      %dma_wait3A_124 = arith.constant 0 : i32
      %dma_wait3A_125 = arith.constant 0 : i32
      %dma_wait3A_126 = tpu.memref_slice %arg3[%arg0, %dma_wait3A_123, %dma_wait3A_124, %dma_wait3A_125] : memref<2x16x250x80xi32, #tpu.memory_space<hbm>> -> memref<1x16x250x80xi32, #tpu.memory_space<hbm>>
      %dma_wait3A_127 = tpu.memref_squeeze %dma_wait3A_126 : memref<1x16x250x80xi32, #tpu.memory_space<hbm>> -> memref<16x250x80xi32, #tpu.memory_space<hbm>>
      %dma_wait3A_128 = arith.constant 0 : i32
      %dma_wait3A_129 = arith.constant 0 : i32
      %dma_wait3A_130 = tpu.memref_slice %dma_wait3A_127[%arg1, %dma_wait3A_128, %dma_wait3A_129] : memref<16x250x80xi32, #tpu.memory_space<hbm>> -> memref<1x250x80xi32, #tpu.memory_space<hbm>>
      %dma_wait3A_131 = tpu.memref_squeeze %dma_wait3A_130 : memref<1x250x80xi32, #tpu.memory_space<hbm>> -> memref<250x80xi32, #tpu.memory_space<hbm>>
      tpu.wait_dma2 semaphore(%run_scoped3A : memref<!tpu.dma_semaphore, #tpu.memory_space<semaphore_mem>>) src(%dma_wait3A_131 : memref<250x80xi32, #tpu.memory_space<hbm>>) dst(%arg7 : memref<250x80xi32, #tpu.memory_space<vmem>>)
      tpu.yield
    }) : () -> ()
    "tpu.region"() ({
      %run_scoped3A = tpu.sem_alloc : memref<!tpu.dma_semaphore, #tpu.memory_space<semaphore_mem>>
      %dma_start3A = arith.constant 0 : i32
      %dma_start3A_97 = arith.constant 0 : i32
      %dma_start3A_98 = arith.constant 0 : i32
      %dma_start3A_99 = tpu.memref_slice %arg4[%arg0, %dma_start3A, %dma_start3A_97, %dma_start3A_98] : memref<2x16x250x80xi32, #tpu.memory_space<hbm>> -> memref<1x16x250x80xi32, #tpu.memory_space<hbm>>
      %dma_start3A_100 = tpu.memref_squeeze %dma_start3A_99 : memref<1x16x250x80xi32, #tpu.memory_space<hbm>> -> memref<16x250x80xi32, #tpu.memory_space<hbm>>
      %dma_start3A_101 = arith.constant 0 : i32
      %dma_start3A_102 = arith.constant 0 : i32
      %dma_start3A_103 = tpu.memref_slice %dma_start3A_100[%arg1, %dma_start3A_101, %dma_start3A_102] : memref<16x250x80xi32, #tpu.memory_space<hbm>> -> memref<1x250x80xi32, #tpu.memory_space<hbm>>
      %dma_start3A_104 = tpu.memref_squeeze %dma_start3A_103 : memref<1x250x80xi32, #tpu.memory_space<hbm>> -> memref<250x80xi32, #tpu.memory_space<hbm>>
      %dma_start3A_105 = arith.constant 0 : i32
      %dma_start3A_106 = arith.constant 0 : i32
      %dma_start3A_107 = arith.constant 0 : i32
      %dma_start3A_108 = tpu.memref_slice %arg4[%arg0, %dma_start3A_105, %dma_start3A_106, %dma_start3A_107] : memref<2x16x250x80xi32, #tpu.memory_space<hbm>> -> memref<1x16x250x80xi32, #tpu.memory_space<hbm>>
      %dma_start3A_109 = tpu.memref_squeeze %dma_start3A_108 : memref<1x16x250x80xi32, #tpu.memory_space<hbm>> -> memref<16x250x80xi32, #tpu.memory_space<hbm>>
      %dma_start3A_110 = arith.constant 0 : i32
      %dma_start3A_111 = arith.constant 0 : i32
      %dma_start3A_112 = tpu.memref_slice %dma_start3A_109[%arg1, %dma_start3A_110, %dma_start3A_111] : memref<16x250x80xi32, #tpu.memory_space<hbm>> -> memref<1x250x80xi32, #tpu.memory_space<hbm>>
      %dma_start3A_113 = tpu.memref_squeeze %dma_start3A_112 : memref<1x250x80xi32, #tpu.memory_space<hbm>> -> memref<250x80xi32, #tpu.memory_space<hbm>>
      tpu.enqueue_dma source(%dma_start3A_113 : memref<250x80xi32, #tpu.memory_space<hbm>>) target(%arg8 : memref<250x80xi32, #tpu.memory_space<vmem>>) target_semaphore(%run_scoped3A : memref<!tpu.dma_semaphore, #tpu.memory_space<semaphore_mem>>)
      %dma_wait3A_114 = arith.constant 0 : i32
      %dma_wait3A_115 = arith.constant 0 : i32
      %dma_wait3A_116 = arith.constant 0 : i32
      %dma_wait3A_117 = tpu.memref_slice %arg4[%arg0, %dma_wait3A_114, %dma_wait3A_115, %dma_wait3A_116] : memref<2x16x250x80xi32, #tpu.memory_space<hbm>> -> memref<1x16x250x80xi32, #tpu.memory_space<hbm>>
      %dma_wait3A_118 = tpu.memref_squeeze %dma_wait3A_117 : memref<1x16x250x80xi32, #tpu.memory_space<hbm>> -> memref<16x250x80xi32, #tpu.memory_space<hbm>>
      %dma_wait3A_119 = arith.constant 0 : i32
      %dma_wait3A_120 = arith.constant 0 : i32
      %dma_wait3A_121 = tpu.memref_slice %dma_wait3A_118[%arg1, %dma_wait3A_119, %dma_wait3A_120] : memref<16x250x80xi32, #tpu.memory_space<hbm>> -> memref<1x250x80xi32, #tpu.memory_space<hbm>>
      %dma_wait3A_122 = tpu.memref_squeeze %dma_wait3A_121 : memref<1x250x80xi32, #tpu.memory_space<hbm>> -> memref<250x80xi32, #tpu.memory_space<hbm>>
      %dma_wait3A_123 = arith.constant 0 : i32
      %dma_wait3A_124 = arith.constant 0 : i32
      %dma_wait3A_125 = arith.constant 0 : i32
      %dma_wait3A_126 = tpu.memref_slice %arg4[%arg0, %dma_wait3A_123, %dma_wait3A_124, %dma_wait3A_125] : memref<2x16x250x80xi32, #tpu.memory_space<hbm>> -> memref<1x16x250x80xi32, #tpu.memory_space<hbm>>
      %dma_wait3A_127 = tpu.memref_squeeze %dma_wait3A_126 : memref<1x16x250x80xi32, #tpu.memory_space<hbm>> -> memref<16x250x80xi32, #tpu.memory_space<hbm>>
      %dma_wait3A_128 = arith.constant 0 : i32
      %dma_wait3A_129 = arith.constant 0 : i32
      %dma_wait3A_130 = tpu.memref_slice %dma_wait3A_127[%arg1, %dma_wait3A_128, %dma_wait3A_129] : memref<16x250x80xi32, #tpu.memory_space<hbm>> -> memref<1x250x80xi32, #tpu.memory_space<hbm>>
      %dma_wait3A_131 = tpu.memref_squeeze %dma_wait3A_130 : memref<1x250x80xi32, #tpu.memory_space<hbm>> -> memref<250x80xi32, #tpu.memory_space<hbm>>
      tpu.wait_dma2 semaphore(%run_scoped3A : memref<!tpu.dma_semaphore, #tpu.memory_space<semaphore_mem>>) src(%dma_wait3A_131 : memref<250x80xi32, #tpu.memory_space<hbm>>) dst(%arg8 : memref<250x80xi32, #tpu.memory_space<vmem>>)
      tpu.yield
    }) : () -> ()
    %lt3A = arith.constant 15 : i32
    %lt3A_1 = arith.cmpi slt, %arg1, %lt3A : i32
    %convert_element_type3A = arith.extui %lt3A_1 : i1 to i32
    %cond3A = arith.constant 0 : i32
    %cond3A_2 = arith.cmpi ne, %convert_element_type3A, %cond3A : i32
    scf.if %cond3A_2 {
      "tpu.region"() ({
        %run_scoped3A = tpu.sem_alloc : memref<!tpu.dma_semaphore, #tpu.memory_space<semaphore_mem>>
        %dma_start3A = arith.constant 0 : i32
        %dma_start3A_97 = tpu.memref_slice %arg10[%mul3A_0, %dma_start3A] : memref<10000x64xf32, #tpu.memory_space<vmem_shared>> -> memref<632x64xf32, #tpu.memory_space<vmem_shared>>
        tpu.enqueue_dma source(%arg5 : memref<632x64xf32, #tpu.memory_space<hbm>>) target(%dma_start3A_97 : memref<632x64xf32, #tpu.memory_space<vmem_shared>>) target_semaphore(%run_scoped3A : memref<!tpu.dma_semaphore, #tpu.memory_space<semaphore_mem>>)
        %dma_wait3A_98 = arith.constant 0 : i32
        %dma_wait3A_99 = tpu.memref_slice %arg10[%mul3A_0, %dma_wait3A_98] : memref<10000x64xf32, #tpu.memory_space<vmem_shared>> -> memref<632x64xf32, #tpu.memory_space<vmem_shared>>
        tpu.wait_dma2 semaphore(%run_scoped3A : memref<!tpu.dma_semaphore, #tpu.memory_space<semaphore_mem>>) src(%arg5 : memref<632x64xf32, #tpu.memory_space<hbm>>) dst(%dma_wait3A_99 : memref<632x64xf32, #tpu.memory_space<vmem_shared>>)
        tpu.yield
      }) : () -> ()
    } else {
    }
    %eq3A = arith.constant 15 : i32
    %eq3A_3 = arith.cmpi eq, %arg1, %eq3A : i32
    %convert_element_type3A_4 = arith.extui %eq3A_3 : i1 to i32
    %cond3A_5 = arith.constant 0 : i32
    %cond3A_6 = arith.cmpi ne, %convert_element_type3A_4, %cond3A_5 : i32
    scf.if %cond3A_6 {
      "tpu.region"() ({
        %run_scoped3A = tpu.sem_alloc : memref<!tpu.dma_semaphore, #tpu.memory_space<semaphore_mem>>
        %dma_start3A = arith.constant 9480 : i32
        %dma_start3A_97 = arith.constant 0 : i32
        %dma_start3A_98 = tpu.memref_slice %arg10[%dma_start3A, %dma_start3A_97] : memref<10000x64xf32, #tpu.memory_space<vmem_shared>> -> memref<520x64xf32, #tpu.memory_space<vmem_shared>>
        %dma_start3A_99 = arith.constant 0 : i32
        %dma_start3A_100 = arith.constant 0 : i32
        %dma_start3A_101 = tpu.memref_slice %arg5[%dma_start3A_99, %dma_start3A_100] : memref<632x64xf32, #tpu.memory_space<hbm>> -> memref<520x64xf32, #tpu.memory_space<hbm>>
        tpu.enqueue_dma source(%dma_start3A_101 : memref<520x64xf32, #tpu.memory_space<hbm>>) target(%dma_start3A_98 : memref<520x64xf32, #tpu.memory_space<vmem_shared>>) target_semaphore(%run_scoped3A : memref<!tpu.dma_semaphore, #tpu.memory_space<semaphore_mem>>)
        %dma_wait3A_102 = arith.constant 9480 : i32
        %dma_wait3A_103 = arith.constant 0 : i32
        %dma_wait3A_104 = tpu.memref_slice %arg10[%dma_wait3A_102, %dma_wait3A_103] : memref<10000x64xf32, #tpu.memory_space<vmem_shared>> -> memref<520x64xf32, #tpu.memory_space<vmem_shared>>
        %dma_wait3A_105 = arith.constant 0 : i32
        %dma_wait3A_106 = arith.constant 0 : i32
        %dma_wait3A_107 = tpu.memref_slice %arg5[%dma_wait3A_105, %dma_wait3A_106] : memref<632x64xf32, #tpu.memory_space<hbm>> -> memref<520x64xf32, #tpu.memory_space<hbm>>
        tpu.wait_dma2 semaphore(%run_scoped3A : memref<!tpu.dma_semaphore, #tpu.memory_space<semaphore_mem>>) src(%dma_wait3A_107 : memref<520x64xf32, #tpu.memory_space<hbm>>) dst(%dma_wait3A_104 : memref<520x64xf32, #tpu.memory_space<vmem_shared>>)
        tpu.yield
      }) : () -> ()
    } else {
    }
    %barrier3A = arith.constant 0 : index
    tpu.barrier barrier_id(%barrier3A)
    %scan3A = arith.constant 0 : i32
    %scan3A_7 = arith.constant 0 : i32
    %scan3A_8 = arith.constant 50 : i32
    %scan3A_9 = arith.addi %scan3A_7, %scan3A_8 : i32
    %scan3A_10 = arith.constant 1 : i32
    scf.for %scan3A_97 = %scan3A_7 to %scan3A_9 step %scan3A_10  : i32 {
      %mul3A_98 = arith.constant 5 : i32
      %mul3A_99 = arith.muli %scan3A_97, %mul3A_98 : i32
      %add3A = arith.constant 0 : i32
      %add3A_100 = arith.addi %mul3A_99, %add3A : i32
      %gt3A = arith.constant 0 : i32
      %gt3A_101 = arith.cmpi sgt, %scan3A_97, %gt3A : i32
      %convert_element_type3A_102 = arith.extui %gt3A_101 : i1 to i32
      %cond3A_103 = arith.constant 0 : i32
      %cond3A_104 = arith.cmpi ne, %convert_element_type3A_102, %cond3A_103 : i32
      scf.if %cond3A_104 {
        %sub3A = arith.constant 5 : i32
        %sub3A_370 = arith.subi %add3A_100, %sub3A : i32
        %dma_wait3A_371 = arith.constant 0 : i32
        %dma_wait3A_372 = arith.constant 0 : i32
        %dma_wait3A_373 = arith.constant 0 : i32
        %dma_wait3A_374 = arith.constant 0 : i32
        %dma_wait3A_375 = tpu.memref_slice %arg9[%dma_wait3A_371, %dma_wait3A_373, %dma_wait3A_374] : memref<5x80x64xf32, #tpu.memory_space<vmem>> -> memref<1x80x64xf32, #tpu.memory_space<vmem>>
        %dma_wait3A_376 = tpu.memref_squeeze %dma_wait3A_375 : memref<1x80x64xf32, #tpu.memory_space<vmem>> -> memref<80x64xf32, #tpu.memory_space<vmem>>
        %dma_wait3A_377 = arith.constant 0 : i32
        %dma_wait3A_378 = tpu.memref_slice %arg8[%sub3A_370, %dma_wait3A_377] : memref<250x80xi32, #tpu.memory_space<vmem>> -> memref<1x80xi32, #tpu.memory_space<vmem>>
        %dma_wait3A_379 = tpu.memref_squeeze %dma_wait3A_378 : memref<1x80xi32, #tpu.memory_space<vmem>> -> memref<80xi32, #tpu.memory_space<vmem>>
        %dma_wait3A_380 = arith.constant 0 : i32
        %dma_wait3A_381 = arith.constant 0 : i32
        %dma_wait3A_382 = tpu.memref_slice %arg10[%dma_wait3A_380, %dma_wait3A_381] : memref<10000x64xf32, #tpu.memory_space<vmem_shared>> -> memref<10000x64xf32, #tpu.memory_space<vmem_shared>>
        %dma_wait3A_383 = tpu.memref_slice %arg12[%dma_wait3A_372] : memref<5x!tpu.dma_semaphore, #tpu.memory_space<semaphore_mem>> -> memref<1x!tpu.dma_semaphore, #tpu.memory_space<semaphore_mem>>
        %dma_wait3A_384 = tpu.memref_squeeze %dma_wait3A_383 : memref<1x!tpu.dma_semaphore, #tpu.memory_space<semaphore_mem>> -> memref<!tpu.dma_semaphore, #tpu.memory_space<semaphore_mem>>
        tpu.wait_indirect_dma semaphore(%dma_wait3A_384 : memref<!tpu.dma_semaphore, #tpu.memory_space<semaphore_mem>>) src(%dma_wait3A_376 : memref<80x64xf32, #tpu.memory_space<vmem>>) dst(%dma_wait3A_382 : memref<10000x64xf32, #tpu.memory_space<vmem_shared>>)
      } else {
      }
      %dma_start3A = arith.constant 0 : i32
      %dma_start3A_105 = arith.constant 0 : i32
      %dma_start3A_106 = arith.constant 0 : i32
      %dma_start3A_107 = arith.constant 0 : i32
      %dma_start3A_108 = tpu.memref_slice %arg9[%dma_start3A, %dma_start3A_106, %dma_start3A_107] : memref<5x80x64xf32, #tpu.memory_space<vmem>> -> memref<1x80x64xf32, #tpu.memory_space<vmem>>
      %dma_start3A_109 = tpu.memref_squeeze %dma_start3A_108 : memref<1x80x64xf32, #tpu.memory_space<vmem>> -> memref<80x64xf32, #tpu.memory_space<vmem>>
      %dma_start3A_110 = arith.constant 0 : i32
      %dma_start3A_111 = tpu.memref_slice %arg7[%add3A_100, %dma_start3A_110] : memref<250x80xi32, #tpu.memory_space<vmem>> -> memref<1x80xi32, #tpu.memory_space<vmem>>
      %dma_start3A_112 = tpu.memref_squeeze %dma_start3A_111 : memref<1x80xi32, #tpu.memory_space<vmem>> -> memref<80xi32, #tpu.memory_space<vmem>>
      %dma_start3A_113 = arith.constant 0 : i32
      %dma_start3A_114 = arith.constant 0 : i32
      %dma_start3A_115 = tpu.memref_slice %arg2[%dma_start3A_113, %dma_start3A_114] : memref<20000x64xf32, #tpu.memory_space<hbm>> -> memref<20000x64xf32, #tpu.memory_space<hbm>>
      %dma_start3A_116 = tpu.memref_slice %arg11[%dma_start3A_105] : memref<5x!tpu.dma_semaphore, #tpu.memory_space<semaphore_mem>> -> memref<1x!tpu.dma_semaphore, #tpu.memory_space<semaphore_mem>>
      %dma_start3A_117 = tpu.memref_squeeze %dma_start3A_116 : memref<1x!tpu.dma_semaphore, #tpu.memory_space<semaphore_mem>> -> memref<!tpu.dma_semaphore, #tpu.memory_space<semaphore_mem>>
      tpu.enqueue_indirect_dma source(%dma_start3A_115 : memref<20000x64xf32, #tpu.memory_space<hbm>>) target(%dma_start3A_109 : memref<80x64xf32, #tpu.memory_space<vmem>>) offsets(%dma_start3A_112 : memref<80xi32, #tpu.memory_space<vmem>>) semaphore(%dma_start3A_117 : memref<!tpu.dma_semaphore, #tpu.memory_space<semaphore_mem>>)
      %mul3A_118 = arith.constant 5 : i32
      %mul3A_119 = arith.muli %scan3A_97, %mul3A_118 : i32
      %add3A_120 = arith.constant 1 : i32
      %add3A_121 = arith.addi %mul3A_119, %add3A_120 : i32
      %gt3A_122 = arith.constant 0 : i32
      %gt3A_123 = arith.cmpi sgt, %scan3A_97, %gt3A_122 : i32
      %convert_element_type3A_124 = arith.extui %gt3A_123 : i1 to i32
      %cond3A_125 = arith.constant 0 : i32
      %cond3A_126 = arith.cmpi ne, %convert_element_type3A_124, %cond3A_125 : i32
      scf.if %cond3A_126 {
        %sub3A = arith.constant 5 : i32
        %sub3A_370 = arith.subi %add3A_121, %sub3A : i32
        %dma_wait3A_371 = arith.constant 1 : i32
        %dma_wait3A_372 = arith.constant 1 : i32
        %dma_wait3A_373 = arith.constant 0 : i32
        %dma_wait3A_374 = arith.constant 0 : i32
        %dma_wait3A_375 = tpu.memref_slice %arg9[%dma_wait3A_371, %dma_wait3A_373, %dma_wait3A_374] : memref<5x80x64xf32, #tpu.memory_space<vmem>> -> memref<1x80x64xf32, #tpu.memory_space<vmem>>
        %dma_wait3A_376 = tpu.memref_squeeze %dma_wait3A_375 : memref<1x80x64xf32, #tpu.memory_space<vmem>> -> memref<80x64xf32, #tpu.memory_space<vmem>>
        %dma_wait3A_377 = arith.constant 0 : i32
        %dma_wait3A_378 = tpu.memref_slice %arg8[%sub3A_370, %dma_wait3A_377] : memref<250x80xi32, #tpu.memory_space<vmem>> -> memref<1x80xi32, #tpu.memory_space<vmem>>
        %dma_wait3A_379 = tpu.memref_squeeze %dma_wait3A_378 : memref<1x80xi32, #tpu.memory_space<vmem>> -> memref<80xi32, #tpu.memory_space<vmem>>
        %dma_wait3A_380 = arith.constant 0 : i32
        %dma_wait3A_381 = arith.constant 0 : i32
        %dma_wait3A_382 = tpu.memref_slice %arg10[%dma_wait3A_380, %dma_wait3A_381] : memref<10000x64xf32, #tpu.memory_space<vmem_shared>> -> memref<10000x64xf32, #tpu.memory_space<vmem_shared>>
        %dma_wait3A_383 = tpu.memref_slice %arg12[%dma_wait3A_372] : memref<5x!tpu.dma_semaphore, #tpu.memory_space<semaphore_mem>> -> memref<1x!tpu.dma_semaphore, #tpu.memory_space<semaphore_mem>>
        %dma_wait3A_384 = tpu.memref_squeeze %dma_wait3A_383 : memref<1x!tpu.dma_semaphore, #tpu.memory_space<semaphore_mem>> -> memref<!tpu.dma_semaphore, #tpu.memory_space<semaphore_mem>>
        tpu.wait_indirect_dma semaphore(%dma_wait3A_384 : memref<!tpu.dma_semaphore, #tpu.memory_space<semaphore_mem>>) src(%dma_wait3A_376 : memref<80x64xf32, #tpu.memory_space<vmem>>) dst(%dma_wait3A_382 : memref<10000x64xf32, #tpu.memory_space<vmem_shared>>)
      } else {
      }
      %dma_start3A_127 = arith.constant 1 : i32
      %dma_start3A_128 = arith.constant 1 : i32
      %dma_start3A_129 = arith.constant 0 : i32
      %dma_start3A_130 = arith.constant 0 : i32
      %dma_start3A_131 = tpu.memref_slice %arg9[%dma_start3A_127, %dma_start3A_129, %dma_start3A_130] : memref<5x80x64xf32, #tpu.memory_space<vmem>> -> memref<1x80x64xf32, #tpu.memory_space<vmem>>
      %dma_start3A_132 = tpu.memref_squeeze %dma_start3A_131 : memref<1x80x64xf32, #tpu.memory_space<vmem>> -> memref<80x64xf32, #tpu.memory_space<vmem>>
      %dma_start3A_133 = arith.constant 0 : i32
      %dma_start3A_134 = tpu.memref_slice %arg7[%add3A_121, %dma_start3A_133] : memref<250x80xi32, #tpu.memory_space<vmem>> -> memref<1x80xi32, #tpu.memory_space<vmem>>
      %dma_start3A_135 = tpu.memref_squeeze %dma_start3A_134 : memref<1x80xi32, #tpu.memory_space<vmem>> -> memref<80xi32, #tpu.memory_space<vmem>>
      %dma_start3A_136 = arith.constant 0 : i32
      %dma_start3A_137 = arith.constant 0 : i32
      %dma_start3A_138 = tpu.memref_slice %arg2[%dma_start3A_136, %dma_start3A_137] : memref<20000x64xf32, #tpu.memory_space<hbm>> -> memref<20000x64xf32, #tpu.memory_space<hbm>>
      %dma_start3A_139 = tpu.memref_slice %arg11[%dma_start3A_128] : memref<5x!tpu.dma_semaphore, #tpu.memory_space<semaphore_mem>> -> memref<1x!tpu.dma_semaphore, #tpu.memory_space<semaphore_mem>>
      %dma_start3A_140 = tpu.memref_squeeze %dma_start3A_139 : memref<1x!tpu.dma_semaphore, #tpu.memory_space<semaphore_mem>> -> memref<!tpu.dma_semaphore, #tpu.memory_space<semaphore_mem>>
      tpu.enqueue_indirect_dma source(%dma_start3A_138 : memref<20000x64xf32, #tpu.memory_space<hbm>>) target(%dma_start3A_132 : memref<80x64xf32, #tpu.memory_space<vmem>>) offsets(%dma_start3A_135 : memref<80xi32, #tpu.memory_space<vmem>>) semaphore(%dma_start3A_140 : memref<!tpu.dma_semaphore, #tpu.memory_space<semaphore_mem>>)
      %mul3A_141 = arith.constant 5 : i32
      %mul3A_142 = arith.muli %scan3A_97, %mul3A_141 : i32
      %add3A_143 = arith.constant 2 : i32
      %add3A_144 = arith.addi %mul3A_142, %add3A_143 : i32
      %gt3A_145 = arith.constant 0 : i32
      %gt3A_146 = arith.cmpi sgt, %scan3A_97, %gt3A_145 : i32
      %convert_element_type3A_147 = arith.extui %gt3A_146 : i1 to i32
      %cond3A_148 = arith.constant 0 : i32
      %cond3A_149 = arith.cmpi ne, %convert_element_type3A_147, %cond3A_148 : i32
      scf.if %cond3A_149 {
        %sub3A = arith.constant 5 : i32
        %sub3A_370 = arith.subi %add3A_144, %sub3A : i32
        %dma_wait3A_371 = arith.constant 2 : i32
        %dma_wait3A_372 = arith.constant 2 : i32
        %dma_wait3A_373 = arith.constant 0 : i32
        %dma_wait3A_374 = arith.constant 0 : i32
        %dma_wait3A_375 = tpu.memref_slice %arg9[%dma_wait3A_371, %dma_wait3A_373, %dma_wait3A_374] : memref<5x80x64xf32, #tpu.memory_space<vmem>> -> memref<1x80x64xf32, #tpu.memory_space<vmem>>
        %dma_wait3A_376 = tpu.memref_squeeze %dma_wait3A_375 : memref<1x80x64xf32, #tpu.memory_space<vmem>> -> memref<80x64xf32, #tpu.memory_space<vmem>>
        %dma_wait3A_377 = arith.constant 0 : i32
        %dma_wait3A_378 = tpu.memref_slice %arg8[%sub3A_370, %dma_wait3A_377] : memref<250x80xi32, #tpu.memory_space<vmem>> -> memref<1x80xi32, #tpu.memory_space<vmem>>
        %dma_wait3A_379 = tpu.memref_squeeze %dma_wait3A_378 : memref<1x80xi32, #tpu.memory_space<vmem>> -> memref<80xi32, #tpu.memory_space<vmem>>
        %dma_wait3A_380 = arith.constant 0 : i32
        %dma_wait3A_381 = arith.constant 0 : i32
        %dma_wait3A_382 = tpu.memref_slice %arg10[%dma_wait3A_380, %dma_wait3A_381] : memref<10000x64xf32, #tpu.memory_space<vmem_shared>> -> memref<10000x64xf32, #tpu.memory_space<vmem_shared>>
        %dma_wait3A_383 = tpu.memref_slice %arg12[%dma_wait3A_372] : memref<5x!tpu.dma_semaphore, #tpu.memory_space<semaphore_mem>> -> memref<1x!tpu.dma_semaphore, #tpu.memory_space<semaphore_mem>>
        %dma_wait3A_384 = tpu.memref_squeeze %dma_wait3A_383 : memref<1x!tpu.dma_semaphore, #tpu.memory_space<semaphore_mem>> -> memref<!tpu.dma_semaphore, #tpu.memory_space<semaphore_mem>>
        tpu.wait_indirect_dma semaphore(%dma_wait3A_384 : memref<!tpu.dma_semaphore, #tpu.memory_space<semaphore_mem>>) src(%dma_wait3A_376 : memref<80x64xf32, #tpu.memory_space<vmem>>) dst(%dma_wait3A_382 : memref<10000x64xf32, #tpu.memory_space<vmem_shared>>)
      } else {
      }
      %dma_start3A_150 = arith.constant 2 : i32
      %dma_start3A_151 = arith.constant 2 : i32
      %dma_start3A_152 = arith.constant 0 : i32
      %dma_start3A_153 = arith.constant 0 : i32
      %dma_start3A_154 = tpu.memref_slice %arg9[%dma_start3A_150, %dma_start3A_152, %dma_start3A_153] : memref<5x80x64xf32, #tpu.memory_space<vmem>> -> memref<1x80x64xf32, #tpu.memory_space<vmem>>
      %dma_start3A_155 = tpu.memref_squeeze %dma_start3A_154 : memref<1x80x64xf32, #tpu.memory_space<vmem>> -> memref<80x64xf32, #tpu.memory_space<vmem>>
      %dma_start3A_156 = arith.constant 0 : i32
      %dma_start3A_157 = tpu.memref_slice %arg7[%add3A_144, %dma_start3A_156] : memref<250x80xi32, #tpu.memory_space<vmem>> -> memref<1x80xi32, #tpu.memory_space<vmem>>
      %dma_start3A_158 = tpu.memref_squeeze %dma_start3A_157 : memref<1x80xi32, #tpu.memory_space<vmem>> -> memref<80xi32, #tpu.memory_space<vmem>>
      %dma_start3A_159 = arith.constant 0 : i32
      %dma_start3A_160 = arith.constant 0 : i32
      %dma_start3A_161 = tpu.memref_slice %arg2[%dma_start3A_159, %dma_start3A_160] : memref<20000x64xf32, #tpu.memory_space<hbm>> -> memref<20000x64xf32, #tpu.memory_space<hbm>>
      %dma_start3A_162 = tpu.memref_slice %arg11[%dma_start3A_151] : memref<5x!tpu.dma_semaphore, #tpu.memory_space<semaphore_mem>> -> memref<1x!tpu.dma_semaphore, #tpu.memory_space<semaphore_mem>>
      %dma_start3A_163 = tpu.memref_squeeze %dma_start3A_162 : memref<1x!tpu.dma_semaphore, #tpu.memory_space<semaphore_mem>> -> memref<!tpu.dma_semaphore, #tpu.memory_space<semaphore_mem>>
      tpu.enqueue_indirect_dma source(%dma_start3A_161 : memref<20000x64xf32, #tpu.memory_space<hbm>>) target(%dma_start3A_155 : memref<80x64xf32, #tpu.memory_space<vmem>>) offsets(%dma_start3A_158 : memref<80xi32, #tpu.memory_space<vmem>>) semaphore(%dma_start3A_163 : memref<!tpu.dma_semaphore, #tpu.memory_space<semaphore_mem>>)
      %mul3A_164 = arith.constant 5 : i32
      %mul3A_165 = arith.muli %scan3A_97, %mul3A_164 : i32
      %add3A_166 = arith.constant 3 : i32
      %add3A_167 = arith.addi %mul3A_165, %add3A_166 : i32
      %gt3A_168 = arith.constant 0 : i32
      %gt3A_169 = arith.cmpi sgt, %scan3A_97, %gt3A_168 : i32
      %convert_element_type3A_170 = arith.extui %gt3A_169 : i1 to i32
      %cond3A_171 = arith.constant 0 : i32
      %cond3A_172 = arith.cmpi ne, %convert_element_type3A_170, %cond3A_171 : i32
      scf.if %cond3A_172 {
        %sub3A = arith.constant 5 : i32
        %sub3A_370 = arith.subi %add3A_167, %sub3A : i32
        %dma_wait3A_371 = arith.constant 3 : i32
        %dma_wait3A_372 = arith.constant 3 : i32
        %dma_wait3A_373 = arith.constant 0 : i32
        %dma_wait3A_374 = arith.constant 0 : i32
        %dma_wait3A_375 = tpu.memref_slice %arg9[%dma_wait3A_371, %dma_wait3A_373, %dma_wait3A_374] : memref<5x80x64xf32, #tpu.memory_space<vmem>> -> memref<1x80x64xf32, #tpu.memory_space<vmem>>
        %dma_wait3A_376 = tpu.memref_squeeze %dma_wait3A_375 : memref<1x80x64xf32, #tpu.memory_space<vmem>> -> memref<80x64xf32, #tpu.memory_space<vmem>>
        %dma_wait3A_377 = arith.constant 0 : i32
        %dma_wait3A_378 = tpu.memref_slice %arg8[%sub3A_370, %dma_wait3A_377] : memref<250x80xi32, #tpu.memory_space<vmem>> -> memref<1x80xi32, #tpu.memory_space<vmem>>
        %dma_wait3A_379 = tpu.memref_squeeze %dma_wait3A_378 : memref<1x80xi32, #tpu.memory_space<vmem>> -> memref<80xi32, #tpu.memory_space<vmem>>
        %dma_wait3A_380 = arith.constant 0 : i32
        %dma_wait3A_381 = arith.constant 0 : i32
        %dma_wait3A_382 = tpu.memref_slice %arg10[%dma_wait3A_380, %dma_wait3A_381] : memref<10000x64xf32, #tpu.memory_space<vmem_shared>> -> memref<10000x64xf32, #tpu.memory_space<vmem_shared>>
        %dma_wait3A_383 = tpu.memref_slice %arg12[%dma_wait3A_372] : memref<5x!tpu.dma_semaphore, #tpu.memory_space<semaphore_mem>> -> memref<1x!tpu.dma_semaphore, #tpu.memory_space<semaphore_mem>>
        %dma_wait3A_384 = tpu.memref_squeeze %dma_wait3A_383 : memref<1x!tpu.dma_semaphore, #tpu.memory_space<semaphore_mem>> -> memref<!tpu.dma_semaphore, #tpu.memory_space<semaphore_mem>>
        tpu.wait_indirect_dma semaphore(%dma_wait3A_384 : memref<!tpu.dma_semaphore, #tpu.memory_space<semaphore_mem>>) src(%dma_wait3A_376 : memref<80x64xf32, #tpu.memory_space<vmem>>) dst(%dma_wait3A_382 : memref<10000x64xf32, #tpu.memory_space<vmem_shared>>)
      } else {
      }
      %dma_start3A_173 = arith.constant 3 : i32
      %dma_start3A_174 = arith.constant 3 : i32
      %dma_start3A_175 = arith.constant 0 : i32
      %dma_start3A_176 = arith.constant 0 : i32
      %dma_start3A_177 = tpu.memref_slice %arg9[%dma_start3A_173, %dma_start3A_175, %dma_start3A_176] : memref<5x80x64xf32, #tpu.memory_space<vmem>> -> memref<1x80x64xf32, #tpu.memory_space<vmem>>
      %dma_start3A_178 = tpu.memref_squeeze %dma_start3A_177 : memref<1x80x64xf32, #tpu.memory_space<vmem>> -> memref<80x64xf32, #tpu.memory_space<vmem>>
      %dma_start3A_179 = arith.constant 0 : i32
      %dma_start3A_180 = tpu.memref_slice %arg7[%add3A_167, %dma_start3A_179] : memref<250x80xi32, #tpu.memory_space<vmem>> -> memref<1x80xi32, #tpu.memory_space<vmem>>
      %dma_start3A_181 = tpu.memref_squeeze %dma_start3A_180 : memref<1x80xi32, #tpu.memory_space<vmem>> -> memref<80xi32, #tpu.memory_space<vmem>>
      %dma_start3A_182 = arith.constant 0 : i32
      %dma_start3A_183 = arith.constant 0 : i32
      %dma_start3A_184 = tpu.memref_slice %arg2[%dma_start3A_182, %dma_start3A_183] : memref<20000x64xf32, #tpu.memory_space<hbm>> -> memref<20000x64xf32, #tpu.memory_space<hbm>>
      %dma_start3A_185 = tpu.memref_slice %arg11[%dma_start3A_174] : memref<5x!tpu.dma_semaphore, #tpu.memory_space<semaphore_mem>> -> memref<1x!tpu.dma_semaphore, #tpu.memory_space<semaphore_mem>>
      %dma_start3A_186 = tpu.memref_squeeze %dma_start3A_185 : memref<1x!tpu.dma_semaphore, #tpu.memory_space<semaphore_mem>> -> memref<!tpu.dma_semaphore, #tpu.memory_space<semaphore_mem>>
      tpu.enqueue_indirect_dma source(%dma_start3A_184 : memref<20000x64xf32, #tpu.memory_space<hbm>>) target(%dma_start3A_178 : memref<80x64xf32, #tpu.memory_space<vmem>>) offsets(%dma_start3A_181 : memref<80xi32, #tpu.memory_space<vmem>>) semaphore(%dma_start3A_186 : memref<!tpu.dma_semaphore, #tpu.memory_space<semaphore_mem>>)
      %mul3A_187 = arith.constant 5 : i32
      %mul3A_188 = arith.muli %scan3A_97, %mul3A_187 : i32
      %add3A_189 = arith.constant 4 : i32
      %add3A_190 = arith.addi %mul3A_188, %add3A_189 : i32
      %gt3A_191 = arith.constant 0 : i32
      %gt3A_192 = arith.cmpi sgt, %scan3A_97, %gt3A_191 : i32
      %convert_element_type3A_193 = arith.extui %gt3A_192 : i1 to i32
      %cond3A_194 = arith.constant 0 : i32
      %cond3A_195 = arith.cmpi ne, %convert_element_type3A_193, %cond3A_194 : i32
      scf.if %cond3A_195 {
        %sub3A = arith.constant 5 : i32
        %sub3A_370 = arith.subi %add3A_190, %sub3A : i32
        %dma_wait3A_371 = arith.constant 4 : i32
        %dma_wait3A_372 = arith.constant 4 : i32
        %dma_wait3A_373 = arith.constant 0 : i32
        %dma_wait3A_374 = arith.constant 0 : i32
        %dma_wait3A_375 = tpu.memref_slice %arg9[%dma_wait3A_371, %dma_wait3A_373, %dma_wait3A_374] : memref<5x80x64xf32, #tpu.memory_space<vmem>> -> memref<1x80x64xf32, #tpu.memory_space<vmem>>
        %dma_wait3A_376 = tpu.memref_squeeze %dma_wait3A_375 : memref<1x80x64xf32, #tpu.memory_space<vmem>> -> memref<80x64xf32, #tpu.memory_space<vmem>>
        %dma_wait3A_377 = arith.constant 0 : i32
        %dma_wait3A_378 = tpu.memref_slice %arg8[%sub3A_370, %dma_wait3A_377] : memref<250x80xi32, #tpu.memory_space<vmem>> -> memref<1x80xi32, #tpu.memory_space<vmem>>
        %dma_wait3A_379 = tpu.memref_squeeze %dma_wait3A_378 : memref<1x80xi32, #tpu.memory_space<vmem>> -> memref<80xi32, #tpu.memory_space<vmem>>
        %dma_wait3A_380 = arith.constant 0 : i32
        %dma_wait3A_381 = arith.constant 0 : i32
        %dma_wait3A_382 = tpu.memref_slice %arg10[%dma_wait3A_380, %dma_wait3A_381] : memref<10000x64xf32, #tpu.memory_space<vmem_shared>> -> memref<10000x64xf32, #tpu.memory_space<vmem_shared>>
        %dma_wait3A_383 = tpu.memref_slice %arg12[%dma_wait3A_372] : memref<5x!tpu.dma_semaphore, #tpu.memory_space<semaphore_mem>> -> memref<1x!tpu.dma_semaphore, #tpu.memory_space<semaphore_mem>>
        %dma_wait3A_384 = tpu.memref_squeeze %dma_wait3A_383 : memref<1x!tpu.dma_semaphore, #tpu.memory_space<semaphore_mem>> -> memref<!tpu.dma_semaphore, #tpu.memory_space<semaphore_mem>>
        tpu.wait_indirect_dma semaphore(%dma_wait3A_384 : memref<!tpu.dma_semaphore, #tpu.memory_space<semaphore_mem>>) src(%dma_wait3A_376 : memref<80x64xf32, #tpu.memory_space<vmem>>) dst(%dma_wait3A_382 : memref<10000x64xf32, #tpu.memory_space<vmem_shared>>)
      } else {
      }
      %dma_start3A_196 = arith.constant 4 : i32
      %dma_start3A_197 = arith.constant 4 : i32
      %dma_start3A_198 = arith.constant 0 : i32
      %dma_start3A_199 = arith.constant 0 : i32
      %dma_start3A_200 = tpu.memref_slice %arg9[%dma_start3A_196, %dma_start3A_198, %dma_start3A_199] : memref<5x80x64xf32, #tpu.memory_space<vmem>> -> memref<1x80x64xf32, #tpu.memory_space<vmem>>
      %dma_start3A_201 = tpu.memref_squeeze %dma_start3A_200 : memref<1x80x64xf32, #tpu.memory_space<vmem>> -> memref<80x64xf32, #tpu.memory_space<vmem>>
      %dma_start3A_202 = arith.constant 0 : i32
      %dma_start3A_203 = tpu.memref_slice %arg7[%add3A_190, %dma_start3A_202] : memref<250x80xi32, #tpu.memory_space<vmem>> -> memref<1x80xi32, #tpu.memory_space<vmem>>
      %dma_start3A_204 = tpu.memref_squeeze %dma_start3A_203 : memref<1x80xi32, #tpu.memory_space<vmem>> -> memref<80xi32, #tpu.memory_space<vmem>>
      %dma_start3A_205 = arith.constant 0 : i32
      %dma_start3A_206 = arith.constant 0 : i32
      %dma_start3A_207 = tpu.memref_slice %arg2[%dma_start3A_205, %dma_start3A_206] : memref<20000x64xf32, #tpu.memory_space<hbm>> -> memref<20000x64xf32, #tpu.memory_space<hbm>>
      %dma_start3A_208 = tpu.memref_slice %arg11[%dma_start3A_197] : memref<5x!tpu.dma_semaphore, #tpu.memory_space<semaphore_mem>> -> memref<1x!tpu.dma_semaphore, #tpu.memory_space<semaphore_mem>>
      %dma_start3A_209 = tpu.memref_squeeze %dma_start3A_208 : memref<1x!tpu.dma_semaphore, #tpu.memory_space<semaphore_mem>> -> memref<!tpu.dma_semaphore, #tpu.memory_space<semaphore_mem>>
      tpu.enqueue_indirect_dma source(%dma_start3A_207 : memref<20000x64xf32, #tpu.memory_space<hbm>>) target(%dma_start3A_201 : memref<80x64xf32, #tpu.memory_space<vmem>>) offsets(%dma_start3A_204 : memref<80xi32, #tpu.memory_space<vmem>>) semaphore(%dma_start3A_209 : memref<!tpu.dma_semaphore, #tpu.memory_space<semaphore_mem>>)
      %mul3A_210 = arith.constant 5 : i32
      %mul3A_211 = arith.muli %scan3A_97, %mul3A_210 : i32
      %add3A_212 = arith.constant 0 : i32
      %add3A_213 = arith.addi %mul3A_211, %add3A_212 : i32
      %dma_wait3A_214 = arith.constant 0 : i32
      %dma_wait3A_215 = arith.constant 0 : i32
      %dma_wait3A_216 = arith.constant 0 : i32
      %dma_wait3A_217 = arith.constant 0 : i32
      %dma_wait3A_218 = tpu.memref_slice %arg9[%dma_wait3A_214, %dma_wait3A_216, %dma_wait3A_217] : memref<5x80x64xf32, #tpu.memory_space<vmem>> -> memref<1x80x64xf32, #tpu.memory_space<vmem>>
      %dma_wait3A_219 = tpu.memref_squeeze %dma_wait3A_218 : memref<1x80x64xf32, #tpu.memory_space<vmem>> -> memref<80x64xf32, #tpu.memory_space<vmem>>
      %dma_wait3A_220 = arith.constant 0 : i32
      %dma_wait3A_221 = tpu.memref_slice %arg7[%add3A_100, %dma_wait3A_220] : memref<250x80xi32, #tpu.memory_space<vmem>> -> memref<1x80xi32, #tpu.memory_space<vmem>>
      %dma_wait3A_222 = tpu.memref_squeeze %dma_wait3A_221 : memref<1x80xi32, #tpu.memory_space<vmem>> -> memref<80xi32, #tpu.memory_space<vmem>>
      %dma_wait3A_223 = arith.constant 0 : i32
      %dma_wait3A_224 = arith.constant 0 : i32
      %dma_wait3A_225 = tpu.memref_slice %arg2[%dma_wait3A_223, %dma_wait3A_224] : memref<20000x64xf32, #tpu.memory_space<hbm>> -> memref<20000x64xf32, #tpu.memory_space<hbm>>
      %dma_wait3A_226 = tpu.memref_slice %arg11[%dma_wait3A_215] : memref<5x!tpu.dma_semaphore, #tpu.memory_space<semaphore_mem>> -> memref<1x!tpu.dma_semaphore, #tpu.memory_space<semaphore_mem>>
      %dma_wait3A_227 = tpu.memref_squeeze %dma_wait3A_226 : memref<1x!tpu.dma_semaphore, #tpu.memory_space<semaphore_mem>> -> memref<!tpu.dma_semaphore, #tpu.memory_space<semaphore_mem>>
      tpu.wait_indirect_dma semaphore(%dma_wait3A_227 : memref<!tpu.dma_semaphore, #tpu.memory_space<semaphore_mem>>) src(%dma_wait3A_225 : memref<20000x64xf32, #tpu.memory_space<hbm>>) dst(%dma_wait3A_219 : memref<80x64xf32, #tpu.memory_space<vmem>>)
      %dma_start3A_228 = arith.constant 0 : i32
      %dma_start3A_229 = arith.constant 0 : i32
      %dma_start3A_230 = arith.constant 0 : i32
      %dma_start3A_231 = arith.constant 0 : i32
      %dma_start3A_232 = tpu.memref_slice %arg9[%dma_start3A_228, %dma_start3A_230, %dma_start3A_231] : memref<5x80x64xf32, #tpu.memory_space<vmem>> -> memref<1x80x64xf32, #tpu.memory_space<vmem>>
      %dma_start3A_233 = tpu.memref_squeeze %dma_start3A_232 : memref<1x80x64xf32, #tpu.memory_space<vmem>> -> memref<80x64xf32, #tpu.memory_space<vmem>>
      %dma_start3A_234 = arith.constant 0 : i32
      %dma_start3A_235 = tpu.memref_slice %arg8[%add3A_213, %dma_start3A_234] : memref<250x80xi32, #tpu.memory_space<vmem>> -> memref<1x80xi32, #tpu.memory_space<vmem>>
      %dma_start3A_236 = tpu.memref_squeeze %dma_start3A_235 : memref<1x80xi32, #tpu.memory_space<vmem>> -> memref<80xi32, #tpu.memory_space<vmem>>
      %dma_start3A_237 = arith.constant 0 : i32
      %dma_start3A_238 = arith.constant 0 : i32
      %dma_start3A_239 = tpu.memref_slice %arg10[%dma_start3A_237, %dma_start3A_238] : memref<10000x64xf32, #tpu.memory_space<vmem_shared>> -> memref<10000x64xf32, #tpu.memory_space<vmem_shared>>
      %dma_start3A_240 = tpu.memref_slice %arg12[%dma_start3A_229] : memref<5x!tpu.dma_semaphore, #tpu.memory_space<semaphore_mem>> -> memref<1x!tpu.dma_semaphore, #tpu.memory_space<semaphore_mem>>
      %dma_start3A_241 = tpu.memref_squeeze %dma_start3A_240 : memref<1x!tpu.dma_semaphore, #tpu.memory_space<semaphore_mem>> -> memref<!tpu.dma_semaphore, #tpu.memory_space<semaphore_mem>>
      tpu.enqueue_indirect_dma source(%dma_start3A_233 : memref<80x64xf32, #tpu.memory_space<vmem>>) target(%dma_start3A_239 : memref<10000x64xf32, #tpu.memory_space<vmem_shared>>) offsets(%dma_start3A_236 : memref<80xi32, #tpu.memory_space<vmem>>) semaphore(%dma_start3A_241 : memref<!tpu.dma_semaphore, #tpu.memory_space<semaphore_mem>>) {add = true}
      %mul3A_242 = arith.constant 5 : i32
      %mul3A_243 = arith.muli %scan3A_97, %mul3A_242 : i32
      %add3A_244 = arith.constant 1 : i32
      %add3A_245 = arith.addi %mul3A_243, %add3A_244 : i32
      %dma_wait3A_246 = arith.constant 1 : i32
      %dma_wait3A_247 = arith.constant 1 : i32
      %dma_wait3A_248 = arith.constant 0 : i32
      %dma_wait3A_249 = arith.constant 0 : i32
      %dma_wait3A_250 = tpu.memref_slice %arg9[%dma_wait3A_246, %dma_wait3A_248, %dma_wait3A_249] : memref<5x80x64xf32, #tpu.memory_space<vmem>> -> memref<1x80x64xf32, #tpu.memory_space<vmem>>
      %dma_wait3A_251 = tpu.memref_squeeze %dma_wait3A_250 : memref<1x80x64xf32, #tpu.memory_space<vmem>> -> memref<80x64xf32, #tpu.memory_space<vmem>>
      %dma_wait3A_252 = arith.constant 0 : i32
      %dma_wait3A_253 = tpu.memref_slice %arg7[%add3A_121, %dma_wait3A_252] : memref<250x80xi32, #tpu.memory_space<vmem>> -> memref<1x80xi32, #tpu.memory_space<vmem>>
      %dma_wait3A_254 = tpu.memref_squeeze %dma_wait3A_253 : memref<1x80xi32, #tpu.memory_space<vmem>> -> memref<80xi32, #tpu.memory_space<vmem>>
      %dma_wait3A_255 = arith.constant 0 : i32
      %dma_wait3A_256 = arith.constant 0 : i32
      %dma_wait3A_257 = tpu.memref_slice %arg2[%dma_wait3A_255, %dma_wait3A_256] : memref<20000x64xf32, #tpu.memory_space<hbm>> -> memref<20000x64xf32, #tpu.memory_space<hbm>>
      %dma_wait3A_258 = tpu.memref_slice %arg11[%dma_wait3A_247] : memref<5x!tpu.dma_semaphore, #tpu.memory_space<semaphore_mem>> -> memref<1x!tpu.dma_semaphore, #tpu.memory_space<semaphore_mem>>
      %dma_wait3A_259 = tpu.memref_squeeze %dma_wait3A_258 : memref<1x!tpu.dma_semaphore, #tpu.memory_space<semaphore_mem>> -> memref<!tpu.dma_semaphore, #tpu.memory_space<semaphore_mem>>
      tpu.wait_indirect_dma semaphore(%dma_wait3A_259 : memref<!tpu.dma_semaphore, #tpu.memory_space<semaphore_mem>>) src(%dma_wait3A_257 : memref<20000x64xf32, #tpu.memory_space<hbm>>) dst(%dma_wait3A_251 : memref<80x64xf32, #tpu.memory_space<vmem>>)
      %dma_start3A_260 = arith.constant 1 : i32
      %dma_start3A_261 = arith.constant 1 : i32
      %dma_start3A_262 = arith.constant 0 : i32
      %dma_start3A_263 = arith.constant 0 : i32
      %dma_start3A_264 = tpu.memref_slice %arg9[%dma_start3A_260, %dma_start3A_262, %dma_start3A_263] : memref<5x80x64xf32, #tpu.memory_space<vmem>> -> memref<1x80x64xf32, #tpu.memory_space<vmem>>
      %dma_start3A_265 = tpu.memref_squeeze %dma_start3A_264 : memref<1x80x64xf32, #tpu.memory_space<vmem>> -> memref<80x64xf32, #tpu.memory_space<vmem>>
      %dma_start3A_266 = arith.constant 0 : i32
      %dma_start3A_267 = tpu.memref_slice %arg8[%add3A_245, %dma_start3A_266] : memref<250x80xi32, #tpu.memory_space<vmem>> -> memref<1x80xi32, #tpu.memory_space<vmem>>
      %dma_start3A_268 = tpu.memref_squeeze %dma_start3A_267 : memref<1x80xi32, #tpu.memory_space<vmem>> -> memref<80xi32, #tpu.memory_space<vmem>>
      %dma_start3A_269 = arith.constant 0 : i32
      %dma_start3A_270 = arith.constant 0 : i32
      %dma_start3A_271 = tpu.memref_slice %arg10[%dma_start3A_269, %dma_start3A_270] : memref<10000x64xf32, #tpu.memory_space<vmem_shared>> -> memref<10000x64xf32, #tpu.memory_space<vmem_shared>>
      %dma_start3A_272 = tpu.memref_slice %arg12[%dma_start3A_261] : memref<5x!tpu.dma_semaphore, #tpu.memory_space<semaphore_mem>> -> memref<1x!tpu.dma_semaphore, #tpu.memory_space<semaphore_mem>>
      %dma_start3A_273 = tpu.memref_squeeze %dma_start3A_272 : memref<1x!tpu.dma_semaphore, #tpu.memory_space<semaphore_mem>> -> memref<!tpu.dma_semaphore, #tpu.memory_space<semaphore_mem>>
      tpu.enqueue_indirect_dma source(%dma_start3A_265 : memref<80x64xf32, #tpu.memory_space<vmem>>) target(%dma_start3A_271 : memref<10000x64xf32, #tpu.memory_space<vmem_shared>>) offsets(%dma_start3A_268 : memref<80xi32, #tpu.memory_space<vmem>>) semaphore(%dma_start3A_273 : memref<!tpu.dma_semaphore, #tpu.memory_space<semaphore_mem>>) {add = true}
      %mul3A_274 = arith.constant 5 : i32
      %mul3A_275 = arith.muli %scan3A_97, %mul3A_274 : i32
      %add3A_276 = arith.constant 2 : i32
      %add3A_277 = arith.addi %mul3A_275, %add3A_276 : i32
      %dma_wait3A_278 = arith.constant 2 : i32
      %dma_wait3A_279 = arith.constant 2 : i32
      %dma_wait3A_280 = arith.constant 0 : i32
      %dma_wait3A_281 = arith.constant 0 : i32
      %dma_wait3A_282 = tpu.memref_slice %arg9[%dma_wait3A_278, %dma_wait3A_280, %dma_wait3A_281] : memref<5x80x64xf32, #tpu.memory_space<vmem>> -> memref<1x80x64xf32, #tpu.memory_space<vmem>>
      %dma_wait3A_283 = tpu.memref_squeeze %dma_wait3A_282 : memref<1x80x64xf32, #tpu.memory_space<vmem>> -> memref<80x64xf32, #tpu.memory_space<vmem>>
      %dma_wait3A_284 = arith.constant 0 : i32
      %dma_wait3A_285 = tpu.memref_slice %arg7[%add3A_144, %dma_wait3A_284] : memref<250x80xi32, #tpu.memory_space<vmem>> -> memref<1x80xi32, #tpu.memory_space<vmem>>
      %dma_wait3A_286 = tpu.memref_squeeze %dma_wait3A_285 : memref<1x80xi32, #tpu.memory_space<vmem>> -> memref<80xi32, #tpu.memory_space<vmem>>
      %dma_wait3A_287 = arith.constant 0 : i32
      %dma_wait3A_288 = arith.constant 0 : i32
      %dma_wait3A_289 = tpu.memref_slice %arg2[%dma_wait3A_287, %dma_wait3A_288] : memref<20000x64xf32, #tpu.memory_space<hbm>> -> memref<20000x64xf32, #tpu.memory_space<hbm>>
      %dma_wait3A_290 = tpu.memref_slice %arg11[%dma_wait3A_279] : memref<5x!tpu.dma_semaphore, #tpu.memory_space<semaphore_mem>> -> memref<1x!tpu.dma_semaphore, #tpu.memory_space<semaphore_mem>>
      %dma_wait3A_291 = tpu.memref_squeeze %dma_wait3A_290 : memref<1x!tpu.dma_semaphore, #tpu.memory_space<semaphore_mem>> -> memref<!tpu.dma_semaphore, #tpu.memory_space<semaphore_mem>>
      tpu.wait_indirect_dma semaphore(%dma_wait3A_291 : memref<!tpu.dma_semaphore, #tpu.memory_space<semaphore_mem>>) src(%dma_wait3A_289 : memref<20000x64xf32, #tpu.memory_space<hbm>>) dst(%dma_wait3A_283 : memref<80x64xf32, #tpu.memory_space<vmem>>)
      %dma_start3A_292 = arith.constant 2 : i32
      %dma_start3A_293 = arith.constant 2 : i32
      %dma_start3A_294 = arith.constant 0 : i32
      %dma_start3A_295 = arith.constant 0 : i32
      %dma_start3A_296 = tpu.memref_slice %arg9[%dma_start3A_292, %dma_start3A_294, %dma_start3A_295] : memref<5x80x64xf32, #tpu.memory_space<vmem>> -> memref<1x80x64xf32, #tpu.memory_space<vmem>>
      %dma_start3A_297 = tpu.memref_squeeze %dma_start3A_296 : memref<1x80x64xf32, #tpu.memory_space<vmem>> -> memref<80x64xf32, #tpu.memory_space<vmem>>
      %dma_start3A_298 = arith.constant 0 : i32
      %dma_start3A_299 = tpu.memref_slice %arg8[%add3A_277, %dma_start3A_298] : memref<250x80xi32, #tpu.memory_space<vmem>> -> memref<1x80xi32, #tpu.memory_space<vmem>>
      %dma_start3A_300 = tpu.memref_squeeze %dma_start3A_299 : memref<1x80xi32, #tpu.memory_space<vmem>> -> memref<80xi32, #tpu.memory_space<vmem>>
      %dma_start3A_301 = arith.constant 0 : i32
      %dma_start3A_302 = arith.constant 0 : i32
      %dma_start3A_303 = tpu.memref_slice %arg10[%dma_start3A_301, %dma_start3A_302] : memref<10000x64xf32, #tpu.memory_space<vmem_shared>> -> memref<10000x64xf32, #tpu.memory_space<vmem_shared>>
      %dma_start3A_304 = tpu.memref_slice %arg12[%dma_start3A_293] : memref<5x!tpu.dma_semaphore, #tpu.memory_space<semaphore_mem>> -> memref<1x!tpu.dma_semaphore, #tpu.memory_space<semaphore_mem>>
      %dma_start3A_305 = tpu.memref_squeeze %dma_start3A_304 : memref<1x!tpu.dma_semaphore, #tpu.memory_space<semaphore_mem>> -> memref<!tpu.dma_semaphore, #tpu.memory_space<semaphore_mem>>
      tpu.enqueue_indirect_dma source(%dma_start3A_297 : memref<80x64xf32, #tpu.memory_space<vmem>>) target(%dma_start3A_303 : memref<10000x64xf32, #tpu.memory_space<vmem_shared>>) offsets(%dma_start3A_300 : memref<80xi32, #tpu.memory_space<vmem>>) semaphore(%dma_start3A_305 : memref<!tpu.dma_semaphore, #tpu.memory_space<semaphore_mem>>) {add = true}
      %mul3A_306 = arith.constant 5 : i32
      %mul3A_307 = arith.muli %scan3A_97, %mul3A_306 : i32
      %add3A_308 = arith.constant 3 : i32
      %add3A_309 = arith.addi %mul3A_307, %add3A_308 : i32
      %dma_wait3A_310 = arith.constant 3 : i32
      %dma_wait3A_311 = arith.constant 3 : i32
      %dma_wait3A_312 = arith.constant 0 : i32
      %dma_wait3A_313 = arith.constant 0 : i32
      %dma_wait3A_314 = tpu.memref_slice %arg9[%dma_wait3A_310, %dma_wait3A_312, %dma_wait3A_313] : memref<5x80x64xf32, #tpu.memory_space<vmem>> -> memref<1x80x64xf32, #tpu.memory_space<vmem>>
      %dma_wait3A_315 = tpu.memref_squeeze %dma_wait3A_314 : memref<1x80x64xf32, #tpu.memory_space<vmem>> -> memref<80x64xf32, #tpu.memory_space<vmem>>
      %dma_wait3A_316 = arith.constant 0 : i32
      %dma_wait3A_317 = tpu.memref_slice %arg7[%add3A_167, %dma_wait3A_316] : memref<250x80xi32, #tpu.memory_space<vmem>> -> memref<1x80xi32, #tpu.memory_space<vmem>>
      %dma_wait3A_318 = tpu.memref_squeeze %dma_wait3A_317 : memref<1x80xi32, #tpu.memory_space<vmem>> -> memref<80xi32, #tpu.memory_space<vmem>>
      %dma_wait3A_319 = arith.constant 0 : i32
      %dma_wait3A_320 = arith.constant 0 : i32
      %dma_wait3A_321 = tpu.memref_slice %arg2[%dma_wait3A_319, %dma_wait3A_320] : memref<20000x64xf32, #tpu.memory_space<hbm>> -> memref<20000x64xf32, #tpu.memory_space<hbm>>
      %dma_wait3A_322 = tpu.memref_slice %arg11[%dma_wait3A_311] : memref<5x!tpu.dma_semaphore, #tpu.memory_space<semaphore_mem>> -> memref<1x!tpu.dma_semaphore, #tpu.memory_space<semaphore_mem>>
      %dma_wait3A_323 = tpu.memref_squeeze %dma_wait3A_322 : memref<1x!tpu.dma_semaphore, #tpu.memory_space<semaphore_mem>> -> memref<!tpu.dma_semaphore, #tpu.memory_space<semaphore_mem>>
      tpu.wait_indirect_dma semaphore(%dma_wait3A_323 : memref<!tpu.dma_semaphore, #tpu.memory_space<semaphore_mem>>) src(%dma_wait3A_321 : memref<20000x64xf32, #tpu.memory_space<hbm>>) dst(%dma_wait3A_315 : memref<80x64xf32, #tpu.memory_space<vmem>>)
      %dma_start3A_324 = arith.constant 3 : i32
      %dma_start3A_325 = arith.constant 3 : i32
      %dma_start3A_326 = arith.constant 0 : i32
      %dma_start3A_327 = arith.constant 0 : i32
      %dma_start3A_328 = tpu.memref_slice %arg9[%dma_start3A_324, %dma_start3A_326, %dma_start3A_327] : memref<5x80x64xf32, #tpu.memory_space<vmem>> -> memref<1x80x64xf32, #tpu.memory_space<vmem>>
      %dma_start3A_329 = tpu.memref_squeeze %dma_start3A_328 : memref<1x80x64xf32, #tpu.memory_space<vmem>> -> memref<80x64xf32, #tpu.memory_space<vmem>>
      %dma_start3A_330 = arith.constant 0 : i32
      %dma_start3A_331 = tpu.memref_slice %arg8[%add3A_309, %dma_start3A_330] : memref<250x80xi32, #tpu.memory_space<vmem>> -> memref<1x80xi32, #tpu.memory_space<vmem>>
      %dma_start3A_332 = tpu.memref_squeeze %dma_start3A_331 : memref<1x80xi32, #tpu.memory_space<vmem>> -> memref<80xi32, #tpu.memory_space<vmem>>
      %dma_start3A_333 = arith.constant 0 : i32
      %dma_start3A_334 = arith.constant 0 : i32
      %dma_start3A_335 = tpu.memref_slice %arg10[%dma_start3A_333, %dma_start3A_334] : memref<10000x64xf32, #tpu.memory_space<vmem_shared>> -> memref<10000x64xf32, #tpu.memory_space<vmem_shared>>
      %dma_start3A_336 = tpu.memref_slice %arg12[%dma_start3A_325] : memref<5x!tpu.dma_semaphore, #tpu.memory_space<semaphore_mem>> -> memref<1x!tpu.dma_semaphore, #tpu.memory_space<semaphore_mem>>
      %dma_start3A_337 = tpu.memref_squeeze %dma_start3A_336 : memref<1x!tpu.dma_semaphore, #tpu.memory_space<semaphore_mem>> -> memref<!tpu.dma_semaphore, #tpu.memory_space<semaphore_mem>>
      tpu.enqueue_indirect_dma source(%dma_start3A_329 : memref<80x64xf32, #tpu.memory_space<vmem>>) target(%dma_start3A_335 : memref<10000x64xf32, #tpu.memory_space<vmem_shared>>) offsets(%dma_start3A_332 : memref<80xi32, #tpu.memory_space<vmem>>) semaphore(%dma_start3A_337 : memref<!tpu.dma_semaphore, #tpu.memory_space<semaphore_mem>>) {add = true}
      %mul3A_338 = arith.constant 5 : i32
      %mul3A_339 = arith.muli %scan3A_97, %mul3A_338 : i32
      %add3A_340 = arith.constant 4 : i32
      %add3A_341 = arith.addi %mul3A_339, %add3A_340 : i32
      %dma_wait3A_342 = arith.constant 4 : i32
      %dma_wait3A_343 = arith.constant 4 : i32
      %dma_wait3A_344 = arith.constant 0 : i32
      %dma_wait3A_345 = arith.constant 0 : i32
      %dma_wait3A_346 = tpu.memref_slice %arg9[%dma_wait3A_342, %dma_wait3A_344, %dma_wait3A_345] : memref<5x80x64xf32, #tpu.memory_space<vmem>> -> memref<1x80x64xf32, #tpu.memory_space<vmem>>
      %dma_wait3A_347 = tpu.memref_squeeze %dma_wait3A_346 : memref<1x80x64xf32, #tpu.memory_space<vmem>> -> memref<80x64xf32, #tpu.memory_space<vmem>>
      %dma_wait3A_348 = arith.constant 0 : i32
      %dma_wait3A_349 = tpu.memref_slice %arg7[%add3A_190, %dma_wait3A_348] : memref<250x80xi32, #tpu.memory_space<vmem>> -> memref<1x80xi32, #tpu.memory_space<vmem>>
      %dma_wait3A_350 = tpu.memref_squeeze %dma_wait3A_349 : memref<1x80xi32, #tpu.memory_space<vmem>> -> memref<80xi32, #tpu.memory_space<vmem>>
      %dma_wait3A_351 = arith.constant 0 : i32
      %dma_wait3A_352 = arith.constant 0 : i32
      %dma_wait3A_353 = tpu.memref_slice %arg2[%dma_wait3A_351, %dma_wait3A_352] : memref<20000x64xf32, #tpu.memory_space<hbm>> -> memref<20000x64xf32, #tpu.memory_space<hbm>>
      %dma_wait3A_354 = tpu.memref_slice %arg11[%dma_wait3A_343] : memref<5x!tpu.dma_semaphore, #tpu.memory_space<semaphore_mem>> -> memref<1x!tpu.dma_semaphore, #tpu.memory_space<semaphore_mem>>
      %dma_wait3A_355 = tpu.memref_squeeze %dma_wait3A_354 : memref<1x!tpu.dma_semaphore, #tpu.memory_space<semaphore_mem>> -> memref<!tpu.dma_semaphore, #tpu.memory_space<semaphore_mem>>
      tpu.wait_indirect_dma semaphore(%dma_wait3A_355 : memref<!tpu.dma_semaphore, #tpu.memory_space<semaphore_mem>>) src(%dma_wait3A_353 : memref<20000x64xf32, #tpu.memory_space<hbm>>) dst(%dma_wait3A_347 : memref<80x64xf32, #tpu.memory_space<vmem>>)
      %dma_start3A_356 = arith.constant 4 : i32
      %dma_start3A_357 = arith.constant 4 : i32
      %dma_start3A_358 = arith.constant 0 : i32
      %dma_start3A_359 = arith.constant 0 : i32
      %dma_start3A_360 = tpu.memref_slice %arg9[%dma_start3A_356, %dma_start3A_358, %dma_start3A_359] : memref<5x80x64xf32, #tpu.memory_space<vmem>> -> memref<1x80x64xf32, #tpu.memory_space<vmem>>
      %dma_start3A_361 = tpu.memref_squeeze %dma_start3A_360 : memref<1x80x64xf32, #tpu.memory_space<vmem>> -> memref<80x64xf32, #tpu.memory_space<vmem>>
      %dma_start3A_362 = arith.constant 0 : i32
      %dma_start3A_363 = tpu.memref_slice %arg8[%add3A_341, %dma_start3A_362] : memref<250x80xi32, #tpu.memory_space<vmem>> -> memref<1x80xi32, #tpu.memory_space<vmem>>
      %dma_start3A_364 = tpu.memref_squeeze %dma_start3A_363 : memref<1x80xi32, #tpu.memory_space<vmem>> -> memref<80xi32, #tpu.memory_space<vmem>>
      %dma_start3A_365 = arith.constant 0 : i32
      %dma_start3A_366 = arith.constant 0 : i32
      %dma_start3A_367 = tpu.memref_slice %arg10[%dma_start3A_365, %dma_start3A_366] : memref<10000x64xf32, #tpu.memory_space<vmem_shared>> -> memref<10000x64xf32, #tpu.memory_space<vmem_shared>>
      %dma_start3A_368 = tpu.memref_slice %arg12[%dma_start3A_357] : memref<5x!tpu.dma_semaphore, #tpu.memory_space<semaphore_mem>> -> memref<1x!tpu.dma_semaphore, #tpu.memory_space<semaphore_mem>>
      %dma_start3A_369 = tpu.memref_squeeze %dma_start3A_368 : memref<1x!tpu.dma_semaphore, #tpu.memory_space<semaphore_mem>> -> memref<!tpu.dma_semaphore, #tpu.memory_space<semaphore_mem>>
      tpu.enqueue_indirect_dma source(%dma_start3A_361 : memref<80x64xf32, #tpu.memory_space<vmem>>) target(%dma_start3A_367 : memref<10000x64xf32, #tpu.memory_space<vmem_shared>>) offsets(%dma_start3A_364 : memref<80xi32, #tpu.memory_space<vmem>>) semaphore(%dma_start3A_369 : memref<!tpu.dma_semaphore, #tpu.memory_space<semaphore_mem>>) {add = true}
    }
    %scan3A_11 = arith.constant 50 : i32
    %dma_wait3A = arith.constant 0 : i32
    %dma_wait3A_12 = arith.constant 245 : i32
    %dma_wait3A_13 = arith.constant 0 : i32
    %dma_wait3A_14 = arith.constant 0 : i32
    %dma_wait3A_15 = arith.constant 0 : i32
    %dma_wait3A_16 = tpu.memref_slice %arg9[%dma_wait3A, %dma_wait3A_14, %dma_wait3A_15] : memref<5x80x64xf32, #tpu.memory_space<vmem>> -> memref<1x80x64xf32, #tpu.memory_space<vmem>>
    %dma_wait3A_17 = tpu.memref_squeeze %dma_wait3A_16 : memref<1x80x64xf32, #tpu.memory_space<vmem>> -> memref<80x64xf32, #tpu.memory_space<vmem>>
    %dma_wait3A_18 = arith.constant 0 : i32
    %dma_wait3A_19 = tpu.memref_slice %arg8[%dma_wait3A_12, %dma_wait3A_18] : memref<250x80xi32, #tpu.memory_space<vmem>> -> memref<1x80xi32, #tpu.memory_space<vmem>>
    %dma_wait3A_20 = tpu.memref_squeeze %dma_wait3A_19 : memref<1x80xi32, #tpu.memory_space<vmem>> -> memref<80xi32, #tpu.memory_space<vmem>>
    %dma_wait3A_21 = arith.constant 0 : i32
    %dma_wait3A_22 = arith.constant 0 : i32
    %dma_wait3A_23 = tpu.memref_slice %arg10[%dma_wait3A_21, %dma_wait3A_22] : memref<10000x64xf32, #tpu.memory_space<vmem_shared>> -> memref<10000x64xf32, #tpu.memory_space<vmem_shared>>
    %dma_wait3A_24 = tpu.memref_slice %arg12[%dma_wait3A_13] : memref<5x!tpu.dma_semaphore, #tpu.memory_space<semaphore_mem>> -> memref<1x!tpu.dma_semaphore, #tpu.memory_space<semaphore_mem>>
    %dma_wait3A_25 = tpu.memref_squeeze %dma_wait3A_24 : memref<1x!tpu.dma_semaphore, #tpu.memory_space<semaphore_mem>> -> memref<!tpu.dma_semaphore, #tpu.memory_space<semaphore_mem>>
    tpu.wait_indirect_dma semaphore(%dma_wait3A_25 : memref<!tpu.dma_semaphore, #tpu.memory_space<semaphore_mem>>) src(%dma_wait3A_17 : memref<80x64xf32, #tpu.memory_space<vmem>>) dst(%dma_wait3A_23 : memref<10000x64xf32, #tpu.memory_space<vmem_shared>>)
    %dma_wait3A_26 = arith.constant 1 : i32
    %dma_wait3A_27 = arith.constant 246 : i32
    %dma_wait3A_28 = arith.constant 1 : i32
    %dma_wait3A_29 = arith.constant 0 : i32
    %dma_wait3A_30 = arith.constant 0 : i32
    %dma_wait3A_31 = tpu.memref_slice %arg9[%dma_wait3A_26, %dma_wait3A_29, %dma_wait3A_30] : memref<5x80x64xf32, #tpu.memory_space<vmem>> -> memref<1x80x64xf32, #tpu.memory_space<vmem>>
    %dma_wait3A_32 = tpu.memref_squeeze %dma_wait3A_31 : memref<1x80x64xf32, #tpu.memory_space<vmem>> -> memref<80x64xf32, #tpu.memory_space<vmem>>
    %dma_wait3A_33 = arith.constant 0 : i32
    %dma_wait3A_34 = tpu.memref_slice %arg8[%dma_wait3A_27, %dma_wait3A_33] : memref<250x80xi32, #tpu.memory_space<vmem>> -> memref<1x80xi32, #tpu.memory_space<vmem>>
    %dma_wait3A_35 = tpu.memref_squeeze %dma_wait3A_34 : memref<1x80xi32, #tpu.memory_space<vmem>> -> memref<80xi32, #tpu.memory_space<vmem>>
    %dma_wait3A_36 = arith.constant 0 : i32
    %dma_wait3A_37 = arith.constant 0 : i32
    %dma_wait3A_38 = tpu.memref_slice %arg10[%dma_wait3A_36, %dma_wait3A_37] : memref<10000x64xf32, #tpu.memory_space<vmem_shared>> -> memref<10000x64xf32, #tpu.memory_space<vmem_shared>>
    %dma_wait3A_39 = tpu.memref_slice %arg12[%dma_wait3A_28] : memref<5x!tpu.dma_semaphore, #tpu.memory_space<semaphore_mem>> -> memref<1x!tpu.dma_semaphore, #tpu.memory_space<semaphore_mem>>
    %dma_wait3A_40 = tpu.memref_squeeze %dma_wait3A_39 : memref<1x!tpu.dma_semaphore, #tpu.memory_space<semaphore_mem>> -> memref<!tpu.dma_semaphore, #tpu.memory_space<semaphore_mem>>
    tpu.wait_indirect_dma semaphore(%dma_wait3A_40 : memref<!tpu.dma_semaphore, #tpu.memory_space<semaphore_mem>>) src(%dma_wait3A_32 : memref<80x64xf32, #tpu.memory_space<vmem>>) dst(%dma_wait3A_38 : memref<10000x64xf32, #tpu.memory_space<vmem_shared>>)
    %dma_wait3A_41 = arith.constant 2 : i32
    %dma_wait3A_42 = arith.constant 247 : i32
    %dma_wait3A_43 = arith.constant 2 : i32
    %dma_wait3A_44 = arith.constant 0 : i32
    %dma_wait3A_45 = arith.constant 0 : i32
    %dma_wait3A_46 = tpu.memref_slice %arg9[%dma_wait3A_41, %dma_wait3A_44, %dma_wait3A_45] : memref<5x80x64xf32, #tpu.memory_space<vmem>> -> memref<1x80x64xf32, #tpu.memory_space<vmem>>
    %dma_wait3A_47 = tpu.memref_squeeze %dma_wait3A_46 : memref<1x80x64xf32, #tpu.memory_space<vmem>> -> memref<80x64xf32, #tpu.memory_space<vmem>>
    %dma_wait3A_48 = arith.constant 0 : i32
    %dma_wait3A_49 = tpu.memref_slice %arg8[%dma_wait3A_42, %dma_wait3A_48] : memref<250x80xi32, #tpu.memory_space<vmem>> -> memref<1x80xi32, #tpu.memory_space<vmem>>
    %dma_wait3A_50 = tpu.memref_squeeze %dma_wait3A_49 : memref<1x80xi32, #tpu.memory_space<vmem>> -> memref<80xi32, #tpu.memory_space<vmem>>
    %dma_wait3A_51 = arith.constant 0 : i32
    %dma_wait3A_52 = arith.constant 0 : i32
    %dma_wait3A_53 = tpu.memref_slice %arg10[%dma_wait3A_51, %dma_wait3A_52] : memref<10000x64xf32, #tpu.memory_space<vmem_shared>> -> memref<10000x64xf32, #tpu.memory_space<vmem_shared>>
    %dma_wait3A_54 = tpu.memref_slice %arg12[%dma_wait3A_43] : memref<5x!tpu.dma_semaphore, #tpu.memory_space<semaphore_mem>> -> memref<1x!tpu.dma_semaphore, #tpu.memory_space<semaphore_mem>>
    %dma_wait3A_55 = tpu.memref_squeeze %dma_wait3A_54 : memref<1x!tpu.dma_semaphore, #tpu.memory_space<semaphore_mem>> -> memref<!tpu.dma_semaphore, #tpu.memory_space<semaphore_mem>>
    tpu.wait_indirect_dma semaphore(%dma_wait3A_55 : memref<!tpu.dma_semaphore, #tpu.memory_space<semaphore_mem>>) src(%dma_wait3A_47 : memref<80x64xf32, #tpu.memory_space<vmem>>) dst(%dma_wait3A_53 : memref<10000x64xf32, #tpu.memory_space<vmem_shared>>)
    %dma_wait3A_56 = arith.constant 3 : i32
    %dma_wait3A_57 = arith.constant 248 : i32
    %dma_wait3A_58 = arith.constant 3 : i32
    %dma_wait3A_59 = arith.constant 0 : i32
    %dma_wait3A_60 = arith.constant 0 : i32
    %dma_wait3A_61 = tpu.memref_slice %arg9[%dma_wait3A_56, %dma_wait3A_59, %dma_wait3A_60] : memref<5x80x64xf32, #tpu.memory_space<vmem>> -> memref<1x80x64xf32, #tpu.memory_space<vmem>>
    %dma_wait3A_62 = tpu.memref_squeeze %dma_wait3A_61 : memref<1x80x64xf32, #tpu.memory_space<vmem>> -> memref<80x64xf32, #tpu.memory_space<vmem>>
    %dma_wait3A_63 = arith.constant 0 : i32
    %dma_wait3A_64 = tpu.memref_slice %arg8[%dma_wait3A_57, %dma_wait3A_63] : memref<250x80xi32, #tpu.memory_space<vmem>> -> memref<1x80xi32, #tpu.memory_space<vmem>>
    %dma_wait3A_65 = tpu.memref_squeeze %dma_wait3A_64 : memref<1x80xi32, #tpu.memory_space<vmem>> -> memref<80xi32, #tpu.memory_space<vmem>>
    %dma_wait3A_66 = arith.constant 0 : i32
    %dma_wait3A_67 = arith.constant 0 : i32
    %dma_wait3A_68 = tpu.memref_slice %arg10[%dma_wait3A_66, %dma_wait3A_67] : memref<10000x64xf32, #tpu.memory_space<vmem_shared>> -> memref<10000x64xf32, #tpu.memory_space<vmem_shared>>
    %dma_wait3A_69 = tpu.memref_slice %arg12[%dma_wait3A_58] : memref<5x!tpu.dma_semaphore, #tpu.memory_space<semaphore_mem>> -> memref<1x!tpu.dma_semaphore, #tpu.memory_space<semaphore_mem>>
    %dma_wait3A_70 = tpu.memref_squeeze %dma_wait3A_69 : memref<1x!tpu.dma_semaphore, #tpu.memory_space<semaphore_mem>> -> memref<!tpu.dma_semaphore, #tpu.memory_space<semaphore_mem>>
    tpu.wait_indirect_dma semaphore(%dma_wait3A_70 : memref<!tpu.dma_semaphore, #tpu.memory_space<semaphore_mem>>) src(%dma_wait3A_62 : memref<80x64xf32, #tpu.memory_space<vmem>>) dst(%dma_wait3A_68 : memref<10000x64xf32, #tpu.memory_space<vmem_shared>>)
    %dma_wait3A_71 = arith.constant 4 : i32
    %dma_wait3A_72 = arith.constant 249 : i32
    %dma_wait3A_73 = arith.constant 4 : i32
    %dma_wait3A_74 = arith.constant 0 : i32
    %dma_wait3A_75 = arith.constant 0 : i32
    %dma_wait3A_76 = tpu.memref_slice %arg9[%dma_wait3A_71, %dma_wait3A_74, %dma_wait3A_75] : memref<5x80x64xf32, #tpu.memory_space<vmem>> -> memref<1x80x64xf32, #tpu.memory_space<vmem>>
    %dma_wait3A_77 = tpu.memref_squeeze %dma_wait3A_76 : memref<1x80x64xf32, #tpu.memory_space<vmem>> -> memref<80x64xf32, #tpu.memory_space<vmem>>
    %dma_wait3A_78 = arith.constant 0 : i32
    %dma_wait3A_79 = tpu.memref_slice %arg8[%dma_wait3A_72, %dma_wait3A_78] : memref<250x80xi32, #tpu.memory_space<vmem>> -> memref<1x80xi32, #tpu.memory_space<vmem>>
    %dma_wait3A_80 = tpu.memref_squeeze %dma_wait3A_79 : memref<1x80xi32, #tpu.memory_space<vmem>> -> memref<80xi32, #tpu.memory_space<vmem>>
    %dma_wait3A_81 = arith.constant 0 : i32
    %dma_wait3A_82 = arith.constant 0 : i32
    %dma_wait3A_83 = tpu.memref_slice %arg10[%dma_wait3A_81, %dma_wait3A_82] : memref<10000x64xf32, #tpu.memory_space<vmem_shared>> -> memref<10000x64xf32, #tpu.memory_space<vmem_shared>>
    %dma_wait3A_84 = tpu.memref_slice %arg12[%dma_wait3A_73] : memref<5x!tpu.dma_semaphore, #tpu.memory_space<semaphore_mem>> -> memref<1x!tpu.dma_semaphore, #tpu.memory_space<semaphore_mem>>
    %dma_wait3A_85 = tpu.memref_squeeze %dma_wait3A_84 : memref<1x!tpu.dma_semaphore, #tpu.memory_space<semaphore_mem>> -> memref<!tpu.dma_semaphore, #tpu.memory_space<semaphore_mem>>
    tpu.wait_indirect_dma semaphore(%dma_wait3A_85 : memref<!tpu.dma_semaphore, #tpu.memory_space<semaphore_mem>>) src(%dma_wait3A_77 : memref<80x64xf32, #tpu.memory_space<vmem>>) dst(%dma_wait3A_83 : memref<10000x64xf32, #tpu.memory_space<vmem_shared>>)
    %barrier3A_86 = arith.constant 0 : index
    tpu.barrier barrier_id(%barrier3A_86)
    %lt3A_87 = arith.constant 15 : i32
    %lt3A_88 = arith.cmpi slt, %arg1, %lt3A_87 : i32
    %convert_element_type3A_89 = arith.extui %lt3A_88 : i1 to i32
    %cond3A_90 = arith.constant 0 : i32
    %cond3A_91 = arith.cmpi ne, %convert_element_type3A_89, %cond3A_90 : i32
    scf.if %cond3A_91 {
      "tpu.region"() ({
        %run_scoped3A = tpu.sem_alloc : memref<!tpu.dma_semaphore, #tpu.memory_space<semaphore_mem>>
        %dma_start3A = arith.constant 0 : i32
        %dma_start3A_97 = arith.constant 0 : i32
        %dma_start3A_98 = tpu.memref_slice %arg6[%arg0, %dma_start3A, %dma_start3A_97] : memref<2x10000x64xf32, #tpu.memory_space<hbm>> -> memref<1x10000x64xf32, #tpu.memory_space<hbm>>
        %dma_start3A_99 = tpu.memref_squeeze %dma_start3A_98 : memref<1x10000x64xf32, #tpu.memory_space<hbm>> -> memref<10000x64xf32, #tpu.memory_space<hbm>>
        %dma_start3A_100 = arith.constant 0 : i32
        %dma_start3A_101 = tpu.memref_slice %dma_start3A_99[%mul3A_0, %dma_start3A_100] : memref<10000x64xf32, #tpu.memory_space<hbm>> -> memref<632x64xf32, #tpu.memory_space<hbm>>
        %dma_start3A_102 = arith.constant 0 : i32
        %dma_start3A_103 = tpu.memref_slice %arg10[%mul3A_0, %dma_start3A_102] : memref<10000x64xf32, #tpu.memory_space<vmem_shared>> -> memref<632x64xf32, #tpu.memory_space<vmem_shared>>
        tpu.enqueue_dma source(%dma_start3A_103 : memref<632x64xf32, #tpu.memory_space<vmem_shared>>) target(%dma_start3A_101 : memref<632x64xf32, #tpu.memory_space<hbm>>) target_semaphore(%run_scoped3A : memref<!tpu.dma_semaphore, #tpu.memory_space<semaphore_mem>>)
        %dma_wait3A_104 = arith.constant 0 : i32
        %dma_wait3A_105 = arith.constant 0 : i32
        %dma_wait3A_106 = tpu.memref_slice %arg6[%arg0, %dma_wait3A_104, %dma_wait3A_105] : memref<2x10000x64xf32, #tpu.memory_space<hbm>> -> memref<1x10000x64xf32, #tpu.memory_space<hbm>>
        %dma_wait3A_107 = tpu.memref_squeeze %dma_wait3A_106 : memref<1x10000x64xf32, #tpu.memory_space<hbm>> -> memref<10000x64xf32, #tpu.memory_space<hbm>>
        %dma_wait3A_108 = arith.constant 0 : i32
        %dma_wait3A_109 = tpu.memref_slice %dma_wait3A_107[%mul3A_0, %dma_wait3A_108] : memref<10000x64xf32, #tpu.memory_space<hbm>> -> memref<632x64xf32, #tpu.memory_space<hbm>>
        %dma_wait3A_110 = arith.constant 0 : i32
        %dma_wait3A_111 = tpu.memref_slice %arg10[%mul3A_0, %dma_wait3A_110] : memref<10000x64xf32, #tpu.memory_space<vmem_shared>> -> memref<632x64xf32, #tpu.memory_space<vmem_shared>>
        tpu.wait_dma2 semaphore(%run_scoped3A : memref<!tpu.dma_semaphore, #tpu.memory_space<semaphore_mem>>) src(%dma_wait3A_111 : memref<632x64xf32, #tpu.memory_space<vmem_shared>>) dst(%dma_wait3A_109 : memref<632x64xf32, #tpu.memory_space<hbm>>)
        tpu.yield
      }) : () -> ()
    } else {
    }
    %eq3A_92 = arith.constant 15 : i32
    %eq3A_93 = arith.cmpi eq, %arg1, %eq3A_92 : i32
    %convert_element_type3A_94 = arith.extui %eq3A_93 : i1 to i32
    %cond3A_95 = arith.constant 0 : i32
    %cond3A_96 = arith.cmpi ne, %convert_element_type3A_94, %cond3A_95 : i32
    scf.if %cond3A_96 {
      "tpu.region"() ({
        %run_scoped3A = tpu.sem_alloc : memref<!tpu.dma_semaphore, #tpu.memory_space<semaphore_mem>>
        %dma_start3A = arith.constant 0 : i32
        %dma_start3A_97 = arith.constant 0 : i32
        %dma_start3A_98 = tpu.memref_slice %arg6[%arg0, %dma_start3A, %dma_start3A_97] : memref<2x10000x64xf32, #tpu.memory_space<hbm>> -> memref<1x10000x64xf32, #tpu.memory_space<hbm>>
        %dma_start3A_99 = tpu.memref_squeeze %dma_start3A_98 : memref<1x10000x64xf32, #tpu.memory_space<hbm>> -> memref<10000x64xf32, #tpu.memory_space<hbm>>
        %dma_start3A_100 = arith.constant 9480 : i32
        %dma_start3A_101 = arith.constant 0 : i32
        %dma_start3A_102 = tpu.memref_slice %dma_start3A_99[%dma_start3A_100, %dma_start3A_101] : memref<10000x64xf32, #tpu.memory_space<hbm>> -> memref<520x64xf32, #tpu.memory_space<hbm>>
        %dma_start3A_103 = arith.constant 9480 : i32
        %dma_start3A_104 = arith.constant 0 : i32
        %dma_start3A_105 = tpu.memref_slice %arg10[%dma_start3A_103, %dma_start3A_104] : memref<10000x64xf32, #tpu.memory_space<vmem_shared>> -> memref<520x64xf32, #tpu.memory_space<vmem_shared>>
        tpu.enqueue_dma source(%dma_start3A_105 : memref<520x64xf32, #tpu.memory_space<vmem_shared>>) target(%dma_start3A_102 : memref<520x64xf32, #tpu.memory_space<hbm>>) target_semaphore(%run_scoped3A : memref<!tpu.dma_semaphore, #tpu.memory_space<semaphore_mem>>)
        %dma_wait3A_106 = arith.constant 0 : i32
        %dma_wait3A_107 = arith.constant 0 : i32
        %dma_wait3A_108 = tpu.memref_slice %arg6[%arg0, %dma_wait3A_106, %dma_wait3A_107] : memref<2x10000x64xf32, #tpu.memory_space<hbm>> -> memref<1x10000x64xf32, #tpu.memory_space<hbm>>
        %dma_wait3A_109 = tpu.memref_squeeze %dma_wait3A_108 : memref<1x10000x64xf32, #tpu.memory_space<hbm>> -> memref<10000x64xf32, #tpu.memory_space<hbm>>
        %dma_wait3A_110 = arith.constant 9480 : i32
        %dma_wait3A_111 = arith.constant 0 : i32
        %dma_wait3A_112 = tpu.memref_slice %dma_wait3A_109[%dma_wait3A_110, %dma_wait3A_111] : memref<10000x64xf32, #tpu.memory_space<hbm>> -> memref<520x64xf32, #tpu.memory_space<hbm>>
        %dma_wait3A_113 = arith.constant 9480 : i32
        %dma_wait3A_114 = arith.constant 0 : i32
        %dma_wait3A_115 = tpu.memref_slice %arg10[%dma_wait3A_113, %dma_wait3A_114] : memref<10000x64xf32, #tpu.memory_space<vmem_shared>> -> memref<520x64xf32, #tpu.memory_space<vmem_shared>>
        tpu.wait_dma2 semaphore(%run_scoped3A : memref<!tpu.dma_semaphore, #tpu.memory_space<semaphore_mem>>) src(%dma_wait3A_115 : memref<520x64xf32, #tpu.memory_space<vmem_shared>>) dst(%dma_wait3A_112 : memref<520x64xf32, #tpu.memory_space<hbm>>)
        tpu.yield
      }) : () -> ()
    } else {
    }
    return
  }
}

#map = affine_map<(d0, d1) -> (0, 0)>
#map1 = affine_map<(d0, d1) -> (0, 0, 0, 0)>
#map2 = affine_map<(d0, d1) -> (0, 0, 0)>
module attributes {stable_mosaic.version = 14 : i64} {
  func.func @_agg_body(%arg0: i32, %arg1: i32, %arg2: memref<10000x64xf32, #tpu.memory_space<hbm>>, %arg3: memref<2x16x125x80xi32, #tpu.memory_space<hbm>>, %arg4: memref<2x16x125x80xi32, #tpu.memory_space<hbm>>, %arg5: memref<632x64xf32, #tpu.memory_space<hbm>>, %arg6: memref<2x10000x64xf32, #tpu.memory_space<hbm>>, %arg7: memref<125x80xi32, #tpu.memory_space<vmem>>, %arg8: memref<125x80xi32, #tpu.memory_space<vmem>>, %arg9: memref<5x80x64xf32, #tpu.memory_space<vmem>>, %arg10: memref<10000x64xf32, #tpu.memory_space<vmem_shared>>, %arg11: memref<5x!tpu.dma_semaphore, #tpu.memory_space<semaphore_mem>>, %arg12: memref<5x!tpu.dma_semaphore, #tpu.memory_space<semaphore_mem>>) attributes {dimension_semantics = [#tpu.dimension_semantics<core_parallel>, #tpu.dimension_semantics<subcore_parallel>], iteration_bounds = array<i64: 2, 16>, scalar_prefetch = 0 : i64, scratch_operands = 6 : i64, tpu.core_type = #tpu.core_type<sc_vector_subcore>, window_params = [{transform_indices = #map}, {transform_indices = #map1}, {transform_indices = #map1}, {transform_indices = #map}, {transform_indices = #map2}]} {
    %mul3A = arith.constant 632 : i32
    %mul3A_0 = arith.muli %arg1, %mul3A : i32
    "tpu.region"() ({
      %run_scoped3A = tpu.sem_alloc : memref<!tpu.dma_semaphore, #tpu.memory_space<semaphore_mem>>
      %dma_start3A = arith.constant 0 : i32
      %dma_start3A_97 = arith.constant 0 : i32
      %dma_start3A_98 = arith.constant 0 : i32
      %dma_start3A_99 = tpu.memref_slice %arg3[%arg0, %dma_start3A, %dma_start3A_97, %dma_start3A_98] : memref<2x16x125x80xi32, #tpu.memory_space<hbm>> -> memref<1x16x125x80xi32, #tpu.memory_space<hbm>>
      %dma_start3A_100 = tpu.memref_squeeze %dma_start3A_99 : memref<1x16x125x80xi32, #tpu.memory_space<hbm>> -> memref<16x125x80xi32, #tpu.memory_space<hbm>>
      %dma_start3A_101 = arith.constant 0 : i32
      %dma_start3A_102 = arith.constant 0 : i32
      %dma_start3A_103 = tpu.memref_slice %dma_start3A_100[%arg1, %dma_start3A_101, %dma_start3A_102] : memref<16x125x80xi32, #tpu.memory_space<hbm>> -> memref<1x125x80xi32, #tpu.memory_space<hbm>>
      %dma_start3A_104 = tpu.memref_squeeze %dma_start3A_103 : memref<1x125x80xi32, #tpu.memory_space<hbm>> -> memref<125x80xi32, #tpu.memory_space<hbm>>
      %dma_start3A_105 = arith.constant 0 : i32
      %dma_start3A_106 = arith.constant 0 : i32
      %dma_start3A_107 = arith.constant 0 : i32
      %dma_start3A_108 = tpu.memref_slice %arg3[%arg0, %dma_start3A_105, %dma_start3A_106, %dma_start3A_107] : memref<2x16x125x80xi32, #tpu.memory_space<hbm>> -> memref<1x16x125x80xi32, #tpu.memory_space<hbm>>
      %dma_start3A_109 = tpu.memref_squeeze %dma_start3A_108 : memref<1x16x125x80xi32, #tpu.memory_space<hbm>> -> memref<16x125x80xi32, #tpu.memory_space<hbm>>
      %dma_start3A_110 = arith.constant 0 : i32
      %dma_start3A_111 = arith.constant 0 : i32
      %dma_start3A_112 = tpu.memref_slice %dma_start3A_109[%arg1, %dma_start3A_110, %dma_start3A_111] : memref<16x125x80xi32, #tpu.memory_space<hbm>> -> memref<1x125x80xi32, #tpu.memory_space<hbm>>
      %dma_start3A_113 = tpu.memref_squeeze %dma_start3A_112 : memref<1x125x80xi32, #tpu.memory_space<hbm>> -> memref<125x80xi32, #tpu.memory_space<hbm>>
      tpu.enqueue_dma source(%dma_start3A_113 : memref<125x80xi32, #tpu.memory_space<hbm>>) target(%arg7 : memref<125x80xi32, #tpu.memory_space<vmem>>) target_semaphore(%run_scoped3A : memref<!tpu.dma_semaphore, #tpu.memory_space<semaphore_mem>>)
      %dma_wait3A_114 = arith.constant 0 : i32
      %dma_wait3A_115 = arith.constant 0 : i32
      %dma_wait3A_116 = arith.constant 0 : i32
      %dma_wait3A_117 = tpu.memref_slice %arg3[%arg0, %dma_wait3A_114, %dma_wait3A_115, %dma_wait3A_116] : memref<2x16x125x80xi32, #tpu.memory_space<hbm>> -> memref<1x16x125x80xi32, #tpu.memory_space<hbm>>
      %dma_wait3A_118 = tpu.memref_squeeze %dma_wait3A_117 : memref<1x16x125x80xi32, #tpu.memory_space<hbm>> -> memref<16x125x80xi32, #tpu.memory_space<hbm>>
      %dma_wait3A_119 = arith.constant 0 : i32
      %dma_wait3A_120 = arith.constant 0 : i32
      %dma_wait3A_121 = tpu.memref_slice %dma_wait3A_118[%arg1, %dma_wait3A_119, %dma_wait3A_120] : memref<16x125x80xi32, #tpu.memory_space<hbm>> -> memref<1x125x80xi32, #tpu.memory_space<hbm>>
      %dma_wait3A_122 = tpu.memref_squeeze %dma_wait3A_121 : memref<1x125x80xi32, #tpu.memory_space<hbm>> -> memref<125x80xi32, #tpu.memory_space<hbm>>
      %dma_wait3A_123 = arith.constant 0 : i32
      %dma_wait3A_124 = arith.constant 0 : i32
      %dma_wait3A_125 = arith.constant 0 : i32
      %dma_wait3A_126 = tpu.memref_slice %arg3[%arg0, %dma_wait3A_123, %dma_wait3A_124, %dma_wait3A_125] : memref<2x16x125x80xi32, #tpu.memory_space<hbm>> -> memref<1x16x125x80xi32, #tpu.memory_space<hbm>>
      %dma_wait3A_127 = tpu.memref_squeeze %dma_wait3A_126 : memref<1x16x125x80xi32, #tpu.memory_space<hbm>> -> memref<16x125x80xi32, #tpu.memory_space<hbm>>
      %dma_wait3A_128 = arith.constant 0 : i32
      %dma_wait3A_129 = arith.constant 0 : i32
      %dma_wait3A_130 = tpu.memref_slice %dma_wait3A_127[%arg1, %dma_wait3A_128, %dma_wait3A_129] : memref<16x125x80xi32, #tpu.memory_space<hbm>> -> memref<1x125x80xi32, #tpu.memory_space<hbm>>
      %dma_wait3A_131 = tpu.memref_squeeze %dma_wait3A_130 : memref<1x125x80xi32, #tpu.memory_space<hbm>> -> memref<125x80xi32, #tpu.memory_space<hbm>>
      tpu.wait_dma2 semaphore(%run_scoped3A : memref<!tpu.dma_semaphore, #tpu.memory_space<semaphore_mem>>) src(%dma_wait3A_131 : memref<125x80xi32, #tpu.memory_space<hbm>>) dst(%arg7 : memref<125x80xi32, #tpu.memory_space<vmem>>)
      tpu.yield
    }) : () -> ()
    "tpu.region"() ({
      %run_scoped3A = tpu.sem_alloc : memref<!tpu.dma_semaphore, #tpu.memory_space<semaphore_mem>>
      %dma_start3A = arith.constant 0 : i32
      %dma_start3A_97 = arith.constant 0 : i32
      %dma_start3A_98 = arith.constant 0 : i32
      %dma_start3A_99 = tpu.memref_slice %arg4[%arg0, %dma_start3A, %dma_start3A_97, %dma_start3A_98] : memref<2x16x125x80xi32, #tpu.memory_space<hbm>> -> memref<1x16x125x80xi32, #tpu.memory_space<hbm>>
      %dma_start3A_100 = tpu.memref_squeeze %dma_start3A_99 : memref<1x16x125x80xi32, #tpu.memory_space<hbm>> -> memref<16x125x80xi32, #tpu.memory_space<hbm>>
      %dma_start3A_101 = arith.constant 0 : i32
      %dma_start3A_102 = arith.constant 0 : i32
      %dma_start3A_103 = tpu.memref_slice %dma_start3A_100[%arg1, %dma_start3A_101, %dma_start3A_102] : memref<16x125x80xi32, #tpu.memory_space<hbm>> -> memref<1x125x80xi32, #tpu.memory_space<hbm>>
      %dma_start3A_104 = tpu.memref_squeeze %dma_start3A_103 : memref<1x125x80xi32, #tpu.memory_space<hbm>> -> memref<125x80xi32, #tpu.memory_space<hbm>>
      %dma_start3A_105 = arith.constant 0 : i32
      %dma_start3A_106 = arith.constant 0 : i32
      %dma_start3A_107 = arith.constant 0 : i32
      %dma_start3A_108 = tpu.memref_slice %arg4[%arg0, %dma_start3A_105, %dma_start3A_106, %dma_start3A_107] : memref<2x16x125x80xi32, #tpu.memory_space<hbm>> -> memref<1x16x125x80xi32, #tpu.memory_space<hbm>>
      %dma_start3A_109 = tpu.memref_squeeze %dma_start3A_108 : memref<1x16x125x80xi32, #tpu.memory_space<hbm>> -> memref<16x125x80xi32, #tpu.memory_space<hbm>>
      %dma_start3A_110 = arith.constant 0 : i32
      %dma_start3A_111 = arith.constant 0 : i32
      %dma_start3A_112 = tpu.memref_slice %dma_start3A_109[%arg1, %dma_start3A_110, %dma_start3A_111] : memref<16x125x80xi32, #tpu.memory_space<hbm>> -> memref<1x125x80xi32, #tpu.memory_space<hbm>>
      %dma_start3A_113 = tpu.memref_squeeze %dma_start3A_112 : memref<1x125x80xi32, #tpu.memory_space<hbm>> -> memref<125x80xi32, #tpu.memory_space<hbm>>
      tpu.enqueue_dma source(%dma_start3A_113 : memref<125x80xi32, #tpu.memory_space<hbm>>) target(%arg8 : memref<125x80xi32, #tpu.memory_space<vmem>>) target_semaphore(%run_scoped3A : memref<!tpu.dma_semaphore, #tpu.memory_space<semaphore_mem>>)
      %dma_wait3A_114 = arith.constant 0 : i32
      %dma_wait3A_115 = arith.constant 0 : i32
      %dma_wait3A_116 = arith.constant 0 : i32
      %dma_wait3A_117 = tpu.memref_slice %arg4[%arg0, %dma_wait3A_114, %dma_wait3A_115, %dma_wait3A_116] : memref<2x16x125x80xi32, #tpu.memory_space<hbm>> -> memref<1x16x125x80xi32, #tpu.memory_space<hbm>>
      %dma_wait3A_118 = tpu.memref_squeeze %dma_wait3A_117 : memref<1x16x125x80xi32, #tpu.memory_space<hbm>> -> memref<16x125x80xi32, #tpu.memory_space<hbm>>
      %dma_wait3A_119 = arith.constant 0 : i32
      %dma_wait3A_120 = arith.constant 0 : i32
      %dma_wait3A_121 = tpu.memref_slice %dma_wait3A_118[%arg1, %dma_wait3A_119, %dma_wait3A_120] : memref<16x125x80xi32, #tpu.memory_space<hbm>> -> memref<1x125x80xi32, #tpu.memory_space<hbm>>
      %dma_wait3A_122 = tpu.memref_squeeze %dma_wait3A_121 : memref<1x125x80xi32, #tpu.memory_space<hbm>> -> memref<125x80xi32, #tpu.memory_space<hbm>>
      %dma_wait3A_123 = arith.constant 0 : i32
      %dma_wait3A_124 = arith.constant 0 : i32
      %dma_wait3A_125 = arith.constant 0 : i32
      %dma_wait3A_126 = tpu.memref_slice %arg4[%arg0, %dma_wait3A_123, %dma_wait3A_124, %dma_wait3A_125] : memref<2x16x125x80xi32, #tpu.memory_space<hbm>> -> memref<1x16x125x80xi32, #tpu.memory_space<hbm>>
      %dma_wait3A_127 = tpu.memref_squeeze %dma_wait3A_126 : memref<1x16x125x80xi32, #tpu.memory_space<hbm>> -> memref<16x125x80xi32, #tpu.memory_space<hbm>>
      %dma_wait3A_128 = arith.constant 0 : i32
      %dma_wait3A_129 = arith.constant 0 : i32
      %dma_wait3A_130 = tpu.memref_slice %dma_wait3A_127[%arg1, %dma_wait3A_128, %dma_wait3A_129] : memref<16x125x80xi32, #tpu.memory_space<hbm>> -> memref<1x125x80xi32, #tpu.memory_space<hbm>>
      %dma_wait3A_131 = tpu.memref_squeeze %dma_wait3A_130 : memref<1x125x80xi32, #tpu.memory_space<hbm>> -> memref<125x80xi32, #tpu.memory_space<hbm>>
      tpu.wait_dma2 semaphore(%run_scoped3A : memref<!tpu.dma_semaphore, #tpu.memory_space<semaphore_mem>>) src(%dma_wait3A_131 : memref<125x80xi32, #tpu.memory_space<hbm>>) dst(%arg8 : memref<125x80xi32, #tpu.memory_space<vmem>>)
      tpu.yield
    }) : () -> ()
    %lt3A = arith.constant 15 : i32
    %lt3A_1 = arith.cmpi slt, %arg1, %lt3A : i32
    %convert_element_type3A = arith.extui %lt3A_1 : i1 to i32
    %cond3A = arith.constant 0 : i32
    %cond3A_2 = arith.cmpi ne, %convert_element_type3A, %cond3A : i32
    scf.if %cond3A_2 {
      "tpu.region"() ({
        %run_scoped3A = tpu.sem_alloc : memref<!tpu.dma_semaphore, #tpu.memory_space<semaphore_mem>>
        %dma_start3A = arith.constant 0 : i32
        %dma_start3A_97 = tpu.memref_slice %arg10[%mul3A_0, %dma_start3A] : memref<10000x64xf32, #tpu.memory_space<vmem_shared>> -> memref<632x64xf32, #tpu.memory_space<vmem_shared>>
        tpu.enqueue_dma source(%arg5 : memref<632x64xf32, #tpu.memory_space<hbm>>) target(%dma_start3A_97 : memref<632x64xf32, #tpu.memory_space<vmem_shared>>) target_semaphore(%run_scoped3A : memref<!tpu.dma_semaphore, #tpu.memory_space<semaphore_mem>>)
        %dma_wait3A_98 = arith.constant 0 : i32
        %dma_wait3A_99 = tpu.memref_slice %arg10[%mul3A_0, %dma_wait3A_98] : memref<10000x64xf32, #tpu.memory_space<vmem_shared>> -> memref<632x64xf32, #tpu.memory_space<vmem_shared>>
        tpu.wait_dma2 semaphore(%run_scoped3A : memref<!tpu.dma_semaphore, #tpu.memory_space<semaphore_mem>>) src(%arg5 : memref<632x64xf32, #tpu.memory_space<hbm>>) dst(%dma_wait3A_99 : memref<632x64xf32, #tpu.memory_space<vmem_shared>>)
        tpu.yield
      }) : () -> ()
    } else {
    }
    %eq3A = arith.constant 15 : i32
    %eq3A_3 = arith.cmpi eq, %arg1, %eq3A : i32
    %convert_element_type3A_4 = arith.extui %eq3A_3 : i1 to i32
    %cond3A_5 = arith.constant 0 : i32
    %cond3A_6 = arith.cmpi ne, %convert_element_type3A_4, %cond3A_5 : i32
    scf.if %cond3A_6 {
      "tpu.region"() ({
        %run_scoped3A = tpu.sem_alloc : memref<!tpu.dma_semaphore, #tpu.memory_space<semaphore_mem>>
        %dma_start3A = arith.constant 9480 : i32
        %dma_start3A_97 = arith.constant 0 : i32
        %dma_start3A_98 = tpu.memref_slice %arg10[%dma_start3A, %dma_start3A_97] : memref<10000x64xf32, #tpu.memory_space<vmem_shared>> -> memref<520x64xf32, #tpu.memory_space<vmem_shared>>
        %dma_start3A_99 = arith.constant 0 : i32
        %dma_start3A_100 = arith.constant 0 : i32
        %dma_start3A_101 = tpu.memref_slice %arg5[%dma_start3A_99, %dma_start3A_100] : memref<632x64xf32, #tpu.memory_space<hbm>> -> memref<520x64xf32, #tpu.memory_space<hbm>>
        tpu.enqueue_dma source(%dma_start3A_101 : memref<520x64xf32, #tpu.memory_space<hbm>>) target(%dma_start3A_98 : memref<520x64xf32, #tpu.memory_space<vmem_shared>>) target_semaphore(%run_scoped3A : memref<!tpu.dma_semaphore, #tpu.memory_space<semaphore_mem>>)
        %dma_wait3A_102 = arith.constant 9480 : i32
        %dma_wait3A_103 = arith.constant 0 : i32
        %dma_wait3A_104 = tpu.memref_slice %arg10[%dma_wait3A_102, %dma_wait3A_103] : memref<10000x64xf32, #tpu.memory_space<vmem_shared>> -> memref<520x64xf32, #tpu.memory_space<vmem_shared>>
        %dma_wait3A_105 = arith.constant 0 : i32
        %dma_wait3A_106 = arith.constant 0 : i32
        %dma_wait3A_107 = tpu.memref_slice %arg5[%dma_wait3A_105, %dma_wait3A_106] : memref<632x64xf32, #tpu.memory_space<hbm>> -> memref<520x64xf32, #tpu.memory_space<hbm>>
        tpu.wait_dma2 semaphore(%run_scoped3A : memref<!tpu.dma_semaphore, #tpu.memory_space<semaphore_mem>>) src(%dma_wait3A_107 : memref<520x64xf32, #tpu.memory_space<hbm>>) dst(%dma_wait3A_104 : memref<520x64xf32, #tpu.memory_space<vmem_shared>>)
        tpu.yield
      }) : () -> ()
    } else {
    }
    %barrier3A = arith.constant 0 : index
    tpu.barrier barrier_id(%barrier3A)
    %scan3A = arith.constant 0 : i32
    %scan3A_7 = arith.constant 0 : i32
    %scan3A_8 = arith.constant 25 : i32
    %scan3A_9 = arith.addi %scan3A_7, %scan3A_8 : i32
    %scan3A_10 = arith.constant 1 : i32
    scf.for %scan3A_97 = %scan3A_7 to %scan3A_9 step %scan3A_10  : i32 {
      %mul3A_98 = arith.constant 5 : i32
      %mul3A_99 = arith.muli %scan3A_97, %mul3A_98 : i32
      %add3A = arith.constant 0 : i32
      %add3A_100 = arith.addi %mul3A_99, %add3A : i32
      %gt3A = arith.constant 0 : i32
      %gt3A_101 = arith.cmpi sgt, %scan3A_97, %gt3A : i32
      %convert_element_type3A_102 = arith.extui %gt3A_101 : i1 to i32
      %cond3A_103 = arith.constant 0 : i32
      %cond3A_104 = arith.cmpi ne, %convert_element_type3A_102, %cond3A_103 : i32
      scf.if %cond3A_104 {
        %sub3A = arith.constant 5 : i32
        %sub3A_370 = arith.subi %add3A_100, %sub3A : i32
        %dma_wait3A_371 = arith.constant 0 : i32
        %dma_wait3A_372 = arith.constant 0 : i32
        %dma_wait3A_373 = arith.constant 0 : i32
        %dma_wait3A_374 = arith.constant 0 : i32
        %dma_wait3A_375 = tpu.memref_slice %arg9[%dma_wait3A_371, %dma_wait3A_373, %dma_wait3A_374] : memref<5x80x64xf32, #tpu.memory_space<vmem>> -> memref<1x80x64xf32, #tpu.memory_space<vmem>>
        %dma_wait3A_376 = tpu.memref_squeeze %dma_wait3A_375 : memref<1x80x64xf32, #tpu.memory_space<vmem>> -> memref<80x64xf32, #tpu.memory_space<vmem>>
        %dma_wait3A_377 = arith.constant 0 : i32
        %dma_wait3A_378 = tpu.memref_slice %arg8[%sub3A_370, %dma_wait3A_377] : memref<125x80xi32, #tpu.memory_space<vmem>> -> memref<1x80xi32, #tpu.memory_space<vmem>>
        %dma_wait3A_379 = tpu.memref_squeeze %dma_wait3A_378 : memref<1x80xi32, #tpu.memory_space<vmem>> -> memref<80xi32, #tpu.memory_space<vmem>>
        %dma_wait3A_380 = arith.constant 0 : i32
        %dma_wait3A_381 = arith.constant 0 : i32
        %dma_wait3A_382 = tpu.memref_slice %arg10[%dma_wait3A_380, %dma_wait3A_381] : memref<10000x64xf32, #tpu.memory_space<vmem_shared>> -> memref<10000x64xf32, #tpu.memory_space<vmem_shared>>
        %dma_wait3A_383 = tpu.memref_slice %arg12[%dma_wait3A_372] : memref<5x!tpu.dma_semaphore, #tpu.memory_space<semaphore_mem>> -> memref<1x!tpu.dma_semaphore, #tpu.memory_space<semaphore_mem>>
        %dma_wait3A_384 = tpu.memref_squeeze %dma_wait3A_383 : memref<1x!tpu.dma_semaphore, #tpu.memory_space<semaphore_mem>> -> memref<!tpu.dma_semaphore, #tpu.memory_space<semaphore_mem>>
        tpu.wait_indirect_dma semaphore(%dma_wait3A_384 : memref<!tpu.dma_semaphore, #tpu.memory_space<semaphore_mem>>) src(%dma_wait3A_376 : memref<80x64xf32, #tpu.memory_space<vmem>>) dst(%dma_wait3A_382 : memref<10000x64xf32, #tpu.memory_space<vmem_shared>>)
      } else {
      }
      %dma_start3A = arith.constant 0 : i32
      %dma_start3A_105 = arith.constant 0 : i32
      %dma_start3A_106 = arith.constant 0 : i32
      %dma_start3A_107 = arith.constant 0 : i32
      %dma_start3A_108 = tpu.memref_slice %arg9[%dma_start3A, %dma_start3A_106, %dma_start3A_107] : memref<5x80x64xf32, #tpu.memory_space<vmem>> -> memref<1x80x64xf32, #tpu.memory_space<vmem>>
      %dma_start3A_109 = tpu.memref_squeeze %dma_start3A_108 : memref<1x80x64xf32, #tpu.memory_space<vmem>> -> memref<80x64xf32, #tpu.memory_space<vmem>>
      %dma_start3A_110 = arith.constant 0 : i32
      %dma_start3A_111 = tpu.memref_slice %arg7[%add3A_100, %dma_start3A_110] : memref<125x80xi32, #tpu.memory_space<vmem>> -> memref<1x80xi32, #tpu.memory_space<vmem>>
      %dma_start3A_112 = tpu.memref_squeeze %dma_start3A_111 : memref<1x80xi32, #tpu.memory_space<vmem>> -> memref<80xi32, #tpu.memory_space<vmem>>
      %dma_start3A_113 = arith.constant 0 : i32
      %dma_start3A_114 = arith.constant 0 : i32
      %dma_start3A_115 = tpu.memref_slice %arg2[%dma_start3A_113, %dma_start3A_114] : memref<10000x64xf32, #tpu.memory_space<hbm>> -> memref<10000x64xf32, #tpu.memory_space<hbm>>
      %dma_start3A_116 = tpu.memref_slice %arg11[%dma_start3A_105] : memref<5x!tpu.dma_semaphore, #tpu.memory_space<semaphore_mem>> -> memref<1x!tpu.dma_semaphore, #tpu.memory_space<semaphore_mem>>
      %dma_start3A_117 = tpu.memref_squeeze %dma_start3A_116 : memref<1x!tpu.dma_semaphore, #tpu.memory_space<semaphore_mem>> -> memref<!tpu.dma_semaphore, #tpu.memory_space<semaphore_mem>>
      tpu.enqueue_indirect_dma source(%dma_start3A_115 : memref<10000x64xf32, #tpu.memory_space<hbm>>) target(%dma_start3A_109 : memref<80x64xf32, #tpu.memory_space<vmem>>) offsets(%dma_start3A_112 : memref<80xi32, #tpu.memory_space<vmem>>) semaphore(%dma_start3A_117 : memref<!tpu.dma_semaphore, #tpu.memory_space<semaphore_mem>>)
      %mul3A_118 = arith.constant 5 : i32
      %mul3A_119 = arith.muli %scan3A_97, %mul3A_118 : i32
      %add3A_120 = arith.constant 1 : i32
      %add3A_121 = arith.addi %mul3A_119, %add3A_120 : i32
      %gt3A_122 = arith.constant 0 : i32
      %gt3A_123 = arith.cmpi sgt, %scan3A_97, %gt3A_122 : i32
      %convert_element_type3A_124 = arith.extui %gt3A_123 : i1 to i32
      %cond3A_125 = arith.constant 0 : i32
      %cond3A_126 = arith.cmpi ne, %convert_element_type3A_124, %cond3A_125 : i32
      scf.if %cond3A_126 {
        %sub3A = arith.constant 5 : i32
        %sub3A_370 = arith.subi %add3A_121, %sub3A : i32
        %dma_wait3A_371 = arith.constant 1 : i32
        %dma_wait3A_372 = arith.constant 1 : i32
        %dma_wait3A_373 = arith.constant 0 : i32
        %dma_wait3A_374 = arith.constant 0 : i32
        %dma_wait3A_375 = tpu.memref_slice %arg9[%dma_wait3A_371, %dma_wait3A_373, %dma_wait3A_374] : memref<5x80x64xf32, #tpu.memory_space<vmem>> -> memref<1x80x64xf32, #tpu.memory_space<vmem>>
        %dma_wait3A_376 = tpu.memref_squeeze %dma_wait3A_375 : memref<1x80x64xf32, #tpu.memory_space<vmem>> -> memref<80x64xf32, #tpu.memory_space<vmem>>
        %dma_wait3A_377 = arith.constant 0 : i32
        %dma_wait3A_378 = tpu.memref_slice %arg8[%sub3A_370, %dma_wait3A_377] : memref<125x80xi32, #tpu.memory_space<vmem>> -> memref<1x80xi32, #tpu.memory_space<vmem>>
        %dma_wait3A_379 = tpu.memref_squeeze %dma_wait3A_378 : memref<1x80xi32, #tpu.memory_space<vmem>> -> memref<80xi32, #tpu.memory_space<vmem>>
        %dma_wait3A_380 = arith.constant 0 : i32
        %dma_wait3A_381 = arith.constant 0 : i32
        %dma_wait3A_382 = tpu.memref_slice %arg10[%dma_wait3A_380, %dma_wait3A_381] : memref<10000x64xf32, #tpu.memory_space<vmem_shared>> -> memref<10000x64xf32, #tpu.memory_space<vmem_shared>>
        %dma_wait3A_383 = tpu.memref_slice %arg12[%dma_wait3A_372] : memref<5x!tpu.dma_semaphore, #tpu.memory_space<semaphore_mem>> -> memref<1x!tpu.dma_semaphore, #tpu.memory_space<semaphore_mem>>
        %dma_wait3A_384 = tpu.memref_squeeze %dma_wait3A_383 : memref<1x!tpu.dma_semaphore, #tpu.memory_space<semaphore_mem>> -> memref<!tpu.dma_semaphore, #tpu.memory_space<semaphore_mem>>
        tpu.wait_indirect_dma semaphore(%dma_wait3A_384 : memref<!tpu.dma_semaphore, #tpu.memory_space<semaphore_mem>>) src(%dma_wait3A_376 : memref<80x64xf32, #tpu.memory_space<vmem>>) dst(%dma_wait3A_382 : memref<10000x64xf32, #tpu.memory_space<vmem_shared>>)
      } else {
      }
      %dma_start3A_127 = arith.constant 1 : i32
      %dma_start3A_128 = arith.constant 1 : i32
      %dma_start3A_129 = arith.constant 0 : i32
      %dma_start3A_130 = arith.constant 0 : i32
      %dma_start3A_131 = tpu.memref_slice %arg9[%dma_start3A_127, %dma_start3A_129, %dma_start3A_130] : memref<5x80x64xf32, #tpu.memory_space<vmem>> -> memref<1x80x64xf32, #tpu.memory_space<vmem>>
      %dma_start3A_132 = tpu.memref_squeeze %dma_start3A_131 : memref<1x80x64xf32, #tpu.memory_space<vmem>> -> memref<80x64xf32, #tpu.memory_space<vmem>>
      %dma_start3A_133 = arith.constant 0 : i32
      %dma_start3A_134 = tpu.memref_slice %arg7[%add3A_121, %dma_start3A_133] : memref<125x80xi32, #tpu.memory_space<vmem>> -> memref<1x80xi32, #tpu.memory_space<vmem>>
      %dma_start3A_135 = tpu.memref_squeeze %dma_start3A_134 : memref<1x80xi32, #tpu.memory_space<vmem>> -> memref<80xi32, #tpu.memory_space<vmem>>
      %dma_start3A_136 = arith.constant 0 : i32
      %dma_start3A_137 = arith.constant 0 : i32
      %dma_start3A_138 = tpu.memref_slice %arg2[%dma_start3A_136, %dma_start3A_137] : memref<10000x64xf32, #tpu.memory_space<hbm>> -> memref<10000x64xf32, #tpu.memory_space<hbm>>
      %dma_start3A_139 = tpu.memref_slice %arg11[%dma_start3A_128] : memref<5x!tpu.dma_semaphore, #tpu.memory_space<semaphore_mem>> -> memref<1x!tpu.dma_semaphore, #tpu.memory_space<semaphore_mem>>
      %dma_start3A_140 = tpu.memref_squeeze %dma_start3A_139 : memref<1x!tpu.dma_semaphore, #tpu.memory_space<semaphore_mem>> -> memref<!tpu.dma_semaphore, #tpu.memory_space<semaphore_mem>>
      tpu.enqueue_indirect_dma source(%dma_start3A_138 : memref<10000x64xf32, #tpu.memory_space<hbm>>) target(%dma_start3A_132 : memref<80x64xf32, #tpu.memory_space<vmem>>) offsets(%dma_start3A_135 : memref<80xi32, #tpu.memory_space<vmem>>) semaphore(%dma_start3A_140 : memref<!tpu.dma_semaphore, #tpu.memory_space<semaphore_mem>>)
      %mul3A_141 = arith.constant 5 : i32
      %mul3A_142 = arith.muli %scan3A_97, %mul3A_141 : i32
      %add3A_143 = arith.constant 2 : i32
      %add3A_144 = arith.addi %mul3A_142, %add3A_143 : i32
      %gt3A_145 = arith.constant 0 : i32
      %gt3A_146 = arith.cmpi sgt, %scan3A_97, %gt3A_145 : i32
      %convert_element_type3A_147 = arith.extui %gt3A_146 : i1 to i32
      %cond3A_148 = arith.constant 0 : i32
      %cond3A_149 = arith.cmpi ne, %convert_element_type3A_147, %cond3A_148 : i32
      scf.if %cond3A_149 {
        %sub3A = arith.constant 5 : i32
        %sub3A_370 = arith.subi %add3A_144, %sub3A : i32
        %dma_wait3A_371 = arith.constant 2 : i32
        %dma_wait3A_372 = arith.constant 2 : i32
        %dma_wait3A_373 = arith.constant 0 : i32
        %dma_wait3A_374 = arith.constant 0 : i32
        %dma_wait3A_375 = tpu.memref_slice %arg9[%dma_wait3A_371, %dma_wait3A_373, %dma_wait3A_374] : memref<5x80x64xf32, #tpu.memory_space<vmem>> -> memref<1x80x64xf32, #tpu.memory_space<vmem>>
        %dma_wait3A_376 = tpu.memref_squeeze %dma_wait3A_375 : memref<1x80x64xf32, #tpu.memory_space<vmem>> -> memref<80x64xf32, #tpu.memory_space<vmem>>
        %dma_wait3A_377 = arith.constant 0 : i32
        %dma_wait3A_378 = tpu.memref_slice %arg8[%sub3A_370, %dma_wait3A_377] : memref<125x80xi32, #tpu.memory_space<vmem>> -> memref<1x80xi32, #tpu.memory_space<vmem>>
        %dma_wait3A_379 = tpu.memref_squeeze %dma_wait3A_378 : memref<1x80xi32, #tpu.memory_space<vmem>> -> memref<80xi32, #tpu.memory_space<vmem>>
        %dma_wait3A_380 = arith.constant 0 : i32
        %dma_wait3A_381 = arith.constant 0 : i32
        %dma_wait3A_382 = tpu.memref_slice %arg10[%dma_wait3A_380, %dma_wait3A_381] : memref<10000x64xf32, #tpu.memory_space<vmem_shared>> -> memref<10000x64xf32, #tpu.memory_space<vmem_shared>>
        %dma_wait3A_383 = tpu.memref_slice %arg12[%dma_wait3A_372] : memref<5x!tpu.dma_semaphore, #tpu.memory_space<semaphore_mem>> -> memref<1x!tpu.dma_semaphore, #tpu.memory_space<semaphore_mem>>
        %dma_wait3A_384 = tpu.memref_squeeze %dma_wait3A_383 : memref<1x!tpu.dma_semaphore, #tpu.memory_space<semaphore_mem>> -> memref<!tpu.dma_semaphore, #tpu.memory_space<semaphore_mem>>
        tpu.wait_indirect_dma semaphore(%dma_wait3A_384 : memref<!tpu.dma_semaphore, #tpu.memory_space<semaphore_mem>>) src(%dma_wait3A_376 : memref<80x64xf32, #tpu.memory_space<vmem>>) dst(%dma_wait3A_382 : memref<10000x64xf32, #tpu.memory_space<vmem_shared>>)
      } else {
      }
      %dma_start3A_150 = arith.constant 2 : i32
      %dma_start3A_151 = arith.constant 2 : i32
      %dma_start3A_152 = arith.constant 0 : i32
      %dma_start3A_153 = arith.constant 0 : i32
      %dma_start3A_154 = tpu.memref_slice %arg9[%dma_start3A_150, %dma_start3A_152, %dma_start3A_153] : memref<5x80x64xf32, #tpu.memory_space<vmem>> -> memref<1x80x64xf32, #tpu.memory_space<vmem>>
      %dma_start3A_155 = tpu.memref_squeeze %dma_start3A_154 : memref<1x80x64xf32, #tpu.memory_space<vmem>> -> memref<80x64xf32, #tpu.memory_space<vmem>>
      %dma_start3A_156 = arith.constant 0 : i32
      %dma_start3A_157 = tpu.memref_slice %arg7[%add3A_144, %dma_start3A_156] : memref<125x80xi32, #tpu.memory_space<vmem>> -> memref<1x80xi32, #tpu.memory_space<vmem>>
      %dma_start3A_158 = tpu.memref_squeeze %dma_start3A_157 : memref<1x80xi32, #tpu.memory_space<vmem>> -> memref<80xi32, #tpu.memory_space<vmem>>
      %dma_start3A_159 = arith.constant 0 : i32
      %dma_start3A_160 = arith.constant 0 : i32
      %dma_start3A_161 = tpu.memref_slice %arg2[%dma_start3A_159, %dma_start3A_160] : memref<10000x64xf32, #tpu.memory_space<hbm>> -> memref<10000x64xf32, #tpu.memory_space<hbm>>
      %dma_start3A_162 = tpu.memref_slice %arg11[%dma_start3A_151] : memref<5x!tpu.dma_semaphore, #tpu.memory_space<semaphore_mem>> -> memref<1x!tpu.dma_semaphore, #tpu.memory_space<semaphore_mem>>
      %dma_start3A_163 = tpu.memref_squeeze %dma_start3A_162 : memref<1x!tpu.dma_semaphore, #tpu.memory_space<semaphore_mem>> -> memref<!tpu.dma_semaphore, #tpu.memory_space<semaphore_mem>>
      tpu.enqueue_indirect_dma source(%dma_start3A_161 : memref<10000x64xf32, #tpu.memory_space<hbm>>) target(%dma_start3A_155 : memref<80x64xf32, #tpu.memory_space<vmem>>) offsets(%dma_start3A_158 : memref<80xi32, #tpu.memory_space<vmem>>) semaphore(%dma_start3A_163 : memref<!tpu.dma_semaphore, #tpu.memory_space<semaphore_mem>>)
      %mul3A_164 = arith.constant 5 : i32
      %mul3A_165 = arith.muli %scan3A_97, %mul3A_164 : i32
      %add3A_166 = arith.constant 3 : i32
      %add3A_167 = arith.addi %mul3A_165, %add3A_166 : i32
      %gt3A_168 = arith.constant 0 : i32
      %gt3A_169 = arith.cmpi sgt, %scan3A_97, %gt3A_168 : i32
      %convert_element_type3A_170 = arith.extui %gt3A_169 : i1 to i32
      %cond3A_171 = arith.constant 0 : i32
      %cond3A_172 = arith.cmpi ne, %convert_element_type3A_170, %cond3A_171 : i32
      scf.if %cond3A_172 {
        %sub3A = arith.constant 5 : i32
        %sub3A_370 = arith.subi %add3A_167, %sub3A : i32
        %dma_wait3A_371 = arith.constant 3 : i32
        %dma_wait3A_372 = arith.constant 3 : i32
        %dma_wait3A_373 = arith.constant 0 : i32
        %dma_wait3A_374 = arith.constant 0 : i32
        %dma_wait3A_375 = tpu.memref_slice %arg9[%dma_wait3A_371, %dma_wait3A_373, %dma_wait3A_374] : memref<5x80x64xf32, #tpu.memory_space<vmem>> -> memref<1x80x64xf32, #tpu.memory_space<vmem>>
        %dma_wait3A_376 = tpu.memref_squeeze %dma_wait3A_375 : memref<1x80x64xf32, #tpu.memory_space<vmem>> -> memref<80x64xf32, #tpu.memory_space<vmem>>
        %dma_wait3A_377 = arith.constant 0 : i32
        %dma_wait3A_378 = tpu.memref_slice %arg8[%sub3A_370, %dma_wait3A_377] : memref<125x80xi32, #tpu.memory_space<vmem>> -> memref<1x80xi32, #tpu.memory_space<vmem>>
        %dma_wait3A_379 = tpu.memref_squeeze %dma_wait3A_378 : memref<1x80xi32, #tpu.memory_space<vmem>> -> memref<80xi32, #tpu.memory_space<vmem>>
        %dma_wait3A_380 = arith.constant 0 : i32
        %dma_wait3A_381 = arith.constant 0 : i32
        %dma_wait3A_382 = tpu.memref_slice %arg10[%dma_wait3A_380, %dma_wait3A_381] : memref<10000x64xf32, #tpu.memory_space<vmem_shared>> -> memref<10000x64xf32, #tpu.memory_space<vmem_shared>>
        %dma_wait3A_383 = tpu.memref_slice %arg12[%dma_wait3A_372] : memref<5x!tpu.dma_semaphore, #tpu.memory_space<semaphore_mem>> -> memref<1x!tpu.dma_semaphore, #tpu.memory_space<semaphore_mem>>
        %dma_wait3A_384 = tpu.memref_squeeze %dma_wait3A_383 : memref<1x!tpu.dma_semaphore, #tpu.memory_space<semaphore_mem>> -> memref<!tpu.dma_semaphore, #tpu.memory_space<semaphore_mem>>
        tpu.wait_indirect_dma semaphore(%dma_wait3A_384 : memref<!tpu.dma_semaphore, #tpu.memory_space<semaphore_mem>>) src(%dma_wait3A_376 : memref<80x64xf32, #tpu.memory_space<vmem>>) dst(%dma_wait3A_382 : memref<10000x64xf32, #tpu.memory_space<vmem_shared>>)
      } else {
      }
      %dma_start3A_173 = arith.constant 3 : i32
      %dma_start3A_174 = arith.constant 3 : i32
      %dma_start3A_175 = arith.constant 0 : i32
      %dma_start3A_176 = arith.constant 0 : i32
      %dma_start3A_177 = tpu.memref_slice %arg9[%dma_start3A_173, %dma_start3A_175, %dma_start3A_176] : memref<5x80x64xf32, #tpu.memory_space<vmem>> -> memref<1x80x64xf32, #tpu.memory_space<vmem>>
      %dma_start3A_178 = tpu.memref_squeeze %dma_start3A_177 : memref<1x80x64xf32, #tpu.memory_space<vmem>> -> memref<80x64xf32, #tpu.memory_space<vmem>>
      %dma_start3A_179 = arith.constant 0 : i32
      %dma_start3A_180 = tpu.memref_slice %arg7[%add3A_167, %dma_start3A_179] : memref<125x80xi32, #tpu.memory_space<vmem>> -> memref<1x80xi32, #tpu.memory_space<vmem>>
      %dma_start3A_181 = tpu.memref_squeeze %dma_start3A_180 : memref<1x80xi32, #tpu.memory_space<vmem>> -> memref<80xi32, #tpu.memory_space<vmem>>
      %dma_start3A_182 = arith.constant 0 : i32
      %dma_start3A_183 = arith.constant 0 : i32
      %dma_start3A_184 = tpu.memref_slice %arg2[%dma_start3A_182, %dma_start3A_183] : memref<10000x64xf32, #tpu.memory_space<hbm>> -> memref<10000x64xf32, #tpu.memory_space<hbm>>
      %dma_start3A_185 = tpu.memref_slice %arg11[%dma_start3A_174] : memref<5x!tpu.dma_semaphore, #tpu.memory_space<semaphore_mem>> -> memref<1x!tpu.dma_semaphore, #tpu.memory_space<semaphore_mem>>
      %dma_start3A_186 = tpu.memref_squeeze %dma_start3A_185 : memref<1x!tpu.dma_semaphore, #tpu.memory_space<semaphore_mem>> -> memref<!tpu.dma_semaphore, #tpu.memory_space<semaphore_mem>>
      tpu.enqueue_indirect_dma source(%dma_start3A_184 : memref<10000x64xf32, #tpu.memory_space<hbm>>) target(%dma_start3A_178 : memref<80x64xf32, #tpu.memory_space<vmem>>) offsets(%dma_start3A_181 : memref<80xi32, #tpu.memory_space<vmem>>) semaphore(%dma_start3A_186 : memref<!tpu.dma_semaphore, #tpu.memory_space<semaphore_mem>>)
      %mul3A_187 = arith.constant 5 : i32
      %mul3A_188 = arith.muli %scan3A_97, %mul3A_187 : i32
      %add3A_189 = arith.constant 4 : i32
      %add3A_190 = arith.addi %mul3A_188, %add3A_189 : i32
      %gt3A_191 = arith.constant 0 : i32
      %gt3A_192 = arith.cmpi sgt, %scan3A_97, %gt3A_191 : i32
      %convert_element_type3A_193 = arith.extui %gt3A_192 : i1 to i32
      %cond3A_194 = arith.constant 0 : i32
      %cond3A_195 = arith.cmpi ne, %convert_element_type3A_193, %cond3A_194 : i32
      scf.if %cond3A_195 {
        %sub3A = arith.constant 5 : i32
        %sub3A_370 = arith.subi %add3A_190, %sub3A : i32
        %dma_wait3A_371 = arith.constant 4 : i32
        %dma_wait3A_372 = arith.constant 4 : i32
        %dma_wait3A_373 = arith.constant 0 : i32
        %dma_wait3A_374 = arith.constant 0 : i32
        %dma_wait3A_375 = tpu.memref_slice %arg9[%dma_wait3A_371, %dma_wait3A_373, %dma_wait3A_374] : memref<5x80x64xf32, #tpu.memory_space<vmem>> -> memref<1x80x64xf32, #tpu.memory_space<vmem>>
        %dma_wait3A_376 = tpu.memref_squeeze %dma_wait3A_375 : memref<1x80x64xf32, #tpu.memory_space<vmem>> -> memref<80x64xf32, #tpu.memory_space<vmem>>
        %dma_wait3A_377 = arith.constant 0 : i32
        %dma_wait3A_378 = tpu.memref_slice %arg8[%sub3A_370, %dma_wait3A_377] : memref<125x80xi32, #tpu.memory_space<vmem>> -> memref<1x80xi32, #tpu.memory_space<vmem>>
        %dma_wait3A_379 = tpu.memref_squeeze %dma_wait3A_378 : memref<1x80xi32, #tpu.memory_space<vmem>> -> memref<80xi32, #tpu.memory_space<vmem>>
        %dma_wait3A_380 = arith.constant 0 : i32
        %dma_wait3A_381 = arith.constant 0 : i32
        %dma_wait3A_382 = tpu.memref_slice %arg10[%dma_wait3A_380, %dma_wait3A_381] : memref<10000x64xf32, #tpu.memory_space<vmem_shared>> -> memref<10000x64xf32, #tpu.memory_space<vmem_shared>>
        %dma_wait3A_383 = tpu.memref_slice %arg12[%dma_wait3A_372] : memref<5x!tpu.dma_semaphore, #tpu.memory_space<semaphore_mem>> -> memref<1x!tpu.dma_semaphore, #tpu.memory_space<semaphore_mem>>
        %dma_wait3A_384 = tpu.memref_squeeze %dma_wait3A_383 : memref<1x!tpu.dma_semaphore, #tpu.memory_space<semaphore_mem>> -> memref<!tpu.dma_semaphore, #tpu.memory_space<semaphore_mem>>
        tpu.wait_indirect_dma semaphore(%dma_wait3A_384 : memref<!tpu.dma_semaphore, #tpu.memory_space<semaphore_mem>>) src(%dma_wait3A_376 : memref<80x64xf32, #tpu.memory_space<vmem>>) dst(%dma_wait3A_382 : memref<10000x64xf32, #tpu.memory_space<vmem_shared>>)
      } else {
      }
      %dma_start3A_196 = arith.constant 4 : i32
      %dma_start3A_197 = arith.constant 4 : i32
      %dma_start3A_198 = arith.constant 0 : i32
      %dma_start3A_199 = arith.constant 0 : i32
      %dma_start3A_200 = tpu.memref_slice %arg9[%dma_start3A_196, %dma_start3A_198, %dma_start3A_199] : memref<5x80x64xf32, #tpu.memory_space<vmem>> -> memref<1x80x64xf32, #tpu.memory_space<vmem>>
      %dma_start3A_201 = tpu.memref_squeeze %dma_start3A_200 : memref<1x80x64xf32, #tpu.memory_space<vmem>> -> memref<80x64xf32, #tpu.memory_space<vmem>>
      %dma_start3A_202 = arith.constant 0 : i32
      %dma_start3A_203 = tpu.memref_slice %arg7[%add3A_190, %dma_start3A_202] : memref<125x80xi32, #tpu.memory_space<vmem>> -> memref<1x80xi32, #tpu.memory_space<vmem>>
      %dma_start3A_204 = tpu.memref_squeeze %dma_start3A_203 : memref<1x80xi32, #tpu.memory_space<vmem>> -> memref<80xi32, #tpu.memory_space<vmem>>
      %dma_start3A_205 = arith.constant 0 : i32
      %dma_start3A_206 = arith.constant 0 : i32
      %dma_start3A_207 = tpu.memref_slice %arg2[%dma_start3A_205, %dma_start3A_206] : memref<10000x64xf32, #tpu.memory_space<hbm>> -> memref<10000x64xf32, #tpu.memory_space<hbm>>
      %dma_start3A_208 = tpu.memref_slice %arg11[%dma_start3A_197] : memref<5x!tpu.dma_semaphore, #tpu.memory_space<semaphore_mem>> -> memref<1x!tpu.dma_semaphore, #tpu.memory_space<semaphore_mem>>
      %dma_start3A_209 = tpu.memref_squeeze %dma_start3A_208 : memref<1x!tpu.dma_semaphore, #tpu.memory_space<semaphore_mem>> -> memref<!tpu.dma_semaphore, #tpu.memory_space<semaphore_mem>>
      tpu.enqueue_indirect_dma source(%dma_start3A_207 : memref<10000x64xf32, #tpu.memory_space<hbm>>) target(%dma_start3A_201 : memref<80x64xf32, #tpu.memory_space<vmem>>) offsets(%dma_start3A_204 : memref<80xi32, #tpu.memory_space<vmem>>) semaphore(%dma_start3A_209 : memref<!tpu.dma_semaphore, #tpu.memory_space<semaphore_mem>>)
      %mul3A_210 = arith.constant 5 : i32
      %mul3A_211 = arith.muli %scan3A_97, %mul3A_210 : i32
      %add3A_212 = arith.constant 0 : i32
      %add3A_213 = arith.addi %mul3A_211, %add3A_212 : i32
      %dma_wait3A_214 = arith.constant 0 : i32
      %dma_wait3A_215 = arith.constant 0 : i32
      %dma_wait3A_216 = arith.constant 0 : i32
      %dma_wait3A_217 = arith.constant 0 : i32
      %dma_wait3A_218 = tpu.memref_slice %arg9[%dma_wait3A_214, %dma_wait3A_216, %dma_wait3A_217] : memref<5x80x64xf32, #tpu.memory_space<vmem>> -> memref<1x80x64xf32, #tpu.memory_space<vmem>>
      %dma_wait3A_219 = tpu.memref_squeeze %dma_wait3A_218 : memref<1x80x64xf32, #tpu.memory_space<vmem>> -> memref<80x64xf32, #tpu.memory_space<vmem>>
      %dma_wait3A_220 = arith.constant 0 : i32
      %dma_wait3A_221 = tpu.memref_slice %arg7[%add3A_100, %dma_wait3A_220] : memref<125x80xi32, #tpu.memory_space<vmem>> -> memref<1x80xi32, #tpu.memory_space<vmem>>
      %dma_wait3A_222 = tpu.memref_squeeze %dma_wait3A_221 : memref<1x80xi32, #tpu.memory_space<vmem>> -> memref<80xi32, #tpu.memory_space<vmem>>
      %dma_wait3A_223 = arith.constant 0 : i32
      %dma_wait3A_224 = arith.constant 0 : i32
      %dma_wait3A_225 = tpu.memref_slice %arg2[%dma_wait3A_223, %dma_wait3A_224] : memref<10000x64xf32, #tpu.memory_space<hbm>> -> memref<10000x64xf32, #tpu.memory_space<hbm>>
      %dma_wait3A_226 = tpu.memref_slice %arg11[%dma_wait3A_215] : memref<5x!tpu.dma_semaphore, #tpu.memory_space<semaphore_mem>> -> memref<1x!tpu.dma_semaphore, #tpu.memory_space<semaphore_mem>>
      %dma_wait3A_227 = tpu.memref_squeeze %dma_wait3A_226 : memref<1x!tpu.dma_semaphore, #tpu.memory_space<semaphore_mem>> -> memref<!tpu.dma_semaphore, #tpu.memory_space<semaphore_mem>>
      tpu.wait_indirect_dma semaphore(%dma_wait3A_227 : memref<!tpu.dma_semaphore, #tpu.memory_space<semaphore_mem>>) src(%dma_wait3A_225 : memref<10000x64xf32, #tpu.memory_space<hbm>>) dst(%dma_wait3A_219 : memref<80x64xf32, #tpu.memory_space<vmem>>)
      %dma_start3A_228 = arith.constant 0 : i32
      %dma_start3A_229 = arith.constant 0 : i32
      %dma_start3A_230 = arith.constant 0 : i32
      %dma_start3A_231 = arith.constant 0 : i32
      %dma_start3A_232 = tpu.memref_slice %arg9[%dma_start3A_228, %dma_start3A_230, %dma_start3A_231] : memref<5x80x64xf32, #tpu.memory_space<vmem>> -> memref<1x80x64xf32, #tpu.memory_space<vmem>>
      %dma_start3A_233 = tpu.memref_squeeze %dma_start3A_232 : memref<1x80x64xf32, #tpu.memory_space<vmem>> -> memref<80x64xf32, #tpu.memory_space<vmem>>
      %dma_start3A_234 = arith.constant 0 : i32
      %dma_start3A_235 = tpu.memref_slice %arg8[%add3A_213, %dma_start3A_234] : memref<125x80xi32, #tpu.memory_space<vmem>> -> memref<1x80xi32, #tpu.memory_space<vmem>>
      %dma_start3A_236 = tpu.memref_squeeze %dma_start3A_235 : memref<1x80xi32, #tpu.memory_space<vmem>> -> memref<80xi32, #tpu.memory_space<vmem>>
      %dma_start3A_237 = arith.constant 0 : i32
      %dma_start3A_238 = arith.constant 0 : i32
      %dma_start3A_239 = tpu.memref_slice %arg10[%dma_start3A_237, %dma_start3A_238] : memref<10000x64xf32, #tpu.memory_space<vmem_shared>> -> memref<10000x64xf32, #tpu.memory_space<vmem_shared>>
      %dma_start3A_240 = tpu.memref_slice %arg12[%dma_start3A_229] : memref<5x!tpu.dma_semaphore, #tpu.memory_space<semaphore_mem>> -> memref<1x!tpu.dma_semaphore, #tpu.memory_space<semaphore_mem>>
      %dma_start3A_241 = tpu.memref_squeeze %dma_start3A_240 : memref<1x!tpu.dma_semaphore, #tpu.memory_space<semaphore_mem>> -> memref<!tpu.dma_semaphore, #tpu.memory_space<semaphore_mem>>
      tpu.enqueue_indirect_dma source(%dma_start3A_233 : memref<80x64xf32, #tpu.memory_space<vmem>>) target(%dma_start3A_239 : memref<10000x64xf32, #tpu.memory_space<vmem_shared>>) offsets(%dma_start3A_236 : memref<80xi32, #tpu.memory_space<vmem>>) semaphore(%dma_start3A_241 : memref<!tpu.dma_semaphore, #tpu.memory_space<semaphore_mem>>) {add = true}
      %mul3A_242 = arith.constant 5 : i32
      %mul3A_243 = arith.muli %scan3A_97, %mul3A_242 : i32
      %add3A_244 = arith.constant 1 : i32
      %add3A_245 = arith.addi %mul3A_243, %add3A_244 : i32
      %dma_wait3A_246 = arith.constant 1 : i32
      %dma_wait3A_247 = arith.constant 1 : i32
      %dma_wait3A_248 = arith.constant 0 : i32
      %dma_wait3A_249 = arith.constant 0 : i32
      %dma_wait3A_250 = tpu.memref_slice %arg9[%dma_wait3A_246, %dma_wait3A_248, %dma_wait3A_249] : memref<5x80x64xf32, #tpu.memory_space<vmem>> -> memref<1x80x64xf32, #tpu.memory_space<vmem>>
      %dma_wait3A_251 = tpu.memref_squeeze %dma_wait3A_250 : memref<1x80x64xf32, #tpu.memory_space<vmem>> -> memref<80x64xf32, #tpu.memory_space<vmem>>
      %dma_wait3A_252 = arith.constant 0 : i32
      %dma_wait3A_253 = tpu.memref_slice %arg7[%add3A_121, %dma_wait3A_252] : memref<125x80xi32, #tpu.memory_space<vmem>> -> memref<1x80xi32, #tpu.memory_space<vmem>>
      %dma_wait3A_254 = tpu.memref_squeeze %dma_wait3A_253 : memref<1x80xi32, #tpu.memory_space<vmem>> -> memref<80xi32, #tpu.memory_space<vmem>>
      %dma_wait3A_255 = arith.constant 0 : i32
      %dma_wait3A_256 = arith.constant 0 : i32
      %dma_wait3A_257 = tpu.memref_slice %arg2[%dma_wait3A_255, %dma_wait3A_256] : memref<10000x64xf32, #tpu.memory_space<hbm>> -> memref<10000x64xf32, #tpu.memory_space<hbm>>
      %dma_wait3A_258 = tpu.memref_slice %arg11[%dma_wait3A_247] : memref<5x!tpu.dma_semaphore, #tpu.memory_space<semaphore_mem>> -> memref<1x!tpu.dma_semaphore, #tpu.memory_space<semaphore_mem>>
      %dma_wait3A_259 = tpu.memref_squeeze %dma_wait3A_258 : memref<1x!tpu.dma_semaphore, #tpu.memory_space<semaphore_mem>> -> memref<!tpu.dma_semaphore, #tpu.memory_space<semaphore_mem>>
      tpu.wait_indirect_dma semaphore(%dma_wait3A_259 : memref<!tpu.dma_semaphore, #tpu.memory_space<semaphore_mem>>) src(%dma_wait3A_257 : memref<10000x64xf32, #tpu.memory_space<hbm>>) dst(%dma_wait3A_251 : memref<80x64xf32, #tpu.memory_space<vmem>>)
      %dma_start3A_260 = arith.constant 1 : i32
      %dma_start3A_261 = arith.constant 1 : i32
      %dma_start3A_262 = arith.constant 0 : i32
      %dma_start3A_263 = arith.constant 0 : i32
      %dma_start3A_264 = tpu.memref_slice %arg9[%dma_start3A_260, %dma_start3A_262, %dma_start3A_263] : memref<5x80x64xf32, #tpu.memory_space<vmem>> -> memref<1x80x64xf32, #tpu.memory_space<vmem>>
      %dma_start3A_265 = tpu.memref_squeeze %dma_start3A_264 : memref<1x80x64xf32, #tpu.memory_space<vmem>> -> memref<80x64xf32, #tpu.memory_space<vmem>>
      %dma_start3A_266 = arith.constant 0 : i32
      %dma_start3A_267 = tpu.memref_slice %arg8[%add3A_245, %dma_start3A_266] : memref<125x80xi32, #tpu.memory_space<vmem>> -> memref<1x80xi32, #tpu.memory_space<vmem>>
      %dma_start3A_268 = tpu.memref_squeeze %dma_start3A_267 : memref<1x80xi32, #tpu.memory_space<vmem>> -> memref<80xi32, #tpu.memory_space<vmem>>
      %dma_start3A_269 = arith.constant 0 : i32
      %dma_start3A_270 = arith.constant 0 : i32
      %dma_start3A_271 = tpu.memref_slice %arg10[%dma_start3A_269, %dma_start3A_270] : memref<10000x64xf32, #tpu.memory_space<vmem_shared>> -> memref<10000x64xf32, #tpu.memory_space<vmem_shared>>
      %dma_start3A_272 = tpu.memref_slice %arg12[%dma_start3A_261] : memref<5x!tpu.dma_semaphore, #tpu.memory_space<semaphore_mem>> -> memref<1x!tpu.dma_semaphore, #tpu.memory_space<semaphore_mem>>
      %dma_start3A_273 = tpu.memref_squeeze %dma_start3A_272 : memref<1x!tpu.dma_semaphore, #tpu.memory_space<semaphore_mem>> -> memref<!tpu.dma_semaphore, #tpu.memory_space<semaphore_mem>>
      tpu.enqueue_indirect_dma source(%dma_start3A_265 : memref<80x64xf32, #tpu.memory_space<vmem>>) target(%dma_start3A_271 : memref<10000x64xf32, #tpu.memory_space<vmem_shared>>) offsets(%dma_start3A_268 : memref<80xi32, #tpu.memory_space<vmem>>) semaphore(%dma_start3A_273 : memref<!tpu.dma_semaphore, #tpu.memory_space<semaphore_mem>>) {add = true}
      %mul3A_274 = arith.constant 5 : i32
      %mul3A_275 = arith.muli %scan3A_97, %mul3A_274 : i32
      %add3A_276 = arith.constant 2 : i32
      %add3A_277 = arith.addi %mul3A_275, %add3A_276 : i32
      %dma_wait3A_278 = arith.constant 2 : i32
      %dma_wait3A_279 = arith.constant 2 : i32
      %dma_wait3A_280 = arith.constant 0 : i32
      %dma_wait3A_281 = arith.constant 0 : i32
      %dma_wait3A_282 = tpu.memref_slice %arg9[%dma_wait3A_278, %dma_wait3A_280, %dma_wait3A_281] : memref<5x80x64xf32, #tpu.memory_space<vmem>> -> memref<1x80x64xf32, #tpu.memory_space<vmem>>
      %dma_wait3A_283 = tpu.memref_squeeze %dma_wait3A_282 : memref<1x80x64xf32, #tpu.memory_space<vmem>> -> memref<80x64xf32, #tpu.memory_space<vmem>>
      %dma_wait3A_284 = arith.constant 0 : i32
      %dma_wait3A_285 = tpu.memref_slice %arg7[%add3A_144, %dma_wait3A_284] : memref<125x80xi32, #tpu.memory_space<vmem>> -> memref<1x80xi32, #tpu.memory_space<vmem>>
      %dma_wait3A_286 = tpu.memref_squeeze %dma_wait3A_285 : memref<1x80xi32, #tpu.memory_space<vmem>> -> memref<80xi32, #tpu.memory_space<vmem>>
      %dma_wait3A_287 = arith.constant 0 : i32
      %dma_wait3A_288 = arith.constant 0 : i32
      %dma_wait3A_289 = tpu.memref_slice %arg2[%dma_wait3A_287, %dma_wait3A_288] : memref<10000x64xf32, #tpu.memory_space<hbm>> -> memref<10000x64xf32, #tpu.memory_space<hbm>>
      %dma_wait3A_290 = tpu.memref_slice %arg11[%dma_wait3A_279] : memref<5x!tpu.dma_semaphore, #tpu.memory_space<semaphore_mem>> -> memref<1x!tpu.dma_semaphore, #tpu.memory_space<semaphore_mem>>
      %dma_wait3A_291 = tpu.memref_squeeze %dma_wait3A_290 : memref<1x!tpu.dma_semaphore, #tpu.memory_space<semaphore_mem>> -> memref<!tpu.dma_semaphore, #tpu.memory_space<semaphore_mem>>
      tpu.wait_indirect_dma semaphore(%dma_wait3A_291 : memref<!tpu.dma_semaphore, #tpu.memory_space<semaphore_mem>>) src(%dma_wait3A_289 : memref<10000x64xf32, #tpu.memory_space<hbm>>) dst(%dma_wait3A_283 : memref<80x64xf32, #tpu.memory_space<vmem>>)
      %dma_start3A_292 = arith.constant 2 : i32
      %dma_start3A_293 = arith.constant 2 : i32
      %dma_start3A_294 = arith.constant 0 : i32
      %dma_start3A_295 = arith.constant 0 : i32
      %dma_start3A_296 = tpu.memref_slice %arg9[%dma_start3A_292, %dma_start3A_294, %dma_start3A_295] : memref<5x80x64xf32, #tpu.memory_space<vmem>> -> memref<1x80x64xf32, #tpu.memory_space<vmem>>
      %dma_start3A_297 = tpu.memref_squeeze %dma_start3A_296 : memref<1x80x64xf32, #tpu.memory_space<vmem>> -> memref<80x64xf32, #tpu.memory_space<vmem>>
      %dma_start3A_298 = arith.constant 0 : i32
      %dma_start3A_299 = tpu.memref_slice %arg8[%add3A_277, %dma_start3A_298] : memref<125x80xi32, #tpu.memory_space<vmem>> -> memref<1x80xi32, #tpu.memory_space<vmem>>
      %dma_start3A_300 = tpu.memref_squeeze %dma_start3A_299 : memref<1x80xi32, #tpu.memory_space<vmem>> -> memref<80xi32, #tpu.memory_space<vmem>>
      %dma_start3A_301 = arith.constant 0 : i32
      %dma_start3A_302 = arith.constant 0 : i32
      %dma_start3A_303 = tpu.memref_slice %arg10[%dma_start3A_301, %dma_start3A_302] : memref<10000x64xf32, #tpu.memory_space<vmem_shared>> -> memref<10000x64xf32, #tpu.memory_space<vmem_shared>>
      %dma_start3A_304 = tpu.memref_slice %arg12[%dma_start3A_293] : memref<5x!tpu.dma_semaphore, #tpu.memory_space<semaphore_mem>> -> memref<1x!tpu.dma_semaphore, #tpu.memory_space<semaphore_mem>>
      %dma_start3A_305 = tpu.memref_squeeze %dma_start3A_304 : memref<1x!tpu.dma_semaphore, #tpu.memory_space<semaphore_mem>> -> memref<!tpu.dma_semaphore, #tpu.memory_space<semaphore_mem>>
      tpu.enqueue_indirect_dma source(%dma_start3A_297 : memref<80x64xf32, #tpu.memory_space<vmem>>) target(%dma_start3A_303 : memref<10000x64xf32, #tpu.memory_space<vmem_shared>>) offsets(%dma_start3A_300 : memref<80xi32, #tpu.memory_space<vmem>>) semaphore(%dma_start3A_305 : memref<!tpu.dma_semaphore, #tpu.memory_space<semaphore_mem>>) {add = true}
      %mul3A_306 = arith.constant 5 : i32
      %mul3A_307 = arith.muli %scan3A_97, %mul3A_306 : i32
      %add3A_308 = arith.constant 3 : i32
      %add3A_309 = arith.addi %mul3A_307, %add3A_308 : i32
      %dma_wait3A_310 = arith.constant 3 : i32
      %dma_wait3A_311 = arith.constant 3 : i32
      %dma_wait3A_312 = arith.constant 0 : i32
      %dma_wait3A_313 = arith.constant 0 : i32
      %dma_wait3A_314 = tpu.memref_slice %arg9[%dma_wait3A_310, %dma_wait3A_312, %dma_wait3A_313] : memref<5x80x64xf32, #tpu.memory_space<vmem>> -> memref<1x80x64xf32, #tpu.memory_space<vmem>>
      %dma_wait3A_315 = tpu.memref_squeeze %dma_wait3A_314 : memref<1x80x64xf32, #tpu.memory_space<vmem>> -> memref<80x64xf32, #tpu.memory_space<vmem>>
      %dma_wait3A_316 = arith.constant 0 : i32
      %dma_wait3A_317 = tpu.memref_slice %arg7[%add3A_167, %dma_wait3A_316] : memref<125x80xi32, #tpu.memory_space<vmem>> -> memref<1x80xi32, #tpu.memory_space<vmem>>
      %dma_wait3A_318 = tpu.memref_squeeze %dma_wait3A_317 : memref<1x80xi32, #tpu.memory_space<vmem>> -> memref<80xi32, #tpu.memory_space<vmem>>
      %dma_wait3A_319 = arith.constant 0 : i32
      %dma_wait3A_320 = arith.constant 0 : i32
      %dma_wait3A_321 = tpu.memref_slice %arg2[%dma_wait3A_319, %dma_wait3A_320] : memref<10000x64xf32, #tpu.memory_space<hbm>> -> memref<10000x64xf32, #tpu.memory_space<hbm>>
      %dma_wait3A_322 = tpu.memref_slice %arg11[%dma_wait3A_311] : memref<5x!tpu.dma_semaphore, #tpu.memory_space<semaphore_mem>> -> memref<1x!tpu.dma_semaphore, #tpu.memory_space<semaphore_mem>>
      %dma_wait3A_323 = tpu.memref_squeeze %dma_wait3A_322 : memref<1x!tpu.dma_semaphore, #tpu.memory_space<semaphore_mem>> -> memref<!tpu.dma_semaphore, #tpu.memory_space<semaphore_mem>>
      tpu.wait_indirect_dma semaphore(%dma_wait3A_323 : memref<!tpu.dma_semaphore, #tpu.memory_space<semaphore_mem>>) src(%dma_wait3A_321 : memref<10000x64xf32, #tpu.memory_space<hbm>>) dst(%dma_wait3A_315 : memref<80x64xf32, #tpu.memory_space<vmem>>)
      %dma_start3A_324 = arith.constant 3 : i32
      %dma_start3A_325 = arith.constant 3 : i32
      %dma_start3A_326 = arith.constant 0 : i32
      %dma_start3A_327 = arith.constant 0 : i32
      %dma_start3A_328 = tpu.memref_slice %arg9[%dma_start3A_324, %dma_start3A_326, %dma_start3A_327] : memref<5x80x64xf32, #tpu.memory_space<vmem>> -> memref<1x80x64xf32, #tpu.memory_space<vmem>>
      %dma_start3A_329 = tpu.memref_squeeze %dma_start3A_328 : memref<1x80x64xf32, #tpu.memory_space<vmem>> -> memref<80x64xf32, #tpu.memory_space<vmem>>
      %dma_start3A_330 = arith.constant 0 : i32
      %dma_start3A_331 = tpu.memref_slice %arg8[%add3A_309, %dma_start3A_330] : memref<125x80xi32, #tpu.memory_space<vmem>> -> memref<1x80xi32, #tpu.memory_space<vmem>>
      %dma_start3A_332 = tpu.memref_squeeze %dma_start3A_331 : memref<1x80xi32, #tpu.memory_space<vmem>> -> memref<80xi32, #tpu.memory_space<vmem>>
      %dma_start3A_333 = arith.constant 0 : i32
      %dma_start3A_334 = arith.constant 0 : i32
      %dma_start3A_335 = tpu.memref_slice %arg10[%dma_start3A_333, %dma_start3A_334] : memref<10000x64xf32, #tpu.memory_space<vmem_shared>> -> memref<10000x64xf32, #tpu.memory_space<vmem_shared>>
      %dma_start3A_336 = tpu.memref_slice %arg12[%dma_start3A_325] : memref<5x!tpu.dma_semaphore, #tpu.memory_space<semaphore_mem>> -> memref<1x!tpu.dma_semaphore, #tpu.memory_space<semaphore_mem>>
      %dma_start3A_337 = tpu.memref_squeeze %dma_start3A_336 : memref<1x!tpu.dma_semaphore, #tpu.memory_space<semaphore_mem>> -> memref<!tpu.dma_semaphore, #tpu.memory_space<semaphore_mem>>
      tpu.enqueue_indirect_dma source(%dma_start3A_329 : memref<80x64xf32, #tpu.memory_space<vmem>>) target(%dma_start3A_335 : memref<10000x64xf32, #tpu.memory_space<vmem_shared>>) offsets(%dma_start3A_332 : memref<80xi32, #tpu.memory_space<vmem>>) semaphore(%dma_start3A_337 : memref<!tpu.dma_semaphore, #tpu.memory_space<semaphore_mem>>) {add = true}
      %mul3A_338 = arith.constant 5 : i32
      %mul3A_339 = arith.muli %scan3A_97, %mul3A_338 : i32
      %add3A_340 = arith.constant 4 : i32
      %add3A_341 = arith.addi %mul3A_339, %add3A_340 : i32
      %dma_wait3A_342 = arith.constant 4 : i32
      %dma_wait3A_343 = arith.constant 4 : i32
      %dma_wait3A_344 = arith.constant 0 : i32
      %dma_wait3A_345 = arith.constant 0 : i32
      %dma_wait3A_346 = tpu.memref_slice %arg9[%dma_wait3A_342, %dma_wait3A_344, %dma_wait3A_345] : memref<5x80x64xf32, #tpu.memory_space<vmem>> -> memref<1x80x64xf32, #tpu.memory_space<vmem>>
      %dma_wait3A_347 = tpu.memref_squeeze %dma_wait3A_346 : memref<1x80x64xf32, #tpu.memory_space<vmem>> -> memref<80x64xf32, #tpu.memory_space<vmem>>
      %dma_wait3A_348 = arith.constant 0 : i32
      %dma_wait3A_349 = tpu.memref_slice %arg7[%add3A_190, %dma_wait3A_348] : memref<125x80xi32, #tpu.memory_space<vmem>> -> memref<1x80xi32, #tpu.memory_space<vmem>>
      %dma_wait3A_350 = tpu.memref_squeeze %dma_wait3A_349 : memref<1x80xi32, #tpu.memory_space<vmem>> -> memref<80xi32, #tpu.memory_space<vmem>>
      %dma_wait3A_351 = arith.constant 0 : i32
      %dma_wait3A_352 = arith.constant 0 : i32
      %dma_wait3A_353 = tpu.memref_slice %arg2[%dma_wait3A_351, %dma_wait3A_352] : memref<10000x64xf32, #tpu.memory_space<hbm>> -> memref<10000x64xf32, #tpu.memory_space<hbm>>
      %dma_wait3A_354 = tpu.memref_slice %arg11[%dma_wait3A_343] : memref<5x!tpu.dma_semaphore, #tpu.memory_space<semaphore_mem>> -> memref<1x!tpu.dma_semaphore, #tpu.memory_space<semaphore_mem>>
      %dma_wait3A_355 = tpu.memref_squeeze %dma_wait3A_354 : memref<1x!tpu.dma_semaphore, #tpu.memory_space<semaphore_mem>> -> memref<!tpu.dma_semaphore, #tpu.memory_space<semaphore_mem>>
      tpu.wait_indirect_dma semaphore(%dma_wait3A_355 : memref<!tpu.dma_semaphore, #tpu.memory_space<semaphore_mem>>) src(%dma_wait3A_353 : memref<10000x64xf32, #tpu.memory_space<hbm>>) dst(%dma_wait3A_347 : memref<80x64xf32, #tpu.memory_space<vmem>>)
      %dma_start3A_356 = arith.constant 4 : i32
      %dma_start3A_357 = arith.constant 4 : i32
      %dma_start3A_358 = arith.constant 0 : i32
      %dma_start3A_359 = arith.constant 0 : i32
      %dma_start3A_360 = tpu.memref_slice %arg9[%dma_start3A_356, %dma_start3A_358, %dma_start3A_359] : memref<5x80x64xf32, #tpu.memory_space<vmem>> -> memref<1x80x64xf32, #tpu.memory_space<vmem>>
      %dma_start3A_361 = tpu.memref_squeeze %dma_start3A_360 : memref<1x80x64xf32, #tpu.memory_space<vmem>> -> memref<80x64xf32, #tpu.memory_space<vmem>>
      %dma_start3A_362 = arith.constant 0 : i32
      %dma_start3A_363 = tpu.memref_slice %arg8[%add3A_341, %dma_start3A_362] : memref<125x80xi32, #tpu.memory_space<vmem>> -> memref<1x80xi32, #tpu.memory_space<vmem>>
      %dma_start3A_364 = tpu.memref_squeeze %dma_start3A_363 : memref<1x80xi32, #tpu.memory_space<vmem>> -> memref<80xi32, #tpu.memory_space<vmem>>
      %dma_start3A_365 = arith.constant 0 : i32
      %dma_start3A_366 = arith.constant 0 : i32
      %dma_start3A_367 = tpu.memref_slice %arg10[%dma_start3A_365, %dma_start3A_366] : memref<10000x64xf32, #tpu.memory_space<vmem_shared>> -> memref<10000x64xf32, #tpu.memory_space<vmem_shared>>
      %dma_start3A_368 = tpu.memref_slice %arg12[%dma_start3A_357] : memref<5x!tpu.dma_semaphore, #tpu.memory_space<semaphore_mem>> -> memref<1x!tpu.dma_semaphore, #tpu.memory_space<semaphore_mem>>
      %dma_start3A_369 = tpu.memref_squeeze %dma_start3A_368 : memref<1x!tpu.dma_semaphore, #tpu.memory_space<semaphore_mem>> -> memref<!tpu.dma_semaphore, #tpu.memory_space<semaphore_mem>>
      tpu.enqueue_indirect_dma source(%dma_start3A_361 : memref<80x64xf32, #tpu.memory_space<vmem>>) target(%dma_start3A_367 : memref<10000x64xf32, #tpu.memory_space<vmem_shared>>) offsets(%dma_start3A_364 : memref<80xi32, #tpu.memory_space<vmem>>) semaphore(%dma_start3A_369 : memref<!tpu.dma_semaphore, #tpu.memory_space<semaphore_mem>>) {add = true}
    }
    %scan3A_11 = arith.constant 25 : i32
    %dma_wait3A = arith.constant 0 : i32
    %dma_wait3A_12 = arith.constant 120 : i32
    %dma_wait3A_13 = arith.constant 0 : i32
    %dma_wait3A_14 = arith.constant 0 : i32
    %dma_wait3A_15 = arith.constant 0 : i32
    %dma_wait3A_16 = tpu.memref_slice %arg9[%dma_wait3A, %dma_wait3A_14, %dma_wait3A_15] : memref<5x80x64xf32, #tpu.memory_space<vmem>> -> memref<1x80x64xf32, #tpu.memory_space<vmem>>
    %dma_wait3A_17 = tpu.memref_squeeze %dma_wait3A_16 : memref<1x80x64xf32, #tpu.memory_space<vmem>> -> memref<80x64xf32, #tpu.memory_space<vmem>>
    %dma_wait3A_18 = arith.constant 0 : i32
    %dma_wait3A_19 = tpu.memref_slice %arg8[%dma_wait3A_12, %dma_wait3A_18] : memref<125x80xi32, #tpu.memory_space<vmem>> -> memref<1x80xi32, #tpu.memory_space<vmem>>
    %dma_wait3A_20 = tpu.memref_squeeze %dma_wait3A_19 : memref<1x80xi32, #tpu.memory_space<vmem>> -> memref<80xi32, #tpu.memory_space<vmem>>
    %dma_wait3A_21 = arith.constant 0 : i32
    %dma_wait3A_22 = arith.constant 0 : i32
    %dma_wait3A_23 = tpu.memref_slice %arg10[%dma_wait3A_21, %dma_wait3A_22] : memref<10000x64xf32, #tpu.memory_space<vmem_shared>> -> memref<10000x64xf32, #tpu.memory_space<vmem_shared>>
    %dma_wait3A_24 = tpu.memref_slice %arg12[%dma_wait3A_13] : memref<5x!tpu.dma_semaphore, #tpu.memory_space<semaphore_mem>> -> memref<1x!tpu.dma_semaphore, #tpu.memory_space<semaphore_mem>>
    %dma_wait3A_25 = tpu.memref_squeeze %dma_wait3A_24 : memref<1x!tpu.dma_semaphore, #tpu.memory_space<semaphore_mem>> -> memref<!tpu.dma_semaphore, #tpu.memory_space<semaphore_mem>>
    tpu.wait_indirect_dma semaphore(%dma_wait3A_25 : memref<!tpu.dma_semaphore, #tpu.memory_space<semaphore_mem>>) src(%dma_wait3A_17 : memref<80x64xf32, #tpu.memory_space<vmem>>) dst(%dma_wait3A_23 : memref<10000x64xf32, #tpu.memory_space<vmem_shared>>)
    %dma_wait3A_26 = arith.constant 1 : i32
    %dma_wait3A_27 = arith.constant 121 : i32
    %dma_wait3A_28 = arith.constant 1 : i32
    %dma_wait3A_29 = arith.constant 0 : i32
    %dma_wait3A_30 = arith.constant 0 : i32
    %dma_wait3A_31 = tpu.memref_slice %arg9[%dma_wait3A_26, %dma_wait3A_29, %dma_wait3A_30] : memref<5x80x64xf32, #tpu.memory_space<vmem>> -> memref<1x80x64xf32, #tpu.memory_space<vmem>>
    %dma_wait3A_32 = tpu.memref_squeeze %dma_wait3A_31 : memref<1x80x64xf32, #tpu.memory_space<vmem>> -> memref<80x64xf32, #tpu.memory_space<vmem>>
    %dma_wait3A_33 = arith.constant 0 : i32
    %dma_wait3A_34 = tpu.memref_slice %arg8[%dma_wait3A_27, %dma_wait3A_33] : memref<125x80xi32, #tpu.memory_space<vmem>> -> memref<1x80xi32, #tpu.memory_space<vmem>>
    %dma_wait3A_35 = tpu.memref_squeeze %dma_wait3A_34 : memref<1x80xi32, #tpu.memory_space<vmem>> -> memref<80xi32, #tpu.memory_space<vmem>>
    %dma_wait3A_36 = arith.constant 0 : i32
    %dma_wait3A_37 = arith.constant 0 : i32
    %dma_wait3A_38 = tpu.memref_slice %arg10[%dma_wait3A_36, %dma_wait3A_37] : memref<10000x64xf32, #tpu.memory_space<vmem_shared>> -> memref<10000x64xf32, #tpu.memory_space<vmem_shared>>
    %dma_wait3A_39 = tpu.memref_slice %arg12[%dma_wait3A_28] : memref<5x!tpu.dma_semaphore, #tpu.memory_space<semaphore_mem>> -> memref<1x!tpu.dma_semaphore, #tpu.memory_space<semaphore_mem>>
    %dma_wait3A_40 = tpu.memref_squeeze %dma_wait3A_39 : memref<1x!tpu.dma_semaphore, #tpu.memory_space<semaphore_mem>> -> memref<!tpu.dma_semaphore, #tpu.memory_space<semaphore_mem>>
    tpu.wait_indirect_dma semaphore(%dma_wait3A_40 : memref<!tpu.dma_semaphore, #tpu.memory_space<semaphore_mem>>) src(%dma_wait3A_32 : memref<80x64xf32, #tpu.memory_space<vmem>>) dst(%dma_wait3A_38 : memref<10000x64xf32, #tpu.memory_space<vmem_shared>>)
    %dma_wait3A_41 = arith.constant 2 : i32
    %dma_wait3A_42 = arith.constant 122 : i32
    %dma_wait3A_43 = arith.constant 2 : i32
    %dma_wait3A_44 = arith.constant 0 : i32
    %dma_wait3A_45 = arith.constant 0 : i32
    %dma_wait3A_46 = tpu.memref_slice %arg9[%dma_wait3A_41, %dma_wait3A_44, %dma_wait3A_45] : memref<5x80x64xf32, #tpu.memory_space<vmem>> -> memref<1x80x64xf32, #tpu.memory_space<vmem>>
    %dma_wait3A_47 = tpu.memref_squeeze %dma_wait3A_46 : memref<1x80x64xf32, #tpu.memory_space<vmem>> -> memref<80x64xf32, #tpu.memory_space<vmem>>
    %dma_wait3A_48 = arith.constant 0 : i32
    %dma_wait3A_49 = tpu.memref_slice %arg8[%dma_wait3A_42, %dma_wait3A_48] : memref<125x80xi32, #tpu.memory_space<vmem>> -> memref<1x80xi32, #tpu.memory_space<vmem>>
    %dma_wait3A_50 = tpu.memref_squeeze %dma_wait3A_49 : memref<1x80xi32, #tpu.memory_space<vmem>> -> memref<80xi32, #tpu.memory_space<vmem>>
    %dma_wait3A_51 = arith.constant 0 : i32
    %dma_wait3A_52 = arith.constant 0 : i32
    %dma_wait3A_53 = tpu.memref_slice %arg10[%dma_wait3A_51, %dma_wait3A_52] : memref<10000x64xf32, #tpu.memory_space<vmem_shared>> -> memref<10000x64xf32, #tpu.memory_space<vmem_shared>>
    %dma_wait3A_54 = tpu.memref_slice %arg12[%dma_wait3A_43] : memref<5x!tpu.dma_semaphore, #tpu.memory_space<semaphore_mem>> -> memref<1x!tpu.dma_semaphore, #tpu.memory_space<semaphore_mem>>
    %dma_wait3A_55 = tpu.memref_squeeze %dma_wait3A_54 : memref<1x!tpu.dma_semaphore, #tpu.memory_space<semaphore_mem>> -> memref<!tpu.dma_semaphore, #tpu.memory_space<semaphore_mem>>
    tpu.wait_indirect_dma semaphore(%dma_wait3A_55 : memref<!tpu.dma_semaphore, #tpu.memory_space<semaphore_mem>>) src(%dma_wait3A_47 : memref<80x64xf32, #tpu.memory_space<vmem>>) dst(%dma_wait3A_53 : memref<10000x64xf32, #tpu.memory_space<vmem_shared>>)
    %dma_wait3A_56 = arith.constant 3 : i32
    %dma_wait3A_57 = arith.constant 123 : i32
    %dma_wait3A_58 = arith.constant 3 : i32
    %dma_wait3A_59 = arith.constant 0 : i32
    %dma_wait3A_60 = arith.constant 0 : i32
    %dma_wait3A_61 = tpu.memref_slice %arg9[%dma_wait3A_56, %dma_wait3A_59, %dma_wait3A_60] : memref<5x80x64xf32, #tpu.memory_space<vmem>> -> memref<1x80x64xf32, #tpu.memory_space<vmem>>
    %dma_wait3A_62 = tpu.memref_squeeze %dma_wait3A_61 : memref<1x80x64xf32, #tpu.memory_space<vmem>> -> memref<80x64xf32, #tpu.memory_space<vmem>>
    %dma_wait3A_63 = arith.constant 0 : i32
    %dma_wait3A_64 = tpu.memref_slice %arg8[%dma_wait3A_57, %dma_wait3A_63] : memref<125x80xi32, #tpu.memory_space<vmem>> -> memref<1x80xi32, #tpu.memory_space<vmem>>
    %dma_wait3A_65 = tpu.memref_squeeze %dma_wait3A_64 : memref<1x80xi32, #tpu.memory_space<vmem>> -> memref<80xi32, #tpu.memory_space<vmem>>
    %dma_wait3A_66 = arith.constant 0 : i32
    %dma_wait3A_67 = arith.constant 0 : i32
    %dma_wait3A_68 = tpu.memref_slice %arg10[%dma_wait3A_66, %dma_wait3A_67] : memref<10000x64xf32, #tpu.memory_space<vmem_shared>> -> memref<10000x64xf32, #tpu.memory_space<vmem_shared>>
    %dma_wait3A_69 = tpu.memref_slice %arg12[%dma_wait3A_58] : memref<5x!tpu.dma_semaphore, #tpu.memory_space<semaphore_mem>> -> memref<1x!tpu.dma_semaphore, #tpu.memory_space<semaphore_mem>>
    %dma_wait3A_70 = tpu.memref_squeeze %dma_wait3A_69 : memref<1x!tpu.dma_semaphore, #tpu.memory_space<semaphore_mem>> -> memref<!tpu.dma_semaphore, #tpu.memory_space<semaphore_mem>>
    tpu.wait_indirect_dma semaphore(%dma_wait3A_70 : memref<!tpu.dma_semaphore, #tpu.memory_space<semaphore_mem>>) src(%dma_wait3A_62 : memref<80x64xf32, #tpu.memory_space<vmem>>) dst(%dma_wait3A_68 : memref<10000x64xf32, #tpu.memory_space<vmem_shared>>)
    %dma_wait3A_71 = arith.constant 4 : i32
    %dma_wait3A_72 = arith.constant 124 : i32
    %dma_wait3A_73 = arith.constant 4 : i32
    %dma_wait3A_74 = arith.constant 0 : i32
    %dma_wait3A_75 = arith.constant 0 : i32
    %dma_wait3A_76 = tpu.memref_slice %arg9[%dma_wait3A_71, %dma_wait3A_74, %dma_wait3A_75] : memref<5x80x64xf32, #tpu.memory_space<vmem>> -> memref<1x80x64xf32, #tpu.memory_space<vmem>>
    %dma_wait3A_77 = tpu.memref_squeeze %dma_wait3A_76 : memref<1x80x64xf32, #tpu.memory_space<vmem>> -> memref<80x64xf32, #tpu.memory_space<vmem>>
    %dma_wait3A_78 = arith.constant 0 : i32
    %dma_wait3A_79 = tpu.memref_slice %arg8[%dma_wait3A_72, %dma_wait3A_78] : memref<125x80xi32, #tpu.memory_space<vmem>> -> memref<1x80xi32, #tpu.memory_space<vmem>>
    %dma_wait3A_80 = tpu.memref_squeeze %dma_wait3A_79 : memref<1x80xi32, #tpu.memory_space<vmem>> -> memref<80xi32, #tpu.memory_space<vmem>>
    %dma_wait3A_81 = arith.constant 0 : i32
    %dma_wait3A_82 = arith.constant 0 : i32
    %dma_wait3A_83 = tpu.memref_slice %arg10[%dma_wait3A_81, %dma_wait3A_82] : memref<10000x64xf32, #tpu.memory_space<vmem_shared>> -> memref<10000x64xf32, #tpu.memory_space<vmem_shared>>
    %dma_wait3A_84 = tpu.memref_slice %arg12[%dma_wait3A_73] : memref<5x!tpu.dma_semaphore, #tpu.memory_space<semaphore_mem>> -> memref<1x!tpu.dma_semaphore, #tpu.memory_space<semaphore_mem>>
    %dma_wait3A_85 = tpu.memref_squeeze %dma_wait3A_84 : memref<1x!tpu.dma_semaphore, #tpu.memory_space<semaphore_mem>> -> memref<!tpu.dma_semaphore, #tpu.memory_space<semaphore_mem>>
    tpu.wait_indirect_dma semaphore(%dma_wait3A_85 : memref<!tpu.dma_semaphore, #tpu.memory_space<semaphore_mem>>) src(%dma_wait3A_77 : memref<80x64xf32, #tpu.memory_space<vmem>>) dst(%dma_wait3A_83 : memref<10000x64xf32, #tpu.memory_space<vmem_shared>>)
    %barrier3A_86 = arith.constant 0 : index
    tpu.barrier barrier_id(%barrier3A_86)
    %lt3A_87 = arith.constant 15 : i32
    %lt3A_88 = arith.cmpi slt, %arg1, %lt3A_87 : i32
    %convert_element_type3A_89 = arith.extui %lt3A_88 : i1 to i32
    %cond3A_90 = arith.constant 0 : i32
    %cond3A_91 = arith.cmpi ne, %convert_element_type3A_89, %cond3A_90 : i32
    scf.if %cond3A_91 {
      "tpu.region"() ({
        %run_scoped3A = tpu.sem_alloc : memref<!tpu.dma_semaphore, #tpu.memory_space<semaphore_mem>>
        %dma_start3A = arith.constant 0 : i32
        %dma_start3A_97 = arith.constant 0 : i32
        %dma_start3A_98 = tpu.memref_slice %arg6[%arg0, %dma_start3A, %dma_start3A_97] : memref<2x10000x64xf32, #tpu.memory_space<hbm>> -> memref<1x10000x64xf32, #tpu.memory_space<hbm>>
        %dma_start3A_99 = tpu.memref_squeeze %dma_start3A_98 : memref<1x10000x64xf32, #tpu.memory_space<hbm>> -> memref<10000x64xf32, #tpu.memory_space<hbm>>
        %dma_start3A_100 = arith.constant 0 : i32
        %dma_start3A_101 = tpu.memref_slice %dma_start3A_99[%mul3A_0, %dma_start3A_100] : memref<10000x64xf32, #tpu.memory_space<hbm>> -> memref<632x64xf32, #tpu.memory_space<hbm>>
        %dma_start3A_102 = arith.constant 0 : i32
        %dma_start3A_103 = tpu.memref_slice %arg10[%mul3A_0, %dma_start3A_102] : memref<10000x64xf32, #tpu.memory_space<vmem_shared>> -> memref<632x64xf32, #tpu.memory_space<vmem_shared>>
        tpu.enqueue_dma source(%dma_start3A_103 : memref<632x64xf32, #tpu.memory_space<vmem_shared>>) target(%dma_start3A_101 : memref<632x64xf32, #tpu.memory_space<hbm>>) target_semaphore(%run_scoped3A : memref<!tpu.dma_semaphore, #tpu.memory_space<semaphore_mem>>)
        %dma_wait3A_104 = arith.constant 0 : i32
        %dma_wait3A_105 = arith.constant 0 : i32
        %dma_wait3A_106 = tpu.memref_slice %arg6[%arg0, %dma_wait3A_104, %dma_wait3A_105] : memref<2x10000x64xf32, #tpu.memory_space<hbm>> -> memref<1x10000x64xf32, #tpu.memory_space<hbm>>
        %dma_wait3A_107 = tpu.memref_squeeze %dma_wait3A_106 : memref<1x10000x64xf32, #tpu.memory_space<hbm>> -> memref<10000x64xf32, #tpu.memory_space<hbm>>
        %dma_wait3A_108 = arith.constant 0 : i32
        %dma_wait3A_109 = tpu.memref_slice %dma_wait3A_107[%mul3A_0, %dma_wait3A_108] : memref<10000x64xf32, #tpu.memory_space<hbm>> -> memref<632x64xf32, #tpu.memory_space<hbm>>
        %dma_wait3A_110 = arith.constant 0 : i32
        %dma_wait3A_111 = tpu.memref_slice %arg10[%mul3A_0, %dma_wait3A_110] : memref<10000x64xf32, #tpu.memory_space<vmem_shared>> -> memref<632x64xf32, #tpu.memory_space<vmem_shared>>
        tpu.wait_dma2 semaphore(%run_scoped3A : memref<!tpu.dma_semaphore, #tpu.memory_space<semaphore_mem>>) src(%dma_wait3A_111 : memref<632x64xf32, #tpu.memory_space<vmem_shared>>) dst(%dma_wait3A_109 : memref<632x64xf32, #tpu.memory_space<hbm>>)
        tpu.yield
      }) : () -> ()
    } else {
    }
    %eq3A_92 = arith.constant 15 : i32
    %eq3A_93 = arith.cmpi eq, %arg1, %eq3A_92 : i32
    %convert_element_type3A_94 = arith.extui %eq3A_93 : i1 to i32
    %cond3A_95 = arith.constant 0 : i32
    %cond3A_96 = arith.cmpi ne, %convert_element_type3A_94, %cond3A_95 : i32
    scf.if %cond3A_96 {
      "tpu.region"() ({
        %run_scoped3A = tpu.sem_alloc : memref<!tpu.dma_semaphore, #tpu.memory_space<semaphore_mem>>
        %dma_start3A = arith.constant 0 : i32
        %dma_start3A_97 = arith.constant 0 : i32
        %dma_start3A_98 = tpu.memref_slice %arg6[%arg0, %dma_start3A, %dma_start3A_97] : memref<2x10000x64xf32, #tpu.memory_space<hbm>> -> memref<1x10000x64xf32, #tpu.memory_space<hbm>>
        %dma_start3A_99 = tpu.memref_squeeze %dma_start3A_98 : memref<1x10000x64xf32, #tpu.memory_space<hbm>> -> memref<10000x64xf32, #tpu.memory_space<hbm>>
        %dma_start3A_100 = arith.constant 9480 : i32
        %dma_start3A_101 = arith.constant 0 : i32
        %dma_start3A_102 = tpu.memref_slice %dma_start3A_99[%dma_start3A_100, %dma_start3A_101] : memref<10000x64xf32, #tpu.memory_space<hbm>> -> memref<520x64xf32, #tpu.memory_space<hbm>>
        %dma_start3A_103 = arith.constant 9480 : i32
        %dma_start3A_104 = arith.constant 0 : i32
        %dma_start3A_105 = tpu.memref_slice %arg10[%dma_start3A_103, %dma_start3A_104] : memref<10000x64xf32, #tpu.memory_space<vmem_shared>> -> memref<520x64xf32, #tpu.memory_space<vmem_shared>>
        tpu.enqueue_dma source(%dma_start3A_105 : memref<520x64xf32, #tpu.memory_space<vmem_shared>>) target(%dma_start3A_102 : memref<520x64xf32, #tpu.memory_space<hbm>>) target_semaphore(%run_scoped3A : memref<!tpu.dma_semaphore, #tpu.memory_space<semaphore_mem>>)
        %dma_wait3A_106 = arith.constant 0 : i32
        %dma_wait3A_107 = arith.constant 0 : i32
        %dma_wait3A_108 = tpu.memref_slice %arg6[%arg0, %dma_wait3A_106, %dma_wait3A_107] : memref<2x10000x64xf32, #tpu.memory_space<hbm>> -> memref<1x10000x64xf32, #tpu.memory_space<hbm>>
        %dma_wait3A_109 = tpu.memref_squeeze %dma_wait3A_108 : memref<1x10000x64xf32, #tpu.memory_space<hbm>> -> memref<10000x64xf32, #tpu.memory_space<hbm>>
        %dma_wait3A_110 = arith.constant 9480 : i32
        %dma_wait3A_111 = arith.constant 0 : i32
        %dma_wait3A_112 = tpu.memref_slice %dma_wait3A_109[%dma_wait3A_110, %dma_wait3A_111] : memref<10000x64xf32, #tpu.memory_space<hbm>> -> memref<520x64xf32, #tpu.memory_space<hbm>>
        %dma_wait3A_113 = arith.constant 9480 : i32
        %dma_wait3A_114 = arith.constant 0 : i32
        %dma_wait3A_115 = tpu.memref_slice %arg10[%dma_wait3A_113, %dma_wait3A_114] : memref<10000x64xf32, #tpu.memory_space<vmem_shared>> -> memref<520x64xf32, #tpu.memory_space<vmem_shared>>
        tpu.wait_dma2 semaphore(%run_scoped3A : memref<!tpu.dma_semaphore, #tpu.memory_space<semaphore_mem>>) src(%dma_wait3A_115 : memref<520x64xf32, #tpu.memory_space<vmem_shared>>) dst(%dma_wait3A_112 : memref<520x64xf32, #tpu.memory_space<hbm>>)
        tpu.yield
      }) : () -> ()
    } else {
    }
    return
  }
}

#map = affine_map<(d0, d1) -> (0, 0)>
#map1 = affine_map<(d0, d1) -> (0, 0, 0, 0)>
#map2 = affine_map<(d0, d1) -> (0, 0, 0)>
module attributes {stable_mosaic.version = 14 : i64} {
  func.func @_agg_body(%arg0: i32, %arg1: i32, %arg2: memref<10000x64xf32, #tpu.memory_space<hbm>>, %arg3: memref<2x16x125x80xi32, #tpu.memory_space<hbm>>, %arg4: memref<2x16x125x80xi32, #tpu.memory_space<hbm>>, %arg5: memref<632x64xf32, #tpu.memory_space<hbm>>, %arg6: memref<2x10000x64xf32, #tpu.memory_space<hbm>>, %arg7: memref<125x80xi32, #tpu.memory_space<vmem>>, %arg8: memref<125x80xi32, #tpu.memory_space<vmem>>, %arg9: memref<5x80x64xf32, #tpu.memory_space<vmem>>, %arg10: memref<10000x64xf32, #tpu.memory_space<vmem_shared>>, %arg11: memref<5x!tpu.dma_semaphore, #tpu.memory_space<semaphore_mem>>, %arg12: memref<5x!tpu.dma_semaphore, #tpu.memory_space<semaphore_mem>>) attributes {dimension_semantics = [#tpu.dimension_semantics<core_parallel>, #tpu.dimension_semantics<subcore_parallel>], iteration_bounds = array<i64: 2, 16>, scalar_prefetch = 0 : i64, scratch_operands = 6 : i64, tpu.core_type = #tpu.core_type<sc_vector_subcore>, window_params = [{transform_indices = #map}, {transform_indices = #map1}, {transform_indices = #map1}, {transform_indices = #map}, {transform_indices = #map2}]} {
    %mul3A = arith.constant 632 : i32
    %mul3A_0 = arith.muli %arg1, %mul3A : i32
    "tpu.region"() ({
      %run_scoped3A = tpu.sem_alloc : memref<!tpu.dma_semaphore, #tpu.memory_space<semaphore_mem>>
      %dma_start3A = arith.constant 0 : i32
      %dma_start3A_97 = arith.constant 0 : i32
      %dma_start3A_98 = arith.constant 0 : i32
      %dma_start3A_99 = tpu.memref_slice %arg3[%arg0, %dma_start3A, %dma_start3A_97, %dma_start3A_98] : memref<2x16x125x80xi32, #tpu.memory_space<hbm>> -> memref<1x16x125x80xi32, #tpu.memory_space<hbm>>
      %dma_start3A_100 = tpu.memref_squeeze %dma_start3A_99 : memref<1x16x125x80xi32, #tpu.memory_space<hbm>> -> memref<16x125x80xi32, #tpu.memory_space<hbm>>
      %dma_start3A_101 = arith.constant 0 : i32
      %dma_start3A_102 = arith.constant 0 : i32
      %dma_start3A_103 = tpu.memref_slice %dma_start3A_100[%arg1, %dma_start3A_101, %dma_start3A_102] : memref<16x125x80xi32, #tpu.memory_space<hbm>> -> memref<1x125x80xi32, #tpu.memory_space<hbm>>
      %dma_start3A_104 = tpu.memref_squeeze %dma_start3A_103 : memref<1x125x80xi32, #tpu.memory_space<hbm>> -> memref<125x80xi32, #tpu.memory_space<hbm>>
      %dma_start3A_105 = arith.constant 0 : i32
      %dma_start3A_106 = arith.constant 0 : i32
      %dma_start3A_107 = arith.constant 0 : i32
      %dma_start3A_108 = tpu.memref_slice %arg3[%arg0, %dma_start3A_105, %dma_start3A_106, %dma_start3A_107] : memref<2x16x125x80xi32, #tpu.memory_space<hbm>> -> memref<1x16x125x80xi32, #tpu.memory_space<hbm>>
      %dma_start3A_109 = tpu.memref_squeeze %dma_start3A_108 : memref<1x16x125x80xi32, #tpu.memory_space<hbm>> -> memref<16x125x80xi32, #tpu.memory_space<hbm>>
      %dma_start3A_110 = arith.constant 0 : i32
      %dma_start3A_111 = arith.constant 0 : i32
      %dma_start3A_112 = tpu.memref_slice %dma_start3A_109[%arg1, %dma_start3A_110, %dma_start3A_111] : memref<16x125x80xi32, #tpu.memory_space<hbm>> -> memref<1x125x80xi32, #tpu.memory_space<hbm>>
      %dma_start3A_113 = tpu.memref_squeeze %dma_start3A_112 : memref<1x125x80xi32, #tpu.memory_space<hbm>> -> memref<125x80xi32, #tpu.memory_space<hbm>>
      tpu.enqueue_dma source(%dma_start3A_113 : memref<125x80xi32, #tpu.memory_space<hbm>>) target(%arg7 : memref<125x80xi32, #tpu.memory_space<vmem>>) target_semaphore(%run_scoped3A : memref<!tpu.dma_semaphore, #tpu.memory_space<semaphore_mem>>)
      %dma_wait3A_114 = arith.constant 0 : i32
      %dma_wait3A_115 = arith.constant 0 : i32
      %dma_wait3A_116 = arith.constant 0 : i32
      %dma_wait3A_117 = tpu.memref_slice %arg3[%arg0, %dma_wait3A_114, %dma_wait3A_115, %dma_wait3A_116] : memref<2x16x125x80xi32, #tpu.memory_space<hbm>> -> memref<1x16x125x80xi32, #tpu.memory_space<hbm>>
      %dma_wait3A_118 = tpu.memref_squeeze %dma_wait3A_117 : memref<1x16x125x80xi32, #tpu.memory_space<hbm>> -> memref<16x125x80xi32, #tpu.memory_space<hbm>>
      %dma_wait3A_119 = arith.constant 0 : i32
      %dma_wait3A_120 = arith.constant 0 : i32
      %dma_wait3A_121 = tpu.memref_slice %dma_wait3A_118[%arg1, %dma_wait3A_119, %dma_wait3A_120] : memref<16x125x80xi32, #tpu.memory_space<hbm>> -> memref<1x125x80xi32, #tpu.memory_space<hbm>>
      %dma_wait3A_122 = tpu.memref_squeeze %dma_wait3A_121 : memref<1x125x80xi32, #tpu.memory_space<hbm>> -> memref<125x80xi32, #tpu.memory_space<hbm>>
      %dma_wait3A_123 = arith.constant 0 : i32
      %dma_wait3A_124 = arith.constant 0 : i32
      %dma_wait3A_125 = arith.constant 0 : i32
      %dma_wait3A_126 = tpu.memref_slice %arg3[%arg0, %dma_wait3A_123, %dma_wait3A_124, %dma_wait3A_125] : memref<2x16x125x80xi32, #tpu.memory_space<hbm>> -> memref<1x16x125x80xi32, #tpu.memory_space<hbm>>
      %dma_wait3A_127 = tpu.memref_squeeze %dma_wait3A_126 : memref<1x16x125x80xi32, #tpu.memory_space<hbm>> -> memref<16x125x80xi32, #tpu.memory_space<hbm>>
      %dma_wait3A_128 = arith.constant 0 : i32
      %dma_wait3A_129 = arith.constant 0 : i32
      %dma_wait3A_130 = tpu.memref_slice %dma_wait3A_127[%arg1, %dma_wait3A_128, %dma_wait3A_129] : memref<16x125x80xi32, #tpu.memory_space<hbm>> -> memref<1x125x80xi32, #tpu.memory_space<hbm>>
      %dma_wait3A_131 = tpu.memref_squeeze %dma_wait3A_130 : memref<1x125x80xi32, #tpu.memory_space<hbm>> -> memref<125x80xi32, #tpu.memory_space<hbm>>
      tpu.wait_dma2 semaphore(%run_scoped3A : memref<!tpu.dma_semaphore, #tpu.memory_space<semaphore_mem>>) src(%dma_wait3A_131 : memref<125x80xi32, #tpu.memory_space<hbm>>) dst(%arg7 : memref<125x80xi32, #tpu.memory_space<vmem>>)
      tpu.yield
    }) : () -> ()
    "tpu.region"() ({
      %run_scoped3A = tpu.sem_alloc : memref<!tpu.dma_semaphore, #tpu.memory_space<semaphore_mem>>
      %dma_start3A = arith.constant 0 : i32
      %dma_start3A_97 = arith.constant 0 : i32
      %dma_start3A_98 = arith.constant 0 : i32
      %dma_start3A_99 = tpu.memref_slice %arg4[%arg0, %dma_start3A, %dma_start3A_97, %dma_start3A_98] : memref<2x16x125x80xi32, #tpu.memory_space<hbm>> -> memref<1x16x125x80xi32, #tpu.memory_space<hbm>>
      %dma_start3A_100 = tpu.memref_squeeze %dma_start3A_99 : memref<1x16x125x80xi32, #tpu.memory_space<hbm>> -> memref<16x125x80xi32, #tpu.memory_space<hbm>>
      %dma_start3A_101 = arith.constant 0 : i32
      %dma_start3A_102 = arith.constant 0 : i32
      %dma_start3A_103 = tpu.memref_slice %dma_start3A_100[%arg1, %dma_start3A_101, %dma_start3A_102] : memref<16x125x80xi32, #tpu.memory_space<hbm>> -> memref<1x125x80xi32, #tpu.memory_space<hbm>>
      %dma_start3A_104 = tpu.memref_squeeze %dma_start3A_103 : memref<1x125x80xi32, #tpu.memory_space<hbm>> -> memref<125x80xi32, #tpu.memory_space<hbm>>
      %dma_start3A_105 = arith.constant 0 : i32
      %dma_start3A_106 = arith.constant 0 : i32
      %dma_start3A_107 = arith.constant 0 : i32
      %dma_start3A_108 = tpu.memref_slice %arg4[%arg0, %dma_start3A_105, %dma_start3A_106, %dma_start3A_107] : memref<2x16x125x80xi32, #tpu.memory_space<hbm>> -> memref<1x16x125x80xi32, #tpu.memory_space<hbm>>
      %dma_start3A_109 = tpu.memref_squeeze %dma_start3A_108 : memref<1x16x125x80xi32, #tpu.memory_space<hbm>> -> memref<16x125x80xi32, #tpu.memory_space<hbm>>
      %dma_start3A_110 = arith.constant 0 : i32
      %dma_start3A_111 = arith.constant 0 : i32
      %dma_start3A_112 = tpu.memref_slice %dma_start3A_109[%arg1, %dma_start3A_110, %dma_start3A_111] : memref<16x125x80xi32, #tpu.memory_space<hbm>> -> memref<1x125x80xi32, #tpu.memory_space<hbm>>
      %dma_start3A_113 = tpu.memref_squeeze %dma_start3A_112 : memref<1x125x80xi32, #tpu.memory_space<hbm>> -> memref<125x80xi32, #tpu.memory_space<hbm>>
      tpu.enqueue_dma source(%dma_start3A_113 : memref<125x80xi32, #tpu.memory_space<hbm>>) target(%arg8 : memref<125x80xi32, #tpu.memory_space<vmem>>) target_semaphore(%run_scoped3A : memref<!tpu.dma_semaphore, #tpu.memory_space<semaphore_mem>>)
      %dma_wait3A_114 = arith.constant 0 : i32
      %dma_wait3A_115 = arith.constant 0 : i32
      %dma_wait3A_116 = arith.constant 0 : i32
      %dma_wait3A_117 = tpu.memref_slice %arg4[%arg0, %dma_wait3A_114, %dma_wait3A_115, %dma_wait3A_116] : memref<2x16x125x80xi32, #tpu.memory_space<hbm>> -> memref<1x16x125x80xi32, #tpu.memory_space<hbm>>
      %dma_wait3A_118 = tpu.memref_squeeze %dma_wait3A_117 : memref<1x16x125x80xi32, #tpu.memory_space<hbm>> -> memref<16x125x80xi32, #tpu.memory_space<hbm>>
      %dma_wait3A_119 = arith.constant 0 : i32
      %dma_wait3A_120 = arith.constant 0 : i32
      %dma_wait3A_121 = tpu.memref_slice %dma_wait3A_118[%arg1, %dma_wait3A_119, %dma_wait3A_120] : memref<16x125x80xi32, #tpu.memory_space<hbm>> -> memref<1x125x80xi32, #tpu.memory_space<hbm>>
      %dma_wait3A_122 = tpu.memref_squeeze %dma_wait3A_121 : memref<1x125x80xi32, #tpu.memory_space<hbm>> -> memref<125x80xi32, #tpu.memory_space<hbm>>
      %dma_wait3A_123 = arith.constant 0 : i32
      %dma_wait3A_124 = arith.constant 0 : i32
      %dma_wait3A_125 = arith.constant 0 : i32
      %dma_wait3A_126 = tpu.memref_slice %arg4[%arg0, %dma_wait3A_123, %dma_wait3A_124, %dma_wait3A_125] : memref<2x16x125x80xi32, #tpu.memory_space<hbm>> -> memref<1x16x125x80xi32, #tpu.memory_space<hbm>>
      %dma_wait3A_127 = tpu.memref_squeeze %dma_wait3A_126 : memref<1x16x125x80xi32, #tpu.memory_space<hbm>> -> memref<16x125x80xi32, #tpu.memory_space<hbm>>
      %dma_wait3A_128 = arith.constant 0 : i32
      %dma_wait3A_129 = arith.constant 0 : i32
      %dma_wait3A_130 = tpu.memref_slice %dma_wait3A_127[%arg1, %dma_wait3A_128, %dma_wait3A_129] : memref<16x125x80xi32, #tpu.memory_space<hbm>> -> memref<1x125x80xi32, #tpu.memory_space<hbm>>
      %dma_wait3A_131 = tpu.memref_squeeze %dma_wait3A_130 : memref<1x125x80xi32, #tpu.memory_space<hbm>> -> memref<125x80xi32, #tpu.memory_space<hbm>>
      tpu.wait_dma2 semaphore(%run_scoped3A : memref<!tpu.dma_semaphore, #tpu.memory_space<semaphore_mem>>) src(%dma_wait3A_131 : memref<125x80xi32, #tpu.memory_space<hbm>>) dst(%arg8 : memref<125x80xi32, #tpu.memory_space<vmem>>)
      tpu.yield
    }) : () -> ()
    %lt3A = arith.constant 15 : i32
    %lt3A_1 = arith.cmpi slt, %arg1, %lt3A : i32
    %convert_element_type3A = arith.extui %lt3A_1 : i1 to i32
    %cond3A = arith.constant 0 : i32
    %cond3A_2 = arith.cmpi ne, %convert_element_type3A, %cond3A : i32
    scf.if %cond3A_2 {
      "tpu.region"() ({
        %run_scoped3A = tpu.sem_alloc : memref<!tpu.dma_semaphore, #tpu.memory_space<semaphore_mem>>
        %dma_start3A = arith.constant 0 : i32
        %dma_start3A_97 = tpu.memref_slice %arg10[%mul3A_0, %dma_start3A] : memref<10000x64xf32, #tpu.memory_space<vmem_shared>> -> memref<632x64xf32, #tpu.memory_space<vmem_shared>>
        tpu.enqueue_dma source(%arg5 : memref<632x64xf32, #tpu.memory_space<hbm>>) target(%dma_start3A_97 : memref<632x64xf32, #tpu.memory_space<vmem_shared>>) target_semaphore(%run_scoped3A : memref<!tpu.dma_semaphore, #tpu.memory_space<semaphore_mem>>)
        %dma_wait3A_98 = arith.constant 0 : i32
        %dma_wait3A_99 = tpu.memref_slice %arg10[%mul3A_0, %dma_wait3A_98] : memref<10000x64xf32, #tpu.memory_space<vmem_shared>> -> memref<632x64xf32, #tpu.memory_space<vmem_shared>>
        tpu.wait_dma2 semaphore(%run_scoped3A : memref<!tpu.dma_semaphore, #tpu.memory_space<semaphore_mem>>) src(%arg5 : memref<632x64xf32, #tpu.memory_space<hbm>>) dst(%dma_wait3A_99 : memref<632x64xf32, #tpu.memory_space<vmem_shared>>)
        tpu.yield
      }) : () -> ()
    } else {
    }
    %eq3A = arith.constant 15 : i32
    %eq3A_3 = arith.cmpi eq, %arg1, %eq3A : i32
    %convert_element_type3A_4 = arith.extui %eq3A_3 : i1 to i32
    %cond3A_5 = arith.constant 0 : i32
    %cond3A_6 = arith.cmpi ne, %convert_element_type3A_4, %cond3A_5 : i32
    scf.if %cond3A_6 {
      "tpu.region"() ({
        %run_scoped3A = tpu.sem_alloc : memref<!tpu.dma_semaphore, #tpu.memory_space<semaphore_mem>>
        %dma_start3A = arith.constant 9480 : i32
        %dma_start3A_97 = arith.constant 0 : i32
        %dma_start3A_98 = tpu.memref_slice %arg10[%dma_start3A, %dma_start3A_97] : memref<10000x64xf32, #tpu.memory_space<vmem_shared>> -> memref<520x64xf32, #tpu.memory_space<vmem_shared>>
        %dma_start3A_99 = arith.constant 0 : i32
        %dma_start3A_100 = arith.constant 0 : i32
        %dma_start3A_101 = tpu.memref_slice %arg5[%dma_start3A_99, %dma_start3A_100] : memref<632x64xf32, #tpu.memory_space<hbm>> -> memref<520x64xf32, #tpu.memory_space<hbm>>
        tpu.enqueue_dma source(%dma_start3A_101 : memref<520x64xf32, #tpu.memory_space<hbm>>) target(%dma_start3A_98 : memref<520x64xf32, #tpu.memory_space<vmem_shared>>) target_semaphore(%run_scoped3A : memref<!tpu.dma_semaphore, #tpu.memory_space<semaphore_mem>>)
        %dma_wait3A_102 = arith.constant 9480 : i32
        %dma_wait3A_103 = arith.constant 0 : i32
        %dma_wait3A_104 = tpu.memref_slice %arg10[%dma_wait3A_102, %dma_wait3A_103] : memref<10000x64xf32, #tpu.memory_space<vmem_shared>> -> memref<520x64xf32, #tpu.memory_space<vmem_shared>>
        %dma_wait3A_105 = arith.constant 0 : i32
        %dma_wait3A_106 = arith.constant 0 : i32
        %dma_wait3A_107 = tpu.memref_slice %arg5[%dma_wait3A_105, %dma_wait3A_106] : memref<632x64xf32, #tpu.memory_space<hbm>> -> memref<520x64xf32, #tpu.memory_space<hbm>>
        tpu.wait_dma2 semaphore(%run_scoped3A : memref<!tpu.dma_semaphore, #tpu.memory_space<semaphore_mem>>) src(%dma_wait3A_107 : memref<520x64xf32, #tpu.memory_space<hbm>>) dst(%dma_wait3A_104 : memref<520x64xf32, #tpu.memory_space<vmem_shared>>)
        tpu.yield
      }) : () -> ()
    } else {
    }
    %barrier3A = arith.constant 0 : index
    tpu.barrier barrier_id(%barrier3A)
    %scan3A = arith.constant 0 : i32
    %scan3A_7 = arith.constant 0 : i32
    %scan3A_8 = arith.constant 25 : i32
    %scan3A_9 = arith.addi %scan3A_7, %scan3A_8 : i32
    %scan3A_10 = arith.constant 1 : i32
    scf.for %scan3A_97 = %scan3A_7 to %scan3A_9 step %scan3A_10  : i32 {
      %mul3A_98 = arith.constant 5 : i32
      %mul3A_99 = arith.muli %scan3A_97, %mul3A_98 : i32
      %add3A = arith.constant 0 : i32
      %add3A_100 = arith.addi %mul3A_99, %add3A : i32
      %gt3A = arith.constant 0 : i32
      %gt3A_101 = arith.cmpi sgt, %scan3A_97, %gt3A : i32
      %convert_element_type3A_102 = arith.extui %gt3A_101 : i1 to i32
      %cond3A_103 = arith.constant 0 : i32
      %cond3A_104 = arith.cmpi ne, %convert_element_type3A_102, %cond3A_103 : i32
      scf.if %cond3A_104 {
        %sub3A = arith.constant 5 : i32
        %sub3A_370 = arith.subi %add3A_100, %sub3A : i32
        %dma_wait3A_371 = arith.constant 0 : i32
        %dma_wait3A_372 = arith.constant 0 : i32
        %dma_wait3A_373 = arith.constant 0 : i32
        %dma_wait3A_374 = arith.constant 0 : i32
        %dma_wait3A_375 = tpu.memref_slice %arg9[%dma_wait3A_371, %dma_wait3A_373, %dma_wait3A_374] : memref<5x80x64xf32, #tpu.memory_space<vmem>> -> memref<1x80x64xf32, #tpu.memory_space<vmem>>
        %dma_wait3A_376 = tpu.memref_squeeze %dma_wait3A_375 : memref<1x80x64xf32, #tpu.memory_space<vmem>> -> memref<80x64xf32, #tpu.memory_space<vmem>>
        %dma_wait3A_377 = arith.constant 0 : i32
        %dma_wait3A_378 = tpu.memref_slice %arg8[%sub3A_370, %dma_wait3A_377] : memref<125x80xi32, #tpu.memory_space<vmem>> -> memref<1x80xi32, #tpu.memory_space<vmem>>
        %dma_wait3A_379 = tpu.memref_squeeze %dma_wait3A_378 : memref<1x80xi32, #tpu.memory_space<vmem>> -> memref<80xi32, #tpu.memory_space<vmem>>
        %dma_wait3A_380 = arith.constant 0 : i32
        %dma_wait3A_381 = arith.constant 0 : i32
        %dma_wait3A_382 = tpu.memref_slice %arg10[%dma_wait3A_380, %dma_wait3A_381] : memref<10000x64xf32, #tpu.memory_space<vmem_shared>> -> memref<10000x64xf32, #tpu.memory_space<vmem_shared>>
        %dma_wait3A_383 = tpu.memref_slice %arg12[%dma_wait3A_372] : memref<5x!tpu.dma_semaphore, #tpu.memory_space<semaphore_mem>> -> memref<1x!tpu.dma_semaphore, #tpu.memory_space<semaphore_mem>>
        %dma_wait3A_384 = tpu.memref_squeeze %dma_wait3A_383 : memref<1x!tpu.dma_semaphore, #tpu.memory_space<semaphore_mem>> -> memref<!tpu.dma_semaphore, #tpu.memory_space<semaphore_mem>>
        tpu.wait_indirect_dma semaphore(%dma_wait3A_384 : memref<!tpu.dma_semaphore, #tpu.memory_space<semaphore_mem>>) src(%dma_wait3A_376 : memref<80x64xf32, #tpu.memory_space<vmem>>) dst(%dma_wait3A_382 : memref<10000x64xf32, #tpu.memory_space<vmem_shared>>)
      } else {
      }
      %dma_start3A = arith.constant 0 : i32
      %dma_start3A_105 = arith.constant 0 : i32
      %dma_start3A_106 = arith.constant 0 : i32
      %dma_start3A_107 = arith.constant 0 : i32
      %dma_start3A_108 = tpu.memref_slice %arg9[%dma_start3A, %dma_start3A_106, %dma_start3A_107] : memref<5x80x64xf32, #tpu.memory_space<vmem>> -> memref<1x80x64xf32, #tpu.memory_space<vmem>>
      %dma_start3A_109 = tpu.memref_squeeze %dma_start3A_108 : memref<1x80x64xf32, #tpu.memory_space<vmem>> -> memref<80x64xf32, #tpu.memory_space<vmem>>
      %dma_start3A_110 = arith.constant 0 : i32
      %dma_start3A_111 = tpu.memref_slice %arg7[%add3A_100, %dma_start3A_110] : memref<125x80xi32, #tpu.memory_space<vmem>> -> memref<1x80xi32, #tpu.memory_space<vmem>>
      %dma_start3A_112 = tpu.memref_squeeze %dma_start3A_111 : memref<1x80xi32, #tpu.memory_space<vmem>> -> memref<80xi32, #tpu.memory_space<vmem>>
      %dma_start3A_113 = arith.constant 0 : i32
      %dma_start3A_114 = arith.constant 0 : i32
      %dma_start3A_115 = tpu.memref_slice %arg2[%dma_start3A_113, %dma_start3A_114] : memref<10000x64xf32, #tpu.memory_space<hbm>> -> memref<10000x64xf32, #tpu.memory_space<hbm>>
      %dma_start3A_116 = tpu.memref_slice %arg11[%dma_start3A_105] : memref<5x!tpu.dma_semaphore, #tpu.memory_space<semaphore_mem>> -> memref<1x!tpu.dma_semaphore, #tpu.memory_space<semaphore_mem>>
      %dma_start3A_117 = tpu.memref_squeeze %dma_start3A_116 : memref<1x!tpu.dma_semaphore, #tpu.memory_space<semaphore_mem>> -> memref<!tpu.dma_semaphore, #tpu.memory_space<semaphore_mem>>
      tpu.enqueue_indirect_dma source(%dma_start3A_115 : memref<10000x64xf32, #tpu.memory_space<hbm>>) target(%dma_start3A_109 : memref<80x64xf32, #tpu.memory_space<vmem>>) offsets(%dma_start3A_112 : memref<80xi32, #tpu.memory_space<vmem>>) semaphore(%dma_start3A_117 : memref<!tpu.dma_semaphore, #tpu.memory_space<semaphore_mem>>)
      %mul3A_118 = arith.constant 5 : i32
      %mul3A_119 = arith.muli %scan3A_97, %mul3A_118 : i32
      %add3A_120 = arith.constant 1 : i32
      %add3A_121 = arith.addi %mul3A_119, %add3A_120 : i32
      %gt3A_122 = arith.constant 0 : i32
      %gt3A_123 = arith.cmpi sgt, %scan3A_97, %gt3A_122 : i32
      %convert_element_type3A_124 = arith.extui %gt3A_123 : i1 to i32
      %cond3A_125 = arith.constant 0 : i32
      %cond3A_126 = arith.cmpi ne, %convert_element_type3A_124, %cond3A_125 : i32
      scf.if %cond3A_126 {
        %sub3A = arith.constant 5 : i32
        %sub3A_370 = arith.subi %add3A_121, %sub3A : i32
        %dma_wait3A_371 = arith.constant 1 : i32
        %dma_wait3A_372 = arith.constant 1 : i32
        %dma_wait3A_373 = arith.constant 0 : i32
        %dma_wait3A_374 = arith.constant 0 : i32
        %dma_wait3A_375 = tpu.memref_slice %arg9[%dma_wait3A_371, %dma_wait3A_373, %dma_wait3A_374] : memref<5x80x64xf32, #tpu.memory_space<vmem>> -> memref<1x80x64xf32, #tpu.memory_space<vmem>>
        %dma_wait3A_376 = tpu.memref_squeeze %dma_wait3A_375 : memref<1x80x64xf32, #tpu.memory_space<vmem>> -> memref<80x64xf32, #tpu.memory_space<vmem>>
        %dma_wait3A_377 = arith.constant 0 : i32
        %dma_wait3A_378 = tpu.memref_slice %arg8[%sub3A_370, %dma_wait3A_377] : memref<125x80xi32, #tpu.memory_space<vmem>> -> memref<1x80xi32, #tpu.memory_space<vmem>>
        %dma_wait3A_379 = tpu.memref_squeeze %dma_wait3A_378 : memref<1x80xi32, #tpu.memory_space<vmem>> -> memref<80xi32, #tpu.memory_space<vmem>>
        %dma_wait3A_380 = arith.constant 0 : i32
        %dma_wait3A_381 = arith.constant 0 : i32
        %dma_wait3A_382 = tpu.memref_slice %arg10[%dma_wait3A_380, %dma_wait3A_381] : memref<10000x64xf32, #tpu.memory_space<vmem_shared>> -> memref<10000x64xf32, #tpu.memory_space<vmem_shared>>
        %dma_wait3A_383 = tpu.memref_slice %arg12[%dma_wait3A_372] : memref<5x!tpu.dma_semaphore, #tpu.memory_space<semaphore_mem>> -> memref<1x!tpu.dma_semaphore, #tpu.memory_space<semaphore_mem>>
        %dma_wait3A_384 = tpu.memref_squeeze %dma_wait3A_383 : memref<1x!tpu.dma_semaphore, #tpu.memory_space<semaphore_mem>> -> memref<!tpu.dma_semaphore, #tpu.memory_space<semaphore_mem>>
        tpu.wait_indirect_dma semaphore(%dma_wait3A_384 : memref<!tpu.dma_semaphore, #tpu.memory_space<semaphore_mem>>) src(%dma_wait3A_376 : memref<80x64xf32, #tpu.memory_space<vmem>>) dst(%dma_wait3A_382 : memref<10000x64xf32, #tpu.memory_space<vmem_shared>>)
      } else {
      }
      %dma_start3A_127 = arith.constant 1 : i32
      %dma_start3A_128 = arith.constant 1 : i32
      %dma_start3A_129 = arith.constant 0 : i32
      %dma_start3A_130 = arith.constant 0 : i32
      %dma_start3A_131 = tpu.memref_slice %arg9[%dma_start3A_127, %dma_start3A_129, %dma_start3A_130] : memref<5x80x64xf32, #tpu.memory_space<vmem>> -> memref<1x80x64xf32, #tpu.memory_space<vmem>>
      %dma_start3A_132 = tpu.memref_squeeze %dma_start3A_131 : memref<1x80x64xf32, #tpu.memory_space<vmem>> -> memref<80x64xf32, #tpu.memory_space<vmem>>
      %dma_start3A_133 = arith.constant 0 : i32
      %dma_start3A_134 = tpu.memref_slice %arg7[%add3A_121, %dma_start3A_133] : memref<125x80xi32, #tpu.memory_space<vmem>> -> memref<1x80xi32, #tpu.memory_space<vmem>>
      %dma_start3A_135 = tpu.memref_squeeze %dma_start3A_134 : memref<1x80xi32, #tpu.memory_space<vmem>> -> memref<80xi32, #tpu.memory_space<vmem>>
      %dma_start3A_136 = arith.constant 0 : i32
      %dma_start3A_137 = arith.constant 0 : i32
      %dma_start3A_138 = tpu.memref_slice %arg2[%dma_start3A_136, %dma_start3A_137] : memref<10000x64xf32, #tpu.memory_space<hbm>> -> memref<10000x64xf32, #tpu.memory_space<hbm>>
      %dma_start3A_139 = tpu.memref_slice %arg11[%dma_start3A_128] : memref<5x!tpu.dma_semaphore, #tpu.memory_space<semaphore_mem>> -> memref<1x!tpu.dma_semaphore, #tpu.memory_space<semaphore_mem>>
      %dma_start3A_140 = tpu.memref_squeeze %dma_start3A_139 : memref<1x!tpu.dma_semaphore, #tpu.memory_space<semaphore_mem>> -> memref<!tpu.dma_semaphore, #tpu.memory_space<semaphore_mem>>
      tpu.enqueue_indirect_dma source(%dma_start3A_138 : memref<10000x64xf32, #tpu.memory_space<hbm>>) target(%dma_start3A_132 : memref<80x64xf32, #tpu.memory_space<vmem>>) offsets(%dma_start3A_135 : memref<80xi32, #tpu.memory_space<vmem>>) semaphore(%dma_start3A_140 : memref<!tpu.dma_semaphore, #tpu.memory_space<semaphore_mem>>)
      %mul3A_141 = arith.constant 5 : i32
      %mul3A_142 = arith.muli %scan3A_97, %mul3A_141 : i32
      %add3A_143 = arith.constant 2 : i32
      %add3A_144 = arith.addi %mul3A_142, %add3A_143 : i32
      %gt3A_145 = arith.constant 0 : i32
      %gt3A_146 = arith.cmpi sgt, %scan3A_97, %gt3A_145 : i32
      %convert_element_type3A_147 = arith.extui %gt3A_146 : i1 to i32
      %cond3A_148 = arith.constant 0 : i32
      %cond3A_149 = arith.cmpi ne, %convert_element_type3A_147, %cond3A_148 : i32
      scf.if %cond3A_149 {
        %sub3A = arith.constant 5 : i32
        %sub3A_370 = arith.subi %add3A_144, %sub3A : i32
        %dma_wait3A_371 = arith.constant 2 : i32
        %dma_wait3A_372 = arith.constant 2 : i32
        %dma_wait3A_373 = arith.constant 0 : i32
        %dma_wait3A_374 = arith.constant 0 : i32
        %dma_wait3A_375 = tpu.memref_slice %arg9[%dma_wait3A_371, %dma_wait3A_373, %dma_wait3A_374] : memref<5x80x64xf32, #tpu.memory_space<vmem>> -> memref<1x80x64xf32, #tpu.memory_space<vmem>>
        %dma_wait3A_376 = tpu.memref_squeeze %dma_wait3A_375 : memref<1x80x64xf32, #tpu.memory_space<vmem>> -> memref<80x64xf32, #tpu.memory_space<vmem>>
        %dma_wait3A_377 = arith.constant 0 : i32
        %dma_wait3A_378 = tpu.memref_slice %arg8[%sub3A_370, %dma_wait3A_377] : memref<125x80xi32, #tpu.memory_space<vmem>> -> memref<1x80xi32, #tpu.memory_space<vmem>>
        %dma_wait3A_379 = tpu.memref_squeeze %dma_wait3A_378 : memref<1x80xi32, #tpu.memory_space<vmem>> -> memref<80xi32, #tpu.memory_space<vmem>>
        %dma_wait3A_380 = arith.constant 0 : i32
        %dma_wait3A_381 = arith.constant 0 : i32
        %dma_wait3A_382 = tpu.memref_slice %arg10[%dma_wait3A_380, %dma_wait3A_381] : memref<10000x64xf32, #tpu.memory_space<vmem_shared>> -> memref<10000x64xf32, #tpu.memory_space<vmem_shared>>
        %dma_wait3A_383 = tpu.memref_slice %arg12[%dma_wait3A_372] : memref<5x!tpu.dma_semaphore, #tpu.memory_space<semaphore_mem>> -> memref<1x!tpu.dma_semaphore, #tpu.memory_space<semaphore_mem>>
        %dma_wait3A_384 = tpu.memref_squeeze %dma_wait3A_383 : memref<1x!tpu.dma_semaphore, #tpu.memory_space<semaphore_mem>> -> memref<!tpu.dma_semaphore, #tpu.memory_space<semaphore_mem>>
        tpu.wait_indirect_dma semaphore(%dma_wait3A_384 : memref<!tpu.dma_semaphore, #tpu.memory_space<semaphore_mem>>) src(%dma_wait3A_376 : memref<80x64xf32, #tpu.memory_space<vmem>>) dst(%dma_wait3A_382 : memref<10000x64xf32, #tpu.memory_space<vmem_shared>>)
      } else {
      }
      %dma_start3A_150 = arith.constant 2 : i32
      %dma_start3A_151 = arith.constant 2 : i32
      %dma_start3A_152 = arith.constant 0 : i32
      %dma_start3A_153 = arith.constant 0 : i32
      %dma_start3A_154 = tpu.memref_slice %arg9[%dma_start3A_150, %dma_start3A_152, %dma_start3A_153] : memref<5x80x64xf32, #tpu.memory_space<vmem>> -> memref<1x80x64xf32, #tpu.memory_space<vmem>>
      %dma_start3A_155 = tpu.memref_squeeze %dma_start3A_154 : memref<1x80x64xf32, #tpu.memory_space<vmem>> -> memref<80x64xf32, #tpu.memory_space<vmem>>
      %dma_start3A_156 = arith.constant 0 : i32
      %dma_start3A_157 = tpu.memref_slice %arg7[%add3A_144, %dma_start3A_156] : memref<125x80xi32, #tpu.memory_space<vmem>> -> memref<1x80xi32, #tpu.memory_space<vmem>>
      %dma_start3A_158 = tpu.memref_squeeze %dma_start3A_157 : memref<1x80xi32, #tpu.memory_space<vmem>> -> memref<80xi32, #tpu.memory_space<vmem>>
      %dma_start3A_159 = arith.constant 0 : i32
      %dma_start3A_160 = arith.constant 0 : i32
      %dma_start3A_161 = tpu.memref_slice %arg2[%dma_start3A_159, %dma_start3A_160] : memref<10000x64xf32, #tpu.memory_space<hbm>> -> memref<10000x64xf32, #tpu.memory_space<hbm>>
      %dma_start3A_162 = tpu.memref_slice %arg11[%dma_start3A_151] : memref<5x!tpu.dma_semaphore, #tpu.memory_space<semaphore_mem>> -> memref<1x!tpu.dma_semaphore, #tpu.memory_space<semaphore_mem>>
      %dma_start3A_163 = tpu.memref_squeeze %dma_start3A_162 : memref<1x!tpu.dma_semaphore, #tpu.memory_space<semaphore_mem>> -> memref<!tpu.dma_semaphore, #tpu.memory_space<semaphore_mem>>
      tpu.enqueue_indirect_dma source(%dma_start3A_161 : memref<10000x64xf32, #tpu.memory_space<hbm>>) target(%dma_start3A_155 : memref<80x64xf32, #tpu.memory_space<vmem>>) offsets(%dma_start3A_158 : memref<80xi32, #tpu.memory_space<vmem>>) semaphore(%dma_start3A_163 : memref<!tpu.dma_semaphore, #tpu.memory_space<semaphore_mem>>)
      %mul3A_164 = arith.constant 5 : i32
      %mul3A_165 = arith.muli %scan3A_97, %mul3A_164 : i32
      %add3A_166 = arith.constant 3 : i32
      %add3A_167 = arith.addi %mul3A_165, %add3A_166 : i32
      %gt3A_168 = arith.constant 0 : i32
      %gt3A_169 = arith.cmpi sgt, %scan3A_97, %gt3A_168 : i32
      %convert_element_type3A_170 = arith.extui %gt3A_169 : i1 to i32
      %cond3A_171 = arith.constant 0 : i32
      %cond3A_172 = arith.cmpi ne, %convert_element_type3A_170, %cond3A_171 : i32
      scf.if %cond3A_172 {
        %sub3A = arith.constant 5 : i32
        %sub3A_370 = arith.subi %add3A_167, %sub3A : i32
        %dma_wait3A_371 = arith.constant 3 : i32
        %dma_wait3A_372 = arith.constant 3 : i32
        %dma_wait3A_373 = arith.constant 0 : i32
        %dma_wait3A_374 = arith.constant 0 : i32
        %dma_wait3A_375 = tpu.memref_slice %arg9[%dma_wait3A_371, %dma_wait3A_373, %dma_wait3A_374] : memref<5x80x64xf32, #tpu.memory_space<vmem>> -> memref<1x80x64xf32, #tpu.memory_space<vmem>>
        %dma_wait3A_376 = tpu.memref_squeeze %dma_wait3A_375 : memref<1x80x64xf32, #tpu.memory_space<vmem>> -> memref<80x64xf32, #tpu.memory_space<vmem>>
        %dma_wait3A_377 = arith.constant 0 : i32
        %dma_wait3A_378 = tpu.memref_slice %arg8[%sub3A_370, %dma_wait3A_377] : memref<125x80xi32, #tpu.memory_space<vmem>> -> memref<1x80xi32, #tpu.memory_space<vmem>>
        %dma_wait3A_379 = tpu.memref_squeeze %dma_wait3A_378 : memref<1x80xi32, #tpu.memory_space<vmem>> -> memref<80xi32, #tpu.memory_space<vmem>>
        %dma_wait3A_380 = arith.constant 0 : i32
        %dma_wait3A_381 = arith.constant 0 : i32
        %dma_wait3A_382 = tpu.memref_slice %arg10[%dma_wait3A_380, %dma_wait3A_381] : memref<10000x64xf32, #tpu.memory_space<vmem_shared>> -> memref<10000x64xf32, #tpu.memory_space<vmem_shared>>
        %dma_wait3A_383 = tpu.memref_slice %arg12[%dma_wait3A_372] : memref<5x!tpu.dma_semaphore, #tpu.memory_space<semaphore_mem>> -> memref<1x!tpu.dma_semaphore, #tpu.memory_space<semaphore_mem>>
        %dma_wait3A_384 = tpu.memref_squeeze %dma_wait3A_383 : memref<1x!tpu.dma_semaphore, #tpu.memory_space<semaphore_mem>> -> memref<!tpu.dma_semaphore, #tpu.memory_space<semaphore_mem>>
        tpu.wait_indirect_dma semaphore(%dma_wait3A_384 : memref<!tpu.dma_semaphore, #tpu.memory_space<semaphore_mem>>) src(%dma_wait3A_376 : memref<80x64xf32, #tpu.memory_space<vmem>>) dst(%dma_wait3A_382 : memref<10000x64xf32, #tpu.memory_space<vmem_shared>>)
      } else {
      }
      %dma_start3A_173 = arith.constant 3 : i32
      %dma_start3A_174 = arith.constant 3 : i32
      %dma_start3A_175 = arith.constant 0 : i32
      %dma_start3A_176 = arith.constant 0 : i32
      %dma_start3A_177 = tpu.memref_slice %arg9[%dma_start3A_173, %dma_start3A_175, %dma_start3A_176] : memref<5x80x64xf32, #tpu.memory_space<vmem>> -> memref<1x80x64xf32, #tpu.memory_space<vmem>>
      %dma_start3A_178 = tpu.memref_squeeze %dma_start3A_177 : memref<1x80x64xf32, #tpu.memory_space<vmem>> -> memref<80x64xf32, #tpu.memory_space<vmem>>
      %dma_start3A_179 = arith.constant 0 : i32
      %dma_start3A_180 = tpu.memref_slice %arg7[%add3A_167, %dma_start3A_179] : memref<125x80xi32, #tpu.memory_space<vmem>> -> memref<1x80xi32, #tpu.memory_space<vmem>>
      %dma_start3A_181 = tpu.memref_squeeze %dma_start3A_180 : memref<1x80xi32, #tpu.memory_space<vmem>> -> memref<80xi32, #tpu.memory_space<vmem>>
      %dma_start3A_182 = arith.constant 0 : i32
      %dma_start3A_183 = arith.constant 0 : i32
      %dma_start3A_184 = tpu.memref_slice %arg2[%dma_start3A_182, %dma_start3A_183] : memref<10000x64xf32, #tpu.memory_space<hbm>> -> memref<10000x64xf32, #tpu.memory_space<hbm>>
      %dma_start3A_185 = tpu.memref_slice %arg11[%dma_start3A_174] : memref<5x!tpu.dma_semaphore, #tpu.memory_space<semaphore_mem>> -> memref<1x!tpu.dma_semaphore, #tpu.memory_space<semaphore_mem>>
      %dma_start3A_186 = tpu.memref_squeeze %dma_start3A_185 : memref<1x!tpu.dma_semaphore, #tpu.memory_space<semaphore_mem>> -> memref<!tpu.dma_semaphore, #tpu.memory_space<semaphore_mem>>
      tpu.enqueue_indirect_dma source(%dma_start3A_184 : memref<10000x64xf32, #tpu.memory_space<hbm>>) target(%dma_start3A_178 : memref<80x64xf32, #tpu.memory_space<vmem>>) offsets(%dma_start3A_181 : memref<80xi32, #tpu.memory_space<vmem>>) semaphore(%dma_start3A_186 : memref<!tpu.dma_semaphore, #tpu.memory_space<semaphore_mem>>)
      %mul3A_187 = arith.constant 5 : i32
      %mul3A_188 = arith.muli %scan3A_97, %mul3A_187 : i32
      %add3A_189 = arith.constant 4 : i32
      %add3A_190 = arith.addi %mul3A_188, %add3A_189 : i32
      %gt3A_191 = arith.constant 0 : i32
      %gt3A_192 = arith.cmpi sgt, %scan3A_97, %gt3A_191 : i32
      %convert_element_type3A_193 = arith.extui %gt3A_192 : i1 to i32
      %cond3A_194 = arith.constant 0 : i32
      %cond3A_195 = arith.cmpi ne, %convert_element_type3A_193, %cond3A_194 : i32
      scf.if %cond3A_195 {
        %sub3A = arith.constant 5 : i32
        %sub3A_370 = arith.subi %add3A_190, %sub3A : i32
        %dma_wait3A_371 = arith.constant 4 : i32
        %dma_wait3A_372 = arith.constant 4 : i32
        %dma_wait3A_373 = arith.constant 0 : i32
        %dma_wait3A_374 = arith.constant 0 : i32
        %dma_wait3A_375 = tpu.memref_slice %arg9[%dma_wait3A_371, %dma_wait3A_373, %dma_wait3A_374] : memref<5x80x64xf32, #tpu.memory_space<vmem>> -> memref<1x80x64xf32, #tpu.memory_space<vmem>>
        %dma_wait3A_376 = tpu.memref_squeeze %dma_wait3A_375 : memref<1x80x64xf32, #tpu.memory_space<vmem>> -> memref<80x64xf32, #tpu.memory_space<vmem>>
        %dma_wait3A_377 = arith.constant 0 : i32
        %dma_wait3A_378 = tpu.memref_slice %arg8[%sub3A_370, %dma_wait3A_377] : memref<125x80xi32, #tpu.memory_space<vmem>> -> memref<1x80xi32, #tpu.memory_space<vmem>>
        %dma_wait3A_379 = tpu.memref_squeeze %dma_wait3A_378 : memref<1x80xi32, #tpu.memory_space<vmem>> -> memref<80xi32, #tpu.memory_space<vmem>>
        %dma_wait3A_380 = arith.constant 0 : i32
        %dma_wait3A_381 = arith.constant 0 : i32
        %dma_wait3A_382 = tpu.memref_slice %arg10[%dma_wait3A_380, %dma_wait3A_381] : memref<10000x64xf32, #tpu.memory_space<vmem_shared>> -> memref<10000x64xf32, #tpu.memory_space<vmem_shared>>
        %dma_wait3A_383 = tpu.memref_slice %arg12[%dma_wait3A_372] : memref<5x!tpu.dma_semaphore, #tpu.memory_space<semaphore_mem>> -> memref<1x!tpu.dma_semaphore, #tpu.memory_space<semaphore_mem>>
        %dma_wait3A_384 = tpu.memref_squeeze %dma_wait3A_383 : memref<1x!tpu.dma_semaphore, #tpu.memory_space<semaphore_mem>> -> memref<!tpu.dma_semaphore, #tpu.memory_space<semaphore_mem>>
        tpu.wait_indirect_dma semaphore(%dma_wait3A_384 : memref<!tpu.dma_semaphore, #tpu.memory_space<semaphore_mem>>) src(%dma_wait3A_376 : memref<80x64xf32, #tpu.memory_space<vmem>>) dst(%dma_wait3A_382 : memref<10000x64xf32, #tpu.memory_space<vmem_shared>>)
      } else {
      }
      %dma_start3A_196 = arith.constant 4 : i32
      %dma_start3A_197 = arith.constant 4 : i32
      %dma_start3A_198 = arith.constant 0 : i32
      %dma_start3A_199 = arith.constant 0 : i32
      %dma_start3A_200 = tpu.memref_slice %arg9[%dma_start3A_196, %dma_start3A_198, %dma_start3A_199] : memref<5x80x64xf32, #tpu.memory_space<vmem>> -> memref<1x80x64xf32, #tpu.memory_space<vmem>>
      %dma_start3A_201 = tpu.memref_squeeze %dma_start3A_200 : memref<1x80x64xf32, #tpu.memory_space<vmem>> -> memref<80x64xf32, #tpu.memory_space<vmem>>
      %dma_start3A_202 = arith.constant 0 : i32
      %dma_start3A_203 = tpu.memref_slice %arg7[%add3A_190, %dma_start3A_202] : memref<125x80xi32, #tpu.memory_space<vmem>> -> memref<1x80xi32, #tpu.memory_space<vmem>>
      %dma_start3A_204 = tpu.memref_squeeze %dma_start3A_203 : memref<1x80xi32, #tpu.memory_space<vmem>> -> memref<80xi32, #tpu.memory_space<vmem>>
      %dma_start3A_205 = arith.constant 0 : i32
      %dma_start3A_206 = arith.constant 0 : i32
      %dma_start3A_207 = tpu.memref_slice %arg2[%dma_start3A_205, %dma_start3A_206] : memref<10000x64xf32, #tpu.memory_space<hbm>> -> memref<10000x64xf32, #tpu.memory_space<hbm>>
      %dma_start3A_208 = tpu.memref_slice %arg11[%dma_start3A_197] : memref<5x!tpu.dma_semaphore, #tpu.memory_space<semaphore_mem>> -> memref<1x!tpu.dma_semaphore, #tpu.memory_space<semaphore_mem>>
      %dma_start3A_209 = tpu.memref_squeeze %dma_start3A_208 : memref<1x!tpu.dma_semaphore, #tpu.memory_space<semaphore_mem>> -> memref<!tpu.dma_semaphore, #tpu.memory_space<semaphore_mem>>
      tpu.enqueue_indirect_dma source(%dma_start3A_207 : memref<10000x64xf32, #tpu.memory_space<hbm>>) target(%dma_start3A_201 : memref<80x64xf32, #tpu.memory_space<vmem>>) offsets(%dma_start3A_204 : memref<80xi32, #tpu.memory_space<vmem>>) semaphore(%dma_start3A_209 : memref<!tpu.dma_semaphore, #tpu.memory_space<semaphore_mem>>)
      %mul3A_210 = arith.constant 5 : i32
      %mul3A_211 = arith.muli %scan3A_97, %mul3A_210 : i32
      %add3A_212 = arith.constant 0 : i32
      %add3A_213 = arith.addi %mul3A_211, %add3A_212 : i32
      %dma_wait3A_214 = arith.constant 0 : i32
      %dma_wait3A_215 = arith.constant 0 : i32
      %dma_wait3A_216 = arith.constant 0 : i32
      %dma_wait3A_217 = arith.constant 0 : i32
      %dma_wait3A_218 = tpu.memref_slice %arg9[%dma_wait3A_214, %dma_wait3A_216, %dma_wait3A_217] : memref<5x80x64xf32, #tpu.memory_space<vmem>> -> memref<1x80x64xf32, #tpu.memory_space<vmem>>
      %dma_wait3A_219 = tpu.memref_squeeze %dma_wait3A_218 : memref<1x80x64xf32, #tpu.memory_space<vmem>> -> memref<80x64xf32, #tpu.memory_space<vmem>>
      %dma_wait3A_220 = arith.constant 0 : i32
      %dma_wait3A_221 = tpu.memref_slice %arg7[%add3A_100, %dma_wait3A_220] : memref<125x80xi32, #tpu.memory_space<vmem>> -> memref<1x80xi32, #tpu.memory_space<vmem>>
      %dma_wait3A_222 = tpu.memref_squeeze %dma_wait3A_221 : memref<1x80xi32, #tpu.memory_space<vmem>> -> memref<80xi32, #tpu.memory_space<vmem>>
      %dma_wait3A_223 = arith.constant 0 : i32
      %dma_wait3A_224 = arith.constant 0 : i32
      %dma_wait3A_225 = tpu.memref_slice %arg2[%dma_wait3A_223, %dma_wait3A_224] : memref<10000x64xf32, #tpu.memory_space<hbm>> -> memref<10000x64xf32, #tpu.memory_space<hbm>>
      %dma_wait3A_226 = tpu.memref_slice %arg11[%dma_wait3A_215] : memref<5x!tpu.dma_semaphore, #tpu.memory_space<semaphore_mem>> -> memref<1x!tpu.dma_semaphore, #tpu.memory_space<semaphore_mem>>
      %dma_wait3A_227 = tpu.memref_squeeze %dma_wait3A_226 : memref<1x!tpu.dma_semaphore, #tpu.memory_space<semaphore_mem>> -> memref<!tpu.dma_semaphore, #tpu.memory_space<semaphore_mem>>
      tpu.wait_indirect_dma semaphore(%dma_wait3A_227 : memref<!tpu.dma_semaphore, #tpu.memory_space<semaphore_mem>>) src(%dma_wait3A_225 : memref<10000x64xf32, #tpu.memory_space<hbm>>) dst(%dma_wait3A_219 : memref<80x64xf32, #tpu.memory_space<vmem>>)
      %dma_start3A_228 = arith.constant 0 : i32
      %dma_start3A_229 = arith.constant 0 : i32
      %dma_start3A_230 = arith.constant 0 : i32
      %dma_start3A_231 = arith.constant 0 : i32
      %dma_start3A_232 = tpu.memref_slice %arg9[%dma_start3A_228, %dma_start3A_230, %dma_start3A_231] : memref<5x80x64xf32, #tpu.memory_space<vmem>> -> memref<1x80x64xf32, #tpu.memory_space<vmem>>
      %dma_start3A_233 = tpu.memref_squeeze %dma_start3A_232 : memref<1x80x64xf32, #tpu.memory_space<vmem>> -> memref<80x64xf32, #tpu.memory_space<vmem>>
      %dma_start3A_234 = arith.constant 0 : i32
      %dma_start3A_235 = tpu.memref_slice %arg8[%add3A_213, %dma_start3A_234] : memref<125x80xi32, #tpu.memory_space<vmem>> -> memref<1x80xi32, #tpu.memory_space<vmem>>
      %dma_start3A_236 = tpu.memref_squeeze %dma_start3A_235 : memref<1x80xi32, #tpu.memory_space<vmem>> -> memref<80xi32, #tpu.memory_space<vmem>>
      %dma_start3A_237 = arith.constant 0 : i32
      %dma_start3A_238 = arith.constant 0 : i32
      %dma_start3A_239 = tpu.memref_slice %arg10[%dma_start3A_237, %dma_start3A_238] : memref<10000x64xf32, #tpu.memory_space<vmem_shared>> -> memref<10000x64xf32, #tpu.memory_space<vmem_shared>>
      %dma_start3A_240 = tpu.memref_slice %arg12[%dma_start3A_229] : memref<5x!tpu.dma_semaphore, #tpu.memory_space<semaphore_mem>> -> memref<1x!tpu.dma_semaphore, #tpu.memory_space<semaphore_mem>>
      %dma_start3A_241 = tpu.memref_squeeze %dma_start3A_240 : memref<1x!tpu.dma_semaphore, #tpu.memory_space<semaphore_mem>> -> memref<!tpu.dma_semaphore, #tpu.memory_space<semaphore_mem>>
      tpu.enqueue_indirect_dma source(%dma_start3A_233 : memref<80x64xf32, #tpu.memory_space<vmem>>) target(%dma_start3A_239 : memref<10000x64xf32, #tpu.memory_space<vmem_shared>>) offsets(%dma_start3A_236 : memref<80xi32, #tpu.memory_space<vmem>>) semaphore(%dma_start3A_241 : memref<!tpu.dma_semaphore, #tpu.memory_space<semaphore_mem>>) {add = true}
      %mul3A_242 = arith.constant 5 : i32
      %mul3A_243 = arith.muli %scan3A_97, %mul3A_242 : i32
      %add3A_244 = arith.constant 1 : i32
      %add3A_245 = arith.addi %mul3A_243, %add3A_244 : i32
      %dma_wait3A_246 = arith.constant 1 : i32
      %dma_wait3A_247 = arith.constant 1 : i32
      %dma_wait3A_248 = arith.constant 0 : i32
      %dma_wait3A_249 = arith.constant 0 : i32
      %dma_wait3A_250 = tpu.memref_slice %arg9[%dma_wait3A_246, %dma_wait3A_248, %dma_wait3A_249] : memref<5x80x64xf32, #tpu.memory_space<vmem>> -> memref<1x80x64xf32, #tpu.memory_space<vmem>>
      %dma_wait3A_251 = tpu.memref_squeeze %dma_wait3A_250 : memref<1x80x64xf32, #tpu.memory_space<vmem>> -> memref<80x64xf32, #tpu.memory_space<vmem>>
      %dma_wait3A_252 = arith.constant 0 : i32
      %dma_wait3A_253 = tpu.memref_slice %arg7[%add3A_121, %dma_wait3A_252] : memref<125x80xi32, #tpu.memory_space<vmem>> -> memref<1x80xi32, #tpu.memory_space<vmem>>
      %dma_wait3A_254 = tpu.memref_squeeze %dma_wait3A_253 : memref<1x80xi32, #tpu.memory_space<vmem>> -> memref<80xi32, #tpu.memory_space<vmem>>
      %dma_wait3A_255 = arith.constant 0 : i32
      %dma_wait3A_256 = arith.constant 0 : i32
      %dma_wait3A_257 = tpu.memref_slice %arg2[%dma_wait3A_255, %dma_wait3A_256] : memref<10000x64xf32, #tpu.memory_space<hbm>> -> memref<10000x64xf32, #tpu.memory_space<hbm>>
      %dma_wait3A_258 = tpu.memref_slice %arg11[%dma_wait3A_247] : memref<5x!tpu.dma_semaphore, #tpu.memory_space<semaphore_mem>> -> memref<1x!tpu.dma_semaphore, #tpu.memory_space<semaphore_mem>>
      %dma_wait3A_259 = tpu.memref_squeeze %dma_wait3A_258 : memref<1x!tpu.dma_semaphore, #tpu.memory_space<semaphore_mem>> -> memref<!tpu.dma_semaphore, #tpu.memory_space<semaphore_mem>>
      tpu.wait_indirect_dma semaphore(%dma_wait3A_259 : memref<!tpu.dma_semaphore, #tpu.memory_space<semaphore_mem>>) src(%dma_wait3A_257 : memref<10000x64xf32, #tpu.memory_space<hbm>>) dst(%dma_wait3A_251 : memref<80x64xf32, #tpu.memory_space<vmem>>)
      %dma_start3A_260 = arith.constant 1 : i32
      %dma_start3A_261 = arith.constant 1 : i32
      %dma_start3A_262 = arith.constant 0 : i32
      %dma_start3A_263 = arith.constant 0 : i32
      %dma_start3A_264 = tpu.memref_slice %arg9[%dma_start3A_260, %dma_start3A_262, %dma_start3A_263] : memref<5x80x64xf32, #tpu.memory_space<vmem>> -> memref<1x80x64xf32, #tpu.memory_space<vmem>>
      %dma_start3A_265 = tpu.memref_squeeze %dma_start3A_264 : memref<1x80x64xf32, #tpu.memory_space<vmem>> -> memref<80x64xf32, #tpu.memory_space<vmem>>
      %dma_start3A_266 = arith.constant 0 : i32
      %dma_start3A_267 = tpu.memref_slice %arg8[%add3A_245, %dma_start3A_266] : memref<125x80xi32, #tpu.memory_space<vmem>> -> memref<1x80xi32, #tpu.memory_space<vmem>>
      %dma_start3A_268 = tpu.memref_squeeze %dma_start3A_267 : memref<1x80xi32, #tpu.memory_space<vmem>> -> memref<80xi32, #tpu.memory_space<vmem>>
      %dma_start3A_269 = arith.constant 0 : i32
      %dma_start3A_270 = arith.constant 0 : i32
      %dma_start3A_271 = tpu.memref_slice %arg10[%dma_start3A_269, %dma_start3A_270] : memref<10000x64xf32, #tpu.memory_space<vmem_shared>> -> memref<10000x64xf32, #tpu.memory_space<vmem_shared>>
      %dma_start3A_272 = tpu.memref_slice %arg12[%dma_start3A_261] : memref<5x!tpu.dma_semaphore, #tpu.memory_space<semaphore_mem>> -> memref<1x!tpu.dma_semaphore, #tpu.memory_space<semaphore_mem>>
      %dma_start3A_273 = tpu.memref_squeeze %dma_start3A_272 : memref<1x!tpu.dma_semaphore, #tpu.memory_space<semaphore_mem>> -> memref<!tpu.dma_semaphore, #tpu.memory_space<semaphore_mem>>
      tpu.enqueue_indirect_dma source(%dma_start3A_265 : memref<80x64xf32, #tpu.memory_space<vmem>>) target(%dma_start3A_271 : memref<10000x64xf32, #tpu.memory_space<vmem_shared>>) offsets(%dma_start3A_268 : memref<80xi32, #tpu.memory_space<vmem>>) semaphore(%dma_start3A_273 : memref<!tpu.dma_semaphore, #tpu.memory_space<semaphore_mem>>) {add = true}
      %mul3A_274 = arith.constant 5 : i32
      %mul3A_275 = arith.muli %scan3A_97, %mul3A_274 : i32
      %add3A_276 = arith.constant 2 : i32
      %add3A_277 = arith.addi %mul3A_275, %add3A_276 : i32
      %dma_wait3A_278 = arith.constant 2 : i32
      %dma_wait3A_279 = arith.constant 2 : i32
      %dma_wait3A_280 = arith.constant 0 : i32
      %dma_wait3A_281 = arith.constant 0 : i32
      %dma_wait3A_282 = tpu.memref_slice %arg9[%dma_wait3A_278, %dma_wait3A_280, %dma_wait3A_281] : memref<5x80x64xf32, #tpu.memory_space<vmem>> -> memref<1x80x64xf32, #tpu.memory_space<vmem>>
      %dma_wait3A_283 = tpu.memref_squeeze %dma_wait3A_282 : memref<1x80x64xf32, #tpu.memory_space<vmem>> -> memref<80x64xf32, #tpu.memory_space<vmem>>
      %dma_wait3A_284 = arith.constant 0 : i32
      %dma_wait3A_285 = tpu.memref_slice %arg7[%add3A_144, %dma_wait3A_284] : memref<125x80xi32, #tpu.memory_space<vmem>> -> memref<1x80xi32, #tpu.memory_space<vmem>>
      %dma_wait3A_286 = tpu.memref_squeeze %dma_wait3A_285 : memref<1x80xi32, #tpu.memory_space<vmem>> -> memref<80xi32, #tpu.memory_space<vmem>>
      %dma_wait3A_287 = arith.constant 0 : i32
      %dma_wait3A_288 = arith.constant 0 : i32
      %dma_wait3A_289 = tpu.memref_slice %arg2[%dma_wait3A_287, %dma_wait3A_288] : memref<10000x64xf32, #tpu.memory_space<hbm>> -> memref<10000x64xf32, #tpu.memory_space<hbm>>
      %dma_wait3A_290 = tpu.memref_slice %arg11[%dma_wait3A_279] : memref<5x!tpu.dma_semaphore, #tpu.memory_space<semaphore_mem>> -> memref<1x!tpu.dma_semaphore, #tpu.memory_space<semaphore_mem>>
      %dma_wait3A_291 = tpu.memref_squeeze %dma_wait3A_290 : memref<1x!tpu.dma_semaphore, #tpu.memory_space<semaphore_mem>> -> memref<!tpu.dma_semaphore, #tpu.memory_space<semaphore_mem>>
      tpu.wait_indirect_dma semaphore(%dma_wait3A_291 : memref<!tpu.dma_semaphore, #tpu.memory_space<semaphore_mem>>) src(%dma_wait3A_289 : memref<10000x64xf32, #tpu.memory_space<hbm>>) dst(%dma_wait3A_283 : memref<80x64xf32, #tpu.memory_space<vmem>>)
      %dma_start3A_292 = arith.constant 2 : i32
      %dma_start3A_293 = arith.constant 2 : i32
      %dma_start3A_294 = arith.constant 0 : i32
      %dma_start3A_295 = arith.constant 0 : i32
      %dma_start3A_296 = tpu.memref_slice %arg9[%dma_start3A_292, %dma_start3A_294, %dma_start3A_295] : memref<5x80x64xf32, #tpu.memory_space<vmem>> -> memref<1x80x64xf32, #tpu.memory_space<vmem>>
      %dma_start3A_297 = tpu.memref_squeeze %dma_start3A_296 : memref<1x80x64xf32, #tpu.memory_space<vmem>> -> memref<80x64xf32, #tpu.memory_space<vmem>>
      %dma_start3A_298 = arith.constant 0 : i32
      %dma_start3A_299 = tpu.memref_slice %arg8[%add3A_277, %dma_start3A_298] : memref<125x80xi32, #tpu.memory_space<vmem>> -> memref<1x80xi32, #tpu.memory_space<vmem>>
      %dma_start3A_300 = tpu.memref_squeeze %dma_start3A_299 : memref<1x80xi32, #tpu.memory_space<vmem>> -> memref<80xi32, #tpu.memory_space<vmem>>
      %dma_start3A_301 = arith.constant 0 : i32
      %dma_start3A_302 = arith.constant 0 : i32
      %dma_start3A_303 = tpu.memref_slice %arg10[%dma_start3A_301, %dma_start3A_302] : memref<10000x64xf32, #tpu.memory_space<vmem_shared>> -> memref<10000x64xf32, #tpu.memory_space<vmem_shared>>
      %dma_start3A_304 = tpu.memref_slice %arg12[%dma_start3A_293] : memref<5x!tpu.dma_semaphore, #tpu.memory_space<semaphore_mem>> -> memref<1x!tpu.dma_semaphore, #tpu.memory_space<semaphore_mem>>
      %dma_start3A_305 = tpu.memref_squeeze %dma_start3A_304 : memref<1x!tpu.dma_semaphore, #tpu.memory_space<semaphore_mem>> -> memref<!tpu.dma_semaphore, #tpu.memory_space<semaphore_mem>>
      tpu.enqueue_indirect_dma source(%dma_start3A_297 : memref<80x64xf32, #tpu.memory_space<vmem>>) target(%dma_start3A_303 : memref<10000x64xf32, #tpu.memory_space<vmem_shared>>) offsets(%dma_start3A_300 : memref<80xi32, #tpu.memory_space<vmem>>) semaphore(%dma_start3A_305 : memref<!tpu.dma_semaphore, #tpu.memory_space<semaphore_mem>>) {add = true}
      %mul3A_306 = arith.constant 5 : i32
      %mul3A_307 = arith.muli %scan3A_97, %mul3A_306 : i32
      %add3A_308 = arith.constant 3 : i32
      %add3A_309 = arith.addi %mul3A_307, %add3A_308 : i32
      %dma_wait3A_310 = arith.constant 3 : i32
      %dma_wait3A_311 = arith.constant 3 : i32
      %dma_wait3A_312 = arith.constant 0 : i32
      %dma_wait3A_313 = arith.constant 0 : i32
      %dma_wait3A_314 = tpu.memref_slice %arg9[%dma_wait3A_310, %dma_wait3A_312, %dma_wait3A_313] : memref<5x80x64xf32, #tpu.memory_space<vmem>> -> memref<1x80x64xf32, #tpu.memory_space<vmem>>
      %dma_wait3A_315 = tpu.memref_squeeze %dma_wait3A_314 : memref<1x80x64xf32, #tpu.memory_space<vmem>> -> memref<80x64xf32, #tpu.memory_space<vmem>>
      %dma_wait3A_316 = arith.constant 0 : i32
      %dma_wait3A_317 = tpu.memref_slice %arg7[%add3A_167, %dma_wait3A_316] : memref<125x80xi32, #tpu.memory_space<vmem>> -> memref<1x80xi32, #tpu.memory_space<vmem>>
      %dma_wait3A_318 = tpu.memref_squeeze %dma_wait3A_317 : memref<1x80xi32, #tpu.memory_space<vmem>> -> memref<80xi32, #tpu.memory_space<vmem>>
      %dma_wait3A_319 = arith.constant 0 : i32
      %dma_wait3A_320 = arith.constant 0 : i32
      %dma_wait3A_321 = tpu.memref_slice %arg2[%dma_wait3A_319, %dma_wait3A_320] : memref<10000x64xf32, #tpu.memory_space<hbm>> -> memref<10000x64xf32, #tpu.memory_space<hbm>>
      %dma_wait3A_322 = tpu.memref_slice %arg11[%dma_wait3A_311] : memref<5x!tpu.dma_semaphore, #tpu.memory_space<semaphore_mem>> -> memref<1x!tpu.dma_semaphore, #tpu.memory_space<semaphore_mem>>
      %dma_wait3A_323 = tpu.memref_squeeze %dma_wait3A_322 : memref<1x!tpu.dma_semaphore, #tpu.memory_space<semaphore_mem>> -> memref<!tpu.dma_semaphore, #tpu.memory_space<semaphore_mem>>
      tpu.wait_indirect_dma semaphore(%dma_wait3A_323 : memref<!tpu.dma_semaphore, #tpu.memory_space<semaphore_mem>>) src(%dma_wait3A_321 : memref<10000x64xf32, #tpu.memory_space<hbm>>) dst(%dma_wait3A_315 : memref<80x64xf32, #tpu.memory_space<vmem>>)
      %dma_start3A_324 = arith.constant 3 : i32
      %dma_start3A_325 = arith.constant 3 : i32
      %dma_start3A_326 = arith.constant 0 : i32
      %dma_start3A_327 = arith.constant 0 : i32
      %dma_start3A_328 = tpu.memref_slice %arg9[%dma_start3A_324, %dma_start3A_326, %dma_start3A_327] : memref<5x80x64xf32, #tpu.memory_space<vmem>> -> memref<1x80x64xf32, #tpu.memory_space<vmem>>
      %dma_start3A_329 = tpu.memref_squeeze %dma_start3A_328 : memref<1x80x64xf32, #tpu.memory_space<vmem>> -> memref<80x64xf32, #tpu.memory_space<vmem>>
      %dma_start3A_330 = arith.constant 0 : i32
      %dma_start3A_331 = tpu.memref_slice %arg8[%add3A_309, %dma_start3A_330] : memref<125x80xi32, #tpu.memory_space<vmem>> -> memref<1x80xi32, #tpu.memory_space<vmem>>
      %dma_start3A_332 = tpu.memref_squeeze %dma_start3A_331 : memref<1x80xi32, #tpu.memory_space<vmem>> -> memref<80xi32, #tpu.memory_space<vmem>>
      %dma_start3A_333 = arith.constant 0 : i32
      %dma_start3A_334 = arith.constant 0 : i32
      %dma_start3A_335 = tpu.memref_slice %arg10[%dma_start3A_333, %dma_start3A_334] : memref<10000x64xf32, #tpu.memory_space<vmem_shared>> -> memref<10000x64xf32, #tpu.memory_space<vmem_shared>>
      %dma_start3A_336 = tpu.memref_slice %arg12[%dma_start3A_325] : memref<5x!tpu.dma_semaphore, #tpu.memory_space<semaphore_mem>> -> memref<1x!tpu.dma_semaphore, #tpu.memory_space<semaphore_mem>>
      %dma_start3A_337 = tpu.memref_squeeze %dma_start3A_336 : memref<1x!tpu.dma_semaphore, #tpu.memory_space<semaphore_mem>> -> memref<!tpu.dma_semaphore, #tpu.memory_space<semaphore_mem>>
      tpu.enqueue_indirect_dma source(%dma_start3A_329 : memref<80x64xf32, #tpu.memory_space<vmem>>) target(%dma_start3A_335 : memref<10000x64xf32, #tpu.memory_space<vmem_shared>>) offsets(%dma_start3A_332 : memref<80xi32, #tpu.memory_space<vmem>>) semaphore(%dma_start3A_337 : memref<!tpu.dma_semaphore, #tpu.memory_space<semaphore_mem>>) {add = true}
      %mul3A_338 = arith.constant 5 : i32
      %mul3A_339 = arith.muli %scan3A_97, %mul3A_338 : i32
      %add3A_340 = arith.constant 4 : i32
      %add3A_341 = arith.addi %mul3A_339, %add3A_340 : i32
      %dma_wait3A_342 = arith.constant 4 : i32
      %dma_wait3A_343 = arith.constant 4 : i32
      %dma_wait3A_344 = arith.constant 0 : i32
      %dma_wait3A_345 = arith.constant 0 : i32
      %dma_wait3A_346 = tpu.memref_slice %arg9[%dma_wait3A_342, %dma_wait3A_344, %dma_wait3A_345] : memref<5x80x64xf32, #tpu.memory_space<vmem>> -> memref<1x80x64xf32, #tpu.memory_space<vmem>>
      %dma_wait3A_347 = tpu.memref_squeeze %dma_wait3A_346 : memref<1x80x64xf32, #tpu.memory_space<vmem>> -> memref<80x64xf32, #tpu.memory_space<vmem>>
      %dma_wait3A_348 = arith.constant 0 : i32
      %dma_wait3A_349 = tpu.memref_slice %arg7[%add3A_190, %dma_wait3A_348] : memref<125x80xi32, #tpu.memory_space<vmem>> -> memref<1x80xi32, #tpu.memory_space<vmem>>
      %dma_wait3A_350 = tpu.memref_squeeze %dma_wait3A_349 : memref<1x80xi32, #tpu.memory_space<vmem>> -> memref<80xi32, #tpu.memory_space<vmem>>
      %dma_wait3A_351 = arith.constant 0 : i32
      %dma_wait3A_352 = arith.constant 0 : i32
      %dma_wait3A_353 = tpu.memref_slice %arg2[%dma_wait3A_351, %dma_wait3A_352] : memref<10000x64xf32, #tpu.memory_space<hbm>> -> memref<10000x64xf32, #tpu.memory_space<hbm>>
      %dma_wait3A_354 = tpu.memref_slice %arg11[%dma_wait3A_343] : memref<5x!tpu.dma_semaphore, #tpu.memory_space<semaphore_mem>> -> memref<1x!tpu.dma_semaphore, #tpu.memory_space<semaphore_mem>>
      %dma_wait3A_355 = tpu.memref_squeeze %dma_wait3A_354 : memref<1x!tpu.dma_semaphore, #tpu.memory_space<semaphore_mem>> -> memref<!tpu.dma_semaphore, #tpu.memory_space<semaphore_mem>>
      tpu.wait_indirect_dma semaphore(%dma_wait3A_355 : memref<!tpu.dma_semaphore, #tpu.memory_space<semaphore_mem>>) src(%dma_wait3A_353 : memref<10000x64xf32, #tpu.memory_space<hbm>>) dst(%dma_wait3A_347 : memref<80x64xf32, #tpu.memory_space<vmem>>)
      %dma_start3A_356 = arith.constant 4 : i32
      %dma_start3A_357 = arith.constant 4 : i32
      %dma_start3A_358 = arith.constant 0 : i32
      %dma_start3A_359 = arith.constant 0 : i32
      %dma_start3A_360 = tpu.memref_slice %arg9[%dma_start3A_356, %dma_start3A_358, %dma_start3A_359] : memref<5x80x64xf32, #tpu.memory_space<vmem>> -> memref<1x80x64xf32, #tpu.memory_space<vmem>>
      %dma_start3A_361 = tpu.memref_squeeze %dma_start3A_360 : memref<1x80x64xf32, #tpu.memory_space<vmem>> -> memref<80x64xf32, #tpu.memory_space<vmem>>
      %dma_start3A_362 = arith.constant 0 : i32
      %dma_start3A_363 = tpu.memref_slice %arg8[%add3A_341, %dma_start3A_362] : memref<125x80xi32, #tpu.memory_space<vmem>> -> memref<1x80xi32, #tpu.memory_space<vmem>>
      %dma_start3A_364 = tpu.memref_squeeze %dma_start3A_363 : memref<1x80xi32, #tpu.memory_space<vmem>> -> memref<80xi32, #tpu.memory_space<vmem>>
      %dma_start3A_365 = arith.constant 0 : i32
      %dma_start3A_366 = arith.constant 0 : i32
      %dma_start3A_367 = tpu.memref_slice %arg10[%dma_start3A_365, %dma_start3A_366] : memref<10000x64xf32, #tpu.memory_space<vmem_shared>> -> memref<10000x64xf32, #tpu.memory_space<vmem_shared>>
      %dma_start3A_368 = tpu.memref_slice %arg12[%dma_start3A_357] : memref<5x!tpu.dma_semaphore, #tpu.memory_space<semaphore_mem>> -> memref<1x!tpu.dma_semaphore, #tpu.memory_space<semaphore_mem>>
      %dma_start3A_369 = tpu.memref_squeeze %dma_start3A_368 : memref<1x!tpu.dma_semaphore, #tpu.memory_space<semaphore_mem>> -> memref<!tpu.dma_semaphore, #tpu.memory_space<semaphore_mem>>
      tpu.enqueue_indirect_dma source(%dma_start3A_361 : memref<80x64xf32, #tpu.memory_space<vmem>>) target(%dma_start3A_367 : memref<10000x64xf32, #tpu.memory_space<vmem_shared>>) offsets(%dma_start3A_364 : memref<80xi32, #tpu.memory_space<vmem>>) semaphore(%dma_start3A_369 : memref<!tpu.dma_semaphore, #tpu.memory_space<semaphore_mem>>) {add = true}
    }
    %scan3A_11 = arith.constant 25 : i32
    %dma_wait3A = arith.constant 0 : i32
    %dma_wait3A_12 = arith.constant 120 : i32
    %dma_wait3A_13 = arith.constant 0 : i32
    %dma_wait3A_14 = arith.constant 0 : i32
    %dma_wait3A_15 = arith.constant 0 : i32
    %dma_wait3A_16 = tpu.memref_slice %arg9[%dma_wait3A, %dma_wait3A_14, %dma_wait3A_15] : memref<5x80x64xf32, #tpu.memory_space<vmem>> -> memref<1x80x64xf32, #tpu.memory_space<vmem>>
    %dma_wait3A_17 = tpu.memref_squeeze %dma_wait3A_16 : memref<1x80x64xf32, #tpu.memory_space<vmem>> -> memref<80x64xf32, #tpu.memory_space<vmem>>
    %dma_wait3A_18 = arith.constant 0 : i32
    %dma_wait3A_19 = tpu.memref_slice %arg8[%dma_wait3A_12, %dma_wait3A_18] : memref<125x80xi32, #tpu.memory_space<vmem>> -> memref<1x80xi32, #tpu.memory_space<vmem>>
    %dma_wait3A_20 = tpu.memref_squeeze %dma_wait3A_19 : memref<1x80xi32, #tpu.memory_space<vmem>> -> memref<80xi32, #tpu.memory_space<vmem>>
    %dma_wait3A_21 = arith.constant 0 : i32
    %dma_wait3A_22 = arith.constant 0 : i32
    %dma_wait3A_23 = tpu.memref_slice %arg10[%dma_wait3A_21, %dma_wait3A_22] : memref<10000x64xf32, #tpu.memory_space<vmem_shared>> -> memref<10000x64xf32, #tpu.memory_space<vmem_shared>>
    %dma_wait3A_24 = tpu.memref_slice %arg12[%dma_wait3A_13] : memref<5x!tpu.dma_semaphore, #tpu.memory_space<semaphore_mem>> -> memref<1x!tpu.dma_semaphore, #tpu.memory_space<semaphore_mem>>
    %dma_wait3A_25 = tpu.memref_squeeze %dma_wait3A_24 : memref<1x!tpu.dma_semaphore, #tpu.memory_space<semaphore_mem>> -> memref<!tpu.dma_semaphore, #tpu.memory_space<semaphore_mem>>
    tpu.wait_indirect_dma semaphore(%dma_wait3A_25 : memref<!tpu.dma_semaphore, #tpu.memory_space<semaphore_mem>>) src(%dma_wait3A_17 : memref<80x64xf32, #tpu.memory_space<vmem>>) dst(%dma_wait3A_23 : memref<10000x64xf32, #tpu.memory_space<vmem_shared>>)
    %dma_wait3A_26 = arith.constant 1 : i32
    %dma_wait3A_27 = arith.constant 121 : i32
    %dma_wait3A_28 = arith.constant 1 : i32
    %dma_wait3A_29 = arith.constant 0 : i32
    %dma_wait3A_30 = arith.constant 0 : i32
    %dma_wait3A_31 = tpu.memref_slice %arg9[%dma_wait3A_26, %dma_wait3A_29, %dma_wait3A_30] : memref<5x80x64xf32, #tpu.memory_space<vmem>> -> memref<1x80x64xf32, #tpu.memory_space<vmem>>
    %dma_wait3A_32 = tpu.memref_squeeze %dma_wait3A_31 : memref<1x80x64xf32, #tpu.memory_space<vmem>> -> memref<80x64xf32, #tpu.memory_space<vmem>>
    %dma_wait3A_33 = arith.constant 0 : i32
    %dma_wait3A_34 = tpu.memref_slice %arg8[%dma_wait3A_27, %dma_wait3A_33] : memref<125x80xi32, #tpu.memory_space<vmem>> -> memref<1x80xi32, #tpu.memory_space<vmem>>
    %dma_wait3A_35 = tpu.memref_squeeze %dma_wait3A_34 : memref<1x80xi32, #tpu.memory_space<vmem>> -> memref<80xi32, #tpu.memory_space<vmem>>
    %dma_wait3A_36 = arith.constant 0 : i32
    %dma_wait3A_37 = arith.constant 0 : i32
    %dma_wait3A_38 = tpu.memref_slice %arg10[%dma_wait3A_36, %dma_wait3A_37] : memref<10000x64xf32, #tpu.memory_space<vmem_shared>> -> memref<10000x64xf32, #tpu.memory_space<vmem_shared>>
    %dma_wait3A_39 = tpu.memref_slice %arg12[%dma_wait3A_28] : memref<5x!tpu.dma_semaphore, #tpu.memory_space<semaphore_mem>> -> memref<1x!tpu.dma_semaphore, #tpu.memory_space<semaphore_mem>>
    %dma_wait3A_40 = tpu.memref_squeeze %dma_wait3A_39 : memref<1x!tpu.dma_semaphore, #tpu.memory_space<semaphore_mem>> -> memref<!tpu.dma_semaphore, #tpu.memory_space<semaphore_mem>>
    tpu.wait_indirect_dma semaphore(%dma_wait3A_40 : memref<!tpu.dma_semaphore, #tpu.memory_space<semaphore_mem>>) src(%dma_wait3A_32 : memref<80x64xf32, #tpu.memory_space<vmem>>) dst(%dma_wait3A_38 : memref<10000x64xf32, #tpu.memory_space<vmem_shared>>)
    %dma_wait3A_41 = arith.constant 2 : i32
    %dma_wait3A_42 = arith.constant 122 : i32
    %dma_wait3A_43 = arith.constant 2 : i32
    %dma_wait3A_44 = arith.constant 0 : i32
    %dma_wait3A_45 = arith.constant 0 : i32
    %dma_wait3A_46 = tpu.memref_slice %arg9[%dma_wait3A_41, %dma_wait3A_44, %dma_wait3A_45] : memref<5x80x64xf32, #tpu.memory_space<vmem>> -> memref<1x80x64xf32, #tpu.memory_space<vmem>>
    %dma_wait3A_47 = tpu.memref_squeeze %dma_wait3A_46 : memref<1x80x64xf32, #tpu.memory_space<vmem>> -> memref<80x64xf32, #tpu.memory_space<vmem>>
    %dma_wait3A_48 = arith.constant 0 : i32
    %dma_wait3A_49 = tpu.memref_slice %arg8[%dma_wait3A_42, %dma_wait3A_48] : memref<125x80xi32, #tpu.memory_space<vmem>> -> memref<1x80xi32, #tpu.memory_space<vmem>>
    %dma_wait3A_50 = tpu.memref_squeeze %dma_wait3A_49 : memref<1x80xi32, #tpu.memory_space<vmem>> -> memref<80xi32, #tpu.memory_space<vmem>>
    %dma_wait3A_51 = arith.constant 0 : i32
    %dma_wait3A_52 = arith.constant 0 : i32
    %dma_wait3A_53 = tpu.memref_slice %arg10[%dma_wait3A_51, %dma_wait3A_52] : memref<10000x64xf32, #tpu.memory_space<vmem_shared>> -> memref<10000x64xf32, #tpu.memory_space<vmem_shared>>
    %dma_wait3A_54 = tpu.memref_slice %arg12[%dma_wait3A_43] : memref<5x!tpu.dma_semaphore, #tpu.memory_space<semaphore_mem>> -> memref<1x!tpu.dma_semaphore, #tpu.memory_space<semaphore_mem>>
    %dma_wait3A_55 = tpu.memref_squeeze %dma_wait3A_54 : memref<1x!tpu.dma_semaphore, #tpu.memory_space<semaphore_mem>> -> memref<!tpu.dma_semaphore, #tpu.memory_space<semaphore_mem>>
    tpu.wait_indirect_dma semaphore(%dma_wait3A_55 : memref<!tpu.dma_semaphore, #tpu.memory_space<semaphore_mem>>) src(%dma_wait3A_47 : memref<80x64xf32, #tpu.memory_space<vmem>>) dst(%dma_wait3A_53 : memref<10000x64xf32, #tpu.memory_space<vmem_shared>>)
    %dma_wait3A_56 = arith.constant 3 : i32
    %dma_wait3A_57 = arith.constant 123 : i32
    %dma_wait3A_58 = arith.constant 3 : i32
    %dma_wait3A_59 = arith.constant 0 : i32
    %dma_wait3A_60 = arith.constant 0 : i32
    %dma_wait3A_61 = tpu.memref_slice %arg9[%dma_wait3A_56, %dma_wait3A_59, %dma_wait3A_60] : memref<5x80x64xf32, #tpu.memory_space<vmem>> -> memref<1x80x64xf32, #tpu.memory_space<vmem>>
    %dma_wait3A_62 = tpu.memref_squeeze %dma_wait3A_61 : memref<1x80x64xf32, #tpu.memory_space<vmem>> -> memref<80x64xf32, #tpu.memory_space<vmem>>
    %dma_wait3A_63 = arith.constant 0 : i32
    %dma_wait3A_64 = tpu.memref_slice %arg8[%dma_wait3A_57, %dma_wait3A_63] : memref<125x80xi32, #tpu.memory_space<vmem>> -> memref<1x80xi32, #tpu.memory_space<vmem>>
    %dma_wait3A_65 = tpu.memref_squeeze %dma_wait3A_64 : memref<1x80xi32, #tpu.memory_space<vmem>> -> memref<80xi32, #tpu.memory_space<vmem>>
    %dma_wait3A_66 = arith.constant 0 : i32
    %dma_wait3A_67 = arith.constant 0 : i32
    %dma_wait3A_68 = tpu.memref_slice %arg10[%dma_wait3A_66, %dma_wait3A_67] : memref<10000x64xf32, #tpu.memory_space<vmem_shared>> -> memref<10000x64xf32, #tpu.memory_space<vmem_shared>>
    %dma_wait3A_69 = tpu.memref_slice %arg12[%dma_wait3A_58] : memref<5x!tpu.dma_semaphore, #tpu.memory_space<semaphore_mem>> -> memref<1x!tpu.dma_semaphore, #tpu.memory_space<semaphore_mem>>
    %dma_wait3A_70 = tpu.memref_squeeze %dma_wait3A_69 : memref<1x!tpu.dma_semaphore, #tpu.memory_space<semaphore_mem>> -> memref<!tpu.dma_semaphore, #tpu.memory_space<semaphore_mem>>
    tpu.wait_indirect_dma semaphore(%dma_wait3A_70 : memref<!tpu.dma_semaphore, #tpu.memory_space<semaphore_mem>>) src(%dma_wait3A_62 : memref<80x64xf32, #tpu.memory_space<vmem>>) dst(%dma_wait3A_68 : memref<10000x64xf32, #tpu.memory_space<vmem_shared>>)
    %dma_wait3A_71 = arith.constant 4 : i32
    %dma_wait3A_72 = arith.constant 124 : i32
    %dma_wait3A_73 = arith.constant 4 : i32
    %dma_wait3A_74 = arith.constant 0 : i32
    %dma_wait3A_75 = arith.constant 0 : i32
    %dma_wait3A_76 = tpu.memref_slice %arg9[%dma_wait3A_71, %dma_wait3A_74, %dma_wait3A_75] : memref<5x80x64xf32, #tpu.memory_space<vmem>> -> memref<1x80x64xf32, #tpu.memory_space<vmem>>
    %dma_wait3A_77 = tpu.memref_squeeze %dma_wait3A_76 : memref<1x80x64xf32, #tpu.memory_space<vmem>> -> memref<80x64xf32, #tpu.memory_space<vmem>>
    %dma_wait3A_78 = arith.constant 0 : i32
    %dma_wait3A_79 = tpu.memref_slice %arg8[%dma_wait3A_72, %dma_wait3A_78] : memref<125x80xi32, #tpu.memory_space<vmem>> -> memref<1x80xi32, #tpu.memory_space<vmem>>
    %dma_wait3A_80 = tpu.memref_squeeze %dma_wait3A_79 : memref<1x80xi32, #tpu.memory_space<vmem>> -> memref<80xi32, #tpu.memory_space<vmem>>
    %dma_wait3A_81 = arith.constant 0 : i32
    %dma_wait3A_82 = arith.constant 0 : i32
    %dma_wait3A_83 = tpu.memref_slice %arg10[%dma_wait3A_81, %dma_wait3A_82] : memref<10000x64xf32, #tpu.memory_space<vmem_shared>> -> memref<10000x64xf32, #tpu.memory_space<vmem_shared>>
    %dma_wait3A_84 = tpu.memref_slice %arg12[%dma_wait3A_73] : memref<5x!tpu.dma_semaphore, #tpu.memory_space<semaphore_mem>> -> memref<1x!tpu.dma_semaphore, #tpu.memory_space<semaphore_mem>>
    %dma_wait3A_85 = tpu.memref_squeeze %dma_wait3A_84 : memref<1x!tpu.dma_semaphore, #tpu.memory_space<semaphore_mem>> -> memref<!tpu.dma_semaphore, #tpu.memory_space<semaphore_mem>>
    tpu.wait_indirect_dma semaphore(%dma_wait3A_85 : memref<!tpu.dma_semaphore, #tpu.memory_space<semaphore_mem>>) src(%dma_wait3A_77 : memref<80x64xf32, #tpu.memory_space<vmem>>) dst(%dma_wait3A_83 : memref<10000x64xf32, #tpu.memory_space<vmem_shared>>)
    %barrier3A_86 = arith.constant 0 : index
    tpu.barrier barrier_id(%barrier3A_86)
    %lt3A_87 = arith.constant 15 : i32
    %lt3A_88 = arith.cmpi slt, %arg1, %lt3A_87 : i32
    %convert_element_type3A_89 = arith.extui %lt3A_88 : i1 to i32
    %cond3A_90 = arith.constant 0 : i32
    %cond3A_91 = arith.cmpi ne, %convert_element_type3A_89, %cond3A_90 : i32
    scf.if %cond3A_91 {
      "tpu.region"() ({
        %run_scoped3A = tpu.sem_alloc : memref<!tpu.dma_semaphore, #tpu.memory_space<semaphore_mem>>
        %dma_start3A = arith.constant 0 : i32
        %dma_start3A_97 = arith.constant 0 : i32
        %dma_start3A_98 = tpu.memref_slice %arg6[%arg0, %dma_start3A, %dma_start3A_97] : memref<2x10000x64xf32, #tpu.memory_space<hbm>> -> memref<1x10000x64xf32, #tpu.memory_space<hbm>>
        %dma_start3A_99 = tpu.memref_squeeze %dma_start3A_98 : memref<1x10000x64xf32, #tpu.memory_space<hbm>> -> memref<10000x64xf32, #tpu.memory_space<hbm>>
        %dma_start3A_100 = arith.constant 0 : i32
        %dma_start3A_101 = tpu.memref_slice %dma_start3A_99[%mul3A_0, %dma_start3A_100] : memref<10000x64xf32, #tpu.memory_space<hbm>> -> memref<632x64xf32, #tpu.memory_space<hbm>>
        %dma_start3A_102 = arith.constant 0 : i32
        %dma_start3A_103 = tpu.memref_slice %arg10[%mul3A_0, %dma_start3A_102] : memref<10000x64xf32, #tpu.memory_space<vmem_shared>> -> memref<632x64xf32, #tpu.memory_space<vmem_shared>>
        tpu.enqueue_dma source(%dma_start3A_103 : memref<632x64xf32, #tpu.memory_space<vmem_shared>>) target(%dma_start3A_101 : memref<632x64xf32, #tpu.memory_space<hbm>>) target_semaphore(%run_scoped3A : memref<!tpu.dma_semaphore, #tpu.memory_space<semaphore_mem>>)
        %dma_wait3A_104 = arith.constant 0 : i32
        %dma_wait3A_105 = arith.constant 0 : i32
        %dma_wait3A_106 = tpu.memref_slice %arg6[%arg0, %dma_wait3A_104, %dma_wait3A_105] : memref<2x10000x64xf32, #tpu.memory_space<hbm>> -> memref<1x10000x64xf32, #tpu.memory_space<hbm>>
        %dma_wait3A_107 = tpu.memref_squeeze %dma_wait3A_106 : memref<1x10000x64xf32, #tpu.memory_space<hbm>> -> memref<10000x64xf32, #tpu.memory_space<hbm>>
        %dma_wait3A_108 = arith.constant 0 : i32
        %dma_wait3A_109 = tpu.memref_slice %dma_wait3A_107[%mul3A_0, %dma_wait3A_108] : memref<10000x64xf32, #tpu.memory_space<hbm>> -> memref<632x64xf32, #tpu.memory_space<hbm>>
        %dma_wait3A_110 = arith.constant 0 : i32
        %dma_wait3A_111 = tpu.memref_slice %arg10[%mul3A_0, %dma_wait3A_110] : memref<10000x64xf32, #tpu.memory_space<vmem_shared>> -> memref<632x64xf32, #tpu.memory_space<vmem_shared>>
        tpu.wait_dma2 semaphore(%run_scoped3A : memref<!tpu.dma_semaphore, #tpu.memory_space<semaphore_mem>>) src(%dma_wait3A_111 : memref<632x64xf32, #tpu.memory_space<vmem_shared>>) dst(%dma_wait3A_109 : memref<632x64xf32, #tpu.memory_space<hbm>>)
        tpu.yield
      }) : () -> ()
    } else {
    }
    %eq3A_92 = arith.constant 15 : i32
    %eq3A_93 = arith.cmpi eq, %arg1, %eq3A_92 : i32
    %convert_element_type3A_94 = arith.extui %eq3A_93 : i1 to i32
    %cond3A_95 = arith.constant 0 : i32
    %cond3A_96 = arith.cmpi ne, %convert_element_type3A_94, %cond3A_95 : i32
    scf.if %cond3A_96 {
      "tpu.region"() ({
        %run_scoped3A = tpu.sem_alloc : memref<!tpu.dma_semaphore, #tpu.memory_space<semaphore_mem>>
        %dma_start3A = arith.constant 0 : i32
        %dma_start3A_97 = arith.constant 0 : i32
        %dma_start3A_98 = tpu.memref_slice %arg6[%arg0, %dma_start3A, %dma_start3A_97] : memref<2x10000x64xf32, #tpu.memory_space<hbm>> -> memref<1x10000x64xf32, #tpu.memory_space<hbm>>
        %dma_start3A_99 = tpu.memref_squeeze %dma_start3A_98 : memref<1x10000x64xf32, #tpu.memory_space<hbm>> -> memref<10000x64xf32, #tpu.memory_space<hbm>>
        %dma_start3A_100 = arith.constant 9480 : i32
        %dma_start3A_101 = arith.constant 0 : i32
        %dma_start3A_102 = tpu.memref_slice %dma_start3A_99[%dma_start3A_100, %dma_start3A_101] : memref<10000x64xf32, #tpu.memory_space<hbm>> -> memref<520x64xf32, #tpu.memory_space<hbm>>
        %dma_start3A_103 = arith.constant 9480 : i32
        %dma_start3A_104 = arith.constant 0 : i32
        %dma_start3A_105 = tpu.memref_slice %arg10[%dma_start3A_103, %dma_start3A_104] : memref<10000x64xf32, #tpu.memory_space<vmem_shared>> -> memref<520x64xf32, #tpu.memory_space<vmem_shared>>
        tpu.enqueue_dma source(%dma_start3A_105 : memref<520x64xf32, #tpu.memory_space<vmem_shared>>) target(%dma_start3A_102 : memref<520x64xf32, #tpu.memory_space<hbm>>) target_semaphore(%run_scoped3A : memref<!tpu.dma_semaphore, #tpu.memory_space<semaphore_mem>>)
        %dma_wait3A_106 = arith.constant 0 : i32
        %dma_wait3A_107 = arith.constant 0 : i32
        %dma_wait3A_108 = tpu.memref_slice %arg6[%arg0, %dma_wait3A_106, %dma_wait3A_107] : memref<2x10000x64xf32, #tpu.memory_space<hbm>> -> memref<1x10000x64xf32, #tpu.memory_space<hbm>>
        %dma_wait3A_109 = tpu.memref_squeeze %dma_wait3A_108 : memref<1x10000x64xf32, #tpu.memory_space<hbm>> -> memref<10000x64xf32, #tpu.memory_space<hbm>>
        %dma_wait3A_110 = arith.constant 9480 : i32
        %dma_wait3A_111 = arith.constant 0 : i32
        %dma_wait3A_112 = tpu.memref_slice %dma_wait3A_109[%dma_wait3A_110, %dma_wait3A_111] : memref<10000x64xf32, #tpu.memory_space<hbm>> -> memref<520x64xf32, #tpu.memory_space<hbm>>
        %dma_wait3A_113 = arith.constant 9480 : i32
        %dma_wait3A_114 = arith.constant 0 : i32
        %dma_wait3A_115 = tpu.memref_slice %arg10[%dma_wait3A_113, %dma_wait3A_114] : memref<10000x64xf32, #tpu.memory_space<vmem_shared>> -> memref<520x64xf32, #tpu.memory_space<vmem_shared>>
        tpu.wait_dma2 semaphore(%run_scoped3A : memref<!tpu.dma_semaphore, #tpu.memory_space<semaphore_mem>>) src(%dma_wait3A_115 : memref<520x64xf32, #tpu.memory_space<vmem_shared>>) dst(%dma_wait3A_112 : memref<520x64xf32, #tpu.memory_space<hbm>>)
        tpu.yield
      }) : () -> ()
    } else {
    }
    return
  }
}

module attributes {stable_mosaic.version = 14 : i64} {
  func.func @_layer1_body(%arg0: i32, %arg1: memref<2000x128xf32, #tpu.memory_space<vmem>>, %arg2: memref<2x2000x64xf32, #tpu.memory_space<vmem>>, %arg3: memref<128x64xf32, #tpu.memory_space<vmem>>, %arg4: memref<1x64xf32, #tpu.memory_space<vmem>>, %arg5: memref<64x64xf32, #tpu.memory_space<vmem>>, %arg6: memref<1x64xf32, #tpu.memory_space<vmem>>, %arg7: memref<2000x64xf32, #tpu.memory_space<vmem>>) attributes {dimension_semantics = [#tpu.dimension_semantics<arbitrary>], iteration_bounds = array<i64: 5>, scalar_prefetch = 0 : i64, scratch_operands = 0 : i64, tpu.core_type = #tpu.core_type<tc>, window_params = [{transform_indices = @transform_0, window_bounds = array<i64: 2000, 128>}, {transform_indices = @transform_1, window_bounds = array<i64: 2, 2000, 64>}, {pipeline_mode = #tpu.pipeline_mode<synchronous>, transform_indices = @transform_2, window_bounds = array<i64: 128, 64>}, {pipeline_mode = #tpu.pipeline_mode<synchronous>, transform_indices = @transform_3, window_bounds = array<i64: 1, 64>}, {pipeline_mode = #tpu.pipeline_mode<synchronous>, transform_indices = @transform_4, window_bounds = array<i64: 64, 64>}, {pipeline_mode = #tpu.pipeline_mode<synchronous>, transform_indices = @transform_5, window_bounds = array<i64: 1, 64>}, {transform_indices = @transform_6, window_bounds = array<i64: 2000, 64>}]} {
    %get3A = arith.constant 0 : index
    %get3A_0 = arith.constant 0 : index
    %get3A_1 = arith.constant 0 : index
    %get3A_2 = vector.load %arg2[%get3A, %get3A_0, %get3A_1] : memref<2x2000x64xf32, #tpu.memory_space<vmem>>, vector<1x2000x64xf32>
    %get3A_3 = vector.shape_cast %get3A_2 : vector<1x2000x64xf32> to vector<2000x64xf32>
    %get3A_4 = arith.constant 1 : index
    %get3A_5 = arith.constant 0 : index
    %get3A_6 = arith.constant 0 : index
    %get3A_7 = vector.load %arg2[%get3A_4, %get3A_5, %get3A_6] : memref<2x2000x64xf32, #tpu.memory_space<vmem>>, vector<1x2000x64xf32>
    %get3A_8 = vector.shape_cast %get3A_7 : vector<1x2000x64xf32> to vector<2000x64xf32>
    %concatenate3A = tpu.concatenate %get3A_3, %get3A_8 in 1 : vector<2000x64xf32>, vector<2000x64xf32> -> vector<2000x128xf32>
    %get3A_9 = arith.constant 0 : index
    %get3A_10 = arith.constant 0 : index
    %get3A_11 = vector.load %arg1[%get3A_9, %get3A_10] : memref<2000x128xf32, #tpu.memory_space<vmem>>, vector<2000x128xf32>
    %add3A = arith.addf %get3A_11, %concatenate3A : vector<2000x128xf32>
    %get3A_12 = arith.constant 0 : index
    %get3A_13 = arith.constant 0 : index
    %get3A_14 = vector.load %arg3[%get3A_12, %get3A_13] : memref<128x64xf32, #tpu.memory_space<vmem>>, vector<128x64xf32>
    %dot_general3A = arith.constant dense<0.000000e+00> : vector<2000x64xf32>
    %dot_general3A_15 = tpu.matmul %add3A, %get3A_14, %dot_general3A {dimension_numbers = #tpu.dot_dimension_numbers<[1], [0], [0], [1], [0, 0, 1, 1], [], []>, transpose_lhs_hint = false} : vector<2000x128xf32>, vector<128x64xf32>, vector<2000x64xf32> -> vector<2000x64xf32>
    %get3A_16 = arith.constant 0 : index
    %get3A_17 = arith.constant 0 : index
    %get3A_18 = vector.load %arg4[%get3A_16, %get3A_17] : memref<1x64xf32, #tpu.memory_space<vmem>>, vector<1x64xf32>
    %add3A_19 = vector.broadcast %get3A_18 : vector<1x64xf32> to vector<2000x64xf32>
    %add3A_20 = arith.addf %dot_general3A_15, %add3A_19 : vector<2000x64xf32>
    %max3A = arith.constant 0.000000e+00 : f32
    %max3A_21 = vector.broadcast %max3A : f32 to vector<2000x64xf32>
    %max3A_22 = arith.maximumf %add3A_20, %max3A_21 : vector<2000x64xf32>
    %get3A_23 = arith.constant 0 : index
    %get3A_24 = arith.constant 0 : index
    %get3A_25 = vector.load %arg5[%get3A_23, %get3A_24] : memref<64x64xf32, #tpu.memory_space<vmem>>, vector<64x64xf32>
    %dot_general3A_26 = arith.constant dense<0.000000e+00> : vector<2000x64xf32>
    %dot_general3A_27 = tpu.matmul %max3A_22, %get3A_25, %dot_general3A_26 {dimension_numbers = #tpu.dot_dimension_numbers<[1], [0], [0], [1], [0, 0, 1, 1], [], []>, transpose_lhs_hint = false} : vector<2000x64xf32>, vector<64x64xf32>, vector<2000x64xf32> -> vector<2000x64xf32>
    %get3A_28 = arith.constant 0 : index
    %get3A_29 = arith.constant 0 : index
    %get3A_30 = vector.load %arg6[%get3A_28, %get3A_29] : memref<1x64xf32, #tpu.memory_space<vmem>>, vector<1x64xf32>
    %add3A_31 = vector.broadcast %get3A_30 : vector<1x64xf32> to vector<2000x64xf32>
    %add3A_32 = arith.addf %dot_general3A_27, %add3A_31 : vector<2000x64xf32>
    %max3A_33 = arith.constant 0.000000e+00 : f32
    %max3A_34 = vector.broadcast %max3A_33 : f32 to vector<2000x64xf32>
    %max3A_35 = arith.maximumf %add3A_32, %max3A_34 : vector<2000x64xf32>
    %swap3A = arith.constant 0 : index
    %swap3A_36 = arith.constant 0 : index
    %swap3A_37 = vector.load %arg7[%swap3A, %swap3A_36] : memref<2000x64xf32, #tpu.memory_space<vmem>>, vector<2000x64xf32>
    tpu.vector_store %arg7[%swap3A, %swap3A_36], %max3A_35 {strides = array<i32>} : memref<2000x64xf32, #tpu.memory_space<vmem>>, vector<2000x64xf32>,
    return
  }
  func.func @transform_0(%arg0: i32) -> (i32, i32) {
    %c0_i32 = arith.constant 0 : i32
    %c0_i32_0 = arith.constant 0 : i32
    return %arg0, %c0_i32 : i32, i32
  }
  func.func @transform_1(%arg0: i32) -> (i32, i32, i32) {
    %c0_i32 = arith.constant 0 : i32
    %c0_i32_0 = arith.constant 0 : i32
    %c0_i32_1 = arith.constant 0 : i32
    return %c0_i32, %arg0, %c0_i32_0 : i32, i32, i32
  }
  func.func @transform_2(%arg0: i32) -> (i32, i32) {
    %c0_i32 = arith.constant 0 : i32
    %c0_i32_0 = arith.constant 0 : i32
    %c0_i32_1 = arith.constant 0 : i32
    return %c0_i32, %c0_i32_0 : i32, i32
  }
  func.func @transform_3(%arg0: i32) -> (i32, i32) {
    %c0_i32 = arith.constant 0 : i32
    %c0_i32_0 = arith.constant 0 : i32
    %c0_i32_1 = arith.constant 0 : i32
    return %c0_i32, %c0_i32_0 : i32, i32
  }
  func.func @transform_4(%arg0: i32) -> (i32, i32) {
    %c0_i32 = arith.constant 0 : i32
    %c0_i32_0 = arith.constant 0 : i32
    %c0_i32_1 = arith.constant 0 : i32
    return %c0_i32, %c0_i32_0 : i32, i32
  }
  func.func @transform_5(%arg0: i32) -> (i32, i32) {
    %c0_i32 = arith.constant 0 : i32
    %c0_i32_0 = arith.constant 0 : i32
    %c0_i32_1 = arith.constant 0 : i32
    return %c0_i32, %c0_i32_0 : i32, i32
  }
  func.func @transform_6(%arg0: i32) -> (i32, i32) {
    %c0_i32 = arith.constant 0 : i32
    %c0_i32_0 = arith.constant 0 : i32
    return %arg0, %c0_i32 : i32, i32
  }
}

module attributes {stable_mosaic.version = 14 : i64} {
  func.func @_layer2_body(%arg0: i32, %arg1: memref<2000x64xf32, #tpu.memory_space<vmem>>, %arg2: memref<2x2000x64xf32, #tpu.memory_space<vmem>>, %arg3: memref<64x64xf32, #tpu.memory_space<vmem>>, %arg4: memref<1x64xf32, #tpu.memory_space<vmem>>, %arg5: memref<64x64xf32, #tpu.memory_space<vmem>>, %arg6: memref<1x64xf32, #tpu.memory_space<vmem>>, %arg7: memref<2000x64xf32, #tpu.memory_space<vmem>>) attributes {dimension_semantics = [#tpu.dimension_semantics<arbitrary>], iteration_bounds = array<i64: 5>, scalar_prefetch = 0 : i64, scratch_operands = 0 : i64, tpu.core_type = #tpu.core_type<tc>, window_params = [{transform_indices = @transform_0, window_bounds = array<i64: 2000, 64>}, {transform_indices = @transform_1, window_bounds = array<i64: 2, 2000, 64>}, {pipeline_mode = #tpu.pipeline_mode<synchronous>, transform_indices = @transform_2, window_bounds = array<i64: 64, 64>}, {pipeline_mode = #tpu.pipeline_mode<synchronous>, transform_indices = @transform_3, window_bounds = array<i64: 1, 64>}, {pipeline_mode = #tpu.pipeline_mode<synchronous>, transform_indices = @transform_4, window_bounds = array<i64: 64, 64>}, {pipeline_mode = #tpu.pipeline_mode<synchronous>, transform_indices = @transform_5, window_bounds = array<i64: 1, 64>}, {transform_indices = @transform_6, window_bounds = array<i64: 2000, 64>}]} {
    %get3A = arith.constant 0 : index
    %get3A_0 = arith.constant 0 : index
    %get3A_1 = vector.load %arg1[%get3A, %get3A_0] : memref<2000x64xf32, #tpu.memory_space<vmem>>, vector<2000x64xf32>
    %get3A_2 = arith.constant 0 : index
    %get3A_3 = arith.constant 0 : index
    %get3A_4 = arith.constant 0 : index
    %get3A_5 = vector.load %arg2[%get3A_2, %get3A_3, %get3A_4] : memref<2x2000x64xf32, #tpu.memory_space<vmem>>, vector<1x2000x64xf32>
    %get3A_6 = vector.shape_cast %get3A_5 : vector<1x2000x64xf32> to vector<2000x64xf32>
    %add3A = arith.addf %get3A_1, %get3A_6 : vector<2000x64xf32>
    %get3A_7 = arith.constant 1 : index
    %get3A_8 = arith.constant 0 : index
    %get3A_9 = arith.constant 0 : index
    %get3A_10 = vector.load %arg2[%get3A_7, %get3A_8, %get3A_9] : memref<2x2000x64xf32, #tpu.memory_space<vmem>>, vector<1x2000x64xf32>
    %get3A_11 = vector.shape_cast %get3A_10 : vector<1x2000x64xf32> to vector<2000x64xf32>
    %add3A_12 = arith.addf %add3A, %get3A_11 : vector<2000x64xf32>
    %get3A_13 = arith.constant 0 : index
    %get3A_14 = arith.constant 0 : index
    %get3A_15 = vector.load %arg3[%get3A_13, %get3A_14] : memref<64x64xf32, #tpu.memory_space<vmem>>, vector<64x64xf32>
    %dot_general3A = arith.constant dense<0.000000e+00> : vector<2000x64xf32>
    %dot_general3A_16 = tpu.matmul %add3A_12, %get3A_15, %dot_general3A {dimension_numbers = #tpu.dot_dimension_numbers<[1], [0], [0], [1], [0, 0, 1, 1], [], []>, transpose_lhs_hint = false} : vector<2000x64xf32>, vector<64x64xf32>, vector<2000x64xf32> -> vector<2000x64xf32>
    %get3A_17 = arith.constant 0 : index
    %get3A_18 = arith.constant 0 : index
    %get3A_19 = vector.load %arg4[%get3A_17, %get3A_18] : memref<1x64xf32, #tpu.memory_space<vmem>>, vector<1x64xf32>
    %add3A_20 = vector.broadcast %get3A_19 : vector<1x64xf32> to vector<2000x64xf32>
    %add3A_21 = arith.addf %dot_general3A_16, %add3A_20 : vector<2000x64xf32>
    %max3A = arith.constant 0.000000e+00 : f32
    %max3A_22 = vector.broadcast %max3A : f32 to vector<2000x64xf32>
    %max3A_23 = arith.maximumf %add3A_21, %max3A_22 : vector<2000x64xf32>
    %get3A_24 = arith.constant 0 : index
    %get3A_25 = arith.constant 0 : index
    %get3A_26 = vector.load %arg5[%get3A_24, %get3A_25] : memref<64x64xf32, #tpu.memory_space<vmem>>, vector<64x64xf32>
    %dot_general3A_27 = arith.constant dense<0.000000e+00> : vector<2000x64xf32>
    %dot_general3A_28 = tpu.matmul %max3A_23, %get3A_26, %dot_general3A_27 {dimension_numbers = #tpu.dot_dimension_numbers<[1], [0], [0], [1], [0, 0, 1, 1], [], []>, transpose_lhs_hint = false} : vector<2000x64xf32>, vector<64x64xf32>, vector<2000x64xf32> -> vector<2000x64xf32>
    %get3A_29 = arith.constant 0 : index
    %get3A_30 = arith.constant 0 : index
    %get3A_31 = vector.load %arg6[%get3A_29, %get3A_30] : memref<1x64xf32, #tpu.memory_space<vmem>>, vector<1x64xf32>
    %add3A_32 = vector.broadcast %get3A_31 : vector<1x64xf32> to vector<2000x64xf32>
    %add3A_33 = arith.addf %dot_general3A_28, %add3A_32 : vector<2000x64xf32>
    %max3A_34 = arith.constant 0.000000e+00 : f32
    %max3A_35 = vector.broadcast %max3A_34 : f32 to vector<2000x64xf32>
    %max3A_36 = arith.maximumf %add3A_33, %max3A_35 : vector<2000x64xf32>
    %swap3A = arith.constant 0 : index
    %swap3A_37 = arith.constant 0 : index
    %swap3A_38 = vector.load %arg7[%swap3A, %swap3A_37] : memref<2000x64xf32, #tpu.memory_space<vmem>>, vector<2000x64xf32>
    tpu.vector_store %arg7[%swap3A, %swap3A_37], %max3A_36 {strides = array<i32>} : memref<2000x64xf32, #tpu.memory_space<vmem>>, vector<2000x64xf32>,
    return
  }
  func.func @transform_0(%arg0: i32) -> (i32, i32) {
    %c0_i32 = arith.constant 0 : i32
    %c0_i32_0 = arith.constant 0 : i32
    return %arg0, %c0_i32 : i32, i32
  }
  func.func @transform_1(%arg0: i32) -> (i32, i32, i32) {
    %c0_i32 = arith.constant 0 : i32
    %c0_i32_0 = arith.constant 0 : i32
    %c0_i32_1 = arith.constant 0 : i32
    return %c0_i32, %arg0, %c0_i32_0 : i32, i32, i32
  }
  func.func @transform_2(%arg0: i32) -> (i32, i32) {
    %c0_i32 = arith.constant 0 : i32
    %c0_i32_0 = arith.constant 0 : i32
    %c0_i32_1 = arith.constant 0 : i32
    return %c0_i32, %c0_i32_0 : i32, i32
  }
  func.func @transform_3(%arg0: i32) -> (i32, i32) {
    %c0_i32 = arith.constant 0 : i32
    %c0_i32_0 = arith.constant 0 : i32
    %c0_i32_1 = arith.constant 0 : i32
    return %c0_i32, %c0_i32_0 : i32, i32
  }
  func.func @transform_4(%arg0: i32) -> (i32, i32) {
    %c0_i32 = arith.constant 0 : i32
    %c0_i32_0 = arith.constant 0 : i32
    %c0_i32_1 = arith.constant 0 : i32
    return %c0_i32, %c0_i32_0 : i32, i32
  }
  func.func @transform_5(%arg0: i32) -> (i32, i32) {
    %c0_i32 = arith.constant 0 : i32
    %c0_i32_0 = arith.constant 0 : i32
    %c0_i32_1 = arith.constant 0 : i32
    return %c0_i32, %c0_i32_0 : i32, i32
  }
  func.func @transform_6(%arg0: i32) -> (i32, i32) {
    %c0_i32 = arith.constant 0 : i32
    %c0_i32_0 = arith.constant 0 : i32
    return %arg0, %c0_i32 : i32, i32
  }
}

module attributes {stable_mosaic.version = 14 : i64} {
  func.func @_layer3_pool_body(%arg0: i32, %arg1: memref<2000x64xf32, #tpu.memory_space<vmem>>, %arg2: memref<2x2000x64xf32, #tpu.memory_space<vmem>>, %arg3: memref<1x1x2000xi32, #tpu.memory_space<vmem>>, %arg4: memref<64x64xf32, #tpu.memory_space<vmem>>, %arg5: memref<1x64xf32, #tpu.memory_space<vmem>>, %arg6: memref<64x64xf32, #tpu.memory_space<vmem>>, %arg7: memref<1x64xf32, #tpu.memory_space<vmem>>, %arg8: memref<64x1xf32, #tpu.memory_space<vmem>>, %arg9: memref<1x1xf32, #tpu.memory_space<vmem>>, %arg10: memref<128x1xf32, #tpu.memory_space<vmem>>, %arg11: memref<128x64xf32, #tpu.memory_space<vmem>>, %arg12: memref<128x1xf32, #tpu.memory_space<vmem>>) attributes {dimension_semantics = [#tpu.dimension_semantics<arbitrary>], iteration_bounds = array<i64: 5>, scalar_prefetch = 0 : i64, scratch_operands = 2 : i64, tpu.core_type = #tpu.core_type<tc>, window_params = [{transform_indices = @transform_0, window_bounds = array<i64: 2000, 64>}, {transform_indices = @transform_1, window_bounds = array<i64: 2, 2000, 64>}, {transform_indices = @transform_2, window_bounds = array<i64: 1, 1, 2000>}, {pipeline_mode = #tpu.pipeline_mode<synchronous>, transform_indices = @transform_3, window_bounds = array<i64: 64, 64>}, {pipeline_mode = #tpu.pipeline_mode<synchronous>, transform_indices = @transform_4, window_bounds = array<i64: 1, 64>}, {pipeline_mode = #tpu.pipeline_mode<synchronous>, transform_indices = @transform_5, window_bounds = array<i64: 64, 64>}, {pipeline_mode = #tpu.pipeline_mode<synchronous>, transform_indices = @transform_6, window_bounds = array<i64: 1, 64>}, {pipeline_mode = #tpu.pipeline_mode<synchronous>, transform_indices = @transform_7, window_bounds = array<i64: 64, 1>}, {pipeline_mode = #tpu.pipeline_mode<synchronous>, transform_indices = @transform_8, window_bounds = array<i64: 1, 1>}, {pipeline_mode = #tpu.pipeline_mode<synchronous>, transform_indices = @transform_9, window_bounds = array<i64: 128, 1>}]} {
    %get3A = arith.constant 0 : index
    %get3A_0 = arith.constant 0 : index
    %get3A_1 = vector.load %arg1[%get3A, %get3A_0] : memref<2000x64xf32, #tpu.memory_space<vmem>>, vector<2000x64xf32>
    %get3A_2 = arith.constant 0 : index
    %get3A_3 = arith.constant 0 : index
    %get3A_4 = arith.constant 0 : index
    %get3A_5 = vector.load %arg2[%get3A_2, %get3A_3, %get3A_4] : memref<2x2000x64xf32, #tpu.memory_space<vmem>>, vector<1x2000x64xf32>
    %get3A_6 = vector.shape_cast %get3A_5 : vector<1x2000x64xf32> to vector<2000x64xf32>
    %add3A = arith.addf %get3A_1, %get3A_6 : vector<2000x64xf32>
    %get3A_7 = arith.constant 1 : index
    %get3A_8 = arith.constant 0 : index
    %get3A_9 = arith.constant 0 : index
    %get3A_10 = vector.load %arg2[%get3A_7, %get3A_8, %get3A_9] : memref<2x2000x64xf32, #tpu.memory_space<vmem>>, vector<1x2000x64xf32>
    %get3A_11 = vector.shape_cast %get3A_10 : vector<1x2000x64xf32> to vector<2000x64xf32>
    %add3A_12 = arith.addf %add3A, %get3A_11 : vector<2000x64xf32>
    %get3A_13 = arith.constant 0 : index
    %get3A_14 = arith.constant 0 : index
    %get3A_15 = vector.load %arg4[%get3A_13, %get3A_14] : memref<64x64xf32, #tpu.memory_space<vmem>>, vector<64x64xf32>
    %dot_general3A = arith.constant dense<0.000000e+00> : vector<2000x64xf32>
    %dot_general3A_16 = tpu.matmul %add3A_12, %get3A_15, %dot_general3A {dimension_numbers = #tpu.dot_dimension_numbers<[1], [0], [0], [1], [0, 0, 1, 1], [], []>, transpose_lhs_hint = false} : vector<2000x64xf32>, vector<64x64xf32>, vector<2000x64xf32> -> vector<2000x64xf32>
    %get3A_17 = arith.constant 0 : index
    %get3A_18 = arith.constant 0 : index
    %get3A_19 = vector.load %arg5[%get3A_17, %get3A_18] : memref<1x64xf32, #tpu.memory_space<vmem>>, vector<1x64xf32>
    %add3A_20 = vector.broadcast %get3A_19 : vector<1x64xf32> to vector<2000x64xf32>
    %add3A_21 = arith.addf %dot_general3A_16, %add3A_20 : vector<2000x64xf32>
    %max3A = arith.constant 0.000000e+00 : f32
    %max3A_22 = vector.broadcast %max3A : f32 to vector<2000x64xf32>
    %max3A_23 = arith.maximumf %add3A_21, %max3A_22 : vector<2000x64xf32>
    %get3A_24 = arith.constant 0 : index
    %get3A_25 = arith.constant 0 : index
    %get3A_26 = vector.load %arg6[%get3A_24, %get3A_25] : memref<64x64xf32, #tpu.memory_space<vmem>>, vector<64x64xf32>
    %dot_general3A_27 = arith.constant dense<0.000000e+00> : vector<2000x64xf32>
    %dot_general3A_28 = tpu.matmul %max3A_23, %get3A_26, %dot_general3A_27 {dimension_numbers = #tpu.dot_dimension_numbers<[1], [0], [0], [1], [0, 0, 1, 1], [], []>, transpose_lhs_hint = false} : vector<2000x64xf32>, vector<64x64xf32>, vector<2000x64xf32> -> vector<2000x64xf32>
    %get3A_29 = arith.constant 0 : index
    %get3A_30 = arith.constant 0 : index
    %get3A_31 = vector.load %arg7[%get3A_29, %get3A_30] : memref<1x64xf32, #tpu.memory_space<vmem>>, vector<1x64xf32>
    %add3A_32 = vector.broadcast %get3A_31 : vector<1x64xf32> to vector<2000x64xf32>
    %add3A_33 = arith.addf %dot_general3A_28, %add3A_32 : vector<2000x64xf32>
    %iota3A = tpu.iota {dimensions = array<i32: 0>} : vector<128x2000xi32>
    %get3A_34 = arith.constant 0 : index
    %get3A_35 = arith.constant 0 : index
    %get3A_36 = arith.constant 0 : index
    %get3A_37 = vector.load %arg3[%get3A_34, %get3A_35, %get3A_36] : memref<1x1x2000xi32, #tpu.memory_space<vmem>>, vector<1x1x2000xi32>
    %get3A_38 = vector.shape_cast %get3A_37 : vector<1x1x2000xi32> to vector<1x2000xi32>
    %eq3A = vector.broadcast %get3A_38 : vector<1x2000xi32> to vector<128x2000xi32>
    %eq3A_39 = arith.cmpi eq, %iota3A, %eq3A : vector<128x2000xi32>
    %convert_element_type3A = arith.extui %eq3A_39 : vector<128x2000xi1> to vector<128x2000xi32>
    %convert_element_type3A_40 = arith.sitofp %convert_element_type3A : vector<128x2000xi32> to vector<128x2000xf32>
    %dot_general3A_41 = arith.constant dense<0.000000e+00> : vector<128x64xf32>
    %dot_general3A_42 = tpu.matmul %convert_element_type3A_40, %add3A_33, %dot_general3A_41 {dimension_numbers = #tpu.dot_dimension_numbers<[1], [0], [0], [1], [0, 0, 1, 1], [], []>, precision = #tpu.contract_precision<fp32>, transpose_lhs_hint = false} : vector<128x2000xf32>, vector<2000x64xf32>, vector<128x64xf32> -> vector<128x64xf32>
    %reduce_sum3A = arith.constant dense<0.000000e+00> : vector<128xf32>
    %reduce_sum3A_43 = vector.multi_reduction <add>, %convert_element_type3A_40, %reduce_sum3A [1] : vector<128x2000xf32> to vector<128xf32>
    %broadcast_in_dim3A = vector.shape_cast %reduce_sum3A_43 : vector<128xf32> to vector<128x1xf32>
    %eq3A_44 = arith.constant 0 : i32
    %eq3A_45 = arith.cmpi eq, %arg0, %eq3A_44 : i32
    %convert_element_type3A_46 = arith.extui %eq3A_45 : i1 to i32
    %cond3A = arith.constant 0 : i32
    %cond3A_47 = arith.cmpi ne, %convert_element_type3A_46, %cond3A : i32
    scf.if %cond3A_47 {
      %broadcast_in_dim3A_66 = arith.constant 0.000000e+00 : f32
      %broadcast_in_dim3A_67 = vector.broadcast %broadcast_in_dim3A_66 : f32 to vector<128x64xf32>
      %swap3A_68 = arith.constant 0 : index
      %swap3A_69 = arith.constant 0 : index
      %swap3A_70 = vector.load %arg11[%swap3A_68, %swap3A_69] : memref<128x64xf32, #tpu.memory_space<vmem>>, vector<128x64xf32>
      tpu.vector_store %arg11[%swap3A_68, %swap3A_69], %broadcast_in_dim3A_67 {strides = array<i32>} : memref<128x64xf32, #tpu.memory_space<vmem>>, vector<128x64xf32>,
      %broadcast_in_dim3A_71 = arith.constant 0.000000e+00 : f32
      %broadcast_in_dim3A_72 = vector.broadcast %broadcast_in_dim3A_71 : f32 to vector<128x1xf32>
      %swap3A_73 = arith.constant 0 : index
      %swap3A_74 = arith.constant 0 : index
      %swap3A_75 = vector.load %arg12[%swap3A_73, %swap3A_74] : memref<128x1xf32, #tpu.memory_space<vmem>>, vector<128x1xf32>
      tpu.vector_store %arg12[%swap3A_73, %swap3A_74], %broadcast_in_dim3A_72 {strides = array<i32>} : memref<128x1xf32, #tpu.memory_space<vmem>>, vector<128x1xf32>,
    } else {
    }
    %get3A_48 = arith.constant 0 : index
    %get3A_49 = arith.constant 0 : index
    %get3A_50 = vector.load %arg11[%get3A_48, %get3A_49] : memref<128x64xf32, #tpu.memory_space<vmem>>, vector<128x64xf32>
    %add3A_51 = arith.addf %get3A_50, %dot_general3A_42 : vector<128x64xf32>
    %swap3A = arith.constant 0 : index
    %swap3A_52 = arith.constant 0 : index
    %swap3A_53 = vector.load %arg11[%swap3A, %swap3A_52] : memref<128x64xf32, #tpu.memory_space<vmem>>, vector<128x64xf32>
    tpu.vector_store %arg11[%swap3A, %swap3A_52], %add3A_51 {strides = array<i32>} : memref<128x64xf32, #tpu.memory_space<vmem>>, vector<128x64xf32>,
    %get3A_54 = arith.constant 0 : index
    %get3A_55 = arith.constant 0 : index
    %get3A_56 = vector.load %arg12[%get3A_54, %get3A_55] : memref<128x1xf32, #tpu.memory_space<vmem>>, vector<128x1xf32>
    %add3A_57 = arith.addf %get3A_56, %broadcast_in_dim3A : vector<128x1xf32>
    %swap3A_58 = arith.constant 0 : index
    %swap3A_59 = arith.constant 0 : index
    %swap3A_60 = vector.load %arg12[%swap3A_58, %swap3A_59] : memref<128x1xf32, #tpu.memory_space<vmem>>, vector<128x1xf32>
    tpu.vector_store %arg12[%swap3A_58, %swap3A_59], %add3A_57 {strides = array<i32>} : memref<128x1xf32, #tpu.memory_space<vmem>>, vector<128x1xf32>,
    %eq3A_61 = arith.constant 4 : i32
    %eq3A_62 = arith.cmpi eq, %arg0, %eq3A_61 : i32
    %convert_element_type3A_63 = arith.extui %eq3A_62 : i1 to i32
    %cond3A_64 = arith.constant 0 : i32
    %cond3A_65 = arith.cmpi ne, %convert_element_type3A_63, %cond3A_64 : i32
    scf.if %cond3A_65 {
      %get3A_66 = arith.constant 0 : index
      %get3A_67 = arith.constant 0 : index
      %get3A_68 = vector.load %arg11[%get3A_66, %get3A_67] : memref<128x64xf32, #tpu.memory_space<vmem>>, vector<128x64xf32>
      %get3A_69 = arith.constant 0 : index
      %get3A_70 = arith.constant 0 : index
      %get3A_71 = vector.load %arg12[%get3A_69, %get3A_70] : memref<128x1xf32, #tpu.memory_space<vmem>>, vector<128x1xf32>
      %max3A_72 = arith.constant 1.000000e+00 : f32
      %max3A_73 = vector.broadcast %max3A_72 : f32 to vector<128x1xf32>
      %max3A_74 = arith.maximumf %get3A_71, %max3A_73 : vector<128x1xf32>
      %div3A = vector.broadcast %max3A_74 : vector<128x1xf32> to vector<128x64xf32>
      %div3A_75 = arith.divf %get3A_68, %div3A : vector<128x64xf32>
      %get3A_76 = arith.constant 0 : index
      %get3A_77 = arith.constant 0 : index
      %get3A_78 = vector.load %arg8[%get3A_76, %get3A_77] : memref<64x1xf32, #tpu.memory_space<vmem>>, vector<64x1xf32>
      %dot_general3A_79 = arith.constant dense<0.000000e+00> : vector<128x1xf32>
      %dot_general3A_80 = tpu.matmul %div3A_75, %get3A_78, %dot_general3A_79 {dimension_numbers = #tpu.dot_dimension_numbers<[1], [0], [0], [1], [0, 0, 1, 1], [], []>, transpose_lhs_hint = false} : vector<128x64xf32>, vector<64x1xf32>, vector<128x1xf32> -> vector<128x1xf32>
      %get3A_81 = arith.constant 0 : index
      %get3A_82 = arith.constant 0 : index
      %get3A_83 = vector.load %arg9[%get3A_81, %get3A_82] : memref<1x1xf32, #tpu.memory_space<vmem>>, vector<1x1xf32>
      %add3A_84 = vector.broadcast %get3A_83 : vector<1x1xf32> to vector<128x1xf32>
      %add3A_85 = arith.addf %dot_general3A_80, %add3A_84 : vector<128x1xf32>
      %swap3A_86 = arith.constant 0 : index
      %swap3A_87 = arith.constant 0 : index
      %swap3A_88 = vector.load %arg10[%swap3A_86, %swap3A_87] : memref<128x1xf32, #tpu.memory_space<vmem>>, vector<128x1xf32>
      tpu.vector_store %arg10[%swap3A_86, %swap3A_87], %add3A_85 {strides = array<i32>} : memref<128x1xf32, #tpu.memory_space<vmem>>, vector<128x1xf32>,
    } else {
    }
    return
  }
  func.func @transform_0(%arg0: i32) -> (i32, i32) {
    %c0_i32 = arith.constant 0 : i32
    %c0_i32_0 = arith.constant 0 : i32
    return %arg0, %c0_i32 : i32, i32
  }
  func.func @transform_1(%arg0: i32) -> (i32, i32, i32) {
    %c0_i32 = arith.constant 0 : i32
    %c0_i32_0 = arith.constant 0 : i32
    %c0_i32_1 = arith.constant 0 : i32
    return %c0_i32, %arg0, %c0_i32_0 : i32, i32, i32
  }
  func.func @transform_2(%arg0: i32) -> (i32, i32, i32) {
    %c0_i32 = arith.constant 0 : i32
    %c0_i32_0 = arith.constant 0 : i32
    %c0_i32_1 = arith.constant 0 : i32
    return %arg0, %c0_i32, %c0_i32_0 : i32, i32, i32
  }
  func.func @transform_3(%arg0: i32) -> (i32, i32) {
    %c0_i32 = arith.constant 0 : i32
    %c0_i32_0 = arith.constant 0 : i32
    %c0_i32_1 = arith.constant 0 : i32
    return %c0_i32, %c0_i32_0 : i32, i32
  }
  func.func @transform_4(%arg0: i32) -> (i32, i32) {
    %c0_i32 = arith.constant 0 : i32
    %c0_i32_0 = arith.constant 0 : i32
    %c0_i32_1 = arith.constant 0 : i32
    return %c0_i32, %c0_i32_0 : i32, i32
  }
  func.func @transform_5(%arg0: i32) -> (i32, i32) {
    %c0_i32 = arith.constant 0 : i32
    %c0_i32_0 = arith.constant 0 : i32
    %c0_i32_1 = arith.constant 0 : i32
    return %c0_i32, %c0_i32_0 : i32, i32
  }
  func.func @transform_6(%arg0: i32) -> (i32, i32) {
    %c0_i32 = arith.constant 0 : i32
    %c0_i32_0 = arith.constant 0 : i32
    %c0_i32_1 = arith.constant 0 : i32
    return %c0_i32, %c0_i32_0 : i32, i32
  }
  func.func @transform_7(%arg0: i32) -> (i32, i32) {
    %c0_i32 = arith.constant 0 : i32
    %c0_i32_0 = arith.constant 0 : i32
    %c0_i32_1 = arith.constant 0 : i32
    return %c0_i32, %c0_i32_0 : i32, i32
  }
  func.func @transform_8(%arg0: i32) -> (i32, i32) {
    %c0_i32 = arith.constant 0 : i32
    %c0_i32_0 = arith.constant 0 : i32
    %c0_i32_1 = arith.constant 0 : i32
    return %c0_i32, %c0_i32_0 : i32, i32
  }
  func.func @transform_9(%arg0: i32) -> (i32, i32) {
    %c0_i32 = arith.constant 0 : i32
    %c0_i32_0 = arith.constant 0 : i32
    %c0_i32_1 = arith.constant 0 : i32
    return %c0_i32, %c0_i32_0 : i32, i32
  }
}

</mosaic_0001>

<sc_bundles>
// kernel: kernel.11.cloned.1.call-start
scs
__scs_entry_jumppad:
0x0: {  	(pc) =	sbr.rel $0x88, $3  }
0x1: {  	(tag) =	ssettag $0x0;
	lr =	simm.s32 $0x1  }
0x2: {  	[smem:$0x3F90] =	sst lr;
	_ =	strace $0xD0000000  }
0x3: {  	_ = 	snop  }
0x4: {  	_ = 	snop  }
0x5: {  	_ = 	snop  }
0x6: {  	_ = 	snop  }
0x7: {  	_ = 	snop  }
__scs_overlays_trampoline_lowered:
0x8: {  	[smem:$0x3F9F] =	sst s0  }
0x9: {  	[smem:$0x3FA0] =	sst s1  }
0xa: {  	[smem:$0x3FA1] =	sst s2  }
0xb: {  	[smem:$0x3FA2] =	sst s3  }
0xc: {  	[smem:$0x3FA3] =	sst s4  }
0xd: {  	[smem:$0x3FA4] =	sst s5  }
0xe: {  	[smem:$0x3FA5] =	sst s6  }
0xf: {  	[smem:$0x3FA6] =	sst s7  }
0x10: {  	[smem:$0x3FA7] =	sst s8  }
0x11: {  	[smem:$0x3FA8] =	sst s9;
	s0 =	simm.s32 @!p0 $0x0  }
0x12: {  	s1 =	sld [smem:$0x3F8E];
	s0 =	simm.s32 @p0 $0x1  }
0x13: {  	[smem:$0x3FA9] =	sst s0;
	s0 =	simm.s32 @!p1 $0x0  }
0x14: {  	s2 =	sld [smem:$0x3F8D];
	s0 =	simm.s32 @p1 $0x1  }
0x15: {  	[smem:$0x3FAA] =	sst s0;
	s0 =	simm.s32 @!p2 $0x0  }
0x16: {  	s3 =	sld [smem:$0x3FDB];
	s0 =	simm.s32 @p2 $0x1  }
0x17: {  	s4 =	simm.s32 $0x1BF5;
	[smem:$0x3FAC] =	sst s0  }
0x18: {  	s0 =	sld [smem:$0x3F8F];
	_ =	swait.ge [sflag:s4], $0x0  }
0x19: {  	s7 =	sld [smem:$0x3F90]  }
0x1a: {  	s8 =	sadd.s32 $0xFFFFE003, lr  }
0x1b: {  	s9 =	sadd.s32 $0xFFFFFEF7, lr;
	s5 =	simm.s32 $0xFFFFFFFF;
	p2 =	slt.u32 s8, $0xFFFFF086  }
0x1c: {  	p1 =	slt.u32 s9, $0xF7A;
	s5 =	simm.s32 @!p2 $0x0  }
0x1d: {  	s5 =	simm.s32 @p1 $0x1;
	p0 =	seq.s32 s7, s2  }
0x1e: {  	s7 =	smul.u32 @!p0 $0xF7A, s2;
	p2 =	seq.s32 @!p0 s5, $0x0  }
0x1f: {  	s9 =	smul.u32 $0xF7A, s1;
	s8 =	simm.s32 @!p0 $0x1BF5;
	p2 =	por !p2, p0  }
0x20: {  	[sflag:s8] =	ssyncset.s32 @!p0 $0xFFFFF086;
	s6 =	sadd.s32 @!p0 s3, s7;
	s7 =	simm.s32 @!p0 $0x108  }
0x21: {  	s3 =	sadd.s32 s3, s9;
	s6 =	sadd.s32 @!p0 $0x88, s6;
	s7 =	simm.s32 @p2 $0x1082  }
0x22: {  	[simem:s7], [sflag:s8] =	dma.local @!p0 [hbm:s6], $0xF7A  }
0x23: {  	s9 =	sor.u32 $0xD0000000, s2;
	s6 =	simm.s32 $0x108;
	_ =	swait.ge @!p0 [sflag:s8], $0x0  }
0x24: {  	s3 =	sadd.s32 $0x88, s3;
	s6 =	simm.s32 @!p1 $0x1082;
	[sflag:s4] =	ssyncset.s32 $0xFFFFF086  }
0x25: {  	[simem:s6], [sflag:s4] =	dma.local [hbm:s3], $0xF7A  }
0x26: {  	[smem:$0x3F90] =	sst s1;
	(tag) =	ssettag s2;
	_ =	strace s9  }
0x27: {  	s1 =	sld [smem:$0x3FA0]  }
0x28: {  	s2 =	sld [smem:$0x3FA1]  }
0x29: {  	s4 =	sld [smem:$0x3FA3]  }
0x2a: {  	p0 =	seq.s32 s5, $0x0;
	s5 =	sld [smem:$0x3FA4]  }
0x2b: {  	s6 =	sld [smem:$0x3FA5]  }
0x2c: {  	s7 =	sld [smem:$0x3FA6]  }
0x2d: {  	s3 =	simm.s32 $0x108;
	s8 =	sld [smem:$0x3FA7]  }
0x2e: {  	s3 =	simm.s32 @!p0 $0x1082;
	s9 =	sld [smem:$0x3FA8]  }
0x2f: {  	lr =	sadd.s32 s0, s3;
	s0 =	sld [smem:$0x3F9F]  }
0x30: {  	s3 =	sld [smem:$0x3FA2]  }
0x31: {  	[smem:$0x3FAB] =	sst s10  }
0x32: {  	s10 =	sld [smem:$0x3FA9];
	_ =	sdelay $0x3  }
0x33: {  	p0 =	seq.s32 s10, $0x1;
	s10 =	sld [smem:$0x3FAB];
	_ =	sdelay $0x3  }
0x34: {  	[smem:$0x3FAB] =	sst s10  }
0x35: {  	s10 =	sld [smem:$0x3FAA];
	_ =	sdelay $0x3  }
0x36: {  	p1 =	seq.s32 s10, $0x1;
	s10 =	sld [smem:$0x3FAB];
	_ =	sdelay $0x3  }
0x37: {  	[smem:$0x3FAB] =	sst s10  }
0x38: {  	s10 =	sld [smem:$0x3FAC]  }
0x39: {  	_ = 	snop;
	(pc) =	sbr.ind lr, $3  }
0x3a: {  	_ = 	snop  }
0x3b: {  	_ = 	snop  }
0x3c: {  	p2 =	seq.s32 s10, $0x1;
	s10 =	sld [smem:$0x3FAB]  }
0x3d: {  	_ =	shalt  }
0x3e: {  	_ =	shalt  }
0x3f: {  	_ =	shalt  }
0x40: {  	_ =	shalt  }
0x41: {  	_ =	shalt  }
0x42: {  	_ =	shalt  }
0x43: {  	_ =	shalt  }
0x44: {  	_ =	shalt  }
0x45: {  	_ =	shalt  }
0x46: {  	_ =	shalt  }
0x47: {  	_ =	shalt  }
0x48: {  	_ =	shalt  }
0x49: {  	_ =	shalt  }
0x4a: {  	_ =	shalt  }
0x4b: {  	_ =	shalt  }
0x4c: {  	_ =	shalt  }
0x4d: {  	_ =	shalt  }
0x4e: {  	_ =	shalt  }
0x4f: {  	_ =	shalt  }
0x50: {  	_ =	shalt  }
0x51: {  	_ =	shalt  }
0x52: {  	_ =	shalt  }
0x53: {  	_ =	shalt  }
0x54: {  	_ =	shalt  }
0x55: {  	_ =	shalt  }
0x56: {  	_ =	shalt  }
0x57: {  	_ =	shalt  }
0x58: {  	_ =	shalt  }
0x59: {  	_ =	shalt  }
0x5a: {  	_ =	shalt  }
0x5b: {  	_ =	shalt  }
0x5c: {  	_ =	shalt  }
0x5d: {  	_ =	shalt  }
0x5e: {  	_ =	shalt  }
0x5f: {  	_ =	shalt  }
0x60: {  	_ =	shalt  }
0x61: {  	_ =	shalt  }
0x62: {  	_ =	shalt  }
0x63: {  	_ =	shalt  }
0x64: {  	_ =	shalt  }
0x65: {  	_ =	shalt  }
0x66: {  	_ =	shalt  }
0x67: {  	_ =	shalt  }
0x68: {  	_ =	shalt  }
0x69: {  	_ =	shalt  }
0x6a: {  	_ =	shalt  }
0x6b: {  	_ =	shalt  }
0x6c: {  	_ =	shalt  }
0x6d: {  	_ =	shalt  }
0x6e: {  	_ =	shalt  }
0x6f: {  	_ =	shalt  }
0x70: {  	_ =	shalt  }
0x71: {  	_ =	shalt  }
0x72: {  	_ =	shalt  }
0x73: {  	_ =	shalt  }
0x74: {  	_ =	shalt  }
0x75: {  	_ =	shalt  }
0x76: {  	_ =	shalt  }
0x77: {  	_ =	shalt  }
0x78: {  	_ =	shalt  }
0x79: {  	_ =	shalt  }
0x7a: {  	_ =	shalt  }
0x7b: {  	_ =	shalt  }
0x7c: {  	_ =	shalt  }
0x7d: {  	_ =	shalt  }
0x7e: {  	_ =	shalt  }
0x7f: {  	_ =	shalt  }
0x80: {  	_ =	shalt  }
0x81: {  	_ =	shalt  }
0x82: {  	_ =	shalt  }
0x83: {  	_ =	shalt  }
0x84: {  	_ =	shalt  }
0x85: {  	_ =	shalt  }
0x86: {  	_ =	shalt  }
0x87: {  	_ =	shalt  }
.Lfunc_end0:
.L_simem_size_0:
called_computation.1_lowered:
.L_overlay_start_0:
0x88: {  	s2 =	sld [smem:$0x3FD9]  }
0x89: {  	s3 =	sld [smem:$0x3FFE];
	_ =	sdelay $0x1  }
0x8a: {  	s1 =	srdreg.scid  }
0x8b: {  	s0 =	sand.u32 $0x1, s1  }
0x8c: {  	s16 =	sshll.u32 s0, $0xA;
	s2 =	sadd.s32 s3, s2  }
0x8d: {  	s2 =	sadd.s32 s2, s16  }
0x8e: {  	[smem:$0x3FB7] =	sst s2  }
0x8f: {  	_ = 	snop  }
0x90: {  	(tm) =	ssettm $0x1  }
0x91: {  	s17 =	sld [smem:$0x3FFB];
	_ =	sdelay $0x3  }
0x92: {  	_ =	strace s17  }
0x93: {  	s2 =	sld [smem:$0x3FFC];
	_ =	sdelay $0x3  }
0x94: {  	_ =	strace s2  }
0x95: {  	s2 =	sld [smem:$0x3FFD];
	_ =	sdelay $0x3  }
0x96: {  	_ =	strace s2  }
0x97: {  	_ =	strace $0x8FFFFFFF  }
0x98: {  	s18 =	sld [smem:$0x3FDB];
	_ =	sdelay $0x1  }
0x99: {  	s19 =	simm.s32 $_scs_section_size  }
0x9a: {  	s4 =	simm.s32 $_size__tile_overlayer_lowered;
	s5 =	simm.s32 $_tile_overlayer_lowered  }
0x9b: {  	s22 =	simm.s32 $0x1BFF;
	s21 =	sshll.u32 s5, $0x1;
	s2 =	sadd.s32 s19, s18  }
0x9c: {  	s6 =	simm.s32 $0x0;
	s20 =	sshll.u32 s4, $0x1;
	s4 =	sadd.s32 s21, s2  }
0x9d: {  	[timem:s6], [sflag:s22] =	dma.local [hbm:s4], s20  }
0x9e: {  	_ =	swait.ge [sflag:s22], s20  }
0x9f: {  	s3 =	ssub.s32 $0x0, s20;
	[sflag:s22] =	ssyncset.done $0x0  }
0xa0: {  	[sflag:s22] =	ssyncadd.s32 s3;
	_ =	sdelay $0x1  }
0xa1: {  	s23 =	simm.s32 $0x1B8B  }
0xa2: {  	_ =	swait.ge [sflag:s23], $0x1  }
0xa3: {  	[sflag:s23] =	ssyncset.done $0x0  }
0xa4: {  	s25 =	simm.s32 $0x1B8E;
	s24 =	sld [smem:$0x3FFE];
	[sflag:s23] =	ssyncadd.s32 $0xFFFFFFFF  }
0xa5: {  	s26 =	simm.s32 $execute0_lowered;
	[smem:$0x3FD2] =	sst s25  }
0xa6: {  	s4 =	sshll.u32 s26, $0x1;
	_ =	strace $0x80000049;
	[dreg:$0x1] =	wrdreg $0xFFFFFFFF  }
0xa7: {  	s28 =	simm.s32 $_size_execute0_lowered;
	s2 =	sadd.s32 s2, s4;
	[dreg:$0x0] =	wrdreg $0x0  }
0xa8: {  	s4 =	sshll.u32 s28, $0x1;
	[dreg:$0x2] =	wrdreg s2  }
0xa9: {  	[dreg:$0x3] =	wrdreg s4  }
0xaa: {  	[dreg:$0x4] =	wrdreg $0xC0  }
0xab: {  	_ =	task [dreg:s6], $0x5FFFF  }
0xac: {  	[dreg:$0x1] =	wrdreg $0xFFFFFFFF  }
0xad: {  	[dreg:$0x0] =	wrdreg $0x60  }
0xae: {  	[dreg:$0x2] =	wrdreg s24  }
0xaf: {  	[dreg:$0x3] =	wrdreg $0xB2200  }
0xb0: {  	[dreg:$0x4] =	wrdreg $0x9  }
0xb1: {  	_ =	task.clear_ibuf [dreg:s6], $0x5FFFF;
	_ =	strace $0x90000049  }
0xb2: {  	s29 =	simm.s32 $0x9;
	_ =	strace $0x8000004B  }
0xb3: {  	_ =	swait.ge [sflag:s29], $0x1  }
0xb4: {  	[sflag:s29] =	ssyncadd.s32 $0xFFFFFFFF  }
0xb5: {  	_ =	strace $0x9000004B  }
0xb6: {  	_ =	sfence  }
0xb7: {  	s30 =	sld [smem:$0x0];
	_ =	sdelay $0x2  }
0xb8: {  	s31 =	sshll.u32 s1, $0xD;
	s1 =	sshrl.u32 s1, $0x2  }
0xb9: {  	s3 =	sand.u32 $0x4000, s31;
	s1 =	sadd.s32 s1, s30  }
0xba: {  	s0 =	sor.u32 s3, s0;
	s1 =	sshll.u32 s1, $0x11  }
0xbb: {  	s0 =	sor.u32 s1, s0  }
0xbc: {  	s0 =	sadd.s32 $0x8F2B, s0  }
0xbd: {  	[sflag:s0] =	ssyncadd.remote.s32 $0x1  }
0xbe: {  	_ =	sfence.sel $0xFFFF  }
0xbf: {  	[dreg:$0x0] =	wrdreg $0xFFFFFFFF;
	(pc) =	sbr.abs _section_cstart, $3  }
0xc0: {  	[dreg:$0x1] =	wrdreg $0xFFFFFFFF  }
0xc1: {  	_ =	task.clear_ibuf [dreg:s6], $0x2FFFF;
	_ =	strace $0x9FFFFFFF  }
0xc2: {  	(tm) =	ssettm $0x7FFFFFFF  }
0xc3: {  	_ =	shalt  }
tec
execute0_lowered:
.L_overlay_start_1:
0x0: {  	(tag) =	ssettag $0x1  }
0x1: {  	s0 =	rddreg [dreg:$0x0]  }
0x2: {  	s1 =	rddreg [dreg:$0x1]  }
0x3: {  	s3 =	srdreg.scid;
	s2 =	simm.s32 $0x0;
	s13 =	stileid.u32  }
0x4: {  	s15 =	simm.s32 $0x50;
	s16 =	simm.s32 $0x4E20;
	s17 =	simm.s32 $0x6220  }
0x5: {  	s19 =	simm.s32 $0x7620;
	s21 =	simm.s32 $0x8A20;
	s28 =	simm.s32 $0x2  }
0x6: {  	s30 =	simm.s32 $0x3;
	s29 =	simm.s32 $0x7;
	s8 =	smul.u32 $0x4E2, s13  }
0x7: {  	s31 =	simm.s32 $0x8;
	s20 =	simm.s32 $0xA;
	s10 =	smul.u32 $0x27800, s13  }
0x8: {  	s3 =	sand.u32 $0x1, s3;
	[smem:$0x7FF] =	sst s2;
	s24 =	smul.u32 $0x9E00, s13  }
0x9: {  	s4 =	sadd.s32 $0x16000, s0;
	s12 =	sadd.s32 $0x94200, s1;
	s5 =	smul.u32 $0x4E20, s3  }
0xa: {  	p0 =	seq.s32 s13, $0xF;
	s6 =	smul.u32 $0x13880, s3;
	s3 =	ssub.s32 $0x2, s3  }
0xb: {  	_ =	strace $0x8000004A;
	s12 =	sshrl.u32 @p0 s12, $0x3;
	s9 =	sshrl.u32 s3, $0x1  }
0xc: {  	s23 =	sshrl.u32 s10, $0x2;
	s18 =	sadd.s32 s24, s1;
	s7 =	sadd.s32 s5, s0  }
0xd: {  	s5 =	sadd.s32 $0x3D400, s0;
	s0 =	sadd.s32 s6, s0;
	s3 =	ssub.s32 s3, s9  }
0xe: {  	s11 =	sadd.s32 s23, s1;
	s9 =	simm.s32 $0xB;
	s23 =	simm.s32 $0x9E20  }
0xf: {  	s22 =	sadd.s32 s8, s7;
	s25 =	sadd.s32 $0xC200, s7;
	s7 =	sadd.s32 $0x3E800, s0  }
0x10: {  	s0 =	sshrl.u32 s24, $0x3;
	s3 =	smax.u32 s3, $0x1;
	s14 =	sshrl.u32 @!p0 s11, $0x3  }
0x11: {  	s6 =	sadd.s32 $0x2400, s22;
	[dreg:$0x4] =	wrdreg s3;
	s26 =	sadd.s32 s8, s25  }
0x12: {  	s3 =	sshll.u32 @!p0 s13, $0x6;
	s24 =	sadd.s32 @!p0 s0, s7;
	s25 =	sshrl.u32 @!p0 s18, $0x3  }
0x13: {  	s0 =	simm.s32 $0x4;
	s18 =	simm.s32 $0x5;
	[dreg:$0x3] =	wrdreg s6  }
0x14: {  	s22 =	simm.s32 $0x6;
	[dreg:$0x5] =	wrdreg s26;
	s13 =	sor.u32 @!p0 $0x1C0B, s3  }
0x15: {  	s26 =	simm.s32 $0x1;
	s3 =	simm.s32 $0x9;
	s6 =	simm.s32 $0x0  }
.LBB2_1:
0x16: {  	s8 =	rddreg [dreg:$0x3]  }
0x17: {  	[tilespmem:s2], [sflag:$0xB] =	stream.linear.gather [hbm4b:s8+s2], $0x2710, $0x38;
	[tilespmem:$0x14E60] =	vst v63  }
0x18: {  	_ =	swait.ge [sflag:s9], $0x2710  }
0x19: {  	[sflag:s9] =	ssyncset.done $0x0  }
0x1a: {  	s10 =	simm.s32 $0x2710;
	s11 =	rddreg [dreg:$0x5];
	[sflag:s9] =	ssyncadd.s32 $0xFFFFD8F0  }
0x1b: {  	[tilespmem:s10], [sflag:$0xB] =	stream.linear.gather [hbm4b:s11+s2], $0x2710, $0x38;
	[tilespmem:$0x14E60] =	vst v63  }
0x1c: {  	_ =	swait.ge [sflag:s9], $0x2710  }
0x1d: {  	[sflag:s9] =	ssyncset.done $0x0  }
0x1e: {  	s8 =	simm.s32 @p0 $0x1FCB;
	[sflag:s9] =	ssyncadd.s32 $0xFFFFD8F0  }
0x1f: {  	[spmem:s12], [sflag:s8] =	dma.local @p0 [hbm:s5], $0x1040  }
0x20: {  	s8 =	simm.s32 @p0 $0xB  }
0x21: {  	_ =	swait.ge @p0 [sflag:s8], $0x1040  }
0x22: {  	[sflag:s8] =	ssyncset.done @p0 $0x0  }
0x23: {  	[sflag:s8] =	ssyncadd.s32 @p0 $0xFFFFEFC0;
	s8 =	simm.s32 @!p0 $0xB  }
0x24: {  	[spmem:s14], [sflag:s13] =	dma.local @!p0 [hbm:s5], $0x13C0  }
0x25: {  	_ =	swait.ge @!p0 [sflag:s8], $0x13C0  }
0x26: {  	[sflag:s8] =	ssyncset.done @!p0 $0x0  }
0x27: {  	[sflag:s8] =	ssyncadd.s32 @!p0 $0xFFFFEC40  }
0x28: {  	[bflag:$0x0] =	sbarrier.arrive $0xFFFF  }
0x29: {  	[tilespmem:s16], [sflag:$0x1] =	stream.indirect.gather [hbm4b:s4+s15], $0x40, s2, s15, $0xb8;
	[tilespmem:$0x14E60] =	vst v63  }
0x2a: {  	_ = 	snop  }
0x2b: {  	[tilespmem:s17], [sflag:$0x2] =	stream.indirect.gather [hbm4b:s4+s15], $0x40, s15, s15, $0xb8;
	[tilespmem:$0x14E60] =	vst v63  }
0x2c: {  	s11 =	simm.s32 $0xA0  }
0x2d: {  	[tilespmem:s19], [sflag:$0x3] =	stream.indirect.gather [hbm4b:s4+s15], $0x40, s11, s15, $0xb8;
	[tilespmem:$0x14E60] =	vst v63  }
0x2e: {  	s11 =	simm.s32 $0xF0  }
0x2f: {  	[tilespmem:s21], [sflag:$0x4] =	stream.indirect.gather [hbm4b:s4+s15], $0x40, s11, s15, $0xb8;
	[tilespmem:$0x14E60] =	vst v63  }
0x30: {  	s11 =	simm.s32 $0x140  }
0x31: {  	[tilespmem:s23], [sflag:$0x5] =	stream.indirect.gather [hbm4b:s4+s15], $0x40, s11, s15, $0xb8;
	[tilespmem:$0x14E60] =	vst v63  }
0x32: {  	_ =	swait.ge [sflag:s26], $0x1400  }
0x33: {  	[sflag:s26] =	ssyncset.done $0x0  }
0x34: {  	[sflag:s26] =	ssyncadd.s32 $0xFFFFEC00  }
0x35: {  	[spmem:s1] =	stream.indirect.scatter.add.f32 [tilespmem:s16], [sflag:$0x6], $0x40, s10, s15, $0xb8;
	[tilespmem:$0x14E60] =	vst v63  }
0x36: {  	_ =	swait.ge [sflag:s28], $0x1400  }
0x37: {  	[sflag:s28] =	ssyncset.done $0x0  }
0x38: {  	s11 =	simm.s32 $0x2760;
	[sflag:s28] =	ssyncadd.s32 $0xFFFFEC00  }
0x39: {  	[spmem:s1] =	stream.indirect.scatter.add.f32 [tilespmem:s17], [sflag:$0x7], $0x40, s11, s15, $0xb8;
	[tilespmem:$0x14E60] =	vst v63  }
0x3a: {  	_ =	swait.ge [sflag:s30], $0x1400  }
0x3b: {  	[sflag:s30] =	ssyncset.done $0x0  }
0x3c: {  	s10 =	simm.s32 $0x27B0;
	[sflag:s30] =	ssyncadd.s32 $0xFFFFEC00  }
0x3d: {  	[spmem:s1] =	stream.indirect.scatter.add.f32 [tilespmem:s19], [sflag:$0x8], $0x40, s10, s15, $0xb8;
	[tilespmem:$0x14E60] =	vst v63  }
0x3e: {  	_ =	swait.ge [sflag:s0], $0x1400  }
0x3f: {  	[sflag:s0] =	ssyncset.done $0x0  }
0x40: {  	s11 =	simm.s32 $0x2800;
	[sflag:s0] =	ssyncadd.s32 $0xFFFFEC00  }
0x41: {  	[spmem:s1] =	stream.indirect.scatter.add.f32 [tilespmem:s21], [sflag:$0x9], $0x40, s11, s15, $0xb8;
	[tilespmem:$0x14E60] =	vst v63  }
0x42: {  	_ =	swait.ge [sflag:s18], $0x1400  }
0x43: {  	[sflag:s18] =	ssyncset.done $0x0  }
0x44: {  	s10 =	simm.s32 $0x2850;
	[sflag:s18] =	ssyncadd.s32 $0xFFFFEC00  }
0x45: {  	[spmem:s1] =	stream.indirect.scatter.add.f32 [tilespmem:s23], [sflag:$0xA], $0x40, s10, s15, $0xb8;
	[tilespmem:$0x14E60] =	vst v63  }
0x46: {  	_ =	swait.ge [sflag:s22], $0x1400  }
0x47: {  	[sflag:s22] =	ssyncset.done $0x0  }
0x48: {  	s11 =	simm.s32 $0x190;
	[sflag:s22] =	ssyncadd.s32 $0xFFFFEC00  }
0x49: {  	[tilespmem:s16], [sflag:$0x1] =	stream.indirect.gather [hbm4b:s4+s15], $0x40, s11, s15, $0xb8;
	[tilespmem:$0x14E60] =	vst v63  }
0x4a: {  	_ =	swait.ge [sflag:s29], $0x1400  }
0x4b: {  	[sflag:s29] =	ssyncset.done $0x0  }
0x4c: {  	s10 =	simm.s32 $0x1E0;
	[sflag:s29] =	ssyncadd.s32 $0xFFFFEC00  }
0x4d: {  	[tilespmem:s17], [sflag:$0x2] =	stream.indirect.gather [hbm4b:s4+s15], $0x40, s10, s15, $0xb8;
	[tilespmem:$0x14E60] =	vst v63  }
0x4e: {  	_ =	swait.ge [sflag:s31], $0x1400  }
0x4f: {  	[sflag:s31] =	ssyncset.done $0x0  }
0x50: {  	s11 =	simm.s32 $0x230;
	[sflag:s31] =	ssyncadd.s32 $0xFFFFEC00  }
0x51: {  	[tilespmem:s19], [sflag:$0x3] =	stream.indirect.gather [hbm4b:s4+s15], $0x40, s11, s15, $0xb8;
	[tilespmem:$0x14E60] =	vst v63  }
0x52: {  	_ =	swait.ge [sflag:s3], $0x1400  }
0x53: {  	[sflag:s3] =	ssyncset.done $0x0  }
0x54: {  	s10 =	simm.s32 $0x280;
	[sflag:s3] =	ssyncadd.s32 $0xFFFFEC00  }
0x55: {  	[tilespmem:s21], [sflag:$0x4] =	stream.indirect.gather [hbm4b:s4+s15], $0x40, s10, s15, $0xb8;
	[tilespmem:$0x14E60] =	vst v63  }
0x56: {  	_ =	swait.ge [sflag:s20], $0x1400  }
0x57: {  	[sflag:s20] =	ssyncset.done $0x0  }
0x58: {  	s11 =	simm.s32 $0x2D0;
	[sflag:s20] =	ssyncadd.s32 $0xFFFFEC00  }
0x59: {  	[tilespmem:s23], [sflag:$0x5] =	stream.indirect.gather [hbm4b:s4+s15], $0x40, s11, s15, $0xb8;
	[tilespmem:$0x14E60] =	vst v63  }
0x5a: {  	_ =	swait.ge [sflag:s26], $0x1400  }
0x5b: {  	[sflag:s26] =	ssyncset.done $0x0  }
0x5c: {  	s10 =	simm.s32 $0x28A0;
	[sflag:s26] =	ssyncadd.s32 $0xFFFFEC00  }
0x5d: {  	[spmem:s1] =	stream.indirect.scatter.add.f32 [tilespmem:s16], [sflag:$0x6], $0x40, s10, s15, $0xb8;
	[tilespmem:$0x14E60] =	vst v63  }
0x5e: {  	_ =	swait.ge [sflag:s28], $0x1400  }
0x5f: {  	[sflag:s28] =	ssyncset.done $0x0  }
0x60: {  	s11 =	simm.s32 $0x28F0;
	[sflag:s28] =	ssyncadd.s32 $0xFFFFEC00  }
0x61: {  	[spmem:s1] =	stream.indirect.scatter.add.f32 [tilespmem:s17], [sflag:$0x7], $0x40, s11, s15, $0xb8;
	[tilespmem:$0x14E60] =	vst v63  }
0x62: {  	_ =	swait.ge [sflag:s30], $0x1400  }
0x63: {  	[sflag:s30] =	ssyncset.done $0x0  }
0x64: {  	s10 =	simm.s32 $0x2940;
	[sflag:s30] =	ssyncadd.s32 $0xFFFFEC00  }
0x65: {  	[spmem:s1] =	stream.indirect.scatter.add.f32 [tilespmem:s19], [sflag:$0x8], $0x40, s10, s15, $0xb8;
	[tilespmem:$0x14E60] =	vst v63  }
0x66: {  	_ =	swait.ge [sflag:s0], $0x1400  }
0x67: {  	[sflag:s0] =	ssyncset.done $0x0  }
0x68: {  	s11 =	simm.s32 $0x2990;
	[sflag:s0] =	ssyncadd.s32 $0xFFFFEC00  }
0x69: {  	[spmem:s1] =	stream.indirect.scatter.add.f32 [tilespmem:s21], [sflag:$0x9], $0x40, s11, s15, $0xb8;
	[tilespmem:$0x14E60] =	vst v63  }
0x6a: {  	_ =	swait.ge [sflag:s18], $0x1400  }
0x6b: {  	[sflag:s18] =	ssyncset.done $0x0  }
0x6c: {  	s8 =	simm.s32 $0x640;
	s11 =	simm.s32 $0x29E0;
	[sflag:s18] =	ssyncadd.s32 $0xFFFFEC00  }
.LBB2_2:
0x6d: {  	[spmem:s1] =	stream.indirect.scatter.add.f32 [tilespmem:s23], [sflag:$0xA], $0x40, s11, s15, $0xb8;
	[tilespmem:$0x14E60] =	vst v63  }
0x6e: {  	s11 =	smov.u32 s8  }
0x6f: {  	p1 =	sne.s32 s8, $0x8FC0;
	s8 =	sadd.s32 $0x640, s8;
	_ =	swait.ge [sflag:s22], $0x1400  }
0x70: {  	s11 =	sshra.s32 s11, $0x2;
	[sflag:s22] =	ssyncset.done $0x0  }
0x71: {  	s10 =	sadd.s32 $0x190, s11;
	[sflag:s22] =	ssyncadd.s32 $0xFFFFEC00  }
0x72: {  	[tilespmem:s16], [sflag:$0x1] =	stream.indirect.gather [hbm4b:s4+s15], $0x40, s10, s15, $0xb8;
	[tilespmem:$0x14E60] =	vst v63  }
0x73: {  	_ =	swait.ge [sflag:s29], $0x1400  }
0x74: {  	[sflag:s29] =	ssyncset.done $0x0  }
0x75: {  	s10 =	sadd.s32 $0x1E0, s11;
	[sflag:s29] =	ssyncadd.s32 $0xFFFFEC00  }
0x76: {  	[tilespmem:s17], [sflag:$0x2] =	stream.indirect.gather [hbm4b:s4+s15], $0x40, s10, s15, $0xb8;
	[tilespmem:$0x14E60] =	vst v63  }
0x77: {  	_ =	swait.ge [sflag:s31], $0x1400  }
0x78: {  	[sflag:s31] =	ssyncset.done $0x0  }
0x79: {  	s10 =	sadd.s32 $0x230, s11;
	[sflag:s31] =	ssyncadd.s32 $0xFFFFEC00  }
0x7a: {  	[tilespmem:s19], [sflag:$0x3] =	stream.indirect.gather [hbm4b:s4+s15], $0x40, s10, s15, $0xb8;
	[tilespmem:$0x14E60] =	vst v63  }
0x7b: {  	_ =	swait.ge [sflag:s3], $0x1400  }
0x7c: {  	[sflag:s3] =	ssyncset.done $0x0  }
0x7d: {  	s10 =	sadd.s32 $0x280, s11;
	[sflag:s3] =	ssyncadd.s32 $0xFFFFEC00  }
0x7e: {  	[tilespmem:s21], [sflag:$0x4] =	stream.indirect.gather [hbm4b:s4+s15], $0x40, s10, s15, $0xb8;
	[tilespmem:$0x14E60] =	vst v63  }
0x7f: {  	_ =	swait.ge [sflag:s20], $0x1400  }
0x80: {  	[sflag:s20] =	ssyncset.done $0x0  }
0x81: {  	s10 =	sadd.s32 $0x2D0, s11;
	[sflag:s20] =	ssyncadd.s32 $0xFFFFEC00  }
0x82: {  	[tilespmem:s23], [sflag:$0x5] =	stream.indirect.gather [hbm4b:s4+s15], $0x40, s10, s15, $0xb8;
	[tilespmem:$0x14E60] =	vst v63  }
0x83: {  	_ =	swait.ge [sflag:s26], $0x1400  }
0x84: {  	[sflag:s26] =	ssyncset.done $0x0  }
0x85: {  	s10 =	sadd.s32 $0x28A0, s11;
	[sflag:s26] =	ssyncadd.s32 $0xFFFFEC00  }
0x86: {  	[spmem:s1] =	stream.indirect.scatter.add.f32 [tilespmem:s16], [sflag:$0x6], $0x40, s10, s15, $0xb8;
	[tilespmem:$0x14E60] =	vst v63  }
0x87: {  	_ =	swait.ge [sflag:s28], $0x1400  }
0x88: {  	[sflag:s28] =	ssyncset.done $0x0  }
0x89: {  	s10 =	sadd.s32 $0x28F0, s11;
	[sflag:s28] =	ssyncadd.s32 $0xFFFFEC00  }
0x8a: {  	[spmem:s1] =	stream.indirect.scatter.add.f32 [tilespmem:s17], [sflag:$0x7], $0x40, s10, s15, $0xb8;
	[tilespmem:$0x14E60] =	vst v63  }
0x8b: {  	_ =	swait.ge [sflag:s30], $0x1400  }
0x8c: {  	[sflag:s30] =	ssyncset.done $0x0  }
0x8d: {  	s10 =	sadd.s32 $0x2940, s11;
	[sflag:s30] =	ssyncadd.s32 $0xFFFFEC00  }
0x8e: {  	[spmem:s1] =	stream.indirect.scatter.add.f32 [tilespmem:s19], [sflag:$0x8], $0x40, s10, s15, $0xb8;
	[tilespmem:$0x14E60] =	vst v63  }
0x8f: {  	_ =	swait.ge [sflag:s0], $0x1400  }
0x90: {  	[sflag:s0] =	ssyncset.done $0x0  }
.Ltmp0:
0x91: {  	s10 =	sadd.s32 $0x2990, s11;
	[sflag:s0] =	ssyncadd.s32 $0xFFFFEC00;
	(pc) =	sbr.rel @p1 .LBB2_2-.Ltmp0, $4  }
0x92: {  	[spmem:s1] =	stream.indirect.scatter.add.f32 [tilespmem:s21], [sflag:$0x9], $0x40, s10, s15, $0xb8;
	[tilespmem:$0x14E60] =	vst v63  }
0x93: {  	_ =	swait.ge [sflag:s18], $0x1400  }
0x94: {  	[sflag:s18] =	ssyncset.done $0x0  }
0x95: {  	s11 =	sadd.s32 $0x29E0, s11;
	[sflag:s18] =	ssyncadd.s32 $0xFFFFEC00  }
0x96: {  	[spmem:s1] =	stream.indirect.scatter.add.f32 [tilespmem:s23], [sflag:$0xA], $0x40, s11, s15, $0xb8;
	[tilespmem:$0x14E60] =	vst v63  }
0x97: {  	_ =	swait.ge [sflag:s22], $0x1400  }
0x98: {  	[sflag:s22] =	ssyncset.done $0x0  }
0x99: {  	[sflag:s22] =	ssyncadd.s32 $0xFFFFEC00  }
0x9a: {  	_ =	swait.ge [sflag:s29], $0x1400  }
0x9b: {  	[sflag:s29] =	ssyncset.done $0x0  }
0x9c: {  	[sflag:s29] =	ssyncadd.s32 $0xFFFFEC00  }
0x9d: {  	_ =	swait.ge [sflag:s31], $0x1400  }
0x9e: {  	[sflag:s31] =	ssyncset.done $0x0  }
0x9f: {  	[sflag:s31] =	ssyncadd.s32 $0xFFFFEC00  }
0xa0: {  	_ =	swait.ge [sflag:s3], $0x1400  }
0xa1: {  	[sflag:s3] =	ssyncset.done $0x0  }
0xa2: {  	[sflag:s3] =	ssyncadd.s32 $0xFFFFEC00  }
0xa3: {  	_ =	swait.ge [sflag:s20], $0x1400  }
0xa4: {  	[sflag:s20] =	ssyncset.done $0x0  }
0xa5: {  	[sflag:s20] =	ssyncadd.s32 $0xFFFFEC00  }
0xa6: {  	s8 =	sadd.s32 @p0 $0x12840, s7;
	s10 =	simm.s32 @p0 $0x1FCB;
	[bflag:$0x0] =	sbarrier.arrive $0xFFFF  }
0xa7: {  	[hbm:s8], [sflag:s10] =	dma.local @p0 [spmem:s12], $0x1040  }
0xa8: {  	s8 =	simm.s32 @p0 $0xB  }
0xa9: {  	_ =	swait.ge @p0 [sflag:s8], $0x1040  }
0xaa: {  	[sflag:s8] =	ssyncset.done @p0 $0x0  }
0xab: {  	[sflag:s8] =	ssyncadd.s32 @p0 $0xFFFFEFC0;
	s8 =	simm.s32 @!p0 $0xB  }
0xac: {  	[hbm:s24], [sflag:s13] =	dma.local @!p0 [spmem:s25], $0x13C0  }
0xad: {  	_ =	swait.ge @!p0 [sflag:s8], $0x13C0  }
0xae: {  	s6 =	sadd.s32 $0x1, s6;
	s11 =	rddreg [dreg:$0x4]  }
0xaf: {  	p1 =	sne.s32 s6, s11  }
.Ltmp1:
0xb0: {  	_ = 	snop;
	(pc) =	sbr.rel @p1 .LBB2_1-.Ltmp1, $3  }
0xb1: {  	_ =	sdelay $0x1  }
0xb2: {  	[sflag:s8] =	ssyncset.done @!p0 $0x0  }
0xb3: {  	[sflag:s8] =	ssyncadd.s32 @!p0 $0xFFFFEC40  }
0xb4: {  	_ =	sfence.sel $0x180000  }
0xb5: {  	[bflag:$0x0] =	sbarrier.arrive $0xFFFF  }
0xb6: {  	_ =	strace $0x9000004A  }
0xb7: {  	s0 =	stileid.u32;
	[bflag:$0x2] =	sbarrier.arrive $0xFFFF  }
0xb8: {  	p0 =	sne.s32 s0, $0x0;
	s0 =	rddreg [dreg:$0x2]  }
0xb9: {  	s0 =	sadd.s32 @!p0 $0x100000, s0  }
0xba: {  	[sflag:s0] =	ssyncadd.tile.s32 @!p0 $0x1;
	_ =	shalt  }
.Lfunc_end2:
_tile_overlayer_lowered:
.L_overlay_start_2:
0xbb: {  	(tag) =	ssettag $0x2  }
0xbc: {  	s0 =	rddreg [dreg:$0x0];
	s2 =	stileid.u32  }
0xbd: {  	s1 =	rddreg [dreg:$0x1];
	p0 =	sne.s32 s2, $0x0  }
0xbe: {  	s3 =	rddreg [dreg:$0x2];
	[bflag:$0x3] =	sbarrier.arrive $0xFFFF;
	s2 =	simm.s32 @!p0 $0x1C0B  }
0xbf: {  	[timem:s3], [sflag:s2] =	dma.local @!p0 [hbm:s0], s1  }
0xc0: {  	s0 =	simm.s32 @!p0 $0xB  }
0xc1: {  	_ =	swait.ge @!p0 [sflag:s0], s1  }
0xc2: {  	s1 =	ssub.s32 @!p0 $0x0, s1;
	[sflag:s0] =	ssyncset.done @!p0 $0x0  }
0xc3: {  	[sflag:s0] =	ssyncadd.s32 @!p0 s1  }
0xc4: {  	[bflag:$0x3] =	sbarrier.arrive $0xFFFF  }
0xc5: {  	_ =	shalt  }

// kernel: kernel.14.cloned.1.call-start
scs
__scs_entry_jumppad:
0x0: {  	(pc) =	sbr.rel $0x88, $3  }
0x1: {  	(tag) =	ssettag $0x0;
	lr =	simm.s32 $0x1  }
0x2: {  	[smem:$0x3F90] =	sst lr;
	_ =	strace $0xD0000000  }
0x3: {  	_ = 	snop  }
0x4: {  	_ = 	snop  }
0x5: {  	_ = 	snop  }
0x6: {  	_ = 	snop  }
0x7: {  	_ = 	snop  }
__scs_overlays_trampoline_lowered:
0x8: {  	[smem:$0x3F9F] =	sst s0  }
0x9: {  	[smem:$0x3FA0] =	sst s1  }
0xa: {  	[smem:$0x3FA1] =	sst s2  }
0xb: {  	[smem:$0x3FA2] =	sst s3  }
0xc: {  	[smem:$0x3FA3] =	sst s4  }
0xd: {  	[smem:$0x3FA4] =	sst s5  }
0xe: {  	[smem:$0x3FA5] =	sst s6  }
0xf: {  	[smem:$0x3FA6] =	sst s7  }
0x10: {  	[smem:$0x3FA7] =	sst s8  }
0x11: {  	[smem:$0x3FA8] =	sst s9;
	s0 =	simm.s32 @!p0 $0x0  }
0x12: {  	s1 =	sld [smem:$0x3F8E];
	s0 =	simm.s32 @p0 $0x1  }
0x13: {  	[smem:$0x3FA9] =	sst s0;
	s0 =	simm.s32 @!p1 $0x0  }
0x14: {  	s2 =	sld [smem:$0x3F8D];
	s0 =	simm.s32 @p1 $0x1  }
0x15: {  	[smem:$0x3FAA] =	sst s0;
	s0 =	simm.s32 @!p2 $0x0  }
0x16: {  	s3 =	sld [smem:$0x3FDB];
	s0 =	simm.s32 @p2 $0x1  }
0x17: {  	s4 =	simm.s32 $0x1BF5;
	[smem:$0x3FAC] =	sst s0  }
0x18: {  	s0 =	sld [smem:$0x3F8F];
	_ =	swait.ge [sflag:s4], $0x0  }
0x19: {  	s7 =	sld [smem:$0x3F90]  }
0x1a: {  	s8 =	sadd.s32 $0xFFFFE003, lr  }
0x1b: {  	s9 =	sadd.s32 $0xFFFFFEF7, lr;
	s5 =	simm.s32 $0xFFFFFFFF;
	p2 =	slt.u32 s8, $0xFFFFF086  }
0x1c: {  	p1 =	slt.u32 s9, $0xF7A;
	s5 =	simm.s32 @!p2 $0x0  }
0x1d: {  	s5 =	simm.s32 @p1 $0x1;
	p0 =	seq.s32 s7, s2  }
0x1e: {  	s7 =	smul.u32 @!p0 $0xF7A, s2;
	p2 =	seq.s32 @!p0 s5, $0x0  }
0x1f: {  	s9 =	smul.u32 $0xF7A, s1;
	s8 =	simm.s32 @!p0 $0x1BF5;
	p2 =	por !p2, p0  }
0x20: {  	[sflag:s8] =	ssyncset.s32 @!p0 $0xFFFFF086;
	s6 =	sadd.s32 @!p0 s3, s7;
	s7 =	simm.s32 @!p0 $0x108  }
0x21: {  	s3 =	sadd.s32 s3, s9;
	s6 =	sadd.s32 @!p0 $0x88, s6;
	s7 =	simm.s32 @p2 $0x1082  }
0x22: {  	[simem:s7], [sflag:s8] =	dma.local @!p0 [hbm:s6], $0xF7A  }
0x23: {  	s9 =	sor.u32 $0xD0000000, s2;
	s6 =	simm.s32 $0x108;
	_ =	swait.ge @!p0 [sflag:s8], $0x0  }
0x24: {  	s3 =	sadd.s32 $0x88, s3;
	s6 =	simm.s32 @!p1 $0x1082;
	[sflag:s4] =	ssyncset.s32 $0xFFFFF086  }
0x25: {  	[simem:s6], [sflag:s4] =	dma.local [hbm:s3], $0xF7A  }
0x26: {  	[smem:$0x3F90] =	sst s1;
	(tag) =	ssettag s2;
	_ =	strace s9  }
0x27: {  	s1 =	sld [smem:$0x3FA0]  }
0x28: {  	s2 =	sld [smem:$0x3FA1]  }
0x29: {  	s4 =	sld [smem:$0x3FA3]  }
0x2a: {  	p0 =	seq.s32 s5, $0x0;
	s5 =	sld [smem:$0x3FA4]  }
0x2b: {  	s6 =	sld [smem:$0x3FA5]  }
0x2c: {  	s7 =	sld [smem:$0x3FA6]  }
0x2d: {  	s3 =	simm.s32 $0x108;
	s8 =	sld [smem:$0x3FA7]  }
0x2e: {  	s3 =	simm.s32 @!p0 $0x1082;
	s9 =	sld [smem:$0x3FA8]  }
0x2f: {  	lr =	sadd.s32 s0, s3;
	s0 =	sld [smem:$0x3F9F]  }
0x30: {  	s3 =	sld [smem:$0x3FA2]  }
0x31: {  	[smem:$0x3FAB] =	sst s10  }
0x32: {  	s10 =	sld [smem:$0x3FA9];
	_ =	sdelay $0x3  }
0x33: {  	p0 =	seq.s32 s10, $0x1;
	s10 =	sld [smem:$0x3FAB];
	_ =	sdelay $0x3  }
0x34: {  	[smem:$0x3FAB] =	sst s10  }
0x35: {  	s10 =	sld [smem:$0x3FAA];
	_ =	sdelay $0x3  }
0x36: {  	p1 =	seq.s32 s10, $0x1;
	s10 =	sld [smem:$0x3FAB];
	_ =	sdelay $0x3  }
0x37: {  	[smem:$0x3FAB] =	sst s10  }
0x38: {  	s10 =	sld [smem:$0x3FAC]  }
0x39: {  	_ = 	snop;
	(pc) =	sbr.ind lr, $3  }
0x3a: {  	_ = 	snop  }
0x3b: {  	_ = 	snop  }
0x3c: {  	p2 =	seq.s32 s10, $0x1;
	s10 =	sld [smem:$0x3FAB]  }
0x3d: {  	_ =	shalt  }
0x3e: {  	_ =	shalt  }
0x3f: {  	_ =	shalt  }
0x40: {  	_ =	shalt  }
0x41: {  	_ =	shalt  }
0x42: {  	_ =	shalt  }
0x43: {  	_ =	shalt  }
0x44: {  	_ =	shalt  }
0x45: {  	_ =	shalt  }
0x46: {  	_ =	shalt  }
0x47: {  	_ =	shalt  }
0x48: {  	_ =	shalt  }
0x49: {  	_ =	shalt  }
0x4a: {  	_ =	shalt  }
0x4b: {  	_ =	shalt  }
0x4c: {  	_ =	shalt  }
0x4d: {  	_ =	shalt  }
0x4e: {  	_ =	shalt  }
0x4f: {  	_ =	shalt  }
0x50: {  	_ =	shalt  }
0x51: {  	_ =	shalt  }
0x52: {  	_ =	shalt  }
0x53: {  	_ =	shalt  }
0x54: {  	_ =	shalt  }
0x55: {  	_ =	shalt  }
0x56: {  	_ =	shalt  }
0x57: {  	_ =	shalt  }
0x58: {  	_ =	shalt  }
0x59: {  	_ =	shalt  }
0x5a: {  	_ =	shalt  }
0x5b: {  	_ =	shalt  }
0x5c: {  	_ =	shalt  }
0x5d: {  	_ =	shalt  }
0x5e: {  	_ =	shalt  }
0x5f: {  	_ =	shalt  }
0x60: {  	_ =	shalt  }
0x61: {  	_ =	shalt  }
0x62: {  	_ =	shalt  }
0x63: {  	_ =	shalt  }
0x64: {  	_ =	shalt  }
0x65: {  	_ =	shalt  }
0x66: {  	_ =	shalt  }
0x67: {  	_ =	shalt  }
0x68: {  	_ =	shalt  }
0x69: {  	_ =	shalt  }
0x6a: {  	_ =	shalt  }
0x6b: {  	_ =	shalt  }
0x6c: {  	_ =	shalt  }
0x6d: {  	_ =	shalt  }
0x6e: {  	_ =	shalt  }
0x6f: {  	_ =	shalt  }
0x70: {  	_ =	shalt  }
0x71: {  	_ =	shalt  }
0x72: {  	_ =	shalt  }
0x73: {  	_ =	shalt  }
0x74: {  	_ =	shalt  }
0x75: {  	_ =	shalt  }
0x76: {  	_ =	shalt  }
0x77: {  	_ =	shalt  }
0x78: {  	_ =	shalt  }
0x79: {  	_ =	shalt  }
0x7a: {  	_ =	shalt  }
0x7b: {  	_ =	shalt  }
0x7c: {  	_ =	shalt  }
0x7d: {  	_ =	shalt  }
0x7e: {  	_ =	shalt  }
0x7f: {  	_ =	shalt  }
0x80: {  	_ =	shalt  }
0x81: {  	_ =	shalt  }
0x82: {  	_ =	shalt  }
0x83: {  	_ =	shalt  }
0x84: {  	_ =	shalt  }
0x85: {  	_ =	shalt  }
0x86: {  	_ =	shalt  }
0x87: {  	_ =	shalt  }
.Lfunc_end0:
.L_simem_size_0:
called_computation.2_lowered:
.L_overlay_start_0:
0x88: {  	s2 =	sld [smem:$0x3FD9]  }
0x89: {  	s3 =	sld [smem:$0x3FFE];
	_ =	sdelay $0x1  }
0x8a: {  	s1 =	srdreg.scid  }
0x8b: {  	s0 =	sand.u32 $0x1, s1  }
0x8c: {  	s16 =	sshll.u32 s0, $0xA;
	s2 =	sadd.s32 s3, s2  }
0x8d: {  	s2 =	sadd.s32 s2, s16  }
0x8e: {  	[smem:$0x3FB7] =	sst s2  }
0x8f: {  	_ = 	snop  }
0x90: {  	(tm) =	ssettm $0x1  }
0x91: {  	s17 =	sld [smem:$0x3FFB];
	_ =	sdelay $0x3  }
0x92: {  	_ =	strace s17  }
0x93: {  	s2 =	sld [smem:$0x3FFC];
	_ =	sdelay $0x3  }
0x94: {  	_ =	strace s2  }
0x95: {  	s2 =	sld [smem:$0x3FFD];
	_ =	sdelay $0x3  }
0x96: {  	_ =	strace s2  }
0x97: {  	_ =	strace $0x8FFFFFFF  }
0x98: {  	s18 =	sld [smem:$0x3FDB];
	_ =	sdelay $0x1  }
0x99: {  	s19 =	simm.s32 $_scs_section_size  }
0x9a: {  	s4 =	simm.s32 $_size__tile_overlayer_lowered;
	s5 =	simm.s32 $_tile_overlayer_lowered  }
0x9b: {  	s22 =	simm.s32 $0x1BFF;
	s21 =	sshll.u32 s5, $0x1;
	s2 =	sadd.s32 s19, s18  }
0x9c: {  	s6 =	simm.s32 $0x0;
	s20 =	sshll.u32 s4, $0x1;
	s4 =	sadd.s32 s21, s2  }
0x9d: {  	[timem:s6], [sflag:s22] =	dma.local [hbm:s4], s20  }
0x9e: {  	_ =	swait.ge [sflag:s22], s20  }
0x9f: {  	s3 =	ssub.s32 $0x0, s20;
	[sflag:s22] =	ssyncset.done $0x0  }
0xa0: {  	[sflag:s22] =	ssyncadd.s32 s3;
	_ =	sdelay $0x1  }
0xa1: {  	s23 =	simm.s32 $0x1B8B  }
0xa2: {  	_ =	swait.ge [sflag:s23], $0x1  }
0xa3: {  	[sflag:s23] =	ssyncset.done $0x0  }
0xa4: {  	s25 =	simm.s32 $0x1B8E;
	s24 =	sld [smem:$0x3FFE];
	[sflag:s23] =	ssyncadd.s32 $0xFFFFFFFF  }
0xa5: {  	s26 =	simm.s32 $execute0_lowered;
	[smem:$0x3FD2] =	sst s25  }
0xa6: {  	s4 =	sshll.u32 s26, $0x1;
	_ =	strace $0x8000004C;
	[dreg:$0x1] =	wrdreg $0xFFFFFFFF  }
0xa7: {  	s28 =	simm.s32 $_size_execute0_lowered;
	s2 =	sadd.s32 s2, s4;
	[dreg:$0x0] =	wrdreg $0x0  }
0xa8: {  	s4 =	sshll.u32 s28, $0x1;
	[dreg:$0x2] =	wrdreg s2  }
0xa9: {  	[dreg:$0x3] =	wrdreg s4  }
0xaa: {  	[dreg:$0x4] =	wrdreg $0xC0  }
0xab: {  	_ =	task [dreg:s6], $0x5FFFF  }
0xac: {  	[dreg:$0x1] =	wrdreg $0xFFFFFFFF  }
0xad: {  	[dreg:$0x0] =	wrdreg $0x60  }
0xae: {  	[dreg:$0x2] =	wrdreg s24  }
0xaf: {  	[dreg:$0x3] =	wrdreg $0xB2200  }
0xb0: {  	[dreg:$0x4] =	wrdreg $0x9  }
0xb1: {  	_ =	task.clear_ibuf [dreg:s6], $0x5FFFF;
	_ =	strace $0x9000004C  }
0xb2: {  	s29 =	simm.s32 $0x9;
	_ =	strace $0x8000004E  }
0xb3: {  	_ =	swait.ge [sflag:s29], $0x1  }
0xb4: {  	[sflag:s29] =	ssyncadd.s32 $0xFFFFFFFF  }
0xb5: {  	_ =	strace $0x9000004E  }
0xb6: {  	_ =	sfence  }
0xb7: {  	s30 =	sld [smem:$0x0];
	_ =	sdelay $0x2  }
0xb8: {  	s31 =	sshll.u32 s1, $0xD;
	s1 =	sshrl.u32 s1, $0x2  }
0xb9: {  	s3 =	sand.u32 $0x4000, s31;
	s1 =	sadd.s32 s1, s30  }
0xba: {  	s0 =	sor.u32 s3, s0;
	s1 =	sshll.u32 s1, $0x11  }
0xbb: {  	s0 =	sor.u32 s1, s0  }
0xbc: {  	s0 =	sadd.s32 $0x8F2B, s0  }
0xbd: {  	[sflag:s0] =	ssyncadd.remote.s32 $0x1  }
0xbe: {  	_ =	sfence.sel $0xFFFF  }
0xbf: {  	[dreg:$0x0] =	wrdreg $0xFFFFFFFF;
	(pc) =	sbr.abs _section_cstart, $3  }
0xc0: {  	[dreg:$0x1] =	wrdreg $0xFFFFFFFF  }
0xc1: {  	_ =	task.clear_ibuf [dreg:s6], $0x2FFFF;
	_ =	strace $0x9FFFFFFF  }
0xc2: {  	(tm) =	ssettm $0x7FFFFFFF  }
0xc3: {  	_ =	shalt  }
tec
execute0_lowered:
.L_overlay_start_1:
0x0: {  	(tag) =	ssettag $0x1  }
0x1: {  	s0 =	rddreg [dreg:$0x0]  }
0x2: {  	s1 =	rddreg [dreg:$0x1]  }
0x3: {  	s3 =	srdreg.scid;
	s2 =	simm.s32 $0x0;
	s13 =	stileid.u32  }
0x4: {  	s15 =	simm.s32 $0x50;
	s16 =	simm.s32 $0x4E20;
	s17 =	simm.s32 $0x6220  }
0x5: {  	s19 =	simm.s32 $0x7620;
	s21 =	simm.s32 $0x8A20;
	s28 =	simm.s32 $0x2  }
0x6: {  	s30 =	simm.s32 $0x3;
	s29 =	simm.s32 $0x7;
	s8 =	smul.u32 $0x4E2, s13  }
0x7: {  	s31 =	simm.s32 $0x8;
	s20 =	simm.s32 $0xA;
	s10 =	smul.u32 $0x27800, s13  }
0x8: {  	s3 =	sand.u32 $0x1, s3;
	[smem:$0x7FF] =	sst s2;
	s24 =	smul.u32 $0x9E00, s13  }
0x9: {  	s4 =	sadd.s32 $0x16000, s0;
	s12 =	sadd.s32 $0x94200, s1;
	s5 =	smul.u32 $0x4E20, s3  }
0xa: {  	p0 =	seq.s32 s13, $0xF;
	s6 =	smul.u32 $0x13880, s3;
	s3 =	ssub.s32 $0x2, s3  }
0xb: {  	_ =	strace $0x8000004D;
	s12 =	sshrl.u32 @p0 s12, $0x3;
	s9 =	sshrl.u32 s3, $0x1  }
0xc: {  	s23 =	sshrl.u32 s10, $0x2;
	s18 =	sadd.s32 s24, s1;
	s7 =	sadd.s32 s5, s0  }
0xd: {  	s5 =	sadd.s32 $0x3D400, s0;
	s0 =	sadd.s32 s6, s0;
	s3 =	ssub.s32 s3, s9  }
0xe: {  	s11 =	sadd.s32 s23, s1;
	s9 =	simm.s32 $0xB;
	s23 =	simm.s32 $0x9E20  }
0xf: {  	s22 =	sadd.s32 s8, s7;
	s25 =	sadd.s32 $0xC200, s7;
	s7 =	sadd.s32 $0x3E800, s0  }
0x10: {  	s0 =	sshrl.u32 s24, $0x3;
	s3 =	smax.u32 s3, $0x1;
	s14 =	sshrl.u32 @!p0 s11, $0x3  }
0x11: {  	s6 =	sadd.s32 $0x2400, s22;
	[dreg:$0x4] =	wrdreg s3;
	s26 =	sadd.s32 s8, s25  }
0x12: {  	s3 =	sshll.u32 @!p0 s13, $0x6;
	s24 =	sadd.s32 @!p0 s0, s7;
	s25 =	sshrl.u32 @!p0 s18, $0x3  }
0x13: {  	s0 =	simm.s32 $0x4;
	s18 =	simm.s32 $0x5;
	[dreg:$0x3] =	wrdreg s6  }
0x14: {  	s22 =	simm.s32 $0x6;
	[dreg:$0x5] =	wrdreg s26;
	s13 =	sor.u32 @!p0 $0x1C0B, s3  }
0x15: {  	s26 =	simm.s32 $0x1;
	s3 =	simm.s32 $0x9;
	s6 =	simm.s32 $0x0  }
.LBB2_1:
0x16: {  	s8 =	rddreg [dreg:$0x3]  }
0x17: {  	[tilespmem:s2], [sflag:$0xB] =	stream.linear.gather [hbm4b:s8+s2], $0x2710, $0x38;
	[tilespmem:$0x14E60] =	vst v63  }
0x18: {  	_ =	swait.ge [sflag:s9], $0x2710  }
0x19: {  	[sflag:s9] =	ssyncset.done $0x0  }
0x1a: {  	s10 =	simm.s32 $0x2710;
	s11 =	rddreg [dreg:$0x5];
	[sflag:s9] =	ssyncadd.s32 $0xFFFFD8F0  }
0x1b: {  	[tilespmem:s10], [sflag:$0xB] =	stream.linear.gather [hbm4b:s11+s2], $0x2710, $0x38;
	[tilespmem:$0x14E60] =	vst v63  }
0x1c: {  	_ =	swait.ge [sflag:s9], $0x2710  }
0x1d: {  	[sflag:s9] =	ssyncset.done $0x0  }
0x1e: {  	s8 =	simm.s32 @p0 $0x1FCB;
	[sflag:s9] =	ssyncadd.s32 $0xFFFFD8F0  }
0x1f: {  	[spmem:s12], [sflag:s8] =	dma.local @p0 [hbm:s5], $0x1040  }
0x20: {  	s8 =	simm.s32 @p0 $0xB  }
0x21: {  	_ =	swait.ge @p0 [sflag:s8], $0x1040  }
0x22: {  	[sflag:s8] =	ssyncset.done @p0 $0x0  }
0x23: {  	[sflag:s8] =	ssyncadd.s32 @p0 $0xFFFFEFC0;
	s8 =	simm.s32 @!p0 $0xB  }
0x24: {  	[spmem:s14], [sflag:s13] =	dma.local @!p0 [hbm:s5], $0x13C0  }
0x25: {  	_ =	swait.ge @!p0 [sflag:s8], $0x13C0  }
0x26: {  	[sflag:s8] =	ssyncset.done @!p0 $0x0  }
0x27: {  	[sflag:s8] =	ssyncadd.s32 @!p0 $0xFFFFEC40  }
0x28: {  	[bflag:$0x0] =	sbarrier.arrive $0xFFFF  }
0x29: {  	[tilespmem:s16], [sflag:$0x1] =	stream.indirect.gather [hbm4b:s4+s15], $0x40, s2, s15, $0xb8;
	[tilespmem:$0x14E60] =	vst v63  }
0x2a: {  	_ = 	snop  }
0x2b: {  	[tilespmem:s17], [sflag:$0x2] =	stream.indirect.gather [hbm4b:s4+s15], $0x40, s15, s15, $0xb8;
	[tilespmem:$0x14E60] =	vst v63  }
0x2c: {  	s11 =	simm.s32 $0xA0  }
0x2d: {  	[tilespmem:s19], [sflag:$0x3] =	stream.indirect.gather [hbm4b:s4+s15], $0x40, s11, s15, $0xb8;
	[tilespmem:$0x14E60] =	vst v63  }
0x2e: {  	s11 =	simm.s32 $0xF0  }
0x2f: {  	[tilespmem:s21], [sflag:$0x4] =	stream.indirect.gather [hbm4b:s4+s15], $0x40, s11, s15, $0xb8;
	[tilespmem:$0x14E60] =	vst v63  }
0x30: {  	s11 =	simm.s32 $0x140  }
0x31: {  	[tilespmem:s23], [sflag:$0x5] =	stream.indirect.gather [hbm4b:s4+s15], $0x40, s11, s15, $0xb8;
	[tilespmem:$0x14E60] =	vst v63  }
0x32: {  	_ =	swait.ge [sflag:s26], $0x1400  }
0x33: {  	[sflag:s26] =	ssyncset.done $0x0  }
0x34: {  	[sflag:s26] =	ssyncadd.s32 $0xFFFFEC00  }
0x35: {  	[spmem:s1] =	stream.indirect.scatter.add.f32 [tilespmem:s16], [sflag:$0x6], $0x40, s10, s15, $0xb8;
	[tilespmem:$0x14E60] =	vst v63  }
0x36: {  	_ =	swait.ge [sflag:s28], $0x1400  }
0x37: {  	[sflag:s28] =	ssyncset.done $0x0  }
0x38: {  	s11 =	simm.s32 $0x2760;
	[sflag:s28] =	ssyncadd.s32 $0xFFFFEC00  }
0x39: {  	[spmem:s1] =	stream.indirect.scatter.add.f32 [tilespmem:s17], [sflag:$0x7], $0x40, s11, s15, $0xb8;
	[tilespmem:$0x14E60] =	vst v63  }
0x3a: {  	_ =	swait.ge [sflag:s30], $0x1400  }
0x3b: {  	[sflag:s30] =	ssyncset.done $0x0  }
0x3c: {  	s10 =	simm.s32 $0x27B0;
	[sflag:s30] =	ssyncadd.s32 $0xFFFFEC00  }
0x3d: {  	[spmem:s1] =	stream.indirect.scatter.add.f32 [tilespmem:s19], [sflag:$0x8], $0x40, s10, s15, $0xb8;
	[tilespmem:$0x14E60] =	vst v63  }
0x3e: {  	_ =	swait.ge [sflag:s0], $0x1400  }
0x3f: {  	[sflag:s0] =	ssyncset.done $0x0  }
0x40: {  	s11 =	simm.s32 $0x2800;
	[sflag:s0] =	ssyncadd.s32 $0xFFFFEC00  }
0x41: {  	[spmem:s1] =	stream.indirect.scatter.add.f32 [tilespmem:s21], [sflag:$0x9], $0x40, s11, s15, $0xb8;
	[tilespmem:$0x14E60] =	vst v63  }
0x42: {  	_ =	swait.ge [sflag:s18], $0x1400  }
0x43: {  	[sflag:s18] =	ssyncset.done $0x0  }
0x44: {  	s10 =	simm.s32 $0x2850;
	[sflag:s18] =	ssyncadd.s32 $0xFFFFEC00  }
0x45: {  	[spmem:s1] =	stream.indirect.scatter.add.f32 [tilespmem:s23], [sflag:$0xA], $0x40, s10, s15, $0xb8;
	[tilespmem:$0x14E60] =	vst v63  }
0x46: {  	_ =	swait.ge [sflag:s22], $0x1400  }
0x47: {  	[sflag:s22] =	ssyncset.done $0x0  }
0x48: {  	s11 =	simm.s32 $0x190;
	[sflag:s22] =	ssyncadd.s32 $0xFFFFEC00  }
0x49: {  	[tilespmem:s16], [sflag:$0x1] =	stream.indirect.gather [hbm4b:s4+s15], $0x40, s11, s15, $0xb8;
	[tilespmem:$0x14E60] =	vst v63  }
0x4a: {  	_ =	swait.ge [sflag:s29], $0x1400  }
0x4b: {  	[sflag:s29] =	ssyncset.done $0x0  }
0x4c: {  	s10 =	simm.s32 $0x1E0;
	[sflag:s29] =	ssyncadd.s32 $0xFFFFEC00  }
0x4d: {  	[tilespmem:s17], [sflag:$0x2] =	stream.indirect.gather [hbm4b:s4+s15], $0x40, s10, s15, $0xb8;
	[tilespmem:$0x14E60] =	vst v63  }
0x4e: {  	_ =	swait.ge [sflag:s31], $0x1400  }
0x4f: {  	[sflag:s31] =	ssyncset.done $0x0  }
0x50: {  	s11 =	simm.s32 $0x230;
	[sflag:s31] =	ssyncadd.s32 $0xFFFFEC00  }
0x51: {  	[tilespmem:s19], [sflag:$0x3] =	stream.indirect.gather [hbm4b:s4+s15], $0x40, s11, s15, $0xb8;
	[tilespmem:$0x14E60] =	vst v63  }
0x52: {  	_ =	swait.ge [sflag:s3], $0x1400  }
0x53: {  	[sflag:s3] =	ssyncset.done $0x0  }
0x54: {  	s10 =	simm.s32 $0x280;
	[sflag:s3] =	ssyncadd.s32 $0xFFFFEC00  }
0x55: {  	[tilespmem:s21], [sflag:$0x4] =	stream.indirect.gather [hbm4b:s4+s15], $0x40, s10, s15, $0xb8;
	[tilespmem:$0x14E60] =	vst v63  }
0x56: {  	_ =	swait.ge [sflag:s20], $0x1400  }
0x57: {  	[sflag:s20] =	ssyncset.done $0x0  }
0x58: {  	s11 =	simm.s32 $0x2D0;
	[sflag:s20] =	ssyncadd.s32 $0xFFFFEC00  }
0x59: {  	[tilespmem:s23], [sflag:$0x5] =	stream.indirect.gather [hbm4b:s4+s15], $0x40, s11, s15, $0xb8;
	[tilespmem:$0x14E60] =	vst v63  }
0x5a: {  	_ =	swait.ge [sflag:s26], $0x1400  }
0x5b: {  	[sflag:s26] =	ssyncset.done $0x0  }
0x5c: {  	s10 =	simm.s32 $0x28A0;
	[sflag:s26] =	ssyncadd.s32 $0xFFFFEC00  }
0x5d: {  	[spmem:s1] =	stream.indirect.scatter.add.f32 [tilespmem:s16], [sflag:$0x6], $0x40, s10, s15, $0xb8;
	[tilespmem:$0x14E60] =	vst v63  }
0x5e: {  	_ =	swait.ge [sflag:s28], $0x1400  }
0x5f: {  	[sflag:s28] =	ssyncset.done $0x0  }
0x60: {  	s11 =	simm.s32 $0x28F0;
	[sflag:s28] =	ssyncadd.s32 $0xFFFFEC00  }
0x61: {  	[spmem:s1] =	stream.indirect.scatter.add.f32 [tilespmem:s17], [sflag:$0x7], $0x40, s11, s15, $0xb8;
	[tilespmem:$0x14E60] =	vst v63  }
0x62: {  	_ =	swait.ge [sflag:s30], $0x1400  }
0x63: {  	[sflag:s30] =	ssyncset.done $0x0  }
0x64: {  	s10 =	simm.s32 $0x2940;
	[sflag:s30] =	ssyncadd.s32 $0xFFFFEC00  }
0x65: {  	[spmem:s1] =	stream.indirect.scatter.add.f32 [tilespmem:s19], [sflag:$0x8], $0x40, s10, s15, $0xb8;
	[tilespmem:$0x14E60] =	vst v63  }
0x66: {  	_ =	swait.ge [sflag:s0], $0x1400  }
0x67: {  	[sflag:s0] =	ssyncset.done $0x0  }
0x68: {  	s11 =	simm.s32 $0x2990;
	[sflag:s0] =	ssyncadd.s32 $0xFFFFEC00  }
0x69: {  	[spmem:s1] =	stream.indirect.scatter.add.f32 [tilespmem:s21], [sflag:$0x9], $0x40, s11, s15, $0xb8;
	[tilespmem:$0x14E60] =	vst v63  }
0x6a: {  	_ =	swait.ge [sflag:s18], $0x1400  }
0x6b: {  	[sflag:s18] =	ssyncset.done $0x0  }
0x6c: {  	s8 =	simm.s32 $0x640;
	s11 =	simm.s32 $0x29E0;
	[sflag:s18] =	ssyncadd.s32 $0xFFFFEC00  }
.LBB2_2:
0x6d: {  	[spmem:s1] =	stream.indirect.scatter.add.f32 [tilespmem:s23], [sflag:$0xA], $0x40, s11, s15, $0xb8;
	[tilespmem:$0x14E60] =	vst v63  }
0x6e: {  	s11 =	smov.u32 s8  }
0x6f: {  	p1 =	sne.s32 s8, $0x8FC0;
	s8 =	sadd.s32 $0x640, s8;
	_ =	swait.ge [sflag:s22], $0x1400  }
0x70: {  	s11 =	sshra.s32 s11, $0x2;
	[sflag:s22] =	ssyncset.done $0x0  }
0x71: {  	s10 =	sadd.s32 $0x190, s11;
	[sflag:s22] =	ssyncadd.s32 $0xFFFFEC00  }
0x72: {  	[tilespmem:s16], [sflag:$0x1] =	stream.indirect.gather [hbm4b:s4+s15], $0x40, s10, s15, $0xb8;
	[tilespmem:$0x14E60] =	vst v63  }
0x73: {  	_ =	swait.ge [sflag:s29], $0x1400  }
0x74: {  	[sflag:s29] =	ssyncset.done $0x0  }
0x75: {  	s10 =	sadd.s32 $0x1E0, s11;
	[sflag:s29] =	ssyncadd.s32 $0xFFFFEC00  }
0x76: {  	[tilespmem:s17], [sflag:$0x2] =	stream.indirect.gather [hbm4b:s4+s15], $0x40, s10, s15, $0xb8;
	[tilespmem:$0x14E60] =	vst v63  }
0x77: {  	_ =	swait.ge [sflag:s31], $0x1400  }
0x78: {  	[sflag:s31] =	ssyncset.done $0x0  }
0x79: {  	s10 =	sadd.s32 $0x230, s11;
	[sflag:s31] =	ssyncadd.s32 $0xFFFFEC00  }
0x7a: {  	[tilespmem:s19], [sflag:$0x3] =	stream.indirect.gather [hbm4b:s4+s15], $0x40, s10, s15, $0xb8;
	[tilespmem:$0x14E60] =	vst v63  }
0x7b: {  	_ =	swait.ge [sflag:s3], $0x1400  }
0x7c: {  	[sflag:s3] =	ssyncset.done $0x0  }
0x7d: {  	s10 =	sadd.s32 $0x280, s11;
	[sflag:s3] =	ssyncadd.s32 $0xFFFFEC00  }
0x7e: {  	[tilespmem:s21], [sflag:$0x4] =	stream.indirect.gather [hbm4b:s4+s15], $0x40, s10, s15, $0xb8;
	[tilespmem:$0x14E60] =	vst v63  }
0x7f: {  	_ =	swait.ge [sflag:s20], $0x1400  }
0x80: {  	[sflag:s20] =	ssyncset.done $0x0  }
0x81: {  	s10 =	sadd.s32 $0x2D0, s11;
	[sflag:s20] =	ssyncadd.s32 $0xFFFFEC00  }
0x82: {  	[tilespmem:s23], [sflag:$0x5] =	stream.indirect.gather [hbm4b:s4+s15], $0x40, s10, s15, $0xb8;
	[tilespmem:$0x14E60] =	vst v63  }
0x83: {  	_ =	swait.ge [sflag:s26], $0x1400  }
0x84: {  	[sflag:s26] =	ssyncset.done $0x0  }
0x85: {  	s10 =	sadd.s32 $0x28A0, s11;
	[sflag:s26] =	ssyncadd.s32 $0xFFFFEC00  }
0x86: {  	[spmem:s1] =	stream.indirect.scatter.add.f32 [tilespmem:s16], [sflag:$0x6], $0x40, s10, s15, $0xb8;
	[tilespmem:$0x14E60] =	vst v63  }
0x87: {  	_ =	swait.ge [sflag:s28], $0x1400  }
0x88: {  	[sflag:s28] =	ssyncset.done $0x0  }
0x89: {  	s10 =	sadd.s32 $0x28F0, s11;
	[sflag:s28] =	ssyncadd.s32 $0xFFFFEC00  }
0x8a: {  	[spmem:s1] =	stream.indirect.scatter.add.f32 [tilespmem:s17], [sflag:$0x7], $0x40, s10, s15, $0xb8;
	[tilespmem:$0x14E60] =	vst v63  }
0x8b: {  	_ =	swait.ge [sflag:s30], $0x1400  }
0x8c: {  	[sflag:s30] =	ssyncset.done $0x0  }
0x8d: {  	s10 =	sadd.s32 $0x2940, s11;
	[sflag:s30] =	ssyncadd.s32 $0xFFFFEC00  }
0x8e: {  	[spmem:s1] =	stream.indirect.scatter.add.f32 [tilespmem:s19], [sflag:$0x8], $0x40, s10, s15, $0xb8;
	[tilespmem:$0x14E60] =	vst v63  }
0x8f: {  	_ =	swait.ge [sflag:s0], $0x1400  }
0x90: {  	[sflag:s0] =	ssyncset.done $0x0  }
.Ltmp0:
0x91: {  	s10 =	sadd.s32 $0x2990, s11;
	[sflag:s0] =	ssyncadd.s32 $0xFFFFEC00;
	(pc) =	sbr.rel @p1 .LBB2_2-.Ltmp0, $4  }
0x92: {  	[spmem:s1] =	stream.indirect.scatter.add.f32 [tilespmem:s21], [sflag:$0x9], $0x40, s10, s15, $0xb8;
	[tilespmem:$0x14E60] =	vst v63  }
0x93: {  	_ =	swait.ge [sflag:s18], $0x1400  }
0x94: {  	[sflag:s18] =	ssyncset.done $0x0  }
0x95: {  	s11 =	sadd.s32 $0x29E0, s11;
	[sflag:s18] =	ssyncadd.s32 $0xFFFFEC00  }
0x96: {  	[spmem:s1] =	stream.indirect.scatter.add.f32 [tilespmem:s23], [sflag:$0xA], $0x40, s11, s15, $0xb8;
	[tilespmem:$0x14E60] =	vst v63  }
0x97: {  	_ =	swait.ge [sflag:s22], $0x1400  }
0x98: {  	[sflag:s22] =	ssyncset.done $0x0  }
0x99: {  	[sflag:s22] =	ssyncadd.s32 $0xFFFFEC00  }
0x9a: {  	_ =	swait.ge [sflag:s29], $0x1400  }
0x9b: {  	[sflag:s29] =	ssyncset.done $0x0  }
0x9c: {  	[sflag:s29] =	ssyncadd.s32 $0xFFFFEC00  }
0x9d: {  	_ =	swait.ge [sflag:s31], $0x1400  }
0x9e: {  	[sflag:s31] =	ssyncset.done $0x0  }
0x9f: {  	[sflag:s31] =	ssyncadd.s32 $0xFFFFEC00  }
0xa0: {  	_ =	swait.ge [sflag:s3], $0x1400  }
0xa1: {  	[sflag:s3] =	ssyncset.done $0x0  }
0xa2: {  	[sflag:s3] =	ssyncadd.s32 $0xFFFFEC00  }
0xa3: {  	_ =	swait.ge [sflag:s20], $0x1400  }
0xa4: {  	[sflag:s20] =	ssyncset.done $0x0  }
0xa5: {  	[sflag:s20] =	ssyncadd.s32 $0xFFFFEC00  }
0xa6: {  	s8 =	sadd.s32 @p0 $0x12840, s7;
	s10 =	simm.s32 @p0 $0x1FCB;
	[bflag:$0x0] =	sbarrier.arrive $0xFFFF  }
0xa7: {  	[hbm:s8], [sflag:s10] =	dma.local @p0 [spmem:s12], $0x1040  }
0xa8: {  	s8 =	simm.s32 @p0 $0xB  }
0xa9: {  	_ =	swait.ge @p0 [sflag:s8], $0x1040  }
0xaa: {  	[sflag:s8] =	ssyncset.done @p0 $0x0  }
0xab: {  	[sflag:s8] =	ssyncadd.s32 @p0 $0xFFFFEFC0;
	s8 =	simm.s32 @!p0 $0xB  }
0xac: {  	[hbm:s24], [sflag:s13] =	dma.local @!p0 [spmem:s25], $0x13C0  }
0xad: {  	_ =	swait.ge @!p0 [sflag:s8], $0x13C0  }
0xae: {  	s6 =	sadd.s32 $0x1, s6;
	s11 =	rddreg [dreg:$0x4]  }
0xaf: {  	p1 =	sne.s32 s6, s11  }
.Ltmp1:
0xb0: {  	_ = 	snop;
	(pc) =	sbr.rel @p1 .LBB2_1-.Ltmp1, $3  }
0xb1: {  	_ =	sdelay $0x1  }
0xb2: {  	[sflag:s8] =	ssyncset.done @!p0 $0x0  }
0xb3: {  	[sflag:s8] =	ssyncadd.s32 @!p0 $0xFFFFEC40  }
0xb4: {  	_ =	sfence.sel $0x180000  }
0xb5: {  	[bflag:$0x0] =	sbarrier.arrive $0xFFFF  }
0xb6: {  	_ =	strace $0x9000004D  }
0xb7: {  	s0 =	stileid.u32;
	[bflag:$0x2] =	sbarrier.arrive $0xFFFF  }
0xb8: {  	p0 =	sne.s32 s0, $0x0;
	s0 =	rddreg [dreg:$0x2]  }
0xb9: {  	s0 =	sadd.s32 @!p0 $0x100000, s0  }
0xba: {  	[sflag:s0] =	ssyncadd.tile.s32 @!p0 $0x1;
	_ =	shalt  }
.Lfunc_end2:
_tile_overlayer_lowered:
.L_overlay_start_2:
0xbb: {  	(tag) =	ssettag $0x2  }
0xbc: {  	s0 =	rddreg [dreg:$0x0];
	s2 =	stileid.u32  }
0xbd: {  	s1 =	rddreg [dreg:$0x1];
	p0 =	sne.s32 s2, $0x0  }
0xbe: {  	s3 =	rddreg [dreg:$0x2];
	[bflag:$0x3] =	sbarrier.arrive $0xFFFF;
	s2 =	simm.s32 @!p0 $0x1C0B  }
0xbf: {  	[timem:s3], [sflag:s2] =	dma.local @!p0 [hbm:s0], s1  }
0xc0: {  	s0 =	simm.s32 @!p0 $0xB  }
0xc1: {  	_ =	swait.ge @!p0 [sflag:s0], s1  }
0xc2: {  	s1 =	ssub.s32 @!p0 $0x0, s1;
	[sflag:s0] =	ssyncset.done @!p0 $0x0  }
0xc3: {  	[sflag:s0] =	ssyncadd.s32 @!p0 s1  }
0xc4: {  	[bflag:$0x3] =	sbarrier.arrive $0xFFFF  }
0xc5: {  	_ =	shalt  }

// kernel: kernel.8.cloned.1.call-start
scs
__scs_entry_jumppad:
0x0: {  	(pc) =	sbr.rel $0x88, $3  }
0x1: {  	(tag) =	ssettag $0x0;
	lr =	simm.s32 $0x1  }
0x2: {  	[smem:$0x3F90] =	sst lr;
	_ =	strace $0xD0000000  }
0x3: {  	_ = 	snop  }
0x4: {  	_ = 	snop  }
0x5: {  	_ = 	snop  }
0x6: {  	_ = 	snop  }
0x7: {  	_ = 	snop  }
__scs_overlays_trampoline_lowered:
0x8: {  	[smem:$0x3F9F] =	sst s0  }
0x9: {  	[smem:$0x3FA0] =	sst s1  }
0xa: {  	[smem:$0x3FA1] =	sst s2  }
0xb: {  	[smem:$0x3FA2] =	sst s3  }
0xc: {  	[smem:$0x3FA3] =	sst s4  }
0xd: {  	[smem:$0x3FA4] =	sst s5  }
0xe: {  	[smem:$0x3FA5] =	sst s6  }
0xf: {  	[smem:$0x3FA6] =	sst s7  }
0x10: {  	[smem:$0x3FA7] =	sst s8  }
0x11: {  	[smem:$0x3FA8] =	sst s9;
	s0 =	simm.s32 @!p0 $0x0  }
0x12: {  	s1 =	sld [smem:$0x3F8E];
	s0 =	simm.s32 @p0 $0x1  }
0x13: {  	[smem:$0x3FA9] =	sst s0;
	s0 =	simm.s32 @!p1 $0x0  }
0x14: {  	s2 =	sld [smem:$0x3F8D];
	s0 =	simm.s32 @p1 $0x1  }
0x15: {  	[smem:$0x3FAA] =	sst s0;
	s0 =	simm.s32 @!p2 $0x0  }
0x16: {  	s3 =	sld [smem:$0x3FDB];
	s0 =	simm.s32 @p2 $0x1  }
0x17: {  	s4 =	simm.s32 $0x1BF5;
	[smem:$0x3FAC] =	sst s0  }
0x18: {  	s0 =	sld [smem:$0x3F8F];
	_ =	swait.ge [sflag:s4], $0x0  }
0x19: {  	s7 =	sld [smem:$0x3F90]  }
0x1a: {  	s8 =	sadd.s32 $0xFFFFE003, lr  }
0x1b: {  	s9 =	sadd.s32 $0xFFFFFEF7, lr;
	s5 =	simm.s32 $0xFFFFFFFF;
	p2 =	slt.u32 s8, $0xFFFFF086  }
0x1c: {  	p1 =	slt.u32 s9, $0xF7A;
	s5 =	simm.s32 @!p2 $0x0  }
0x1d: {  	s5 =	simm.s32 @p1 $0x1;
	p0 =	seq.s32 s7, s2  }
0x1e: {  	s7 =	smul.u32 @!p0 $0xF7A, s2;
	p2 =	seq.s32 @!p0 s5, $0x0  }
0x1f: {  	s9 =	smul.u32 $0xF7A, s1;
	s8 =	simm.s32 @!p0 $0x1BF5;
	p2 =	por !p2, p0  }
0x20: {  	[sflag:s8] =	ssyncset.s32 @!p0 $0xFFFFF086;
	s6 =	sadd.s32 @!p0 s3, s7;
	s7 =	simm.s32 @!p0 $0x108  }
0x21: {  	s3 =	sadd.s32 s3, s9;
	s6 =	sadd.s32 @!p0 $0x88, s6;
	s7 =	simm.s32 @p2 $0x1082  }
0x22: {  	[simem:s7], [sflag:s8] =	dma.local @!p0 [hbm:s6], $0xF7A  }
0x23: {  	s9 =	sor.u32 $0xD0000000, s2;
	s6 =	simm.s32 $0x108;
	_ =	swait.ge @!p0 [sflag:s8], $0x0  }
0x24: {  	s3 =	sadd.s32 $0x88, s3;
	s6 =	simm.s32 @!p1 $0x1082;
	[sflag:s4] =	ssyncset.s32 $0xFFFFF086  }
0x25: {  	[simem:s6], [sflag:s4] =	dma.local [hbm:s3], $0xF7A  }
0x26: {  	[smem:$0x3F90] =	sst s1;
	(tag) =	ssettag s2;
	_ =	strace s9  }
0x27: {  	s1 =	sld [smem:$0x3FA0]  }
0x28: {  	s2 =	sld [smem:$0x3FA1]  }
0x29: {  	s4 =	sld [smem:$0x3FA3]  }
0x2a: {  	p0 =	seq.s32 s5, $0x0;
	s5 =	sld [smem:$0x3FA4]  }
0x2b: {  	s6 =	sld [smem:$0x3FA5]  }
0x2c: {  	s7 =	sld [smem:$0x3FA6]  }
0x2d: {  	s3 =	simm.s32 $0x108;
	s8 =	sld [smem:$0x3FA7]  }
0x2e: {  	s3 =	simm.s32 @!p0 $0x1082;
	s9 =	sld [smem:$0x3FA8]  }
0x2f: {  	lr =	sadd.s32 s0, s3;
	s0 =	sld [smem:$0x3F9F]  }
0x30: {  	s3 =	sld [smem:$0x3FA2]  }
0x31: {  	[smem:$0x3FAB] =	sst s10  }
0x32: {  	s10 =	sld [smem:$0x3FA9];
	_ =	sdelay $0x3  }
0x33: {  	p0 =	seq.s32 s10, $0x1;
	s10 =	sld [smem:$0x3FAB];
	_ =	sdelay $0x3  }
0x34: {  	[smem:$0x3FAB] =	sst s10  }
0x35: {  	s10 =	sld [smem:$0x3FAA];
	_ =	sdelay $0x3  }
0x36: {  	p1 =	seq.s32 s10, $0x1;
	s10 =	sld [smem:$0x3FAB];
	_ =	sdelay $0x3  }
0x37: {  	[smem:$0x3FAB] =	sst s10  }
0x38: {  	s10 =	sld [smem:$0x3FAC]  }
0x39: {  	_ = 	snop;
	(pc) =	sbr.ind lr, $3  }
0x3a: {  	_ = 	snop  }
0x3b: {  	_ = 	snop  }
0x3c: {  	p2 =	seq.s32 s10, $0x1;
	s10 =	sld [smem:$0x3FAB]  }
0x3d: {  	_ =	shalt  }
0x3e: {  	_ =	shalt  }
0x3f: {  	_ =	shalt  }
0x40: {  	_ =	shalt  }
0x41: {  	_ =	shalt  }
0x42: {  	_ =	shalt  }
0x43: {  	_ =	shalt  }
0x44: {  	_ =	shalt  }
0x45: {  	_ =	shalt  }
0x46: {  	_ =	shalt  }
0x47: {  	_ =	shalt  }
0x48: {  	_ =	shalt  }
0x49: {  	_ =	shalt  }
0x4a: {  	_ =	shalt  }
0x4b: {  	_ =	shalt  }
0x4c: {  	_ =	shalt  }
0x4d: {  	_ =	shalt  }
0x4e: {  	_ =	shalt  }
0x4f: {  	_ =	shalt  }
0x50: {  	_ =	shalt  }
0x51: {  	_ =	shalt  }
0x52: {  	_ =	shalt  }
0x53: {  	_ =	shalt  }
0x54: {  	_ =	shalt  }
0x55: {  	_ =	shalt  }
0x56: {  	_ =	shalt  }
0x57: {  	_ =	shalt  }
0x58: {  	_ =	shalt  }
0x59: {  	_ =	shalt  }
0x5a: {  	_ =	shalt  }
0x5b: {  	_ =	shalt  }
0x5c: {  	_ =	shalt  }
0x5d: {  	_ =	shalt  }
0x5e: {  	_ =	shalt  }
0x5f: {  	_ =	shalt  }
0x60: {  	_ =	shalt  }
0x61: {  	_ =	shalt  }
0x62: {  	_ =	shalt  }
0x63: {  	_ =	shalt  }
0x64: {  	_ =	shalt  }
0x65: {  	_ =	shalt  }
0x66: {  	_ =	shalt  }
0x67: {  	_ =	shalt  }
0x68: {  	_ =	shalt  }
0x69: {  	_ =	shalt  }
0x6a: {  	_ =	shalt  }
0x6b: {  	_ =	shalt  }
0x6c: {  	_ =	shalt  }
0x6d: {  	_ =	shalt  }
0x6e: {  	_ =	shalt  }
0x6f: {  	_ =	shalt  }
0x70: {  	_ =	shalt  }
0x71: {  	_ =	shalt  }
0x72: {  	_ =	shalt  }
0x73: {  	_ =	shalt  }
0x74: {  	_ =	shalt  }
0x75: {  	_ =	shalt  }
0x76: {  	_ =	shalt  }
0x77: {  	_ =	shalt  }
0x78: {  	_ =	shalt  }
0x79: {  	_ =	shalt  }
0x7a: {  	_ =	shalt  }
0x7b: {  	_ =	shalt  }
0x7c: {  	_ =	shalt  }
0x7d: {  	_ =	shalt  }
0x7e: {  	_ =	shalt  }
0x7f: {  	_ =	shalt  }
0x80: {  	_ =	shalt  }
0x81: {  	_ =	shalt  }
0x82: {  	_ =	shalt  }
0x83: {  	_ =	shalt  }
0x84: {  	_ =	shalt  }
0x85: {  	_ =	shalt  }
0x86: {  	_ =	shalt  }
0x87: {  	_ =	shalt  }
.Lfunc_end0:
.L_simem_size_0:
called_computation_lowered:
.L_overlay_start_0:
0x88: {  	s2 =	sld [smem:$0x3FD9]  }
0x89: {  	s3 =	sld [smem:$0x3FFE];
	_ =	sdelay $0x1  }
0x8a: {  	s1 =	srdreg.scid  }
0x8b: {  	s0 =	sand.u32 $0x1, s1  }
0x8c: {  	s17 =	sshll.u32 s0, $0xA;
	s2 =	sadd.s32 s3, s2  }
0x8d: {  	s2 =	sadd.s32 s2, s17  }
0x8e: {  	[smem:$0x3FB7] =	sst s2  }
0x8f: {  	_ = 	snop  }
0x90: {  	s2 =	sld [smem:$0x3FC9];
	(tm) =	ssettm $0x1  }
0x91: {  	s18 =	sld [smem:$0x3FFB];
	_ =	sdelay $0x3  }
0x92: {  	_ =	strace s18  }
0x93: {  	s3 =	sld [smem:$0x3FFC];
	_ =	sdelay $0x3  }
0x94: {  	_ =	strace s3  }
0x95: {  	s3 =	sld [smem:$0x3FFD];
	_ =	sdelay $0x3  }
0x96: {  	_ =	strace s3  }
0x97: {  	_ =	strace $0x8FFFFFFF  }
0x98: {  	s19 =	sld [smem:$0x3FDB];
	_ =	sdelay $0x1  }
0x99: {  	s4 =	simm.s32 $_scs_section_size  }
0x9a: {  	s5 =	simm.s32 $_size__tile_overlayer_lowered;
	s6 =	simm.s32 $_tile_overlayer_lowered  }
0x9b: {  	s22 =	simm.s32 $0x1BFF;
	s21 =	sshll.u32 s6, $0x1;
	s3 =	sadd.s32 s4, s19  }
0x9c: {  	s7 =	simm.s32 $0x0;
	s20 =	sshll.u32 s5, $0x1;
	s5 =	sadd.s32 s21, s3  }
0x9d: {  	[timem:s7], [sflag:s22] =	dma.local [hbm:s5], s20  }
0x9e: {  	_ =	swait.ge [sflag:s22], s20  }
0x9f: {  	s4 =	ssub.s32 $0x0, s20;
	[sflag:s22] =	ssyncset.done $0x0  }
0xa0: {  	[sflag:s22] =	ssyncadd.s32 s4;
	_ =	sdelay $0x1  }
0xa1: {  	s23 =	simm.s32 $0x1B8B  }
0xa2: {  	_ =	swait.ge [sflag:s23], $0x1  }
0xa3: {  	[sflag:s23] =	ssyncset.done $0x0  }
0xa4: {  	s25 =	simm.s32 $0x1B8E;
	s24 =	sld [smem:$0x3FFE];
	[sflag:s23] =	ssyncadd.s32 $0xFFFFFFFF  }
0xa5: {  	s26 =	simm.s32 $execute0_lowered;
	[smem:$0x3FD2] =	sst s25  }
0xa6: {  	s5 =	sshll.u32 s26, $0x1;
	_ =	strace $0x80000046;
	[dreg:$0x1] =	wrdreg $0xFFFFFFFF  }
0xa7: {  	s28 =	simm.s32 $_size_execute0_lowered;
	s3 =	sadd.s32 s3, s5;
	[dreg:$0x0] =	wrdreg $0x0  }
0xa8: {  	s5 =	sshll.u32 s28, $0x1;
	[dreg:$0x2] =	wrdreg s3  }
0xa9: {  	[dreg:$0x3] =	wrdreg s5  }
0xaa: {  	[dreg:$0x4] =	wrdreg $0xC0  }
0xab: {  	_ =	task [dreg:s7], $0x5FFFF  }
0xac: {  	[dreg:$0x1] =	wrdreg $0xFFFFFFFF  }
0xad: {  	[dreg:$0x0] =	wrdreg $0x60  }
0xae: {  	[dreg:$0x2] =	wrdreg s2  }
0xaf: {  	[dreg:$0x3] =	wrdreg s24  }
0xb0: {  	[dreg:$0x4] =	wrdreg $0x100400  }
0xb1: {  	[dreg:$0x5] =	wrdreg $0x9  }
0xb2: {  	_ =	task.clear_ibuf [dreg:s7], $0x6FFFF;
	_ =	strace $0x90000046  }
0xb3: {  	s29 =	simm.s32 $0x9;
	_ =	strace $0x80000048  }
0xb4: {  	_ =	swait.ge [sflag:s29], $0x1  }
0xb5: {  	[sflag:s29] =	ssyncadd.s32 $0xFFFFFFFF  }
0xb6: {  	_ =	strace $0x90000048  }
0xb7: {  	_ =	sfence  }
0xb8: {  	s30 =	sld [smem:$0x0];
	_ =	sdelay $0x2  }
0xb9: {  	s31 =	sshll.u32 s1, $0xD;
	s1 =	sshrl.u32 s1, $0x2  }
0xba: {  	s3 =	sand.u32 $0x4000, s31;
	s1 =	sadd.s32 s1, s30  }
0xbb: {  	s0 =	sor.u32 s3, s0;
	s1 =	sshll.u32 s1, $0x11  }
0xbc: {  	s0 =	sor.u32 s1, s0  }
0xbd: {  	s0 =	sadd.s32 $0x8F2B, s0  }
0xbe: {  	[sflag:s0] =	ssyncadd.remote.s32 $0x1  }
0xbf: {  	_ =	sfence.sel $0xFFFF  }
0xc0: {  	[dreg:$0x0] =	wrdreg $0xFFFFFFFF;
	(pc) =	sbr.abs _section_cstart, $3  }
0xc1: {  	[dreg:$0x1] =	wrdreg $0xFFFFFFFF  }
0xc2: {  	_ =	task.clear_ibuf [dreg:s7], $0x2FFFF;
	_ =	strace $0x9FFFFFFF  }
0xc3: {  	(tm) =	ssettm $0x7FFFFFFF  }
tec
execute0_lowered:
.L_overlay_start_1:
0x0: {  	(tag) =	ssettag $0x1  }
0x1: {  	s1 =	rddreg [dreg:$0x0]  }
0x2: {  	s0 =	rddreg [dreg:$0x1]  }
0x3: {  	s2 =	rddreg [dreg:$0x2];
	s4 =	srdreg.scid;
	s3 =	simm.s32 $0x0  }
0x4: {  	s13 =	stileid.u32;
	s15 =	simm.s32 $0x50;
	s16 =	simm.s32 $0x9C40  }
0x5: {  	s17 =	simm.s32 $0xB040;
	s19 =	simm.s32 $0xC440;
	s21 =	simm.s32 $0xD840  }
0x6: {  	s28 =	simm.s32 $0x2;
	s30 =	simm.s32 $0x3;
	s8 =	smul.u32 $0x9C4, s13  }
0x7: {  	s29 =	simm.s32 $0x7;
	s31 =	simm.s32 $0x8;
	s10 =	smul.u32 $0x27800, s13  }
0x8: {  	s20 =	simm.s32 $0xA;
	s4 =	sand.u32 $0x1, s4;
	s24 =	smul.u32 $0x9E00, s13  }
0x9: {  	[smem:$0x7FF] =	sst s3;
	s12 =	sadd.s32 $0x94200, s2;
	s5 =	smul.u32 $0x9C40, s4  }
0xa: {  	p0 =	seq.s32 s13, $0xF;
	s6 =	smul.u32 $0x13880, s4;
	s4 =	ssub.s32 $0x2, s4  }
0xb: {  	_ =	strace $0x80000047;
	s12 =	sshrl.u32 @p0 s12, $0x3;
	s9 =	sshrl.u32 s4, $0x1  }
0xc: {  	s23 =	sshrl.u32 s10, $0x2;
	s18 =	sadd.s32 s24, s2;
	s7 =	sadd.s32 s5, s0  }
0xd: {  	s5 =	sadd.s32 $0x3D400, s0;
	s0 =	sadd.s32 s6, s0;
	s4 =	ssub.s32 s4, s9  }
0xe: {  	s11 =	sadd.s32 s23, s2;
	s9 =	simm.s32 $0xB;
	s23 =	simm.s32 $0xEC40  }
0xf: {  	s22 =	sadd.s32 s8, s7;
	s25 =	sadd.s32 $0x29A00, s7;
	s7 =	sadd.s32 $0x3E800, s0  }
0x10: {  	s0 =	sshrl.u32 s24, $0x3;
	s4 =	smax.u32 s4, $0x1;
	s14 =	sshrl.u32 @!p0 s11, $0x3  }
0x11: {  	s6 =	sadd.s32 $0x16000, s22;
	[dreg:$0x5] =	wrdreg s4;
	s26 =	sadd.s32 s8, s25  }
0x12: {  	s4 =	sshll.u32 @!p0 s13, $0x6;
	s24 =	sadd.s32 @!p0 s0, s7;
	s25 =	sshrl.u32 @!p0 s18, $0x3  }
0x13: {  	s0 =	simm.s32 $0x4;
	s18 =	simm.s32 $0x5;
	[dreg:$0x4] =	wrdreg s6  }
0x14: {  	s22 =	simm.s32 $0x6;
	[dreg:$0x6] =	wrdreg s26;
	s13 =	sor.u32 @!p0 $0x1C0B, s4  }
0x15: {  	s26 =	simm.s32 $0x1;
	s4 =	simm.s32 $0x9;
	s6 =	simm.s32 $0x0  }
.LBB2_1:
0x16: {  	s8 =	rddreg [dreg:$0x4]  }
0x17: {  	[tilespmem:s3], [sflag:$0xB] =	stream.linear.gather [hbm4b:s8+s3], $0x4E20, $0x38;
	[tilespmem:$0x19C80] =	vst v63  }
0x18: {  	_ =	swait.ge [sflag:s9], $0x4E20  }
0x19: {  	[sflag:s9] =	ssyncset.done $0x0  }
0x1a: {  	s10 =	simm.s32 $0x4E20;
	s11 =	rddreg [dreg:$0x6];
	[sflag:s9] =	ssyncadd.s32 $0xFFFFB1E0  }
0x1b: {  	[tilespmem:s10], [sflag:$0xB] =	stream.linear.gather [hbm4b:s11+s3], $0x4E20, $0x38;
	[tilespmem:$0x19C80] =	vst v63  }
0x1c: {  	_ =	swait.ge [sflag:s9], $0x4E20  }
0x1d: {  	[sflag:s9] =	ssyncset.done $0x0  }
0x1e: {  	s8 =	simm.s32 @p0 $0x1FCB;
	[sflag:s9] =	ssyncadd.s32 $0xFFFFB1E0  }
0x1f: {  	[spmem:s12], [sflag:s8] =	dma.local @p0 [hbm:s5], $0x1040  }
0x20: {  	s8 =	simm.s32 @p0 $0xB  }
0x21: {  	_ =	swait.ge @p0 [sflag:s8], $0x1040  }
0x22: {  	[sflag:s8] =	ssyncset.done @p0 $0x0  }
0x23: {  	[sflag:s8] =	ssyncadd.s32 @p0 $0xFFFFEFC0;
	s8 =	simm.s32 @!p0 $0xB  }
0x24: {  	[spmem:s14], [sflag:s13] =	dma.local @!p0 [hbm:s5], $0x13C0  }
0x25: {  	_ =	swait.ge @!p0 [sflag:s8], $0x13C0  }
0x26: {  	[sflag:s8] =	ssyncset.done @!p0 $0x0  }
0x27: {  	[sflag:s8] =	ssyncadd.s32 @!p0 $0xFFFFEC40  }
0x28: {  	[bflag:$0x0] =	sbarrier.arrive $0xFFFF  }
0x29: {  	[tilespmem:s16], [sflag:$0x1] =	stream.indirect.gather [hbm4b:s1+s15], $0x40, s3, s15, $0xb8;
	[tilespmem:$0x19C80] =	vst v63  }
0x2a: {  	_ = 	snop  }
0x2b: {  	[tilespmem:s17], [sflag:$0x2] =	stream.indirect.gather [hbm4b:s1+s15], $0x40, s15, s15, $0xb8;
	[tilespmem:$0x19C80] =	vst v63  }
0x2c: {  	s11 =	simm.s32 $0xA0  }
0x2d: {  	[tilespmem:s19], [sflag:$0x3] =	stream.indirect.gather [hbm4b:s1+s15], $0x40, s11, s15, $0xb8;
	[tilespmem:$0x19C80] =	vst v63  }
0x2e: {  	s11 =	simm.s32 $0xF0  }
0x2f: {  	[tilespmem:s21], [sflag:$0x4] =	stream.indirect.gather [hbm4b:s1+s15], $0x40, s11, s15, $0xb8;
	[tilespmem:$0x19C80] =	vst v63  }
0x30: {  	s11 =	simm.s32 $0x140  }
0x31: {  	[tilespmem:s23], [sflag:$0x5] =	stream.indirect.gather [hbm4b:s1+s15], $0x40, s11, s15, $0xb8;
	[tilespmem:$0x19C80] =	vst v63  }
0x32: {  	_ =	swait.ge [sflag:s26], $0x1400  }
0x33: {  	[sflag:s26] =	ssyncset.done $0x0  }
0x34: {  	[sflag:s26] =	ssyncadd.s32 $0xFFFFEC00  }
0x35: {  	[spmem:s2] =	stream.indirect.scatter.add.f32 [tilespmem:s16], [sflag:$0x6], $0x40, s10, s15, $0xb8;
	[tilespmem:$0x19C80] =	vst v63  }
0x36: {  	_ =	swait.ge [sflag:s28], $0x1400  }
0x37: {  	[sflag:s28] =	ssyncset.done $0x0  }
0x38: {  	s11 =	simm.s32 $0x4E70;
	[sflag:s28] =	ssyncadd.s32 $0xFFFFEC00  }
0x39: {  	[spmem:s2] =	stream.indirect.scatter.add.f32 [tilespmem:s17], [sflag:$0x7], $0x40, s11, s15, $0xb8;
	[tilespmem:$0x19C80] =	vst v63  }
0x3a: {  	_ =	swait.ge [sflag:s30], $0x1400  }
0x3b: {  	[sflag:s30] =	ssyncset.done $0x0  }
0x3c: {  	s10 =	simm.s32 $0x4EC0;
	[sflag:s30] =	ssyncadd.s32 $0xFFFFEC00  }
0x3d: {  	[spmem:s2] =	stream.indirect.scatter.add.f32 [tilespmem:s19], [sflag:$0x8], $0x40, s10, s15, $0xb8;
	[tilespmem:$0x19C80] =	vst v63  }
0x3e: {  	_ =	swait.ge [sflag:s0], $0x1400  }
0x3f: {  	[sflag:s0] =	ssyncset.done $0x0  }
0x40: {  	s11 =	simm.s32 $0x4F10;
	[sflag:s0] =	ssyncadd.s32 $0xFFFFEC00  }
0x41: {  	[spmem:s2] =	stream.indirect.scatter.add.f32 [tilespmem:s21], [sflag:$0x9], $0x40, s11, s15, $0xb8;
	[tilespmem:$0x19C80] =	vst v63  }
0x42: {  	_ =	swait.ge [sflag:s18], $0x1400  }
0x43: {  	[sflag:s18] =	ssyncset.done $0x0  }
0x44: {  	s10 =	simm.s32 $0x4F60;
	[sflag:s18] =	ssyncadd.s32 $0xFFFFEC00  }
0x45: {  	[spmem:s2] =	stream.indirect.scatter.add.f32 [tilespmem:s23], [sflag:$0xA], $0x40, s10, s15, $0xb8;
	[tilespmem:$0x19C80] =	vst v63  }
0x46: {  	_ =	swait.ge [sflag:s22], $0x1400  }
0x47: {  	[sflag:s22] =	ssyncset.done $0x0  }
0x48: {  	s11 =	simm.s32 $0x190;
	[sflag:s22] =	ssyncadd.s32 $0xFFFFEC00  }
0x49: {  	[tilespmem:s16], [sflag:$0x1] =	stream.indirect.gather [hbm4b:s1+s15], $0x40, s11, s15, $0xb8;
	[tilespmem:$0x19C80] =	vst v63  }
0x4a: {  	_ =	swait.ge [sflag:s29], $0x1400  }
0x4b: {  	[sflag:s29] =	ssyncset.done $0x0  }
0x4c: {  	s10 =	simm.s32 $0x1E0;
	[sflag:s29] =	ssyncadd.s32 $0xFFFFEC00  }
0x4d: {  	[tilespmem:s17], [sflag:$0x2] =	stream.indirect.gather [hbm4b:s1+s15], $0x40, s10, s15, $0xb8;
	[tilespmem:$0x19C80] =	vst v63  }
0x4e: {  	_ =	swait.ge [sflag:s31], $0x1400  }
0x4f: {  	[sflag:s31] =	ssyncset.done $0x0  }
0x50: {  	s11 =	simm.s32 $0x230;
	[sflag:s31] =	ssyncadd.s32 $0xFFFFEC00  }
0x51: {  	[tilespmem:s19], [sflag:$0x3] =	stream.indirect.gather [hbm4b:s1+s15], $0x40, s11, s15, $0xb8;
	[tilespmem:$0x19C80] =	vst v63  }
0x52: {  	_ =	swait.ge [sflag:s4], $0x1400  }
0x53: {  	[sflag:s4] =	ssyncset.done $0x0  }
0x54: {  	s10 =	simm.s32 $0x280;
	[sflag:s4] =	ssyncadd.s32 $0xFFFFEC00  }
0x55: {  	[tilespmem:s21], [sflag:$0x4] =	stream.indirect.gather [hbm4b:s1+s15], $0x40, s10, s15, $0xb8;
	[tilespmem:$0x19C80] =	vst v63  }
0x56: {  	_ =	swait.ge [sflag:s20], $0x1400  }
0x57: {  	[sflag:s20] =	ssyncset.done $0x0  }
0x58: {  	s11 =	simm.s32 $0x2D0;
	[sflag:s20] =	ssyncadd.s32 $0xFFFFEC00  }
0x59: {  	[tilespmem:s23], [sflag:$0x5] =	stream.indirect.gather [hbm4b:s1+s15], $0x40, s11, s15, $0xb8;
	[tilespmem:$0x19C80] =	vst v63  }
0x5a: {  	_ =	swait.ge [sflag:s26], $0x1400  }
0x5b: {  	[sflag:s26] =	ssyncset.done $0x0  }
0x5c: {  	s10 =	simm.s32 $0x4FB0;
	[sflag:s26] =	ssyncadd.s32 $0xFFFFEC00  }
0x5d: {  	[spmem:s2] =	stream.indirect.scatter.add.f32 [tilespmem:s16], [sflag:$0x6], $0x40, s10, s15, $0xb8;
	[tilespmem:$0x19C80] =	vst v63  }
0x5e: {  	_ =	swait.ge [sflag:s28], $0x1400  }
0x5f: {  	[sflag:s28] =	ssyncset.done $0x0  }
0x60: {  	s11 =	simm.s32 $0x5000;
	[sflag:s28] =	ssyncadd.s32 $0xFFFFEC00  }
0x61: {  	[spmem:s2] =	stream.indirect.scatter.add.f32 [tilespmem:s17], [sflag:$0x7], $0x40, s11, s15, $0xb8;
	[tilespmem:$0x19C80] =	vst v63  }
0x62: {  	_ =	swait.ge [sflag:s30], $0x1400  }
0x63: {  	[sflag:s30] =	ssyncset.done $0x0  }
0x64: {  	s10 =	simm.s32 $0x5050;
	[sflag:s30] =	ssyncadd.s32 $0xFFFFEC00  }
0x65: {  	[spmem:s2] =	stream.indirect.scatter.add.f32 [tilespmem:s19], [sflag:$0x8], $0x40, s10, s15, $0xb8;
	[tilespmem:$0x19C80] =	vst v63  }
0x66: {  	_ =	swait.ge [sflag:s0], $0x1400  }
0x67: {  	[sflag:s0] =	ssyncset.done $0x0  }
0x68: {  	s11 =	simm.s32 $0x50A0;
	[sflag:s0] =	ssyncadd.s32 $0xFFFFEC00  }
0x69: {  	[spmem:s2] =	stream.indirect.scatter.add.f32 [tilespmem:s21], [sflag:$0x9], $0x40, s11, s15, $0xb8;
	[tilespmem:$0x19C80] =	vst v63  }
0x6a: {  	_ =	swait.ge [sflag:s18], $0x1400  }
0x6b: {  	[sflag:s18] =	ssyncset.done $0x0  }
0x6c: {  	s8 =	simm.s32 $0x640;
	s11 =	simm.s32 $0x50F0;
	[sflag:s18] =	ssyncadd.s32 $0xFFFFEC00  }
.LBB2_2:
0x6d: {  	[spmem:s2] =	stream.indirect.scatter.add.f32 [tilespmem:s23], [sflag:$0xA], $0x40, s11, s15, $0xb8;
	[tilespmem:$0x19C80] =	vst v63  }
0x6e: {  	s11 =	smov.u32 s8  }
0x6f: {  	p1 =	sne.s32 s8, $0x12C00;
	s8 =	sadd.s32 $0x640, s8;
	_ =	swait.ge [sflag:s22], $0x1400  }
0x70: {  	s11 =	sshra.s32 s11, $0x2;
	[sflag:s22] =	ssyncset.done $0x0  }
0x71: {  	s10 =	sadd.s32 $0x190, s11;
	[sflag:s22] =	ssyncadd.s32 $0xFFFFEC00  }
0x72: {  	[tilespmem:s16], [sflag:$0x1] =	stream.indirect.gather [hbm4b:s1+s15], $0x40, s10, s15, $0xb8;
	[tilespmem:$0x19C80] =	vst v63  }
0x73: {  	_ =	swait.ge [sflag:s29], $0x1400  }
0x74: {  	[sflag:s29] =	ssyncset.done $0x0  }
0x75: {  	s10 =	sadd.s32 $0x1E0, s11;
	[sflag:s29] =	ssyncadd.s32 $0xFFFFEC00  }
0x76: {  	[tilespmem:s17], [sflag:$0x2] =	stream.indirect.gather [hbm4b:s1+s15], $0x40, s10, s15, $0xb8;
	[tilespmem:$0x19C80] =	vst v63  }
0x77: {  	_ =	swait.ge [sflag:s31], $0x1400  }
0x78: {  	[sflag:s31] =	ssyncset.done $0x0  }
0x79: {  	s10 =	sadd.s32 $0x230, s11;
	[sflag:s31] =	ssyncadd.s32 $0xFFFFEC00  }
0x7a: {  	[tilespmem:s19], [sflag:$0x3] =	stream.indirect.gather [hbm4b:s1+s15], $0x40, s10, s15, $0xb8;
	[tilespmem:$0x19C80] =	vst v63  }
0x7b: {  	_ =	swait.ge [sflag:s4], $0x1400  }
0x7c: {  	[sflag:s4] =	ssyncset.done $0x0  }
0x7d: {  	s10 =	sadd.s32 $0x280, s11;
	[sflag:s4] =	ssyncadd.s32 $0xFFFFEC00  }
0x7e: {  	[tilespmem:s21], [sflag:$0x4] =	stream.indirect.gather [hbm4b:s1+s15], $0x40, s10, s15, $0xb8;
	[tilespmem:$0x19C80] =	vst v63  }
0x7f: {  	_ =	swait.ge [sflag:s20], $0x1400  }
0x80: {  	[sflag:s20] =	ssyncset.done $0x0  }
0x81: {  	s10 =	sadd.s32 $0x2D0, s11;
	[sflag:s20] =	ssyncadd.s32 $0xFFFFEC00  }
0x82: {  	[tilespmem:s23], [sflag:$0x5] =	stream.indirect.gather [hbm4b:s1+s15], $0x40, s10, s15, $0xb8;
	[tilespmem:$0x19C80] =	vst v63  }
0x83: {  	_ =	swait.ge [sflag:s26], $0x1400  }
0x84: {  	[sflag:s26] =	ssyncset.done $0x0  }
0x85: {  	s10 =	sadd.s32 $0x4FB0, s11;
	[sflag:s26] =	ssyncadd.s32 $0xFFFFEC00  }
0x86: {  	[spmem:s2] =	stream.indirect.scatter.add.f32 [tilespmem:s16], [sflag:$0x6], $0x40, s10, s15, $0xb8;
	[tilespmem:$0x19C80] =	vst v63  }
0x87: {  	_ =	swait.ge [sflag:s28], $0x1400  }
0x88: {  	[sflag:s28] =	ssyncset.done $0x0  }
0x89: {  	s10 =	sadd.s32 $0x5000, s11;
	[sflag:s28] =	ssyncadd.s32 $0xFFFFEC00  }
0x8a: {  	[spmem:s2] =	stream.indirect.scatter.add.f32 [tilespmem:s17], [sflag:$0x7], $0x40, s10, s15, $0xb8;
	[tilespmem:$0x19C80] =	vst v63  }
0x8b: {  	_ =	swait.ge [sflag:s30], $0x1400  }
0x8c: {  	[sflag:s30] =	ssyncset.done $0x0  }
0x8d: {  	s10 =	sadd.s32 $0x5050, s11;
	[sflag:s30] =	ssyncadd.s32 $0xFFFFEC00  }
0x8e: {  	[spmem:s2] =	stream.indirect.scatter.add.f32 [tilespmem:s19], [sflag:$0x8], $0x40, s10, s15, $0xb8;
	[tilespmem:$0x19C80] =	vst v63  }
0x8f: {  	_ =	swait.ge [sflag:s0], $0x1400  }
0x90: {  	[sflag:s0] =	ssyncset.done $0x0  }
.Ltmp0:
0x91: {  	s10 =	sadd.s32 $0x50A0, s11;
	[sflag:s0] =	ssyncadd.s32 $0xFFFFEC00;
	(pc) =	sbr.rel @p1 .LBB2_2-.Ltmp0, $4  }
0x92: {  	[spmem:s2] =	stream.indirect.scatter.add.f32 [tilespmem:s21], [sflag:$0x9], $0x40, s10, s15, $0xb8;
	[tilespmem:$0x19C80] =	vst v63  }
0x93: {  	_ =	swait.ge [sflag:s18], $0x1400  }
0x94: {  	[sflag:s18] =	ssyncset.done $0x0  }
0x95: {  	s11 =	sadd.s32 $0x50F0, s11;
	[sflag:s18] =	ssyncadd.s32 $0xFFFFEC00  }
0x96: {  	[spmem:s2] =	stream.indirect.scatter.add.f32 [tilespmem:s23], [sflag:$0xA], $0x40, s11, s15, $0xb8;
	[tilespmem:$0x19C80] =	vst v63  }
0x97: {  	_ =	swait.ge [sflag:s22], $0x1400  }
0x98: {  	[sflag:s22] =	ssyncset.done $0x0  }
0x99: {  	[sflag:s22] =	ssyncadd.s32 $0xFFFFEC00  }
0x9a: {  	_ =	swait.ge [sflag:s29], $0x1400  }
0x9b: {  	[sflag:s29] =	ssyncset.done $0x0  }
0x9c: {  	[sflag:s29] =	ssyncadd.s32 $0xFFFFEC00  }
0x9d: {  	_ =	swait.ge [sflag:s31], $0x1400  }
0x9e: {  	[sflag:s31] =	ssyncset.done $0x0  }
0x9f: {  	[sflag:s31] =	ssyncadd.s32 $0xFFFFEC00  }
0xa0: {  	_ =	swait.ge [sflag:s4], $0x1400  }
0xa1: {  	[sflag:s4] =	ssyncset.done $0x0  }
0xa2: {  	[sflag:s4] =	ssyncadd.s32 $0xFFFFEC00  }
0xa3: {  	_ =	swait.ge [sflag:s20], $0x1400  }
0xa4: {  	[sflag:s20] =	ssyncset.done $0x0  }
0xa5: {  	[sflag:s20] =	ssyncadd.s32 $0xFFFFEC00  }
0xa6: {  	s8 =	sadd.s32 @p0 $0x12840, s7;
	s10 =	simm.s32 @p0 $0x1FCB;
	[bflag:$0x0] =	sbarrier.arrive $0xFFFF  }
0xa7: {  	[hbm:s8], [sflag:s10] =	dma.local @p0 [spmem:s12], $0x1040  }
0xa8: {  	s8 =	simm.s32 @p0 $0xB  }
0xa9: {  	_ =	swait.ge @p0 [sflag:s8], $0x1040  }
0xaa: {  	[sflag:s8] =	ssyncset.done @p0 $0x0  }
0xab: {  	[sflag:s8] =	ssyncadd.s32 @p0 $0xFFFFEFC0;
	s8 =	simm.s32 @!p0 $0xB  }
0xac: {  	[hbm:s24], [sflag:s13] =	dma.local @!p0 [spmem:s25], $0x13C0  }
0xad: {  	_ =	swait.ge @!p0 [sflag:s8], $0x13C0  }
0xae: {  	s6 =	sadd.s32 $0x1, s6;
	s11 =	rddreg [dreg:$0x5]  }
0xaf: {  	p1 =	sne.s32 s6, s11  }
.Ltmp1:
0xb0: {  	_ = 	snop;
	(pc) =	sbr.rel @p1 .LBB2_1-.Ltmp1, $3  }
0xb1: {  	_ =	sdelay $0x1  }
0xb2: {  	[sflag:s8] =	ssyncset.done @!p0 $0x0  }
0xb3: {  	[sflag:s8] =	ssyncadd.s32 @!p0 $0xFFFFEC40  }
0xb4: {  	_ =	sfence.sel $0x180000  }
0xb5: {  	[bflag:$0x0] =	sbarrier.arrive $0xFFFF  }
0xb6: {  	_ =	strace $0x90000047  }
0xb7: {  	s0 =	stileid.u32;
	[bflag:$0x2] =	sbarrier.arrive $0xFFFF  }
0xb8: {  	p0 =	sne.s32 s0, $0x0;
	s0 =	rddreg [dreg:$0x3]  }
0xb9: {  	s0 =	sadd.s32 @!p0 $0x100000, s0  }
0xba: {  	[sflag:s0] =	ssyncadd.tile.s32 @!p0 $0x1;
	_ =	shalt  }
.Lfunc_end2:
_tile_overlayer_lowered:
.L_overlay_start_2:
0xbb: {  	(tag) =	ssettag $0x2  }
0xbc: {  	s0 =	rddreg [dreg:$0x0];
	s2 =	stileid.u32  }
0xbd: {  	s1 =	rddreg [dreg:$0x1];
	p0 =	sne.s32 s2, $0x0  }
0xbe: {  	s3 =	rddreg [dreg:$0x2];
	[bflag:$0x3] =	sbarrier.arrive $0xFFFF;
	s2 =	simm.s32 @!p0 $0x1C0B  }
0xbf: {  	[timem:s3], [sflag:s2] =	dma.local @!p0 [hbm:s0], s1  }
0xc0: {  	s0 =	simm.s32 @!p0 $0xB  }
0xc1: {  	_ =	swait.ge @!p0 [sflag:s0], s1  }
0xc2: {  	s1 =	ssub.s32 @!p0 $0x0, s1;
	[sflag:s0] =	ssyncset.done @!p0 $0x0  }
0xc3: {  	[sflag:s0] =	ssyncadd.s32 @!p0 s1  }
0xc4: {  	[bflag:$0x3] =	sbarrier.arrive $0xFFFF  }
0xc5: {  	_ =	shalt  }

</sc_bundles>
